<compile_context>
chip_gen: v7x
topology: tpu7x:2x2x1
jax: 0.10.2.dev20260603
libtpu: 0.0.44.dev20260713+nightly
codegen_flags: <defaults>
</compile_context>

<pallas_src>
import functools

import jax
import jax.numpy as jnp
from jax import lax
from jax.experimental import pallas as pl
from jax.experimental.pallas import tpu as pltpu
from jax.experimental.pallas import tpu_sc as plsc

L = 16
NP = 8732
NP_PAD = 8736
NCHUNK = NP_PAD // L
NOBJ = 20
NUM = 32
NEGPOS_RATIO = 3
THRESHOLD = 0.5

_LN2 = 0.6931471805599453
_SQRT2 = 1.4142135623730951


def _iota():
    return lax.iota(jnp.int32, L)


_LNC = (-0.10007079845408963, 0.1603383217490676, -0.17208502062121211,
        0.19920709285230567, -0.24974698884028282, 0.3333449009802525,
        -0.5000027504782988, 0.9999999700911615)


def _ln16(x):
    bits = lax.bitcast_convert_type(x, jnp.int32)
    e = (bits >> 23) - 127
    m = lax.bitcast_convert_type((bits & 0x007FFFFF) | 0x3F800000, jnp.float32)
    big = m > _SQRT2
    m = jnp.where(big, m * 0.5, m)
    e = jnp.where(big, e + 1, e)
    t = m - 1.0
    p = jnp.float32(_LNC[0])
    for c in _LNC[1:]:
        p = p * t + jnp.float32(c)
    return e.astype(jnp.float32) * jnp.float32(_LN2) + p * t


def _scalar(x):
    return jnp.max(x) if getattr(x, "ndim", 0) else x


def _sc_body(loc_hbm, conf_hbm, pri_hbm, tr_hbm, out_hbm,
             px1, py1, px2, py2,
             l0, l1, l2, l3, c0, c1,
             bi, bu, bti, keyr,
             tx1, ty1, tx2, ty2,
             tb, mv, hist, outv, bp, sem):
    wid = lax.axis_index("s") * 2 + lax.axis_index("c")
    iot = _iota()

    with jax.named_scope("sc_stage"):
        base4 = wid * 4
        base2 = wid * 2
        copies = (
            pltpu.make_async_copy(pri_hbm.at[0], px1, sem),
            pltpu.make_async_copy(pri_hbm.at[1], py1, sem),
            pltpu.make_async_copy(pri_hbm.at[2], px2, sem),
            pltpu.make_async_copy(pri_hbm.at[3], py2, sem),
            pltpu.make_async_copy(loc_hbm.at[base4 + 0], l0, sem),
            pltpu.make_async_copy(loc_hbm.at[base4 + 1], l1, sem),
            pltpu.make_async_copy(loc_hbm.at[base4 + 2], l2, sem),
            pltpu.make_async_copy(loc_hbm.at[base4 + 3], l3, sem),
            pltpu.make_async_copy(conf_hbm.at[base2 + 0], c0, sem),
            pltpu.make_async_copy(conf_hbm.at[base2 + 1], c1, sem),
            pltpu.make_async_copy(tr_hbm.at[base4 + 0], tx1, sem),
            pltpu.make_async_copy(tr_hbm.at[base4 + 1], ty1, sem),
            pltpu.make_async_copy(tr_hbm.at[base4 + 2], tx2, sem),
            pltpu.make_async_copy(tr_hbm.at[base4 + 3], ty2, sem),
        )
        for c in copies:
            c.start()
        for c in copies[:4]:
            c.wait()
        for c in copies[10:]:
            c.wait()

    with jax.named_scope("sc_p0"):
        def p0(ci, _):
            o = pl.multiple_of(ci * L, L)
            sl = pl.ds(o, L)
            cx, cy, w, h = px1[sl], py1[sl], px2[sl], py2[sl]
            px1[sl] = cx - 0.5 * w
            px2[sl] = cx + 0.5 * w
            py1[sl] = cy - 0.5 * h
            py2[sl] = cy + 0.5 * h
            return 0

        lax.fori_loop(0, NCHUNK, p0, 0)

        def tb_body(t, _):
            tvi = jnp.full((L,), t, jnp.int32)
            bx1 = plsc.load_gather(tx1, [tvi])
            by1 = plsc.load_gather(ty1, [tvi])
            bx2 = plsc.load_gather(tx2, [tvi])
            by2 = plsc.load_gather(ty2, [tvi])
            o = pl.multiple_of(t * 5 * L, L)
            tb[pl.ds(o, L)] = bx1
            tb[pl.ds(o + L, L)] = by1
            tb[pl.ds(o + 2 * L, L)] = bx2
            tb[pl.ds(o + 3 * L, L)] = by2
            tb[pl.ds(o + 4 * L, L)] = (bx2 - bx1) * (by2 - by1)
            o2 = pl.multiple_of(t * 3 * L, L)
            mv[pl.ds(o2, L)] = jnp.full((L,), -1.0, jnp.float32)
            mv[pl.ds(o2 + L, L)] = jnp.full((L,), 1.0, jnp.float32)
            mv[pl.ds(o2 + 2 * L, L)] = lax.bitcast_convert_type(
                jnp.zeros((L,), jnp.int32), jnp.float32)
            return 0

        lax.fori_loop(0, NOBJ, tb_body, 0)

    with jax.named_scope("sc_passA"):
        def chunk_body(ci, _):
            o = pl.multiple_of(ci * L, L)
            sl = pl.ds(o, L)
            x1, y1, x2, y2 = px1[sl], py1[sl], px2[sl], py2[sl]
            ap = (x2 - x1) * (y2 - y1)
            gidx = o + iot
            invalid = gidx >= NP
            b_i = jnp.zeros((L,), jnp.float32)
            b_u = jnp.full((L,), 1.0, jnp.float32)
            b_t = jnp.zeros((L,), jnp.int32)
            for t in range(NOBJ):
                ob = t * 5 * L
                bx1 = tb[pl.ds(ob, L)]
                by1 = tb[pl.ds(ob + L, L)]
                bx2 = tb[pl.ds(ob + 2 * L, L)]
                by2 = tb[pl.ds(ob + 3 * L, L)]
                at = tb[pl.ds(ob + 4 * L, L)]
                iw = jnp.maximum(
                    jnp.minimum(x2, bx2) - jnp.maximum(x1, bx1), 0.0)
                ih = jnp.maximum(
                    jnp.minimum(y2, by2) - jnp.maximum(y1, by1), 0.0)
                inter = jnp.where(invalid, -1.0, iw * ih)
                union = at + ap - inter
                upd = inter * b_u > b_i * union
                b_i = jnp.where(upd, inter, b_i)
                b_u = jnp.where(upd, union, b_u)
                b_t = jnp.where(upd, t, b_t)
                o2 = t * 3 * L
                li = mv[pl.ds(o2, L)]
                lu = mv[pl.ds(o2 + L, L)]
                lidx = lax.bitcast_convert_type(mv[pl.ds(o2 + 2 * L, L)],
                                                jnp.int32)
                upd2 = inter * lu > li * union
                mv[pl.ds(o2, L)] = jnp.where(upd2, inter, li)
                mv[pl.ds(o2 + L, L)] = jnp.where(upd2, union, lu)
                mv[pl.ds(o2 + 2 * L, L)] = lax.bitcast_convert_type(
                    jnp.where(upd2, gidx, lidx), jnp.float32)
            bi[sl] = b_i
            bu[sl] = b_u
            bti[sl] = b_t
            return 0

        lax.fori_loop(0, NCHUNK, chunk_body, 0)

    with jax.named_scope("sc_bp_force"):
        def bp_body(t, _):
            o2 = pl.multiple_of(t * 3 * L, L)
            li = mv[pl.ds(o2, L)]
            lu = mv[pl.ds(o2 + L, L)]
            lidx = lax.bitcast_convert_type(mv[pl.ds(o2 + 2 * L, L)],
                                            jnp.int32)
            q = li / lu
            m = jnp.max(q)
            cand = jnp.where(q == m, lidx, NP_PAD)
            bp[t] = jnp.min(cand)
            return 0

        lax.fori_loop(0, NOBJ, bp_body, 0)

        def force_body(t, _):
            j = bp[t]
            o = pl.multiple_of((j >> 4) << 4, L)
            lane = j & 15
            sl = pl.ds(o, L)
            hit = iot == lane
            bi[sl] = jnp.where(hit, 2.0, bi[sl])
            bu[sl] = jnp.where(hit, 1.0, bu[sl])
            bti[sl] = jnp.where(hit, t, bti[sl])
            return 0

        lax.fori_loop(0, NOBJ, force_body, 0)

        for j in range(L):
            hist[pl.ds(j * L, L)] = jnp.zeros((L,), jnp.int32)

    ones = jnp.full((L,), 1, jnp.int32)

    with jax.named_scope("sc_wait_lc"):
        for c in copies[4:10]:
            c.wait()

    with jax.named_scope("sc_passC"):
        def main_body(ci, carry):
            acc_l, acc_c, npos = carry
            o = pl.multiple_of(ci * L, L)
            sl = pl.ds(o, L)
            pos = 2.0 * bi[sl] >= bu[sl]
            bt = bti[sl]
            mx1 = plsc.load_gather(tx1, [bt])
            my1 = plsc.load_gather(ty1, [bt])
            mx2 = plsc.load_gather(tx2, [bt])
            my2 = plsc.load_gather(ty2, [bt])
            x1, y1, x2, y2 = px1[sl], py1[sl], px2[sl], py2[sl]
            cx = (x1 + x2) * 0.5
            cy = (y1 + y2) * 0.5
            w = x2 - x1
            h = y2 - y1
            gcx = ((mx1 + mx2) * 0.5 - cx) / (0.1 * w)
            gcy = ((my1 + my2) * 0.5 - cy) / (0.1 * h)
            gw = _ln16((mx2 - mx1) / w) * 5.0
            gh = _ln16((my2 - my1) / h) * 5.0
            sm = jnp.zeros((L,), jnp.float32)
            for lref, g in ((l0, gcx), (l1, gcy), (l2, gw), (l3, gh)):
                d = lref[sl] - g
                ad = jnp.abs(d)
                sm = sm + jnp.where(ad < 1.0, 0.5 * d * d, ad - 0.5)
            acc_l = acc_l + jnp.where(pos, sm, 0.0)
            npos = npos + jnp.where(pos, 1, 0)
            x0 = c0[sl]
            xo = c1[sl]
            mxx = jnp.maximum(x0, xo)
            mnn = jnp.minimum(x0, xo)
            lse = _ln16(1.0 + jnp.exp(mnn - mxx)) + mxx
            xt = jnp.where(pos, xo, x0)
            ce = lse - xt
            acc_c = acc_c + jnp.where(pos, ce, 0.0)
            gidx = o + iot
            keyf = jnp.where(jnp.logical_and(gidx < NP, jnp.logical_not(pos)),
                             ce, 0.0)
            kb = lax.bitcast_convert_type(keyf, jnp.int32)
            keyr[sl] = kb
            plsc.addupdate_scatter(hist, [(kb >> 24) & 255], ones)
            return acc_l, acc_c, npos

        acc_l, acc_c, npos = lax.fori_loop(
            0, NCHUNK, main_body,
            (jnp.zeros((L,), jnp.float32), jnp.zeros((L,), jnp.float32),
             jnp.zeros((L,), jnp.int32)))
        num_pos = jnp.sum(npos)
        loss_l_s = jnp.sum(acc_l)
        ce_pos_s = jnp.sum(acc_c)
        k = jnp.minimum(NEGPOS_RATIO * num_pos, NP - 1)

    with jax.named_scope("sc_radix"):
        UNROLL = 6
        prefix = jnp.int32(0)
        c_before = jnp.int32(0)
        for rnd, d in enumerate((24, 16, 8, 0)):
            if rnd > 0:
                for j in range(L):
                    hist[pl.ds(j * L, L)] = jnp.zeros((L,), jnp.int32)

                def hsweep(cg, _, d=d, prefix=prefix):
                    o0 = pl.multiple_of(cg * (L * UNROLL), L)
                    for u in range(UNROLL):
                        kb = keyr[pl.ds(o0 + u * L, L)]
                        digit = (kb >> d) & 255
                        region = (kb >> (d + 8)) == prefix
                        plsc.addupdate_scatter(hist, [digit], ones,
                                               mask=region)
                    return 0

                lax.fori_loop(0, NCHUNK // UNROLL, hsweep, 0)

            csum = jnp.zeros((L,), jnp.int32)
            for c in range(L):
                s = jnp.sum(hist[pl.ds(c * L, L)])
                csum = jnp.where(iot == c, s, csum)
            rs = jnp.flip(csum, axis=0)
            cs = plsc.cumsum(rs)
            k_rel = k - c_before
            jj = _scalar(plsc.all_reduce_ffs(cs >= k_rel))
            gt_chunks = jnp.sum(jnp.where(iot < jj, rs, 0))
            cstar = 15 - jj
            hc = hist[pl.ds(pl.multiple_of(cstar * L, L), L)]
            rhc = jnp.flip(hc, axis=0)
            cs2 = plsc.cumsum(rhc)
            jj2 = _scalar(plsc.all_reduce_ffs(cs2 >= (k_rel - gt_chunks)))
            gt_in = jnp.sum(jnp.where(iot < jj2, rhc, 0))
            digit = cstar * L + (15 - jj2)
            c_before = c_before + gt_chunks + gt_in
            prefix = digit if rnd == 0 else (prefix << 8) | digit

        v = prefix
        c_gt = c_before

    with jax.named_scope("sc_passE"):
        def esweep(cg, acc):
            o0 = pl.multiple_of(cg * (L * UNROLL), L)
            for u in range(UNROLL):
                kb = keyr[pl.ds(o0 + u * L, L)]
                keyf = lax.bitcast_convert_type(kb, jnp.float32)
                acc = acc + jnp.where(kb > v, keyf, 0.0)
            return acc

        acc_n = lax.fori_loop(0, NCHUNK // UNROLL, esweep,
                              jnp.zeros((L,), jnp.float32))
        vf = lax.bitcast_convert_type(v, jnp.float32)
        loss_c_s = (ce_pos_s + jnp.sum(acc_n)
                    + (k - c_gt).astype(jnp.float32) * vf)

        outv[...] = jnp.where(
            iot == 0, loss_l_s,
            jnp.where(iot == 1, loss_c_s,
                      jnp.where(iot == 2, num_pos.astype(jnp.float32), 0.0)))
        pltpu.sync_copy(outv, out_hbm.at[wid])


@functools.partial(
    pl.kernel,
    mesh=plsc.VectorSubcoreMesh(core_axis_name="c", subcore_axis_name="s"),
    out_type=jax.ShapeDtypeStruct((NUM, L), jnp.float32),
    compiler_params=pltpu.CompilerParams(needs_layout_passes=False),
    scratch_types=[
        pltpu.VMEM((NP_PAD,), jnp.float32),
        pltpu.VMEM((NP_PAD,), jnp.float32),
        pltpu.VMEM((NP_PAD,), jnp.float32),
        pltpu.VMEM((NP_PAD,), jnp.float32),
        pltpu.VMEM((NP_PAD,), jnp.float32),
        pltpu.VMEM((NP_PAD,), jnp.float32),
        pltpu.VMEM((NP_PAD,), jnp.float32),
        pltpu.VMEM((NP_PAD,), jnp.float32),
        pltpu.VMEM((NP_PAD,), jnp.float32),
        pltpu.VMEM((NP_PAD,), jnp.float32),
        pltpu.VMEM((NP_PAD,), jnp.float32),
        pltpu.VMEM((NP_PAD,), jnp.float32),
        pltpu.VMEM((NP_PAD,), jnp.int32),
        pltpu.VMEM((NP_PAD,), jnp.int32),
        pltpu.VMEM((32,), jnp.float32),
        pltpu.VMEM((32,), jnp.float32),
        pltpu.VMEM((32,), jnp.float32),
        pltpu.VMEM((32,), jnp.float32),
        pltpu.VMEM((NOBJ * 5 * L,), jnp.float32),
        pltpu.VMEM((NOBJ * 3 * L,), jnp.float32),
        pltpu.VMEM((256,), jnp.int32),
        pltpu.VMEM((L,), jnp.float32),
        pltpu.SMEM((32,), jnp.int32),
        pltpu.SemaphoreType.DMA,
    ],
)
def _sc_loss(loc_hbm, conf_hbm, pri_hbm, tr_hbm, out_hbm, *scratch):
    _sc_body(loc_hbm, conf_hbm, pri_hbm, tr_hbm, out_hbm, *scratch)


def kernel(loc_data, conf_data, priors, targets):
    num, np_, _ = loc_data.shape
    pad = NP_PAD - np_
    loc_r = jnp.transpose(loc_data, (0, 2, 1))
    loc_r = jnp.pad(loc_r, ((0, 0), (0, 0), (0, pad))).reshape(num * 4, NP_PAD)
    conf_r = jnp.transpose(conf_data, (0, 2, 1))
    conf_r = jnp.pad(conf_r, ((0, 0), (0, 0), (0, pad))).reshape(num * 2, NP_PAD)
    pri_r = jnp.transpose(priors[:np_], (1, 0))
    pri_r = jnp.pad(pri_r, ((0, 0), (0, pad)), constant_values=1.0)
    tr_r = jnp.transpose(targets[:, :, :4], (0, 2, 1))
    tr_r = jnp.pad(tr_r, ((0, 0), (0, 0), (0, 32 - tr_r.shape[2])))
    tr_r = tr_r.reshape(num * 4, 32)
    part = _sc_loss(loc_r, conf_r, pri_r, tr_r)
    n = jnp.sum(part[:, 2])
    return jnp.sum(part[:, 0]) / n, jnp.sum(part[:, 1]) / n

# --- scband reference (transcript-rebuilt; emitter-appended) ---
"""Pipeline reference for scband-bi-box-loss-79594333929975 (READ-ONLY COPY).

The authoritative reference and input builder live on the scoring server;
editing this copy changes nothing except your own understanding.
"""

import jax, jax.numpy as jnp
import numpy as np

THRESHOLD = 0.5
NEGPOS_RATIO = 3
NUM_CLASSES = 2
VARIANCES = (0.1, 0.2)


def point_form(boxes):
    return jnp.concatenate([boxes[:, :2] - boxes[:, 2:] / 2.0,
                            boxes[:, :2] + boxes[:, 2:] / 2.0], axis=1)


def intersect(box_a, box_b):
    max_xy = jnp.minimum(box_a[:, None, 2:], box_b[None, :, 2:])
    min_xy = jnp.maximum(box_a[:, None, :2], box_b[None, :, :2])
    inter = jnp.clip(max_xy - min_xy, 0.0, None)
    return inter[..., 0] * inter[..., 1]


def jaccard(box_a, box_b):
    inter = intersect(box_a, box_b)
    area_a = ((box_a[:, 2] - box_a[:, 0]) * (box_a[:, 3] - box_a[:, 1]))[:, None]
    area_b = ((box_b[:, 2] - box_b[:, 0]) * (box_b[:, 3] - box_b[:, 1]))[None, :]
    union = area_a + area_b - inter
    return inter / union


def encode(matched, priors, variances):
    g_cxcy = (matched[:, :2] + matched[:, 2:]) / 2.0 - priors[:, :2]
    g_cxcy = g_cxcy / (variances[0] * priors[:, 2:])
    g_wh = (matched[:, 2:] - matched[:, :2]) / priors[:, 2:]
    g_wh = jnp.log(g_wh) / variances[1]
    return jnp.concatenate([g_cxcy, g_wh], axis=1)


def match_one(threshold, truths, priors, variances, labels):
    overlaps = jaccard(truths, point_form(priors))  # [num_objs, num_priors]
    best_prior_idx = jnp.argmax(overlaps, axis=1)   # [num_objs]
    best_truth_overlap = jnp.max(overlaps, axis=0)  # [num_priors]
    best_truth_idx = jnp.argmax(overlaps, axis=0)   # [num_priors]
    best_truth_overlap = best_truth_overlap.at[best_prior_idx].set(2.0)
    best_truth_idx = best_truth_idx.at[best_prior_idx].set(jnp.arange(truths.shape[0]))
    matches = truths[best_truth_idx]
    conf = labels[best_truth_idx] + 1
    conf = jnp.where(best_truth_overlap < threshold, 0, conf)
    loc = encode(matches, priors, variances)
    return loc, conf


def _forward(loc_data, conf_data, priors, targets):
    num = loc_data.shape[0]
    priors = priors[:loc_data.shape[1], :]
    num_priors = priors.shape[0]
    truths = targets[:, :, :4]
    # binary loss: labels are zeroed in the module
    labels = jnp.zeros(targets.shape[:2], dtype=jnp.int32)
    loc_t, conf_t = jax.vmap(lambda t, l: match_one(THRESHOLD, t, priors, VARIANCES, l))(truths, labels)
    loc_t = jax.lax.stop_gradient(loc_t)
    conf_t = jax.lax.stop_gradient(conf_t)
    pos = conf_t > 0
    # localization loss (smooth L1, sum over positives)
    diff = loc_data - loc_t
    absd = jnp.abs(diff)
    sm = jnp.where(absd < 1.0, 0.5 * diff * diff, absd - 0.5)
    loss_l = jnp.sum(sm * pos[..., None].astype(sm.dtype))
    # hard negative mining loss (log_sum_exp with global max, like the torch helper)
    batch_conf = conf_data.reshape(-1, NUM_CLASSES)
    x_max = jax.lax.stop_gradient(jnp.max(batch_conf))
    lse = jnp.log(jnp.sum(jnp.exp(batch_conf - x_max), axis=1, keepdims=True)) + x_max
    loss_c = lse[:, 0] - jnp.take_along_axis(batch_conf, conf_t.reshape(-1, 1), axis=1)[:, 0]
    loss_c = loss_c.reshape(num, -1)
    loss_c = jnp.where(pos, 0.0, loss_c)
    loss_idx = jnp.argsort(-loss_c, axis=1)
    idx_rank = jnp.argsort(loss_idx, axis=1)
    num_pos = jnp.sum(pos.astype(jnp.int32), axis=1, keepdims=True)
    num_neg = jnp.minimum(NEGPOS_RATIO * num_pos, pos.shape[1] - 1)
    neg = idx_rank < num_neg
    mask = jnp.logical_or(pos, neg)
    # confidence loss: cross entropy (sum) over pos + mined negatives
    row_max = jnp.max(batch_conf, axis=1, keepdims=True)
    logz = jnp.log(jnp.sum(jnp.exp(batch_conf - row_max), axis=1, keepdims=True)) + row_max
    ce = logz[:, 0] - jnp.take_along_axis(batch_conf, conf_t.reshape(-1, 1), axis=1)[:, 0]
    loss_c_final = jnp.sum(ce.reshape(num, -1) * mask.astype(ce.dtype))
    N = jnp.sum(num_pos).astype(jnp.float32)
    return loss_l / N, loss_c_final / N


def setup_inputs(seed: int = 0):
    key = jax.random.key(seed)
    k1, k2, k3, k4, k5, k6 = jax.random.split(key, 6)
    num, num_priors, num_objs = 32, 8732, 20
    loc_data = jax.random.normal(k1, (num, num_priors, 4), dtype=jnp.float32)
    conf_data = jax.random.normal(k2, (num, num_priors, NUM_CLASSES), dtype=jnp.float32)
    # priors in center-size form (cx, cy, w, h)
    pcxy = jax.random.uniform(k3, (num_priors, 2), minval=0.05, maxval=0.95)
    pwh = jax.random.uniform(k4, (num_priors, 2), minval=0.05, maxval=0.3)
    priors = jnp.concatenate([pcxy, pwh], axis=1).astype(jnp.float32)
    # targets: valid point-form gt boxes plus a (zeroed-out) label column
    tcxy = jax.random.uniform(k5, (num, num_objs, 2), minval=0.2, maxval=0.8)
    twh = jax.random.uniform(k6, (num, num_objs, 2), minval=0.05, maxval=0.3)
    x1y1 = tcxy - twh / 2.0
    x2y2 = tcxy + twh / 2.0
    lab = jnp.zeros((num, num_objs, 1), dtype=jnp.float32)
    targets = jnp.concatenate([x1y1, x2y2, lab], axis=2).astype(jnp.float32)
    return {"loc_data": loc_data, "conf_data": conf_data, "priors": priors, "targets": targets}


def reference(loc_data, conf_data, priors, targets):
    return _forward(loc_data, conf_data, priors, targets)

if __name__ == "__main__":
    import jax
    _d = setup_inputs()
    print(jax.jit(kernel)(*tuple(_d.values())))

</pallas_src>

<mosaic_0001>
#map = affine_map<(d0, d1) -> (0, 0)>
module attributes {stable_mosaic.version = 14 : i64} {
  func.func @_sc_loss(%arg0: i32, %arg1: i32, %arg2: memref<128x8736xf32, #tpu.memory_space<hbm>>, %arg3: memref<64x8736xf32, #tpu.memory_space<hbm>>, %arg4: memref<4x8736xf32, #tpu.memory_space<hbm>>, %arg5: memref<128x32xf32, #tpu.memory_space<hbm>>, %arg6: memref<32x16xf32, #tpu.memory_space<hbm>>, %arg7: memref<8736xf32, #tpu.memory_space<vmem>>, %arg8: memref<8736xf32, #tpu.memory_space<vmem>>, %arg9: memref<8736xf32, #tpu.memory_space<vmem>>, %arg10: memref<8736xf32, #tpu.memory_space<vmem>>, %arg11: memref<8736xf32, #tpu.memory_space<vmem>>, %arg12: memref<8736xf32, #tpu.memory_space<vmem>>, %arg13: memref<8736xf32, #tpu.memory_space<vmem>>, %arg14: memref<8736xf32, #tpu.memory_space<vmem>>, %arg15: memref<8736xf32, #tpu.memory_space<vmem>>, %arg16: memref<8736xf32, #tpu.memory_space<vmem>>, %arg17: memref<8736xf32, #tpu.memory_space<vmem>>, %arg18: memref<8736xf32, #tpu.memory_space<vmem>>, %arg19: memref<8736xi32, #tpu.memory_space<vmem>>, %arg20: memref<8736xi32, #tpu.memory_space<vmem>>, %arg21: memref<32xf32, #tpu.memory_space<vmem>>, %arg22: memref<32xf32, #tpu.memory_space<vmem>>, %arg23: memref<32xf32, #tpu.memory_space<vmem>>, %arg24: memref<32xf32, #tpu.memory_space<vmem>>, %arg25: memref<1600xf32, #tpu.memory_space<vmem>>, %arg26: memref<960xf32, #tpu.memory_space<vmem>>, %arg27: memref<256xi32, #tpu.memory_space<vmem>>, %arg28: memref<16xf32, #tpu.memory_space<vmem>>, %arg29: memref<32xi32, #tpu.memory_space<smem>>, %arg30: memref<!tpu.dma_semaphore, #tpu.memory_space<semaphore_mem>>) attributes {dimension_semantics = [#tpu.dimension_semantics<core_parallel>, #tpu.dimension_semantics<subcore_parallel>], iteration_bounds = array<i64: 2, 16>, scalar_prefetch = 0 : i64, scratch_operands = 24 : i64, tpu.core_type = #tpu.core_type<sc_vector_subcore>, window_params = [{transform_indices = #map}, {transform_indices = #map}, {transform_indices = #map}, {transform_indices = #map}, {transform_indices = #map}]} {
    %mul3A = arith.constant 2 : i32
    %mul3A_0 = arith.muli %arg1, %mul3A : i32
    %add3A = arith.addi %mul3A_0, %arg0 : i32
    %iota3A = tpu.iota {dimensions = array<i32: 0>} : vector<16xi32>
    "tpu.trace_start"() <{level = 10 : i32, message = "sc_stage"}> : () -> ()
    %mul3A_1 = arith.constant 4 : i32
    %mul3A_2 = arith.muli %add3A, %mul3A_1 : i32
    %mul3A_3 = arith.constant 2 : i32
    %mul3A_4 = arith.muli %add3A, %mul3A_3 : i32
    %add3A_5 = arith.constant 0 : i32
    %add3A_6 = arith.addi %mul3A_2, %add3A_5 : i32
    %add3A_7 = arith.constant 1 : i32
    %add3A_8 = arith.addi %mul3A_2, %add3A_7 : i32
    %add3A_9 = arith.constant 2 : i32
    %add3A_10 = arith.addi %mul3A_2, %add3A_9 : i32
    %add3A_11 = arith.constant 3 : i32
    %add3A_12 = arith.addi %mul3A_2, %add3A_11 : i32
    %add3A_13 = arith.constant 0 : i32
    %add3A_14 = arith.addi %mul3A_4, %add3A_13 : i32
    %add3A_15 = arith.constant 1 : i32
    %add3A_16 = arith.addi %mul3A_4, %add3A_15 : i32
    %add3A_17 = arith.constant 0 : i32
    %add3A_18 = arith.addi %mul3A_2, %add3A_17 : i32
    %add3A_19 = arith.constant 1 : i32
    %add3A_20 = arith.addi %mul3A_2, %add3A_19 : i32
    %add3A_21 = arith.constant 2 : i32
    %add3A_22 = arith.addi %mul3A_2, %add3A_21 : i32
    %add3A_23 = arith.constant 3 : i32
    %add3A_24 = arith.addi %mul3A_2, %add3A_23 : i32
    %dma_start3A = arith.constant 0 : i32
    %dma_start3A_25 = arith.constant 0 : i32
    %dma_start3A_26 = tpu.memref_slice %arg4[%dma_start3A, %dma_start3A_25] : memref<4x8736xf32, #tpu.memory_space<hbm>> -> memref<1x8736xf32, #tpu.memory_space<hbm>>
    %dma_start3A_27 = tpu.memref_squeeze %dma_start3A_26 : memref<1x8736xf32, #tpu.memory_space<hbm>> -> memref<8736xf32, #tpu.memory_space<hbm>>
    %dma_start3A_28 = arith.constant 0 : i32
    %dma_start3A_29 = tpu.memref_slice %arg4[%dma_start3A, %dma_start3A_28] : memref<4x8736xf32, #tpu.memory_space<hbm>> -> memref<1x8736xf32, #tpu.memory_space<hbm>>
    %dma_start3A_30 = tpu.memref_squeeze %dma_start3A_29 : memref<1x8736xf32, #tpu.memory_space<hbm>> -> memref<8736xf32, #tpu.memory_space<hbm>>
    tpu.enqueue_dma source(%dma_start3A_30 : memref<8736xf32, #tpu.memory_space<hbm>>) target(%arg7 : memref<8736xf32, #tpu.memory_space<vmem>>) target_semaphore(%arg30 : memref<!tpu.dma_semaphore, #tpu.memory_space<semaphore_mem>>)
    %dma_start3A_31 = arith.constant 1 : i32
    %dma_start3A_32 = arith.constant 0 : i32
    %dma_start3A_33 = tpu.memref_slice %arg4[%dma_start3A_31, %dma_start3A_32] : memref<4x8736xf32, #tpu.memory_space<hbm>> -> memref<1x8736xf32, #tpu.memory_space<hbm>>
    %dma_start3A_34 = tpu.memref_squeeze %dma_start3A_33 : memref<1x8736xf32, #tpu.memory_space<hbm>> -> memref<8736xf32, #tpu.memory_space<hbm>>
    %dma_start3A_35 = arith.constant 0 : i32
    %dma_start3A_36 = tpu.memref_slice %arg4[%dma_start3A_31, %dma_start3A_35] : memref<4x8736xf32, #tpu.memory_space<hbm>> -> memref<1x8736xf32, #tpu.memory_space<hbm>>
    %dma_start3A_37 = tpu.memref_squeeze %dma_start3A_36 : memref<1x8736xf32, #tpu.memory_space<hbm>> -> memref<8736xf32, #tpu.memory_space<hbm>>
    tpu.enqueue_dma source(%dma_start3A_37 : memref<8736xf32, #tpu.memory_space<hbm>>) target(%arg8 : memref<8736xf32, #tpu.memory_space<vmem>>) target_semaphore(%arg30 : memref<!tpu.dma_semaphore, #tpu.memory_space<semaphore_mem>>)
    %dma_start3A_38 = arith.constant 2 : i32
    %dma_start3A_39 = arith.constant 0 : i32
    %dma_start3A_40 = tpu.memref_slice %arg4[%dma_start3A_38, %dma_start3A_39] : memref<4x8736xf32, #tpu.memory_space<hbm>> -> memref<1x8736xf32, #tpu.memory_space<hbm>>
    %dma_start3A_41 = tpu.memref_squeeze %dma_start3A_40 : memref<1x8736xf32, #tpu.memory_space<hbm>> -> memref<8736xf32, #tpu.memory_space<hbm>>
    %dma_start3A_42 = arith.constant 0 : i32
    %dma_start3A_43 = tpu.memref_slice %arg4[%dma_start3A_38, %dma_start3A_42] : memref<4x8736xf32, #tpu.memory_space<hbm>> -> memref<1x8736xf32, #tpu.memory_space<hbm>>
    %dma_start3A_44 = tpu.memref_squeeze %dma_start3A_43 : memref<1x8736xf32, #tpu.memory_space<hbm>> -> memref<8736xf32, #tpu.memory_space<hbm>>
    tpu.enqueue_dma source(%dma_start3A_44 : memref<8736xf32, #tpu.memory_space<hbm>>) target(%arg9 : memref<8736xf32, #tpu.memory_space<vmem>>) target_semaphore(%arg30 : memref<!tpu.dma_semaphore, #tpu.memory_space<semaphore_mem>>)
    %dma_start3A_45 = arith.constant 3 : i32
    %dma_start3A_46 = arith.constant 0 : i32
    %dma_start3A_47 = tpu.memref_slice %arg4[%dma_start3A_45, %dma_start3A_46] : memref<4x8736xf32, #tpu.memory_space<hbm>> -> memref<1x8736xf32, #tpu.memory_space<hbm>>
    %dma_start3A_48 = tpu.memref_squeeze %dma_start3A_47 : memref<1x8736xf32, #tpu.memory_space<hbm>> -> memref<8736xf32, #tpu.memory_space<hbm>>
    %dma_start3A_49 = arith.constant 0 : i32
    %dma_start3A_50 = tpu.memref_slice %arg4[%dma_start3A_45, %dma_start3A_49] : memref<4x8736xf32, #tpu.memory_space<hbm>> -> memref<1x8736xf32, #tpu.memory_space<hbm>>
    %dma_start3A_51 = tpu.memref_squeeze %dma_start3A_50 : memref<1x8736xf32, #tpu.memory_space<hbm>> -> memref<8736xf32, #tpu.memory_space<hbm>>
    tpu.enqueue_dma source(%dma_start3A_51 : memref<8736xf32, #tpu.memory_space<hbm>>) target(%arg10 : memref<8736xf32, #tpu.memory_space<vmem>>) target_semaphore(%arg30 : memref<!tpu.dma_semaphore, #tpu.memory_space<semaphore_mem>>)
    %dma_start3A_52 = arith.constant 0 : i32
    %dma_start3A_53 = tpu.memref_slice %arg2[%add3A_6, %dma_start3A_52] : memref<128x8736xf32, #tpu.memory_space<hbm>> -> memref<1x8736xf32, #tpu.memory_space<hbm>>
    %dma_start3A_54 = tpu.memref_squeeze %dma_start3A_53 : memref<1x8736xf32, #tpu.memory_space<hbm>> -> memref<8736xf32, #tpu.memory_space<hbm>>
    %dma_start3A_55 = arith.constant 0 : i32
    %dma_start3A_56 = tpu.memref_slice %arg2[%add3A_6, %dma_start3A_55] : memref<128x8736xf32, #tpu.memory_space<hbm>> -> memref<1x8736xf32, #tpu.memory_space<hbm>>
    %dma_start3A_57 = tpu.memref_squeeze %dma_start3A_56 : memref<1x8736xf32, #tpu.memory_space<hbm>> -> memref<8736xf32, #tpu.memory_space<hbm>>
    tpu.enqueue_dma source(%dma_start3A_57 : memref<8736xf32, #tpu.memory_space<hbm>>) target(%arg11 : memref<8736xf32, #tpu.memory_space<vmem>>) target_semaphore(%arg30 : memref<!tpu.dma_semaphore, #tpu.memory_space<semaphore_mem>>)
    %dma_start3A_58 = arith.constant 0 : i32
    %dma_start3A_59 = tpu.memref_slice %arg2[%add3A_8, %dma_start3A_58] : memref<128x8736xf32, #tpu.memory_space<hbm>> -> memref<1x8736xf32, #tpu.memory_space<hbm>>
    %dma_start3A_60 = tpu.memref_squeeze %dma_start3A_59 : memref<1x8736xf32, #tpu.memory_space<hbm>> -> memref<8736xf32, #tpu.memory_space<hbm>>
    %dma_start3A_61 = arith.constant 0 : i32
    %dma_start3A_62 = tpu.memref_slice %arg2[%add3A_8, %dma_start3A_61] : memref<128x8736xf32, #tpu.memory_space<hbm>> -> memref<1x8736xf32, #tpu.memory_space<hbm>>
    %dma_start3A_63 = tpu.memref_squeeze %dma_start3A_62 : memref<1x8736xf32, #tpu.memory_space<hbm>> -> memref<8736xf32, #tpu.memory_space<hbm>>
    tpu.enqueue_dma source(%dma_start3A_63 : memref<8736xf32, #tpu.memory_space<hbm>>) target(%arg12 : memref<8736xf32, #tpu.memory_space<vmem>>) target_semaphore(%arg30 : memref<!tpu.dma_semaphore, #tpu.memory_space<semaphore_mem>>)
    %dma_start3A_64 = arith.constant 0 : i32
    %dma_start3A_65 = tpu.memref_slice %arg2[%add3A_10, %dma_start3A_64] : memref<128x8736xf32, #tpu.memory_space<hbm>> -> memref<1x8736xf32, #tpu.memory_space<hbm>>
    %dma_start3A_66 = tpu.memref_squeeze %dma_start3A_65 : memref<1x8736xf32, #tpu.memory_space<hbm>> -> memref<8736xf32, #tpu.memory_space<hbm>>
    %dma_start3A_67 = arith.constant 0 : i32
    %dma_start3A_68 = tpu.memref_slice %arg2[%add3A_10, %dma_start3A_67] : memref<128x8736xf32, #tpu.memory_space<hbm>> -> memref<1x8736xf32, #tpu.memory_space<hbm>>
    %dma_start3A_69 = tpu.memref_squeeze %dma_start3A_68 : memref<1x8736xf32, #tpu.memory_space<hbm>> -> memref<8736xf32, #tpu.memory_space<hbm>>
    tpu.enqueue_dma source(%dma_start3A_69 : memref<8736xf32, #tpu.memory_space<hbm>>) target(%arg13 : memref<8736xf32, #tpu.memory_space<vmem>>) target_semaphore(%arg30 : memref<!tpu.dma_semaphore, #tpu.memory_space<semaphore_mem>>)
    %dma_start3A_70 = arith.constant 0 : i32
    %dma_start3A_71 = tpu.memref_slice %arg2[%add3A_12, %dma_start3A_70] : memref<128x8736xf32, #tpu.memory_space<hbm>> -> memref<1x8736xf32, #tpu.memory_space<hbm>>
    %dma_start3A_72 = tpu.memref_squeeze %dma_start3A_71 : memref<1x8736xf32, #tpu.memory_space<hbm>> -> memref<8736xf32, #tpu.memory_space<hbm>>
    %dma_start3A_73 = arith.constant 0 : i32
    %dma_start3A_74 = tpu.memref_slice %arg2[%add3A_12, %dma_start3A_73] : memref<128x8736xf32, #tpu.memory_space<hbm>> -> memref<1x8736xf32, #tpu.memory_space<hbm>>
    %dma_start3A_75 = tpu.memref_squeeze %dma_start3A_74 : memref<1x8736xf32, #tpu.memory_space<hbm>> -> memref<8736xf32, #tpu.memory_space<hbm>>
    tpu.enqueue_dma source(%dma_start3A_75 : memref<8736xf32, #tpu.memory_space<hbm>>) target(%arg14 : memref<8736xf32, #tpu.memory_space<vmem>>) target_semaphore(%arg30 : memref<!tpu.dma_semaphore, #tpu.memory_space<semaphore_mem>>)
    %dma_start3A_76 = arith.constant 0 : i32
    %dma_start3A_77 = tpu.memref_slice %arg3[%add3A_14, %dma_start3A_76] : memref<64x8736xf32, #tpu.memory_space<hbm>> -> memref<1x8736xf32, #tpu.memory_space<hbm>>
    %dma_start3A_78 = tpu.memref_squeeze %dma_start3A_77 : memref<1x8736xf32, #tpu.memory_space<hbm>> -> memref<8736xf32, #tpu.memory_space<hbm>>
    %dma_start3A_79 = arith.constant 0 : i32
    %dma_start3A_80 = tpu.memref_slice %arg3[%add3A_14, %dma_start3A_79] : memref<64x8736xf32, #tpu.memory_space<hbm>> -> memref<1x8736xf32, #tpu.memory_space<hbm>>
    %dma_start3A_81 = tpu.memref_squeeze %dma_start3A_80 : memref<1x8736xf32, #tpu.memory_space<hbm>> -> memref<8736xf32, #tpu.memory_space<hbm>>
    tpu.enqueue_dma source(%dma_start3A_81 : memref<8736xf32, #tpu.memory_space<hbm>>) target(%arg15 : memref<8736xf32, #tpu.memory_space<vmem>>) target_semaphore(%arg30 : memref<!tpu.dma_semaphore, #tpu.memory_space<semaphore_mem>>)
    %dma_start3A_82 = arith.constant 0 : i32
    %dma_start3A_83 = tpu.memref_slice %arg3[%add3A_16, %dma_start3A_82] : memref<64x8736xf32, #tpu.memory_space<hbm>> -> memref<1x8736xf32, #tpu.memory_space<hbm>>
    %dma_start3A_84 = tpu.memref_squeeze %dma_start3A_83 : memref<1x8736xf32, #tpu.memory_space<hbm>> -> memref<8736xf32, #tpu.memory_space<hbm>>
    %dma_start3A_85 = arith.constant 0 : i32
    %dma_start3A_86 = tpu.memref_slice %arg3[%add3A_16, %dma_start3A_85] : memref<64x8736xf32, #tpu.memory_space<hbm>> -> memref<1x8736xf32, #tpu.memory_space<hbm>>
    %dma_start3A_87 = tpu.memref_squeeze %dma_start3A_86 : memref<1x8736xf32, #tpu.memory_space<hbm>> -> memref<8736xf32, #tpu.memory_space<hbm>>
    tpu.enqueue_dma source(%dma_start3A_87 : memref<8736xf32, #tpu.memory_space<hbm>>) target(%arg16 : memref<8736xf32, #tpu.memory_space<vmem>>) target_semaphore(%arg30 : memref<!tpu.dma_semaphore, #tpu.memory_space<semaphore_mem>>)
    %dma_start3A_88 = arith.constant 0 : i32
    %dma_start3A_89 = tpu.memref_slice %arg5[%add3A_18, %dma_start3A_88] : memref<128x32xf32, #tpu.memory_space<hbm>> -> memref<1x32xf32, #tpu.memory_space<hbm>>
    %dma_start3A_90 = tpu.memref_squeeze %dma_start3A_89 : memref<1x32xf32, #tpu.memory_space<hbm>> -> memref<32xf32, #tpu.memory_space<hbm>>
    %dma_start3A_91 = arith.constant 0 : i32
    %dma_start3A_92 = tpu.memref_slice %arg5[%add3A_18, %dma_start3A_91] : memref<128x32xf32, #tpu.memory_space<hbm>> -> memref<1x32xf32, #tpu.memory_space<hbm>>
    %dma_start3A_93 = tpu.memref_squeeze %dma_start3A_92 : memref<1x32xf32, #tpu.memory_space<hbm>> -> memref<32xf32, #tpu.memory_space<hbm>>
    tpu.enqueue_dma source(%dma_start3A_93 : memref<32xf32, #tpu.memory_space<hbm>>) target(%arg21 : memref<32xf32, #tpu.memory_space<vmem>>) target_semaphore(%arg30 : memref<!tpu.dma_semaphore, #tpu.memory_space<semaphore_mem>>)
    %dma_start3A_94 = arith.constant 0 : i32
    %dma_start3A_95 = tpu.memref_slice %arg5[%add3A_20, %dma_start3A_94] : memref<128x32xf32, #tpu.memory_space<hbm>> -> memref<1x32xf32, #tpu.memory_space<hbm>>
    %dma_start3A_96 = tpu.memref_squeeze %dma_start3A_95 : memref<1x32xf32, #tpu.memory_space<hbm>> -> memref<32xf32, #tpu.memory_space<hbm>>
    %dma_start3A_97 = arith.constant 0 : i32
    %dma_start3A_98 = tpu.memref_slice %arg5[%add3A_20, %dma_start3A_97] : memref<128x32xf32, #tpu.memory_space<hbm>> -> memref<1x32xf32, #tpu.memory_space<hbm>>
    %dma_start3A_99 = tpu.memref_squeeze %dma_start3A_98 : memref<1x32xf32, #tpu.memory_space<hbm>> -> memref<32xf32, #tpu.memory_space<hbm>>
    tpu.enqueue_dma source(%dma_start3A_99 : memref<32xf32, #tpu.memory_space<hbm>>) target(%arg22 : memref<32xf32, #tpu.memory_space<vmem>>) target_semaphore(%arg30 : memref<!tpu.dma_semaphore, #tpu.memory_space<semaphore_mem>>)
    %dma_start3A_100 = arith.constant 0 : i32
    %dma_start3A_101 = tpu.memref_slice %arg5[%add3A_22, %dma_start3A_100] : memref<128x32xf32, #tpu.memory_space<hbm>> -> memref<1x32xf32, #tpu.memory_space<hbm>>
    %dma_start3A_102 = tpu.memref_squeeze %dma_start3A_101 : memref<1x32xf32, #tpu.memory_space<hbm>> -> memref<32xf32, #tpu.memory_space<hbm>>
    %dma_start3A_103 = arith.constant 0 : i32
    %dma_start3A_104 = tpu.memref_slice %arg5[%add3A_22, %dma_start3A_103] : memref<128x32xf32, #tpu.memory_space<hbm>> -> memref<1x32xf32, #tpu.memory_space<hbm>>
    %dma_start3A_105 = tpu.memref_squeeze %dma_start3A_104 : memref<1x32xf32, #tpu.memory_space<hbm>> -> memref<32xf32, #tpu.memory_space<hbm>>
    tpu.enqueue_dma source(%dma_start3A_105 : memref<32xf32, #tpu.memory_space<hbm>>) target(%arg23 : memref<32xf32, #tpu.memory_space<vmem>>) target_semaphore(%arg30 : memref<!tpu.dma_semaphore, #tpu.memory_space<semaphore_mem>>)
    %dma_start3A_106 = arith.constant 0 : i32
    %dma_start3A_107 = tpu.memref_slice %arg5[%add3A_24, %dma_start3A_106] : memref<128x32xf32, #tpu.memory_space<hbm>> -> memref<1x32xf32, #tpu.memory_space<hbm>>
    %dma_start3A_108 = tpu.memref_squeeze %dma_start3A_107 : memref<1x32xf32, #tpu.memory_space<hbm>> -> memref<32xf32, #tpu.memory_space<hbm>>
    %dma_start3A_109 = arith.constant 0 : i32
    %dma_start3A_110 = tpu.memref_slice %arg5[%add3A_24, %dma_start3A_109] : memref<128x32xf32, #tpu.memory_space<hbm>> -> memref<1x32xf32, #tpu.memory_space<hbm>>
    %dma_start3A_111 = tpu.memref_squeeze %dma_start3A_110 : memref<1x32xf32, #tpu.memory_space<hbm>> -> memref<32xf32, #tpu.memory_space<hbm>>
    tpu.enqueue_dma source(%dma_start3A_111 : memref<32xf32, #tpu.memory_space<hbm>>) target(%arg24 : memref<32xf32, #tpu.memory_space<vmem>>) target_semaphore(%arg30 : memref<!tpu.dma_semaphore, #tpu.memory_space<semaphore_mem>>)
    %dma_wait3A = arith.constant 0 : i32
    %dma_wait3A_112 = arith.constant 0 : i32
    %dma_wait3A_113 = tpu.memref_slice %arg4[%dma_wait3A, %dma_wait3A_112] : memref<4x8736xf32, #tpu.memory_space<hbm>> -> memref<1x8736xf32, #tpu.memory_space<hbm>>
    %dma_wait3A_114 = tpu.memref_squeeze %dma_wait3A_113 : memref<1x8736xf32, #tpu.memory_space<hbm>> -> memref<8736xf32, #tpu.memory_space<hbm>>
    %dma_wait3A_115 = arith.constant 0 : i32
    %dma_wait3A_116 = tpu.memref_slice %arg4[%dma_wait3A, %dma_wait3A_115] : memref<4x8736xf32, #tpu.memory_space<hbm>> -> memref<1x8736xf32, #tpu.memory_space<hbm>>
    %dma_wait3A_117 = tpu.memref_squeeze %dma_wait3A_116 : memref<1x8736xf32, #tpu.memory_space<hbm>> -> memref<8736xf32, #tpu.memory_space<hbm>>
    tpu.wait_dma2 semaphore(%arg30 : memref<!tpu.dma_semaphore, #tpu.memory_space<semaphore_mem>>) src(%dma_wait3A_117 : memref<8736xf32, #tpu.memory_space<hbm>>) dst(%arg7 : memref<8736xf32, #tpu.memory_space<vmem>>)
    %dma_wait3A_118 = arith.constant 1 : i32
    %dma_wait3A_119 = arith.constant 0 : i32
    %dma_wait3A_120 = tpu.memref_slice %arg4[%dma_wait3A_118, %dma_wait3A_119] : memref<4x8736xf32, #tpu.memory_space<hbm>> -> memref<1x8736xf32, #tpu.memory_space<hbm>>
    %dma_wait3A_121 = tpu.memref_squeeze %dma_wait3A_120 : memref<1x8736xf32, #tpu.memory_space<hbm>> -> memref<8736xf32, #tpu.memory_space<hbm>>
    %dma_wait3A_122 = arith.constant 0 : i32
    %dma_wait3A_123 = tpu.memref_slice %arg4[%dma_wait3A_118, %dma_wait3A_122] : memref<4x8736xf32, #tpu.memory_space<hbm>> -> memref<1x8736xf32, #tpu.memory_space<hbm>>
    %dma_wait3A_124 = tpu.memref_squeeze %dma_wait3A_123 : memref<1x8736xf32, #tpu.memory_space<hbm>> -> memref<8736xf32, #tpu.memory_space<hbm>>
    tpu.wait_dma2 semaphore(%arg30 : memref<!tpu.dma_semaphore, #tpu.memory_space<semaphore_mem>>) src(%dma_wait3A_124 : memref<8736xf32, #tpu.memory_space<hbm>>) dst(%arg8 : memref<8736xf32, #tpu.memory_space<vmem>>)
    %dma_wait3A_125 = arith.constant 2 : i32
    %dma_wait3A_126 = arith.constant 0 : i32
    %dma_wait3A_127 = tpu.memref_slice %arg4[%dma_wait3A_125, %dma_wait3A_126] : memref<4x8736xf32, #tpu.memory_space<hbm>> -> memref<1x8736xf32, #tpu.memory_space<hbm>>
    %dma_wait3A_128 = tpu.memref_squeeze %dma_wait3A_127 : memref<1x8736xf32, #tpu.memory_space<hbm>> -> memref<8736xf32, #tpu.memory_space<hbm>>
    %dma_wait3A_129 = arith.constant 0 : i32
    %dma_wait3A_130 = tpu.memref_slice %arg4[%dma_wait3A_125, %dma_wait3A_129] : memref<4x8736xf32, #tpu.memory_space<hbm>> -> memref<1x8736xf32, #tpu.memory_space<hbm>>
    %dma_wait3A_131 = tpu.memref_squeeze %dma_wait3A_130 : memref<1x8736xf32, #tpu.memory_space<hbm>> -> memref<8736xf32, #tpu.memory_space<hbm>>
    tpu.wait_dma2 semaphore(%arg30 : memref<!tpu.dma_semaphore, #tpu.memory_space<semaphore_mem>>) src(%dma_wait3A_131 : memref<8736xf32, #tpu.memory_space<hbm>>) dst(%arg9 : memref<8736xf32, #tpu.memory_space<vmem>>)
    %dma_wait3A_132 = arith.constant 3 : i32
    %dma_wait3A_133 = arith.constant 0 : i32
    %dma_wait3A_134 = tpu.memref_slice %arg4[%dma_wait3A_132, %dma_wait3A_133] : memref<4x8736xf32, #tpu.memory_space<hbm>> -> memref<1x8736xf32, #tpu.memory_space<hbm>>
    %dma_wait3A_135 = tpu.memref_squeeze %dma_wait3A_134 : memref<1x8736xf32, #tpu.memory_space<hbm>> -> memref<8736xf32, #tpu.memory_space<hbm>>
    %dma_wait3A_136 = arith.constant 0 : i32
    %dma_wait3A_137 = tpu.memref_slice %arg4[%dma_wait3A_132, %dma_wait3A_136] : memref<4x8736xf32, #tpu.memory_space<hbm>> -> memref<1x8736xf32, #tpu.memory_space<hbm>>
    %dma_wait3A_138 = tpu.memref_squeeze %dma_wait3A_137 : memref<1x8736xf32, #tpu.memory_space<hbm>> -> memref<8736xf32, #tpu.memory_space<hbm>>
    tpu.wait_dma2 semaphore(%arg30 : memref<!tpu.dma_semaphore, #tpu.memory_space<semaphore_mem>>) src(%dma_wait3A_138 : memref<8736xf32, #tpu.memory_space<hbm>>) dst(%arg10 : memref<8736xf32, #tpu.memory_space<vmem>>)
    %dma_wait3A_139 = arith.constant 0 : i32
    %dma_wait3A_140 = tpu.memref_slice %arg5[%add3A_18, %dma_wait3A_139] : memref<128x32xf32, #tpu.memory_space<hbm>> -> memref<1x32xf32, #tpu.memory_space<hbm>>
    %dma_wait3A_141 = tpu.memref_squeeze %dma_wait3A_140 : memref<1x32xf32, #tpu.memory_space<hbm>> -> memref<32xf32, #tpu.memory_space<hbm>>
    %dma_wait3A_142 = arith.constant 0 : i32
    %dma_wait3A_143 = tpu.memref_slice %arg5[%add3A_18, %dma_wait3A_142] : memref<128x32xf32, #tpu.memory_space<hbm>> -> memref<1x32xf32, #tpu.memory_space<hbm>>
    %dma_wait3A_144 = tpu.memref_squeeze %dma_wait3A_143 : memref<1x32xf32, #tpu.memory_space<hbm>> -> memref<32xf32, #tpu.memory_space<hbm>>
    tpu.wait_dma2 semaphore(%arg30 : memref<!tpu.dma_semaphore, #tpu.memory_space<semaphore_mem>>) src(%dma_wait3A_144 : memref<32xf32, #tpu.memory_space<hbm>>) dst(%arg21 : memref<32xf32, #tpu.memory_space<vmem>>)
    %dma_wait3A_145 = arith.constant 0 : i32
    %dma_wait3A_146 = tpu.memref_slice %arg5[%add3A_20, %dma_wait3A_145] : memref<128x32xf32, #tpu.memory_space<hbm>> -> memref<1x32xf32, #tpu.memory_space<hbm>>
    %dma_wait3A_147 = tpu.memref_squeeze %dma_wait3A_146 : memref<1x32xf32, #tpu.memory_space<hbm>> -> memref<32xf32, #tpu.memory_space<hbm>>
    %dma_wait3A_148 = arith.constant 0 : i32
    %dma_wait3A_149 = tpu.memref_slice %arg5[%add3A_20, %dma_wait3A_148] : memref<128x32xf32, #tpu.memory_space<hbm>> -> memref<1x32xf32, #tpu.memory_space<hbm>>
    %dma_wait3A_150 = tpu.memref_squeeze %dma_wait3A_149 : memref<1x32xf32, #tpu.memory_space<hbm>> -> memref<32xf32, #tpu.memory_space<hbm>>
    tpu.wait_dma2 semaphore(%arg30 : memref<!tpu.dma_semaphore, #tpu.memory_space<semaphore_mem>>) src(%dma_wait3A_150 : memref<32xf32, #tpu.memory_space<hbm>>) dst(%arg22 : memref<32xf32, #tpu.memory_space<vmem>>)
    %dma_wait3A_151 = arith.constant 0 : i32
    %dma_wait3A_152 = tpu.memref_slice %arg5[%add3A_22, %dma_wait3A_151] : memref<128x32xf32, #tpu.memory_space<hbm>> -> memref<1x32xf32, #tpu.memory_space<hbm>>
    %dma_wait3A_153 = tpu.memref_squeeze %dma_wait3A_152 : memref<1x32xf32, #tpu.memory_space<hbm>> -> memref<32xf32, #tpu.memory_space<hbm>>
    %dma_wait3A_154 = arith.constant 0 : i32
    %dma_wait3A_155 = tpu.memref_slice %arg5[%add3A_22, %dma_wait3A_154] : memref<128x32xf32, #tpu.memory_space<hbm>> -> memref<1x32xf32, #tpu.memory_space<hbm>>
    %dma_wait3A_156 = tpu.memref_squeeze %dma_wait3A_155 : memref<1x32xf32, #tpu.memory_space<hbm>> -> memref<32xf32, #tpu.memory_space<hbm>>
    tpu.wait_dma2 semaphore(%arg30 : memref<!tpu.dma_semaphore, #tpu.memory_space<semaphore_mem>>) src(%dma_wait3A_156 : memref<32xf32, #tpu.memory_space<hbm>>) dst(%arg23 : memref<32xf32, #tpu.memory_space<vmem>>)
    %dma_wait3A_157 = arith.constant 0 : i32
    %dma_wait3A_158 = tpu.memref_slice %arg5[%add3A_24, %dma_wait3A_157] : memref<128x32xf32, #tpu.memory_space<hbm>> -> memref<1x32xf32, #tpu.memory_space<hbm>>
    %dma_wait3A_159 = tpu.memref_squeeze %dma_wait3A_158 : memref<1x32xf32, #tpu.memory_space<hbm>> -> memref<32xf32, #tpu.memory_space<hbm>>
    %dma_wait3A_160 = arith.constant 0 : i32
    %dma_wait3A_161 = tpu.memref_slice %arg5[%add3A_24, %dma_wait3A_160] : memref<128x32xf32, #tpu.memory_space<hbm>> -> memref<1x32xf32, #tpu.memory_space<hbm>>
    %dma_wait3A_162 = tpu.memref_squeeze %dma_wait3A_161 : memref<1x32xf32, #tpu.memory_space<hbm>> -> memref<32xf32, #tpu.memory_space<hbm>>
    tpu.wait_dma2 semaphore(%arg30 : memref<!tpu.dma_semaphore, #tpu.memory_space<semaphore_mem>>) src(%dma_wait3A_162 : memref<32xf32, #tpu.memory_space<hbm>>) dst(%arg24 : memref<32xf32, #tpu.memory_space<vmem>>)
    "tpu.trace_stop"() : () -> ()
    "tpu.trace_start"() <{level = 10 : i32, message = "sc_p0"}> : () -> ()
    %scan3A = arith.constant 0 : i32
    %scan3A_163 = arith.constant 0 : i32
    %scan3A_164 = arith.constant 546 : i32
    %scan3A_165 = arith.addi %scan3A_163, %scan3A_164 : i32
    %scan3A_166 = arith.constant 1 : i32
    %scan3A_167 = scf.for %scan3A_1569 = %scan3A_163 to %scan3A_165 step %scan3A_166 iter_args(%scan3A_1570 = %scan3A) -> (i32)  : i32 {
      %mul3A_1571 = arith.constant 16 : i32
      %mul3A_1572 = arith.muli %scan3A_1569, %mul3A_1571 : i32
      %multiple_of3A_1573 = tpu.assume_multiple %mul3A_1572, 16 : i32
      %get3A_1574 = arith.index_cast %multiple_of3A_1573 : i32 to index
      %get3A_1575 = tpu.vector_load %arg7[%get3A_1574] {strides = array<i32>} : memref<8736xf32, #tpu.memory_space<vmem>>, vector<16xf32>,
      %get3A_1576 = arith.index_cast %multiple_of3A_1573 : i32 to index
      %get3A_1577 = tpu.vector_load %arg8[%get3A_1576] {strides = array<i32>} : memref<8736xf32, #tpu.memory_space<vmem>>, vector<16xf32>,
      %get3A_1578 = arith.index_cast %multiple_of3A_1573 : i32 to index
      %get3A_1579 = tpu.vector_load %arg9[%get3A_1578] {strides = array<i32>} : memref<8736xf32, #tpu.memory_space<vmem>>, vector<16xf32>,
      %get3A_1580 = arith.index_cast %multiple_of3A_1573 : i32 to index
      %get3A_1581 = tpu.vector_load %arg10[%get3A_1580] {strides = array<i32>} : memref<8736xf32, #tpu.memory_space<vmem>>, vector<16xf32>,
      %mul3A_1582 = arith.constant 5.000000e-01 : f32
      %mul3A_1583 = vector.broadcast %mul3A_1582 : f32 to vector<16xf32>
      %mul3A_1584 = arith.mulf %mul3A_1583, %get3A_1579 : vector<16xf32>
      %sub3A_1585 = arith.subf %get3A_1575, %mul3A_1584 : vector<16xf32>
      %swap3A_1586 = arith.index_cast %multiple_of3A_1573 : i32 to index
      %swap3A_1587 = tpu.vector_load %arg7[%swap3A_1586] {strides = array<i32>} : memref<8736xf32, #tpu.memory_space<vmem>>, vector<16xf32>,
      tpu.vector_store %arg7[%swap3A_1586], %sub3A_1585 {strides = array<i32>} : memref<8736xf32, #tpu.memory_space<vmem>>, vector<16xf32>,
      %mul3A_1588 = arith.constant 5.000000e-01 : f32
      %mul3A_1589 = vector.broadcast %mul3A_1588 : f32 to vector<16xf32>
      %mul3A_1590 = arith.mulf %mul3A_1589, %get3A_1579 : vector<16xf32>
      %add3A_1591 = arith.addf %get3A_1575, %mul3A_1590 : vector<16xf32>
      %swap3A_1592 = arith.index_cast %multiple_of3A_1573 : i32 to index
      %swap3A_1593 = tpu.vector_load %arg9[%swap3A_1592] {strides = array<i32>} : memref<8736xf32, #tpu.memory_space<vmem>>, vector<16xf32>,
      tpu.vector_store %arg9[%swap3A_1592], %add3A_1591 {strides = array<i32>} : memref<8736xf32, #tpu.memory_space<vmem>>, vector<16xf32>,
      %mul3A_1594 = arith.constant 5.000000e-01 : f32
      %mul3A_1595 = vector.broadcast %mul3A_1594 : f32 to vector<16xf32>
      %mul3A_1596 = arith.mulf %mul3A_1595, %get3A_1581 : vector<16xf32>
      %sub3A_1597 = arith.subf %get3A_1577, %mul3A_1596 : vector<16xf32>
      %swap3A_1598 = arith.index_cast %multiple_of3A_1573 : i32 to index
      %swap3A_1599 = tpu.vector_load %arg8[%swap3A_1598] {strides = array<i32>} : memref<8736xf32, #tpu.memory_space<vmem>>, vector<16xf32>,
      tpu.vector_store %arg8[%swap3A_1598], %sub3A_1597 {strides = array<i32>} : memref<8736xf32, #tpu.memory_space<vmem>>, vector<16xf32>,
      %mul3A_1600 = arith.constant 5.000000e-01 : f32
      %mul3A_1601 = vector.broadcast %mul3A_1600 : f32 to vector<16xf32>
      %mul3A_1602 = arith.mulf %mul3A_1601, %get3A_1581 : vector<16xf32>
      %add3A_1603 = arith.addf %get3A_1577, %mul3A_1602 : vector<16xf32>
      %swap3A_1604 = arith.index_cast %multiple_of3A_1573 : i32 to index
      %swap3A_1605 = tpu.vector_load %arg10[%swap3A_1604] {strides = array<i32>} : memref<8736xf32, #tpu.memory_space<vmem>>, vector<16xf32>,
      tpu.vector_store %arg10[%swap3A_1604], %add3A_1603 {strides = array<i32>} : memref<8736xf32, #tpu.memory_space<vmem>>, vector<16xf32>,
      %scan3A_1606 = arith.constant 0 : i32
      scf.yield %scan3A_1606 : i32
    }
    %scan3A_168 = arith.constant 546 : i32
    %scan3A_169 = arith.constant 0 : i32
    %scan3A_170 = arith.constant 0 : i32
    %scan3A_171 = arith.constant 20 : i32
    %scan3A_172 = arith.addi %scan3A_170, %scan3A_171 : i32
    %scan3A_173 = arith.constant 1 : i32
    %scan3A_174 = scf.for %scan3A_1569 = %scan3A_170 to %scan3A_172 step %scan3A_173 iter_args(%scan3A_1570 = %scan3A_169) -> (i32)  : i32 {
      %broadcast_in_dim3A_1571 = vector.broadcast %scan3A_1569 : i32 to vector<16xi32>
      %gather3A = tpu.vector_load_idx %arg21[%broadcast_in_dim3A_1571] : memref<32xf32, #tpu.memory_space<vmem>>[vector<16xi32>], vector<16xf32>,
      %gather3A_1572 = tpu.vector_load_idx %arg22[%broadcast_in_dim3A_1571] : memref<32xf32, #tpu.memory_space<vmem>>[vector<16xi32>], vector<16xf32>,
      %gather3A_1573 = tpu.vector_load_idx %arg23[%broadcast_in_dim3A_1571] : memref<32xf32, #tpu.memory_space<vmem>>[vector<16xi32>], vector<16xf32>,
      %gather3A_1574 = tpu.vector_load_idx %arg24[%broadcast_in_dim3A_1571] : memref<32xf32, #tpu.memory_space<vmem>>[vector<16xi32>], vector<16xf32>,
      %mul3A_1575 = arith.constant 5 : i32
      %mul3A_1576 = arith.muli %scan3A_1569, %mul3A_1575 : i32
      %mul3A_1577 = arith.constant 16 : i32
      %mul3A_1578 = arith.muli %mul3A_1576, %mul3A_1577 : i32
      %multiple_of3A_1579 = tpu.assume_multiple %mul3A_1578, 16 : i32
      %swap3A_1580 = arith.index_cast %multiple_of3A_1579 : i32 to index
      %swap3A_1581 = tpu.vector_load %arg25[%swap3A_1580] {strides = array<i32>} : memref<1600xf32, #tpu.memory_space<vmem>>, vector<16xf32>,
      tpu.vector_store %arg25[%swap3A_1580], %gather3A {strides = array<i32>} : memref<1600xf32, #tpu.memory_space<vmem>>, vector<16xf32>,
      %add3A_1582 = arith.constant 16 : i32
      %add3A_1583 = arith.addi %multiple_of3A_1579, %add3A_1582 : i32
      %swap3A_1584 = arith.index_cast %add3A_1583 : i32 to index
      %swap3A_1585 = tpu.vector_load %arg25[%swap3A_1584] {strides = array<i32>} : memref<1600xf32, #tpu.memory_space<vmem>>, vector<16xf32>,
      tpu.vector_store %arg25[%swap3A_1584], %gather3A_1572 {strides = array<i32>} : memref<1600xf32, #tpu.memory_space<vmem>>, vector<16xf32>,
      %add3A_1586 = arith.constant 32 : i32
      %add3A_1587 = arith.addi %multiple_of3A_1579, %add3A_1586 : i32
      %swap3A_1588 = arith.index_cast %add3A_1587 : i32 to index
      %swap3A_1589 = tpu.vector_load %arg25[%swap3A_1588] {strides = array<i32>} : memref<1600xf32, #tpu.memory_space<vmem>>, vector<16xf32>,
      tpu.vector_store %arg25[%swap3A_1588], %gather3A_1573 {strides = array<i32>} : memref<1600xf32, #tpu.memory_space<vmem>>, vector<16xf32>,
      %add3A_1590 = arith.constant 48 : i32
      %add3A_1591 = arith.addi %multiple_of3A_1579, %add3A_1590 : i32
      %swap3A_1592 = arith.index_cast %add3A_1591 : i32 to index
      %swap3A_1593 = tpu.vector_load %arg25[%swap3A_1592] {strides = array<i32>} : memref<1600xf32, #tpu.memory_space<vmem>>, vector<16xf32>,
      tpu.vector_store %arg25[%swap3A_1592], %gather3A_1574 {strides = array<i32>} : memref<1600xf32, #tpu.memory_space<vmem>>, vector<16xf32>,
      %sub3A_1594 = arith.subf %gather3A_1573, %gather3A : vector<16xf32>
      %sub3A_1595 = arith.subf %gather3A_1574, %gather3A_1572 : vector<16xf32>
      %mul3A_1596 = arith.mulf %sub3A_1594, %sub3A_1595 : vector<16xf32>
      %add3A_1597 = arith.constant 64 : i32
      %add3A_1598 = arith.addi %multiple_of3A_1579, %add3A_1597 : i32
      %swap3A_1599 = arith.index_cast %add3A_1598 : i32 to index
      %swap3A_1600 = tpu.vector_load %arg25[%swap3A_1599] {strides = array<i32>} : memref<1600xf32, #tpu.memory_space<vmem>>, vector<16xf32>,
      tpu.vector_store %arg25[%swap3A_1599], %mul3A_1596 {strides = array<i32>} : memref<1600xf32, #tpu.memory_space<vmem>>, vector<16xf32>,
      %mul3A_1601 = arith.constant 3 : i32
      %mul3A_1602 = arith.muli %scan3A_1569, %mul3A_1601 : i32
      %mul3A_1603 = arith.constant 16 : i32
      %mul3A_1604 = arith.muli %mul3A_1602, %mul3A_1603 : i32
      %multiple_of3A_1605 = tpu.assume_multiple %mul3A_1604, 16 : i32
      %broadcast_in_dim3A_1606 = arith.constant -1.000000e+00 : f32
      %broadcast_in_dim3A_1607 = vector.broadcast %broadcast_in_dim3A_1606 : f32 to vector<16xf32>
      %swap3A_1608 = arith.index_cast %multiple_of3A_1605 : i32 to index
      %swap3A_1609 = tpu.vector_load %arg26[%swap3A_1608] {strides = array<i32>} : memref<960xf32, #tpu.memory_space<vmem>>, vector<16xf32>,
      tpu.vector_store %arg26[%swap3A_1608], %broadcast_in_dim3A_1607 {strides = array<i32>} : memref<960xf32, #tpu.memory_space<vmem>>, vector<16xf32>,
      %broadcast_in_dim3A_1610 = arith.constant 1.000000e+00 : f32
      %broadcast_in_dim3A_1611 = vector.broadcast %broadcast_in_dim3A_1610 : f32 to vector<16xf32>
      %add3A_1612 = arith.constant 16 : i32
      %add3A_1613 = arith.addi %multiple_of3A_1605, %add3A_1612 : i32
      %swap3A_1614 = arith.index_cast %add3A_1613 : i32 to index
      %swap3A_1615 = tpu.vector_load %arg26[%swap3A_1614] {strides = array<i32>} : memref<960xf32, #tpu.memory_space<vmem>>, vector<16xf32>,
      tpu.vector_store %arg26[%swap3A_1614], %broadcast_in_dim3A_1611 {strides = array<i32>} : memref<960xf32, #tpu.memory_space<vmem>>, vector<16xf32>,
      %broadcast_in_dim3A_1616 = arith.constant 0 : i32
      %broadcast_in_dim3A_1617 = vector.broadcast %broadcast_in_dim3A_1616 : i32 to vector<16xi32>
      %bitcast_convert_type3A_1618 = tpu.bitcast %broadcast_in_dim3A_1617 : vector<16xi32> -> vector<16xf32>
      %add3A_1619 = arith.constant 32 : i32
      %add3A_1620 = arith.addi %multiple_of3A_1605, %add3A_1619 : i32
      %swap3A_1621 = arith.index_cast %add3A_1620 : i32 to index
      %swap3A_1622 = tpu.vector_load %arg26[%swap3A_1621] {strides = array<i32>} : memref<960xf32, #tpu.memory_space<vmem>>, vector<16xf32>,
      tpu.vector_store %arg26[%swap3A_1621], %bitcast_convert_type3A_1618 {strides = array<i32>} : memref<960xf32, #tpu.memory_space<vmem>>, vector<16xf32>,
      %scan3A_1623 = arith.constant 0 : i32
      scf.yield %scan3A_1623 : i32
    }
    %scan3A_175 = arith.constant 20 : i32
    "tpu.trace_stop"() : () -> ()
    "tpu.trace_start"() <{level = 10 : i32, message = "sc_passA"}> : () -> ()
    %scan3A_176 = arith.constant 0 : i32
    %scan3A_177 = arith.constant 0 : i32
    %scan3A_178 = arith.constant 546 : i32
    %scan3A_179 = arith.addi %scan3A_177, %scan3A_178 : i32
    %scan3A_180 = arith.constant 1 : i32
    %scan3A_181 = scf.for %scan3A_1569 = %scan3A_177 to %scan3A_179 step %scan3A_180 iter_args(%scan3A_1570 = %scan3A_176) -> (i32)  : i32 {
      %mul3A_1571 = arith.constant 16 : i32
      %mul3A_1572 = arith.muli %scan3A_1569, %mul3A_1571 : i32
      %multiple_of3A_1573 = tpu.assume_multiple %mul3A_1572, 16 : i32
      %get3A_1574 = arith.index_cast %multiple_of3A_1573 : i32 to index
      %get3A_1575 = tpu.vector_load %arg7[%get3A_1574] {strides = array<i32>} : memref<8736xf32, #tpu.memory_space<vmem>>, vector<16xf32>,
      %get3A_1576 = arith.index_cast %multiple_of3A_1573 : i32 to index
      %get3A_1577 = tpu.vector_load %arg8[%get3A_1576] {strides = array<i32>} : memref<8736xf32, #tpu.memory_space<vmem>>, vector<16xf32>,
      %get3A_1578 = arith.index_cast %multiple_of3A_1573 : i32 to index
      %get3A_1579 = tpu.vector_load %arg9[%get3A_1578] {strides = array<i32>} : memref<8736xf32, #tpu.memory_space<vmem>>, vector<16xf32>,
      %get3A_1580 = arith.index_cast %multiple_of3A_1573 : i32 to index
      %get3A_1581 = tpu.vector_load %arg10[%get3A_1580] {strides = array<i32>} : memref<8736xf32, #tpu.memory_space<vmem>>, vector<16xf32>,
      %sub3A_1582 = arith.subf %get3A_1579, %get3A_1575 : vector<16xf32>
      %sub3A_1583 = arith.subf %get3A_1581, %get3A_1577 : vector<16xf32>
      %mul3A_1584 = arith.mulf %sub3A_1582, %sub3A_1583 : vector<16xf32>
      %add3A_1585 = vector.broadcast %multiple_of3A_1573 : i32 to vector<16xi32>
      %add3A_1586 = arith.addi %add3A_1585, %iota3A : vector<16xi32>
      %ge3A_1587 = arith.constant 8732 : i32
      %ge3A_1588 = vector.broadcast %ge3A_1587 : i32 to vector<16xi32>
      %ge3A_1589 = arith.cmpi sge, %add3A_1586, %ge3A_1588 : vector<16xi32>
      %broadcast_in_dim3A_1590 = arith.constant 0.000000e+00 : f32
      %broadcast_in_dim3A_1591 = vector.broadcast %broadcast_in_dim3A_1590 : f32 to vector<16xf32>
      %broadcast_in_dim3A_1592 = arith.constant 1.000000e+00 : f32
      %broadcast_in_dim3A_1593 = vector.broadcast %broadcast_in_dim3A_1592 : f32 to vector<16xf32>
      %broadcast_in_dim3A_1594 = arith.constant 0 : i32
      %broadcast_in_dim3A_1595 = vector.broadcast %broadcast_in_dim3A_1594 : i32 to vector<16xi32>
      %get3A_1596 = arith.constant 0 : index
      %get3A_1597 = tpu.vector_load %arg25[%get3A_1596] {strides = array<i32>} : memref<1600xf32, #tpu.memory_space<vmem>>, vector<16xf32>,
      %get3A_1598 = arith.constant 16 : index
      %get3A_1599 = tpu.vector_load %arg25[%get3A_1598] {strides = array<i32>} : memref<1600xf32, #tpu.memory_space<vmem>>, vector<16xf32>,
      %get3A_1600 = arith.constant 32 : index
      %get3A_1601 = tpu.vector_load %arg25[%get3A_1600] {strides = array<i32>} : memref<1600xf32, #tpu.memory_space<vmem>>, vector<16xf32>,
      %get3A_1602 = arith.constant 48 : index
      %get3A_1603 = tpu.vector_load %arg25[%get3A_1602] {strides = array<i32>} : memref<1600xf32, #tpu.memory_space<vmem>>, vector<16xf32>,
      %get3A_1604 = arith.constant 64 : index
      %get3A_1605 = tpu.vector_load %arg25[%get3A_1604] {strides = array<i32>} : memref<1600xf32, #tpu.memory_space<vmem>>, vector<16xf32>,
      %min3A_1606 = arith.minimumf %get3A_1579, %get3A_1601 : vector<16xf32>
      %max3A = arith.maximumf %get3A_1575, %get3A_1597 : vector<16xf32>
      %sub3A_1607 = arith.subf %min3A_1606, %max3A : vector<16xf32>
      %max3A_1608 = arith.constant 0.000000e+00 : f32
      %max3A_1609 = vector.broadcast %max3A_1608 : f32 to vector<16xf32>
      %max3A_1610 = arith.maximumf %sub3A_1607, %max3A_1609 : vector<16xf32>
      %min3A_1611 = arith.minimumf %get3A_1581, %get3A_1603 : vector<16xf32>
      %max3A_1612 = arith.maximumf %get3A_1577, %get3A_1599 : vector<16xf32>
      %sub3A_1613 = arith.subf %min3A_1611, %max3A_1612 : vector<16xf32>
      %max3A_1614 = arith.constant 0.000000e+00 : f32
      %max3A_1615 = vector.broadcast %max3A_1614 : f32 to vector<16xf32>
      %max3A_1616 = arith.maximumf %sub3A_1613, %max3A_1615 : vector<16xf32>
      %mul3A_1617 = arith.mulf %max3A_1610, %max3A_1616 : vector<16xf32>
      %jit3A_1618 = arith.constant -1.000000e+00 : f32
      %broadcast_in_dim3A_1619 = vector.broadcast %jit3A_1618 : f32 to vector<16xf32>
      %select_n3A_1620 = arith.select %ge3A_1589, %broadcast_in_dim3A_1619, %mul3A_1617 : vector<16xi1>, vector<16xf32>
      %add3A_1621 = arith.addf %get3A_1605, %mul3A_1584 : vector<16xf32>
      %sub3A_1622 = arith.subf %add3A_1621, %select_n3A_1620 : vector<16xf32>
      %mul3A_1623 = arith.mulf %select_n3A_1620, %broadcast_in_dim3A_1593 : vector<16xf32>
      %mul3A_1624 = arith.mulf %broadcast_in_dim3A_1591, %sub3A_1622 : vector<16xf32>
      %gt3A = arith.cmpf ogt, %mul3A_1623, %mul3A_1624 : vector<16xf32>
      %select_n3A_1625 = arith.select %gt3A, %select_n3A_1620, %broadcast_in_dim3A_1591 : vector<16xi1>, vector<16xf32>
      %select_n3A_1626 = arith.select %gt3A, %sub3A_1622, %broadcast_in_dim3A_1593 : vector<16xi1>, vector<16xf32>
      %jit3A_1627 = arith.constant 0 : i32
      %broadcast_in_dim3A_1628 = vector.broadcast %jit3A_1627 : i32 to vector<16xi32>
      %select_n3A_1629 = arith.select %gt3A, %broadcast_in_dim3A_1628, %broadcast_in_dim3A_1595 : vector<16xi1>, vector<16xi32>
      %get3A_1630 = arith.constant 0 : index
      %get3A_1631 = tpu.vector_load %arg26[%get3A_1630] {strides = array<i32>} : memref<960xf32, #tpu.memory_space<vmem>>, vector<16xf32>,
      %get3A_1632 = arith.constant 16 : index
      %get3A_1633 = tpu.vector_load %arg26[%get3A_1632] {strides = array<i32>} : memref<960xf32, #tpu.memory_space<vmem>>, vector<16xf32>,
      %get3A_1634 = arith.constant 32 : index
      %get3A_1635 = tpu.vector_load %arg26[%get3A_1634] {strides = array<i32>} : memref<960xf32, #tpu.memory_space<vmem>>, vector<16xf32>,
      %bitcast_convert_type3A_1636 = tpu.bitcast %get3A_1635 : vector<16xf32> -> vector<16xi32>
      %mul3A_1637 = arith.mulf %select_n3A_1620, %get3A_1633 : vector<16xf32>
      %mul3A_1638 = arith.mulf %get3A_1631, %sub3A_1622 : vector<16xf32>
      %gt3A_1639 = arith.cmpf ogt, %mul3A_1637, %mul3A_1638 : vector<16xf32>
      %select_n3A_1640 = arith.select %gt3A_1639, %select_n3A_1620, %get3A_1631 : vector<16xi1>, vector<16xf32>
      %swap3A_1641 = arith.constant 0 : index
      %swap3A_1642 = tpu.vector_load %arg26[%swap3A_1641] {strides = array<i32>} : memref<960xf32, #tpu.memory_space<vmem>>, vector<16xf32>,
      tpu.vector_store %arg26[%swap3A_1641], %select_n3A_1640 {strides = array<i32>} : memref<960xf32, #tpu.memory_space<vmem>>, vector<16xf32>,
      %select_n3A_1643 = arith.select %gt3A_1639, %sub3A_1622, %get3A_1633 : vector<16xi1>, vector<16xf32>
      %swap3A_1644 = arith.constant 16 : index
      %swap3A_1645 = tpu.vector_load %arg26[%swap3A_1644] {strides = array<i32>} : memref<960xf32, #tpu.memory_space<vmem>>, vector<16xf32>,
      tpu.vector_store %arg26[%swap3A_1644], %select_n3A_1643 {strides = array<i32>} : memref<960xf32, #tpu.memory_space<vmem>>, vector<16xf32>,
      %select_n3A_1646 = arith.select %gt3A_1639, %add3A_1586, %bitcast_convert_type3A_1636 : vector<16xi1>, vector<16xi32>
      %bitcast_convert_type3A_1647 = tpu.bitcast %select_n3A_1646 : vector<16xi32> -> vector<16xf32>
      %swap3A_1648 = arith.constant 32 : index
      %swap3A_1649 = tpu.vector_load %arg26[%swap3A_1648] {strides = array<i32>} : memref<960xf32, #tpu.memory_space<vmem>>, vector<16xf32>,
      tpu.vector_store %arg26[%swap3A_1648], %bitcast_convert_type3A_1647 {strides = array<i32>} : memref<960xf32, #tpu.memory_space<vmem>>, vector<16xf32>,
      %get3A_1650 = arith.constant 80 : index
      %get3A_1651 = tpu.vector_load %arg25[%get3A_1650] {strides = array<i32>} : memref<1600xf32, #tpu.memory_space<vmem>>, vector<16xf32>,
      %get3A_1652 = arith.constant 96 : index
      %get3A_1653 = tpu.vector_load %arg25[%get3A_1652] {strides = array<i32>} : memref<1600xf32, #tpu.memory_space<vmem>>, vector<16xf32>,
      %get3A_1654 = arith.constant 112 : index
      %get3A_1655 = tpu.vector_load %arg25[%get3A_1654] {strides = array<i32>} : memref<1600xf32, #tpu.memory_space<vmem>>, vector<16xf32>,
      %get3A_1656 = arith.constant 128 : index
      %get3A_1657 = tpu.vector_load %arg25[%get3A_1656] {strides = array<i32>} : memref<1600xf32, #tpu.memory_space<vmem>>, vector<16xf32>,
      %get3A_1658 = arith.constant 144 : index
      %get3A_1659 = tpu.vector_load %arg25[%get3A_1658] {strides = array<i32>} : memref<1600xf32, #tpu.memory_space<vmem>>, vector<16xf32>,
      %min3A_1660 = arith.minimumf %get3A_1579, %get3A_1655 : vector<16xf32>
      %max3A_1661 = arith.maximumf %get3A_1575, %get3A_1651 : vector<16xf32>
      %sub3A_1662 = arith.subf %min3A_1660, %max3A_1661 : vector<16xf32>
      %max3A_1663 = arith.constant 0.000000e+00 : f32
      %max3A_1664 = vector.broadcast %max3A_1663 : f32 to vector<16xf32>
      %max3A_1665 = arith.maximumf %sub3A_1662, %max3A_1664 : vector<16xf32>
      %min3A_1666 = arith.minimumf %get3A_1581, %get3A_1657 : vector<16xf32>
      %max3A_1667 = arith.maximumf %get3A_1577, %get3A_1653 : vector<16xf32>
      %sub3A_1668 = arith.subf %min3A_1666, %max3A_1667 : vector<16xf32>
      %max3A_1669 = arith.constant 0.000000e+00 : f32
      %max3A_1670 = vector.broadcast %max3A_1669 : f32 to vector<16xf32>
      %max3A_1671 = arith.maximumf %sub3A_1668, %max3A_1670 : vector<16xf32>
      %mul3A_1672 = arith.mulf %max3A_1665, %max3A_1671 : vector<16xf32>
      %jit3A_1673 = arith.constant -1.000000e+00 : f32
      %broadcast_in_dim3A_1674 = vector.broadcast %jit3A_1673 : f32 to vector<16xf32>
      %select_n3A_1675 = arith.select %ge3A_1589, %broadcast_in_dim3A_1674, %mul3A_1672 : vector<16xi1>, vector<16xf32>
      %add3A_1676 = arith.addf %get3A_1659, %mul3A_1584 : vector<16xf32>
      %sub3A_1677 = arith.subf %add3A_1676, %select_n3A_1675 : vector<16xf32>
      %mul3A_1678 = arith.mulf %select_n3A_1675, %select_n3A_1626 : vector<16xf32>
      %mul3A_1679 = arith.mulf %select_n3A_1625, %sub3A_1677 : vector<16xf32>
      %gt3A_1680 = arith.cmpf ogt, %mul3A_1678, %mul3A_1679 : vector<16xf32>
      %select_n3A_1681 = arith.select %gt3A_1680, %select_n3A_1675, %select_n3A_1625 : vector<16xi1>, vector<16xf32>
      %select_n3A_1682 = arith.select %gt3A_1680, %sub3A_1677, %select_n3A_1626 : vector<16xi1>, vector<16xf32>
      %jit3A_1683 = arith.constant 1 : i32
      %broadcast_in_dim3A_1684 = vector.broadcast %jit3A_1683 : i32 to vector<16xi32>
      %select_n3A_1685 = arith.select %gt3A_1680, %broadcast_in_dim3A_1684, %select_n3A_1629 : vector<16xi1>, vector<16xi32>
      %get3A_1686 = arith.constant 48 : index
      %get3A_1687 = tpu.vector_load %arg26[%get3A_1686] {strides = array<i32>} : memref<960xf32, #tpu.memory_space<vmem>>, vector<16xf32>,
      %get3A_1688 = arith.constant 64 : index
      %get3A_1689 = tpu.vector_load %arg26[%get3A_1688] {strides = array<i32>} : memref<960xf32, #tpu.memory_space<vmem>>, vector<16xf32>,
      %get3A_1690 = arith.constant 80 : index
      %get3A_1691 = tpu.vector_load %arg26[%get3A_1690] {strides = array<i32>} : memref<960xf32, #tpu.memory_space<vmem>>, vector<16xf32>,
      %bitcast_convert_type3A_1692 = tpu.bitcast %get3A_1691 : vector<16xf32> -> vector<16xi32>
      %mul3A_1693 = arith.mulf %select_n3A_1675, %get3A_1689 : vector<16xf32>
      %mul3A_1694 = arith.mulf %get3A_1687, %sub3A_1677 : vector<16xf32>
      %gt3A_1695 = arith.cmpf ogt, %mul3A_1693, %mul3A_1694 : vector<16xf32>
      %select_n3A_1696 = arith.select %gt3A_1695, %select_n3A_1675, %get3A_1687 : vector<16xi1>, vector<16xf32>
      %swap3A_1697 = arith.constant 48 : index
      %swap3A_1698 = tpu.vector_load %arg26[%swap3A_1697] {strides = array<i32>} : memref<960xf32, #tpu.memory_space<vmem>>, vector<16xf32>,
      tpu.vector_store %arg26[%swap3A_1697], %select_n3A_1696 {strides = array<i32>} : memref<960xf32, #tpu.memory_space<vmem>>, vector<16xf32>,
      %select_n3A_1699 = arith.select %gt3A_1695, %sub3A_1677, %get3A_1689 : vector<16xi1>, vector<16xf32>
      %swap3A_1700 = arith.constant 64 : index
      %swap3A_1701 = tpu.vector_load %arg26[%swap3A_1700] {strides = array<i32>} : memref<960xf32, #tpu.memory_space<vmem>>, vector<16xf32>,
      tpu.vector_store %arg26[%swap3A_1700], %select_n3A_1699 {strides = array<i32>} : memref<960xf32, #tpu.memory_space<vmem>>, vector<16xf32>,
      %select_n3A_1702 = arith.select %gt3A_1695, %add3A_1586, %bitcast_convert_type3A_1692 : vector<16xi1>, vector<16xi32>
      %bitcast_convert_type3A_1703 = tpu.bitcast %select_n3A_1702 : vector<16xi32> -> vector<16xf32>
      %swap3A_1704 = arith.constant 80 : index
      %swap3A_1705 = tpu.vector_load %arg26[%swap3A_1704] {strides = array<i32>} : memref<960xf32, #tpu.memory_space<vmem>>, vector<16xf32>,
      tpu.vector_store %arg26[%swap3A_1704], %bitcast_convert_type3A_1703 {strides = array<i32>} : memref<960xf32, #tpu.memory_space<vmem>>, vector<16xf32>,
      %get3A_1706 = arith.constant 160 : index
      %get3A_1707 = tpu.vector_load %arg25[%get3A_1706] {strides = array<i32>} : memref<1600xf32, #tpu.memory_space<vmem>>, vector<16xf32>,
      %get3A_1708 = arith.constant 176 : index
      %get3A_1709 = tpu.vector_load %arg25[%get3A_1708] {strides = array<i32>} : memref<1600xf32, #tpu.memory_space<vmem>>, vector<16xf32>,
      %get3A_1710 = arith.constant 192 : index
      %get3A_1711 = tpu.vector_load %arg25[%get3A_1710] {strides = array<i32>} : memref<1600xf32, #tpu.memory_space<vmem>>, vector<16xf32>,
      %get3A_1712 = arith.constant 208 : index
      %get3A_1713 = tpu.vector_load %arg25[%get3A_1712] {strides = array<i32>} : memref<1600xf32, #tpu.memory_space<vmem>>, vector<16xf32>,
      %get3A_1714 = arith.constant 224 : index
      %get3A_1715 = tpu.vector_load %arg25[%get3A_1714] {strides = array<i32>} : memref<1600xf32, #tpu.memory_space<vmem>>, vector<16xf32>,
      %min3A_1716 = arith.minimumf %get3A_1579, %get3A_1711 : vector<16xf32>
      %max3A_1717 = arith.maximumf %get3A_1575, %get3A_1707 : vector<16xf32>
      %sub3A_1718 = arith.subf %min3A_1716, %max3A_1717 : vector<16xf32>
      %max3A_1719 = arith.constant 0.000000e+00 : f32
      %max3A_1720 = vector.broadcast %max3A_1719 : f32 to vector<16xf32>
      %max3A_1721 = arith.maximumf %sub3A_1718, %max3A_1720 : vector<16xf32>
      %min3A_1722 = arith.minimumf %get3A_1581, %get3A_1713 : vector<16xf32>
      %max3A_1723 = arith.maximumf %get3A_1577, %get3A_1709 : vector<16xf32>
      %sub3A_1724 = arith.subf %min3A_1722, %max3A_1723 : vector<16xf32>
      %max3A_1725 = arith.constant 0.000000e+00 : f32
      %max3A_1726 = vector.broadcast %max3A_1725 : f32 to vector<16xf32>
      %max3A_1727 = arith.maximumf %sub3A_1724, %max3A_1726 : vector<16xf32>
      %mul3A_1728 = arith.mulf %max3A_1721, %max3A_1727 : vector<16xf32>
      %jit3A_1729 = arith.constant -1.000000e+00 : f32
      %broadcast_in_dim3A_1730 = vector.broadcast %jit3A_1729 : f32 to vector<16xf32>
      %select_n3A_1731 = arith.select %ge3A_1589, %broadcast_in_dim3A_1730, %mul3A_1728 : vector<16xi1>, vector<16xf32>
      %add3A_1732 = arith.addf %get3A_1715, %mul3A_1584 : vector<16xf32>
      %sub3A_1733 = arith.subf %add3A_1732, %select_n3A_1731 : vector<16xf32>
      %mul3A_1734 = arith.mulf %select_n3A_1731, %select_n3A_1682 : vector<16xf32>
      %mul3A_1735 = arith.mulf %select_n3A_1681, %sub3A_1733 : vector<16xf32>
      %gt3A_1736 = arith.cmpf ogt, %mul3A_1734, %mul3A_1735 : vector<16xf32>
      %select_n3A_1737 = arith.select %gt3A_1736, %select_n3A_1731, %select_n3A_1681 : vector<16xi1>, vector<16xf32>
      %select_n3A_1738 = arith.select %gt3A_1736, %sub3A_1733, %select_n3A_1682 : vector<16xi1>, vector<16xf32>
      %jit3A_1739 = arith.constant 2 : i32
      %broadcast_in_dim3A_1740 = vector.broadcast %jit3A_1739 : i32 to vector<16xi32>
      %select_n3A_1741 = arith.select %gt3A_1736, %broadcast_in_dim3A_1740, %select_n3A_1685 : vector<16xi1>, vector<16xi32>
      %get3A_1742 = arith.constant 96 : index
      %get3A_1743 = tpu.vector_load %arg26[%get3A_1742] {strides = array<i32>} : memref<960xf32, #tpu.memory_space<vmem>>, vector<16xf32>,
      %get3A_1744 = arith.constant 112 : index
      %get3A_1745 = tpu.vector_load %arg26[%get3A_1744] {strides = array<i32>} : memref<960xf32, #tpu.memory_space<vmem>>, vector<16xf32>,
      %get3A_1746 = arith.constant 128 : index
      %get3A_1747 = tpu.vector_load %arg26[%get3A_1746] {strides = array<i32>} : memref<960xf32, #tpu.memory_space<vmem>>, vector<16xf32>,
      %bitcast_convert_type3A_1748 = tpu.bitcast %get3A_1747 : vector<16xf32> -> vector<16xi32>
      %mul3A_1749 = arith.mulf %select_n3A_1731, %get3A_1745 : vector<16xf32>
      %mul3A_1750 = arith.mulf %get3A_1743, %sub3A_1733 : vector<16xf32>
      %gt3A_1751 = arith.cmpf ogt, %mul3A_1749, %mul3A_1750 : vector<16xf32>
      %select_n3A_1752 = arith.select %gt3A_1751, %select_n3A_1731, %get3A_1743 : vector<16xi1>, vector<16xf32>
      %swap3A_1753 = arith.constant 96 : index
      %swap3A_1754 = tpu.vector_load %arg26[%swap3A_1753] {strides = array<i32>} : memref<960xf32, #tpu.memory_space<vmem>>, vector<16xf32>,
      tpu.vector_store %arg26[%swap3A_1753], %select_n3A_1752 {strides = array<i32>} : memref<960xf32, #tpu.memory_space<vmem>>, vector<16xf32>,
      %select_n3A_1755 = arith.select %gt3A_1751, %sub3A_1733, %get3A_1745 : vector<16xi1>, vector<16xf32>
      %swap3A_1756 = arith.constant 112 : index
      %swap3A_1757 = tpu.vector_load %arg26[%swap3A_1756] {strides = array<i32>} : memref<960xf32, #tpu.memory_space<vmem>>, vector<16xf32>,
      tpu.vector_store %arg26[%swap3A_1756], %select_n3A_1755 {strides = array<i32>} : memref<960xf32, #tpu.memory_space<vmem>>, vector<16xf32>,
      %select_n3A_1758 = arith.select %gt3A_1751, %add3A_1586, %bitcast_convert_type3A_1748 : vector<16xi1>, vector<16xi32>
      %bitcast_convert_type3A_1759 = tpu.bitcast %select_n3A_1758 : vector<16xi32> -> vector<16xf32>
      %swap3A_1760 = arith.constant 128 : index
      %swap3A_1761 = tpu.vector_load %arg26[%swap3A_1760] {strides = array<i32>} : memref<960xf32, #tpu.memory_space<vmem>>, vector<16xf32>,
      tpu.vector_store %arg26[%swap3A_1760], %bitcast_convert_type3A_1759 {strides = array<i32>} : memref<960xf32, #tpu.memory_space<vmem>>, vector<16xf32>,
      %get3A_1762 = arith.constant 240 : index
      %get3A_1763 = tpu.vector_load %arg25[%get3A_1762] {strides = array<i32>} : memref<1600xf32, #tpu.memory_space<vmem>>, vector<16xf32>,
      %get3A_1764 = arith.constant 256 : index
      %get3A_1765 = tpu.vector_load %arg25[%get3A_1764] {strides = array<i32>} : memref<1600xf32, #tpu.memory_space<vmem>>, vector<16xf32>,
      %get3A_1766 = arith.constant 272 : index
      %get3A_1767 = tpu.vector_load %arg25[%get3A_1766] {strides = array<i32>} : memref<1600xf32, #tpu.memory_space<vmem>>, vector<16xf32>,
      %get3A_1768 = arith.constant 288 : index
      %get3A_1769 = tpu.vector_load %arg25[%get3A_1768] {strides = array<i32>} : memref<1600xf32, #tpu.memory_space<vmem>>, vector<16xf32>,
      %get3A_1770 = arith.constant 304 : index
      %get3A_1771 = tpu.vector_load %arg25[%get3A_1770] {strides = array<i32>} : memref<1600xf32, #tpu.memory_space<vmem>>, vector<16xf32>,
      %min3A_1772 = arith.minimumf %get3A_1579, %get3A_1767 : vector<16xf32>
      %max3A_1773 = arith.maximumf %get3A_1575, %get3A_1763 : vector<16xf32>
      %sub3A_1774 = arith.subf %min3A_1772, %max3A_1773 : vector<16xf32>
      %max3A_1775 = arith.constant 0.000000e+00 : f32
      %max3A_1776 = vector.broadcast %max3A_1775 : f32 to vector<16xf32>
      %max3A_1777 = arith.maximumf %sub3A_1774, %max3A_1776 : vector<16xf32>
      %min3A_1778 = arith.minimumf %get3A_1581, %get3A_1769 : vector<16xf32>
      %max3A_1779 = arith.maximumf %get3A_1577, %get3A_1765 : vector<16xf32>
      %sub3A_1780 = arith.subf %min3A_1778, %max3A_1779 : vector<16xf32>
      %max3A_1781 = arith.constant 0.000000e+00 : f32
      %max3A_1782 = vector.broadcast %max3A_1781 : f32 to vector<16xf32>
      %max3A_1783 = arith.maximumf %sub3A_1780, %max3A_1782 : vector<16xf32>
      %mul3A_1784 = arith.mulf %max3A_1777, %max3A_1783 : vector<16xf32>
      %jit3A_1785 = arith.constant -1.000000e+00 : f32
      %broadcast_in_dim3A_1786 = vector.broadcast %jit3A_1785 : f32 to vector<16xf32>
      %select_n3A_1787 = arith.select %ge3A_1589, %broadcast_in_dim3A_1786, %mul3A_1784 : vector<16xi1>, vector<16xf32>
      %add3A_1788 = arith.addf %get3A_1771, %mul3A_1584 : vector<16xf32>
      %sub3A_1789 = arith.subf %add3A_1788, %select_n3A_1787 : vector<16xf32>
      %mul3A_1790 = arith.mulf %select_n3A_1787, %select_n3A_1738 : vector<16xf32>
      %mul3A_1791 = arith.mulf %select_n3A_1737, %sub3A_1789 : vector<16xf32>
      %gt3A_1792 = arith.cmpf ogt, %mul3A_1790, %mul3A_1791 : vector<16xf32>
      %select_n3A_1793 = arith.select %gt3A_1792, %select_n3A_1787, %select_n3A_1737 : vector<16xi1>, vector<16xf32>
      %select_n3A_1794 = arith.select %gt3A_1792, %sub3A_1789, %select_n3A_1738 : vector<16xi1>, vector<16xf32>
      %jit3A_1795 = arith.constant 3 : i32
      %broadcast_in_dim3A_1796 = vector.broadcast %jit3A_1795 : i32 to vector<16xi32>
      %select_n3A_1797 = arith.select %gt3A_1792, %broadcast_in_dim3A_1796, %select_n3A_1741 : vector<16xi1>, vector<16xi32>
      %get3A_1798 = arith.constant 144 : index
      %get3A_1799 = tpu.vector_load %arg26[%get3A_1798] {strides = array<i32>} : memref<960xf32, #tpu.memory_space<vmem>>, vector<16xf32>,
      %get3A_1800 = arith.constant 160 : index
      %get3A_1801 = tpu.vector_load %arg26[%get3A_1800] {strides = array<i32>} : memref<960xf32, #tpu.memory_space<vmem>>, vector<16xf32>,
      %get3A_1802 = arith.constant 176 : index
      %get3A_1803 = tpu.vector_load %arg26[%get3A_1802] {strides = array<i32>} : memref<960xf32, #tpu.memory_space<vmem>>, vector<16xf32>,
      %bitcast_convert_type3A_1804 = tpu.bitcast %get3A_1803 : vector<16xf32> -> vector<16xi32>
      %mul3A_1805 = arith.mulf %select_n3A_1787, %get3A_1801 : vector<16xf32>
      %mul3A_1806 = arith.mulf %get3A_1799, %sub3A_1789 : vector<16xf32>
      %gt3A_1807 = arith.cmpf ogt, %mul3A_1805, %mul3A_1806 : vector<16xf32>
      %select_n3A_1808 = arith.select %gt3A_1807, %select_n3A_1787, %get3A_1799 : vector<16xi1>, vector<16xf32>
      %swap3A_1809 = arith.constant 144 : index
      %swap3A_1810 = tpu.vector_load %arg26[%swap3A_1809] {strides = array<i32>} : memref<960xf32, #tpu.memory_space<vmem>>, vector<16xf32>,
      tpu.vector_store %arg26[%swap3A_1809], %select_n3A_1808 {strides = array<i32>} : memref<960xf32, #tpu.memory_space<vmem>>, vector<16xf32>,
      %select_n3A_1811 = arith.select %gt3A_1807, %sub3A_1789, %get3A_1801 : vector<16xi1>, vector<16xf32>
      %swap3A_1812 = arith.constant 160 : index
      %swap3A_1813 = tpu.vector_load %arg26[%swap3A_1812] {strides = array<i32>} : memref<960xf32, #tpu.memory_space<vmem>>, vector<16xf32>,
      tpu.vector_store %arg26[%swap3A_1812], %select_n3A_1811 {strides = array<i32>} : memref<960xf32, #tpu.memory_space<vmem>>, vector<16xf32>,
      %select_n3A_1814 = arith.select %gt3A_1807, %add3A_1586, %bitcast_convert_type3A_1804 : vector<16xi1>, vector<16xi32>
      %bitcast_convert_type3A_1815 = tpu.bitcast %select_n3A_1814 : vector<16xi32> -> vector<16xf32>
      %swap3A_1816 = arith.constant 176 : index
      %swap3A_1817 = tpu.vector_load %arg26[%swap3A_1816] {strides = array<i32>} : memref<960xf32, #tpu.memory_space<vmem>>, vector<16xf32>,
      tpu.vector_store %arg26[%swap3A_1816], %bitcast_convert_type3A_1815 {strides = array<i32>} : memref<960xf32, #tpu.memory_space<vmem>>, vector<16xf32>,
      %get3A_1818 = arith.constant 320 : index
      %get3A_1819 = tpu.vector_load %arg25[%get3A_1818] {strides = array<i32>} : memref<1600xf32, #tpu.memory_space<vmem>>, vector<16xf32>,
      %get3A_1820 = arith.constant 336 : index
      %get3A_1821 = tpu.vector_load %arg25[%get3A_1820] {strides = array<i32>} : memref<1600xf32, #tpu.memory_space<vmem>>, vector<16xf32>,
      %get3A_1822 = arith.constant 352 : index
      %get3A_1823 = tpu.vector_load %arg25[%get3A_1822] {strides = array<i32>} : memref<1600xf32, #tpu.memory_space<vmem>>, vector<16xf32>,
      %get3A_1824 = arith.constant 368 : index
      %get3A_1825 = tpu.vector_load %arg25[%get3A_1824] {strides = array<i32>} : memref<1600xf32, #tpu.memory_space<vmem>>, vector<16xf32>,
      %get3A_1826 = arith.constant 384 : index
      %get3A_1827 = tpu.vector_load %arg25[%get3A_1826] {strides = array<i32>} : memref<1600xf32, #tpu.memory_space<vmem>>, vector<16xf32>,
      %min3A_1828 = arith.minimumf %get3A_1579, %get3A_1823 : vector<16xf32>
      %max3A_1829 = arith.maximumf %get3A_1575, %get3A_1819 : vector<16xf32>
      %sub3A_1830 = arith.subf %min3A_1828, %max3A_1829 : vector<16xf32>
      %max3A_1831 = arith.constant 0.000000e+00 : f32
      %max3A_1832 = vector.broadcast %max3A_1831 : f32 to vector<16xf32>
      %max3A_1833 = arith.maximumf %sub3A_1830, %max3A_1832 : vector<16xf32>
      %min3A_1834 = arith.minimumf %get3A_1581, %get3A_1825 : vector<16xf32>
      %max3A_1835 = arith.maximumf %get3A_1577, %get3A_1821 : vector<16xf32>
      %sub3A_1836 = arith.subf %min3A_1834, %max3A_1835 : vector<16xf32>
      %max3A_1837 = arith.constant 0.000000e+00 : f32
      %max3A_1838 = vector.broadcast %max3A_1837 : f32 to vector<16xf32>
      %max3A_1839 = arith.maximumf %sub3A_1836, %max3A_1838 : vector<16xf32>
      %mul3A_1840 = arith.mulf %max3A_1833, %max3A_1839 : vector<16xf32>
      %jit3A_1841 = arith.constant -1.000000e+00 : f32
      %broadcast_in_dim3A_1842 = vector.broadcast %jit3A_1841 : f32 to vector<16xf32>
      %select_n3A_1843 = arith.select %ge3A_1589, %broadcast_in_dim3A_1842, %mul3A_1840 : vector<16xi1>, vector<16xf32>
      %add3A_1844 = arith.addf %get3A_1827, %mul3A_1584 : vector<16xf32>
      %sub3A_1845 = arith.subf %add3A_1844, %select_n3A_1843 : vector<16xf32>
      %mul3A_1846 = arith.mulf %select_n3A_1843, %select_n3A_1794 : vector<16xf32>
      %mul3A_1847 = arith.mulf %select_n3A_1793, %sub3A_1845 : vector<16xf32>
      %gt3A_1848 = arith.cmpf ogt, %mul3A_1846, %mul3A_1847 : vector<16xf32>
      %select_n3A_1849 = arith.select %gt3A_1848, %select_n3A_1843, %select_n3A_1793 : vector<16xi1>, vector<16xf32>
      %select_n3A_1850 = arith.select %gt3A_1848, %sub3A_1845, %select_n3A_1794 : vector<16xi1>, vector<16xf32>
      %jit3A_1851 = arith.constant 4 : i32
      %broadcast_in_dim3A_1852 = vector.broadcast %jit3A_1851 : i32 to vector<16xi32>
      %select_n3A_1853 = arith.select %gt3A_1848, %broadcast_in_dim3A_1852, %select_n3A_1797 : vector<16xi1>, vector<16xi32>
      %get3A_1854 = arith.constant 192 : index
      %get3A_1855 = tpu.vector_load %arg26[%get3A_1854] {strides = array<i32>} : memref<960xf32, #tpu.memory_space<vmem>>, vector<16xf32>,
      %get3A_1856 = arith.constant 208 : index
      %get3A_1857 = tpu.vector_load %arg26[%get3A_1856] {strides = array<i32>} : memref<960xf32, #tpu.memory_space<vmem>>, vector<16xf32>,
      %get3A_1858 = arith.constant 224 : index
      %get3A_1859 = tpu.vector_load %arg26[%get3A_1858] {strides = array<i32>} : memref<960xf32, #tpu.memory_space<vmem>>, vector<16xf32>,
      %bitcast_convert_type3A_1860 = tpu.bitcast %get3A_1859 : vector<16xf32> -> vector<16xi32>
      %mul3A_1861 = arith.mulf %select_n3A_1843, %get3A_1857 : vector<16xf32>
      %mul3A_1862 = arith.mulf %get3A_1855, %sub3A_1845 : vector<16xf32>
      %gt3A_1863 = arith.cmpf ogt, %mul3A_1861, %mul3A_1862 : vector<16xf32>
      %select_n3A_1864 = arith.select %gt3A_1863, %select_n3A_1843, %get3A_1855 : vector<16xi1>, vector<16xf32>
      %swap3A_1865 = arith.constant 192 : index
      %swap3A_1866 = tpu.vector_load %arg26[%swap3A_1865] {strides = array<i32>} : memref<960xf32, #tpu.memory_space<vmem>>, vector<16xf32>,
      tpu.vector_store %arg26[%swap3A_1865], %select_n3A_1864 {strides = array<i32>} : memref<960xf32, #tpu.memory_space<vmem>>, vector<16xf32>,
      %select_n3A_1867 = arith.select %gt3A_1863, %sub3A_1845, %get3A_1857 : vector<16xi1>, vector<16xf32>
      %swap3A_1868 = arith.constant 208 : index
      %swap3A_1869 = tpu.vector_load %arg26[%swap3A_1868] {strides = array<i32>} : memref<960xf32, #tpu.memory_space<vmem>>, vector<16xf32>,
      tpu.vector_store %arg26[%swap3A_1868], %select_n3A_1867 {strides = array<i32>} : memref<960xf32, #tpu.memory_space<vmem>>, vector<16xf32>,
      %select_n3A_1870 = arith.select %gt3A_1863, %add3A_1586, %bitcast_convert_type3A_1860 : vector<16xi1>, vector<16xi32>
      %bitcast_convert_type3A_1871 = tpu.bitcast %select_n3A_1870 : vector<16xi32> -> vector<16xf32>
      %swap3A_1872 = arith.constant 224 : index
      %swap3A_1873 = tpu.vector_load %arg26[%swap3A_1872] {strides = array<i32>} : memref<960xf32, #tpu.memory_space<vmem>>, vector<16xf32>,
      tpu.vector_store %arg26[%swap3A_1872], %bitcast_convert_type3A_1871 {strides = array<i32>} : memref<960xf32, #tpu.memory_space<vmem>>, vector<16xf32>,
      %get3A_1874 = arith.constant 400 : index
      %get3A_1875 = tpu.vector_load %arg25[%get3A_1874] {strides = array<i32>} : memref<1600xf32, #tpu.memory_space<vmem>>, vector<16xf32>,
      %get3A_1876 = arith.constant 416 : index
      %get3A_1877 = tpu.vector_load %arg25[%get3A_1876] {strides = array<i32>} : memref<1600xf32, #tpu.memory_space<vmem>>, vector<16xf32>,
      %get3A_1878 = arith.constant 432 : index
      %get3A_1879 = tpu.vector_load %arg25[%get3A_1878] {strides = array<i32>} : memref<1600xf32, #tpu.memory_space<vmem>>, vector<16xf32>,
      %get3A_1880 = arith.constant 448 : index
      %get3A_1881 = tpu.vector_load %arg25[%get3A_1880] {strides = array<i32>} : memref<1600xf32, #tpu.memory_space<vmem>>, vector<16xf32>,
      %get3A_1882 = arith.constant 464 : index
      %get3A_1883 = tpu.vector_load %arg25[%get3A_1882] {strides = array<i32>} : memref<1600xf32, #tpu.memory_space<vmem>>, vector<16xf32>,
      %min3A_1884 = arith.minimumf %get3A_1579, %get3A_1879 : vector<16xf32>
      %max3A_1885 = arith.maximumf %get3A_1575, %get3A_1875 : vector<16xf32>
      %sub3A_1886 = arith.subf %min3A_1884, %max3A_1885 : vector<16xf32>
      %max3A_1887 = arith.constant 0.000000e+00 : f32
      %max3A_1888 = vector.broadcast %max3A_1887 : f32 to vector<16xf32>
      %max3A_1889 = arith.maximumf %sub3A_1886, %max3A_1888 : vector<16xf32>
      %min3A_1890 = arith.minimumf %get3A_1581, %get3A_1881 : vector<16xf32>
      %max3A_1891 = arith.maximumf %get3A_1577, %get3A_1877 : vector<16xf32>
      %sub3A_1892 = arith.subf %min3A_1890, %max3A_1891 : vector<16xf32>
      %max3A_1893 = arith.constant 0.000000e+00 : f32
      %max3A_1894 = vector.broadcast %max3A_1893 : f32 to vector<16xf32>
      %max3A_1895 = arith.maximumf %sub3A_1892, %max3A_1894 : vector<16xf32>
      %mul3A_1896 = arith.mulf %max3A_1889, %max3A_1895 : vector<16xf32>
      %jit3A_1897 = arith.constant -1.000000e+00 : f32
      %broadcast_in_dim3A_1898 = vector.broadcast %jit3A_1897 : f32 to vector<16xf32>
      %select_n3A_1899 = arith.select %ge3A_1589, %broadcast_in_dim3A_1898, %mul3A_1896 : vector<16xi1>, vector<16xf32>
      %add3A_1900 = arith.addf %get3A_1883, %mul3A_1584 : vector<16xf32>
      %sub3A_1901 = arith.subf %add3A_1900, %select_n3A_1899 : vector<16xf32>
      %mul3A_1902 = arith.mulf %select_n3A_1899, %select_n3A_1850 : vector<16xf32>
      %mul3A_1903 = arith.mulf %select_n3A_1849, %sub3A_1901 : vector<16xf32>
      %gt3A_1904 = arith.cmpf ogt, %mul3A_1902, %mul3A_1903 : vector<16xf32>
      %select_n3A_1905 = arith.select %gt3A_1904, %select_n3A_1899, %select_n3A_1849 : vector<16xi1>, vector<16xf32>
      %select_n3A_1906 = arith.select %gt3A_1904, %sub3A_1901, %select_n3A_1850 : vector<16xi1>, vector<16xf32>
      %jit3A_1907 = arith.constant 5 : i32
      %broadcast_in_dim3A_1908 = vector.broadcast %jit3A_1907 : i32 to vector<16xi32>
      %select_n3A_1909 = arith.select %gt3A_1904, %broadcast_in_dim3A_1908, %select_n3A_1853 : vector<16xi1>, vector<16xi32>
      %get3A_1910 = arith.constant 240 : index
      %get3A_1911 = tpu.vector_load %arg26[%get3A_1910] {strides = array<i32>} : memref<960xf32, #tpu.memory_space<vmem>>, vector<16xf32>,
      %get3A_1912 = arith.constant 256 : index
      %get3A_1913 = tpu.vector_load %arg26[%get3A_1912] {strides = array<i32>} : memref<960xf32, #tpu.memory_space<vmem>>, vector<16xf32>,
      %get3A_1914 = arith.constant 272 : index
      %get3A_1915 = tpu.vector_load %arg26[%get3A_1914] {strides = array<i32>} : memref<960xf32, #tpu.memory_space<vmem>>, vector<16xf32>,
      %bitcast_convert_type3A_1916 = tpu.bitcast %get3A_1915 : vector<16xf32> -> vector<16xi32>
      %mul3A_1917 = arith.mulf %select_n3A_1899, %get3A_1913 : vector<16xf32>
      %mul3A_1918 = arith.mulf %get3A_1911, %sub3A_1901 : vector<16xf32>
      %gt3A_1919 = arith.cmpf ogt, %mul3A_1917, %mul3A_1918 : vector<16xf32>
      %select_n3A_1920 = arith.select %gt3A_1919, %select_n3A_1899, %get3A_1911 : vector<16xi1>, vector<16xf32>
      %swap3A_1921 = arith.constant 240 : index
      %swap3A_1922 = tpu.vector_load %arg26[%swap3A_1921] {strides = array<i32>} : memref<960xf32, #tpu.memory_space<vmem>>, vector<16xf32>,
      tpu.vector_store %arg26[%swap3A_1921], %select_n3A_1920 {strides = array<i32>} : memref<960xf32, #tpu.memory_space<vmem>>, vector<16xf32>,
      %select_n3A_1923 = arith.select %gt3A_1919, %sub3A_1901, %get3A_1913 : vector<16xi1>, vector<16xf32>
      %swap3A_1924 = arith.constant 256 : index
      %swap3A_1925 = tpu.vector_load %arg26[%swap3A_1924] {strides = array<i32>} : memref<960xf32, #tpu.memory_space<vmem>>, vector<16xf32>,
      tpu.vector_store %arg26[%swap3A_1924], %select_n3A_1923 {strides = array<i32>} : memref<960xf32, #tpu.memory_space<vmem>>, vector<16xf32>,
      %select_n3A_1926 = arith.select %gt3A_1919, %add3A_1586, %bitcast_convert_type3A_1916 : vector<16xi1>, vector<16xi32>
      %bitcast_convert_type3A_1927 = tpu.bitcast %select_n3A_1926 : vector<16xi32> -> vector<16xf32>
      %swap3A_1928 = arith.constant 272 : index
      %swap3A_1929 = tpu.vector_load %arg26[%swap3A_1928] {strides = array<i32>} : memref<960xf32, #tpu.memory_space<vmem>>, vector<16xf32>,
      tpu.vector_store %arg26[%swap3A_1928], %bitcast_convert_type3A_1927 {strides = array<i32>} : memref<960xf32, #tpu.memory_space<vmem>>, vector<16xf32>,
      %get3A_1930 = arith.constant 480 : index
      %get3A_1931 = tpu.vector_load %arg25[%get3A_1930] {strides = array<i32>} : memref<1600xf32, #tpu.memory_space<vmem>>, vector<16xf32>,
      %get3A_1932 = arith.constant 496 : index
      %get3A_1933 = tpu.vector_load %arg25[%get3A_1932] {strides = array<i32>} : memref<1600xf32, #tpu.memory_space<vmem>>, vector<16xf32>,
      %get3A_1934 = arith.constant 512 : index
      %get3A_1935 = tpu.vector_load %arg25[%get3A_1934] {strides = array<i32>} : memref<1600xf32, #tpu.memory_space<vmem>>, vector<16xf32>,
      %get3A_1936 = arith.constant 528 : index
      %get3A_1937 = tpu.vector_load %arg25[%get3A_1936] {strides = array<i32>} : memref<1600xf32, #tpu.memory_space<vmem>>, vector<16xf32>,
      %get3A_1938 = arith.constant 544 : index
      %get3A_1939 = tpu.vector_load %arg25[%get3A_1938] {strides = array<i32>} : memref<1600xf32, #tpu.memory_space<vmem>>, vector<16xf32>,
      %min3A_1940 = arith.minimumf %get3A_1579, %get3A_1935 : vector<16xf32>
      %max3A_1941 = arith.maximumf %get3A_1575, %get3A_1931 : vector<16xf32>
      %sub3A_1942 = arith.subf %min3A_1940, %max3A_1941 : vector<16xf32>
      %max3A_1943 = arith.constant 0.000000e+00 : f32
      %max3A_1944 = vector.broadcast %max3A_1943 : f32 to vector<16xf32>
      %max3A_1945 = arith.maximumf %sub3A_1942, %max3A_1944 : vector<16xf32>
      %min3A_1946 = arith.minimumf %get3A_1581, %get3A_1937 : vector<16xf32>
      %max3A_1947 = arith.maximumf %get3A_1577, %get3A_1933 : vector<16xf32>
      %sub3A_1948 = arith.subf %min3A_1946, %max3A_1947 : vector<16xf32>
      %max3A_1949 = arith.constant 0.000000e+00 : f32
      %max3A_1950 = vector.broadcast %max3A_1949 : f32 to vector<16xf32>
      %max3A_1951 = arith.maximumf %sub3A_1948, %max3A_1950 : vector<16xf32>
      %mul3A_1952 = arith.mulf %max3A_1945, %max3A_1951 : vector<16xf32>
      %jit3A_1953 = arith.constant -1.000000e+00 : f32
      %broadcast_in_dim3A_1954 = vector.broadcast %jit3A_1953 : f32 to vector<16xf32>
      %select_n3A_1955 = arith.select %ge3A_1589, %broadcast_in_dim3A_1954, %mul3A_1952 : vector<16xi1>, vector<16xf32>
      %add3A_1956 = arith.addf %get3A_1939, %mul3A_1584 : vector<16xf32>
      %sub3A_1957 = arith.subf %add3A_1956, %select_n3A_1955 : vector<16xf32>
      %mul3A_1958 = arith.mulf %select_n3A_1955, %select_n3A_1906 : vector<16xf32>
      %mul3A_1959 = arith.mulf %select_n3A_1905, %sub3A_1957 : vector<16xf32>
      %gt3A_1960 = arith.cmpf ogt, %mul3A_1958, %mul3A_1959 : vector<16xf32>
      %select_n3A_1961 = arith.select %gt3A_1960, %select_n3A_1955, %select_n3A_1905 : vector<16xi1>, vector<16xf32>
      %select_n3A_1962 = arith.select %gt3A_1960, %sub3A_1957, %select_n3A_1906 : vector<16xi1>, vector<16xf32>
      %jit3A_1963 = arith.constant 6 : i32
      %broadcast_in_dim3A_1964 = vector.broadcast %jit3A_1963 : i32 to vector<16xi32>
      %select_n3A_1965 = arith.select %gt3A_1960, %broadcast_in_dim3A_1964, %select_n3A_1909 : vector<16xi1>, vector<16xi32>
      %get3A_1966 = arith.constant 288 : index
      %get3A_1967 = tpu.vector_load %arg26[%get3A_1966] {strides = array<i32>} : memref<960xf32, #tpu.memory_space<vmem>>, vector<16xf32>,
      %get3A_1968 = arith.constant 304 : index
      %get3A_1969 = tpu.vector_load %arg26[%get3A_1968] {strides = array<i32>} : memref<960xf32, #tpu.memory_space<vmem>>, vector<16xf32>,
      %get3A_1970 = arith.constant 320 : index
      %get3A_1971 = tpu.vector_load %arg26[%get3A_1970] {strides = array<i32>} : memref<960xf32, #tpu.memory_space<vmem>>, vector<16xf32>,
      %bitcast_convert_type3A_1972 = tpu.bitcast %get3A_1971 : vector<16xf32> -> vector<16xi32>
      %mul3A_1973 = arith.mulf %select_n3A_1955, %get3A_1969 : vector<16xf32>
      %mul3A_1974 = arith.mulf %get3A_1967, %sub3A_1957 : vector<16xf32>
      %gt3A_1975 = arith.cmpf ogt, %mul3A_1973, %mul3A_1974 : vector<16xf32>
      %select_n3A_1976 = arith.select %gt3A_1975, %select_n3A_1955, %get3A_1967 : vector<16xi1>, vector<16xf32>
      %swap3A_1977 = arith.constant 288 : index
      %swap3A_1978 = tpu.vector_load %arg26[%swap3A_1977] {strides = array<i32>} : memref<960xf32, #tpu.memory_space<vmem>>, vector<16xf32>,
      tpu.vector_store %arg26[%swap3A_1977], %select_n3A_1976 {strides = array<i32>} : memref<960xf32, #tpu.memory_space<vmem>>, vector<16xf32>,
      %select_n3A_1979 = arith.select %gt3A_1975, %sub3A_1957, %get3A_1969 : vector<16xi1>, vector<16xf32>
      %swap3A_1980 = arith.constant 304 : index
      %swap3A_1981 = tpu.vector_load %arg26[%swap3A_1980] {strides = array<i32>} : memref<960xf32, #tpu.memory_space<vmem>>, vector<16xf32>,
      tpu.vector_store %arg26[%swap3A_1980], %select_n3A_1979 {strides = array<i32>} : memref<960xf32, #tpu.memory_space<vmem>>, vector<16xf32>,
      %select_n3A_1982 = arith.select %gt3A_1975, %add3A_1586, %bitcast_convert_type3A_1972 : vector<16xi1>, vector<16xi32>
      %bitcast_convert_type3A_1983 = tpu.bitcast %select_n3A_1982 : vector<16xi32> -> vector<16xf32>
      %swap3A_1984 = arith.constant 320 : index
      %swap3A_1985 = tpu.vector_load %arg26[%swap3A_1984] {strides = array<i32>} : memref<960xf32, #tpu.memory_space<vmem>>, vector<16xf32>,
      tpu.vector_store %arg26[%swap3A_1984], %bitcast_convert_type3A_1983 {strides = array<i32>} : memref<960xf32, #tpu.memory_space<vmem>>, vector<16xf32>,
      %get3A_1986 = arith.constant 560 : index
      %get3A_1987 = tpu.vector_load %arg25[%get3A_1986] {strides = array<i32>} : memref<1600xf32, #tpu.memory_space<vmem>>, vector<16xf32>,
      %get3A_1988 = arith.constant 576 : index
      %get3A_1989 = tpu.vector_load %arg25[%get3A_1988] {strides = array<i32>} : memref<1600xf32, #tpu.memory_space<vmem>>, vector<16xf32>,
      %get3A_1990 = arith.constant 592 : index
      %get3A_1991 = tpu.vector_load %arg25[%get3A_1990] {strides = array<i32>} : memref<1600xf32, #tpu.memory_space<vmem>>, vector<16xf32>,
      %get3A_1992 = arith.constant 608 : index
      %get3A_1993 = tpu.vector_load %arg25[%get3A_1992] {strides = array<i32>} : memref<1600xf32, #tpu.memory_space<vmem>>, vector<16xf32>,
      %get3A_1994 = arith.constant 624 : index
      %get3A_1995 = tpu.vector_load %arg25[%get3A_1994] {strides = array<i32>} : memref<1600xf32, #tpu.memory_space<vmem>>, vector<16xf32>,
      %min3A_1996 = arith.minimumf %get3A_1579, %get3A_1991 : vector<16xf32>
      %max3A_1997 = arith.maximumf %get3A_1575, %get3A_1987 : vector<16xf32>
      %sub3A_1998 = arith.subf %min3A_1996, %max3A_1997 : vector<16xf32>
      %max3A_1999 = arith.constant 0.000000e+00 : f32
      %max3A_2000 = vector.broadcast %max3A_1999 : f32 to vector<16xf32>
      %max3A_2001 = arith.maximumf %sub3A_1998, %max3A_2000 : vector<16xf32>
      %min3A_2002 = arith.minimumf %get3A_1581, %get3A_1993 : vector<16xf32>
      %max3A_2003 = arith.maximumf %get3A_1577, %get3A_1989 : vector<16xf32>
      %sub3A_2004 = arith.subf %min3A_2002, %max3A_2003 : vector<16xf32>
      %max3A_2005 = arith.constant 0.000000e+00 : f32
      %max3A_2006 = vector.broadcast %max3A_2005 : f32 to vector<16xf32>
      %max3A_2007 = arith.maximumf %sub3A_2004, %max3A_2006 : vector<16xf32>
      %mul3A_2008 = arith.mulf %max3A_2001, %max3A_2007 : vector<16xf32>
      %jit3A_2009 = arith.constant -1.000000e+00 : f32
      %broadcast_in_dim3A_2010 = vector.broadcast %jit3A_2009 : f32 to vector<16xf32>
      %select_n3A_2011 = arith.select %ge3A_1589, %broadcast_in_dim3A_2010, %mul3A_2008 : vector<16xi1>, vector<16xf32>
      %add3A_2012 = arith.addf %get3A_1995, %mul3A_1584 : vector<16xf32>
      %sub3A_2013 = arith.subf %add3A_2012, %select_n3A_2011 : vector<16xf32>
      %mul3A_2014 = arith.mulf %select_n3A_2011, %select_n3A_1962 : vector<16xf32>
      %mul3A_2015 = arith.mulf %select_n3A_1961, %sub3A_2013 : vector<16xf32>
      %gt3A_2016 = arith.cmpf ogt, %mul3A_2014, %mul3A_2015 : vector<16xf32>
      %select_n3A_2017 = arith.select %gt3A_2016, %select_n3A_2011, %select_n3A_1961 : vector<16xi1>, vector<16xf32>
      %select_n3A_2018 = arith.select %gt3A_2016, %sub3A_2013, %select_n3A_1962 : vector<16xi1>, vector<16xf32>
      %jit3A_2019 = arith.constant 7 : i32
      %broadcast_in_dim3A_2020 = vector.broadcast %jit3A_2019 : i32 to vector<16xi32>
      %select_n3A_2021 = arith.select %gt3A_2016, %broadcast_in_dim3A_2020, %select_n3A_1965 : vector<16xi1>, vector<16xi32>
      %get3A_2022 = arith.constant 336 : index
      %get3A_2023 = tpu.vector_load %arg26[%get3A_2022] {strides = array<i32>} : memref<960xf32, #tpu.memory_space<vmem>>, vector<16xf32>,
      %get3A_2024 = arith.constant 352 : index
      %get3A_2025 = tpu.vector_load %arg26[%get3A_2024] {strides = array<i32>} : memref<960xf32, #tpu.memory_space<vmem>>, vector<16xf32>,
      %get3A_2026 = arith.constant 368 : index
      %get3A_2027 = tpu.vector_load %arg26[%get3A_2026] {strides = array<i32>} : memref<960xf32, #tpu.memory_space<vmem>>, vector<16xf32>,
      %bitcast_convert_type3A_2028 = tpu.bitcast %get3A_2027 : vector<16xf32> -> vector<16xi32>
      %mul3A_2029 = arith.mulf %select_n3A_2011, %get3A_2025 : vector<16xf32>
      %mul3A_2030 = arith.mulf %get3A_2023, %sub3A_2013 : vector<16xf32>
      %gt3A_2031 = arith.cmpf ogt, %mul3A_2029, %mul3A_2030 : vector<16xf32>
      %select_n3A_2032 = arith.select %gt3A_2031, %select_n3A_2011, %get3A_2023 : vector<16xi1>, vector<16xf32>
      %swap3A_2033 = arith.constant 336 : index
      %swap3A_2034 = tpu.vector_load %arg26[%swap3A_2033] {strides = array<i32>} : memref<960xf32, #tpu.memory_space<vmem>>, vector<16xf32>,
      tpu.vector_store %arg26[%swap3A_2033], %select_n3A_2032 {strides = array<i32>} : memref<960xf32, #tpu.memory_space<vmem>>, vector<16xf32>,
      %select_n3A_2035 = arith.select %gt3A_2031, %sub3A_2013, %get3A_2025 : vector<16xi1>, vector<16xf32>
      %swap3A_2036 = arith.constant 352 : index
      %swap3A_2037 = tpu.vector_load %arg26[%swap3A_2036] {strides = array<i32>} : memref<960xf32, #tpu.memory_space<vmem>>, vector<16xf32>,
      tpu.vector_store %arg26[%swap3A_2036], %select_n3A_2035 {strides = array<i32>} : memref<960xf32, #tpu.memory_space<vmem>>, vector<16xf32>,
      %select_n3A_2038 = arith.select %gt3A_2031, %add3A_1586, %bitcast_convert_type3A_2028 : vector<16xi1>, vector<16xi32>
      %bitcast_convert_type3A_2039 = tpu.bitcast %select_n3A_2038 : vector<16xi32> -> vector<16xf32>
      %swap3A_2040 = arith.constant 368 : index
      %swap3A_2041 = tpu.vector_load %arg26[%swap3A_2040] {strides = array<i32>} : memref<960xf32, #tpu.memory_space<vmem>>, vector<16xf32>,
      tpu.vector_store %arg26[%swap3A_2040], %bitcast_convert_type3A_2039 {strides = array<i32>} : memref<960xf32, #tpu.memory_space<vmem>>, vector<16xf32>,
      %get3A_2042 = arith.constant 640 : index
      %get3A_2043 = tpu.vector_load %arg25[%get3A_2042] {strides = array<i32>} : memref<1600xf32, #tpu.memory_space<vmem>>, vector<16xf32>,
      %get3A_2044 = arith.constant 656 : index
      %get3A_2045 = tpu.vector_load %arg25[%get3A_2044] {strides = array<i32>} : memref<1600xf32, #tpu.memory_space<vmem>>, vector<16xf32>,
      %get3A_2046 = arith.constant 672 : index
      %get3A_2047 = tpu.vector_load %arg25[%get3A_2046] {strides = array<i32>} : memref<1600xf32, #tpu.memory_space<vmem>>, vector<16xf32>,
      %get3A_2048 = arith.constant 688 : index
      %get3A_2049 = tpu.vector_load %arg25[%get3A_2048] {strides = array<i32>} : memref<1600xf32, #tpu.memory_space<vmem>>, vector<16xf32>,
      %get3A_2050 = arith.constant 704 : index
      %get3A_2051 = tpu.vector_load %arg25[%get3A_2050] {strides = array<i32>} : memref<1600xf32, #tpu.memory_space<vmem>>, vector<16xf32>,
      %min3A_2052 = arith.minimumf %get3A_1579, %get3A_2047 : vector<16xf32>
      %max3A_2053 = arith.maximumf %get3A_1575, %get3A_2043 : vector<16xf32>
      %sub3A_2054 = arith.subf %min3A_2052, %max3A_2053 : vector<16xf32>
      %max3A_2055 = arith.constant 0.000000e+00 : f32
      %max3A_2056 = vector.broadcast %max3A_2055 : f32 to vector<16xf32>
      %max3A_2057 = arith.maximumf %sub3A_2054, %max3A_2056 : vector<16xf32>
      %min3A_2058 = arith.minimumf %get3A_1581, %get3A_2049 : vector<16xf32>
      %max3A_2059 = arith.maximumf %get3A_1577, %get3A_2045 : vector<16xf32>
      %sub3A_2060 = arith.subf %min3A_2058, %max3A_2059 : vector<16xf32>
      %max3A_2061 = arith.constant 0.000000e+00 : f32
      %max3A_2062 = vector.broadcast %max3A_2061 : f32 to vector<16xf32>
      %max3A_2063 = arith.maximumf %sub3A_2060, %max3A_2062 : vector<16xf32>
      %mul3A_2064 = arith.mulf %max3A_2057, %max3A_2063 : vector<16xf32>
      %jit3A_2065 = arith.constant -1.000000e+00 : f32
      %broadcast_in_dim3A_2066 = vector.broadcast %jit3A_2065 : f32 to vector<16xf32>
      %select_n3A_2067 = arith.select %ge3A_1589, %broadcast_in_dim3A_2066, %mul3A_2064 : vector<16xi1>, vector<16xf32>
      %add3A_2068 = arith.addf %get3A_2051, %mul3A_1584 : vector<16xf32>
      %sub3A_2069 = arith.subf %add3A_2068, %select_n3A_2067 : vector<16xf32>
      %mul3A_2070 = arith.mulf %select_n3A_2067, %select_n3A_2018 : vector<16xf32>
      %mul3A_2071 = arith.mulf %select_n3A_2017, %sub3A_2069 : vector<16xf32>
      %gt3A_2072 = arith.cmpf ogt, %mul3A_2070, %mul3A_2071 : vector<16xf32>
      %select_n3A_2073 = arith.select %gt3A_2072, %select_n3A_2067, %select_n3A_2017 : vector<16xi1>, vector<16xf32>
      %select_n3A_2074 = arith.select %gt3A_2072, %sub3A_2069, %select_n3A_2018 : vector<16xi1>, vector<16xf32>
      %jit3A_2075 = arith.constant 8 : i32
      %broadcast_in_dim3A_2076 = vector.broadcast %jit3A_2075 : i32 to vector<16xi32>
      %select_n3A_2077 = arith.select %gt3A_2072, %broadcast_in_dim3A_2076, %select_n3A_2021 : vector<16xi1>, vector<16xi32>
      %get3A_2078 = arith.constant 384 : index
      %get3A_2079 = tpu.vector_load %arg26[%get3A_2078] {strides = array<i32>} : memref<960xf32, #tpu.memory_space<vmem>>, vector<16xf32>,
      %get3A_2080 = arith.constant 400 : index
      %get3A_2081 = tpu.vector_load %arg26[%get3A_2080] {strides = array<i32>} : memref<960xf32, #tpu.memory_space<vmem>>, vector<16xf32>,
      %get3A_2082 = arith.constant 416 : index
      %get3A_2083 = tpu.vector_load %arg26[%get3A_2082] {strides = array<i32>} : memref<960xf32, #tpu.memory_space<vmem>>, vector<16xf32>,
      %bitcast_convert_type3A_2084 = tpu.bitcast %get3A_2083 : vector<16xf32> -> vector<16xi32>
      %mul3A_2085 = arith.mulf %select_n3A_2067, %get3A_2081 : vector<16xf32>
      %mul3A_2086 = arith.mulf %get3A_2079, %sub3A_2069 : vector<16xf32>
      %gt3A_2087 = arith.cmpf ogt, %mul3A_2085, %mul3A_2086 : vector<16xf32>
      %select_n3A_2088 = arith.select %gt3A_2087, %select_n3A_2067, %get3A_2079 : vector<16xi1>, vector<16xf32>
      %swap3A_2089 = arith.constant 384 : index
      %swap3A_2090 = tpu.vector_load %arg26[%swap3A_2089] {strides = array<i32>} : memref<960xf32, #tpu.memory_space<vmem>>, vector<16xf32>,
      tpu.vector_store %arg26[%swap3A_2089], %select_n3A_2088 {strides = array<i32>} : memref<960xf32, #tpu.memory_space<vmem>>, vector<16xf32>,
      %select_n3A_2091 = arith.select %gt3A_2087, %sub3A_2069, %get3A_2081 : vector<16xi1>, vector<16xf32>
      %swap3A_2092 = arith.constant 400 : index
      %swap3A_2093 = tpu.vector_load %arg26[%swap3A_2092] {strides = array<i32>} : memref<960xf32, #tpu.memory_space<vmem>>, vector<16xf32>,
      tpu.vector_store %arg26[%swap3A_2092], %select_n3A_2091 {strides = array<i32>} : memref<960xf32, #tpu.memory_space<vmem>>, vector<16xf32>,
      %select_n3A_2094 = arith.select %gt3A_2087, %add3A_1586, %bitcast_convert_type3A_2084 : vector<16xi1>, vector<16xi32>
      %bitcast_convert_type3A_2095 = tpu.bitcast %select_n3A_2094 : vector<16xi32> -> vector<16xf32>
      %swap3A_2096 = arith.constant 416 : index
      %swap3A_2097 = tpu.vector_load %arg26[%swap3A_2096] {strides = array<i32>} : memref<960xf32, #tpu.memory_space<vmem>>, vector<16xf32>,
      tpu.vector_store %arg26[%swap3A_2096], %bitcast_convert_type3A_2095 {strides = array<i32>} : memref<960xf32, #tpu.memory_space<vmem>>, vector<16xf32>,
      %get3A_2098 = arith.constant 720 : index
      %get3A_2099 = tpu.vector_load %arg25[%get3A_2098] {strides = array<i32>} : memref<1600xf32, #tpu.memory_space<vmem>>, vector<16xf32>,
      %get3A_2100 = arith.constant 736 : index
      %get3A_2101 = tpu.vector_load %arg25[%get3A_2100] {strides = array<i32>} : memref<1600xf32, #tpu.memory_space<vmem>>, vector<16xf32>,
      %get3A_2102 = arith.constant 752 : index
      %get3A_2103 = tpu.vector_load %arg25[%get3A_2102] {strides = array<i32>} : memref<1600xf32, #tpu.memory_space<vmem>>, vector<16xf32>,
      %get3A_2104 = arith.constant 768 : index
      %get3A_2105 = tpu.vector_load %arg25[%get3A_2104] {strides = array<i32>} : memref<1600xf32, #tpu.memory_space<vmem>>, vector<16xf32>,
      %get3A_2106 = arith.constant 784 : index
      %get3A_2107 = tpu.vector_load %arg25[%get3A_2106] {strides = array<i32>} : memref<1600xf32, #tpu.memory_space<vmem>>, vector<16xf32>,
      %min3A_2108 = arith.minimumf %get3A_1579, %get3A_2103 : vector<16xf32>
      %max3A_2109 = arith.maximumf %get3A_1575, %get3A_2099 : vector<16xf32>
      %sub3A_2110 = arith.subf %min3A_2108, %max3A_2109 : vector<16xf32>
      %max3A_2111 = arith.constant 0.000000e+00 : f32
      %max3A_2112 = vector.broadcast %max3A_2111 : f32 to vector<16xf32>
      %max3A_2113 = arith.maximumf %sub3A_2110, %max3A_2112 : vector<16xf32>
      %min3A_2114 = arith.minimumf %get3A_1581, %get3A_2105 : vector<16xf32>
      %max3A_2115 = arith.maximumf %get3A_1577, %get3A_2101 : vector<16xf32>
      %sub3A_2116 = arith.subf %min3A_2114, %max3A_2115 : vector<16xf32>
      %max3A_2117 = arith.constant 0.000000e+00 : f32
      %max3A_2118 = vector.broadcast %max3A_2117 : f32 to vector<16xf32>
      %max3A_2119 = arith.maximumf %sub3A_2116, %max3A_2118 : vector<16xf32>
      %mul3A_2120 = arith.mulf %max3A_2113, %max3A_2119 : vector<16xf32>
      %jit3A_2121 = arith.constant -1.000000e+00 : f32
      %broadcast_in_dim3A_2122 = vector.broadcast %jit3A_2121 : f32 to vector<16xf32>
      %select_n3A_2123 = arith.select %ge3A_1589, %broadcast_in_dim3A_2122, %mul3A_2120 : vector<16xi1>, vector<16xf32>
      %add3A_2124 = arith.addf %get3A_2107, %mul3A_1584 : vector<16xf32>
      %sub3A_2125 = arith.subf %add3A_2124, %select_n3A_2123 : vector<16xf32>
      %mul3A_2126 = arith.mulf %select_n3A_2123, %select_n3A_2074 : vector<16xf32>
      %mul3A_2127 = arith.mulf %select_n3A_2073, %sub3A_2125 : vector<16xf32>
      %gt3A_2128 = arith.cmpf ogt, %mul3A_2126, %mul3A_2127 : vector<16xf32>
      %select_n3A_2129 = arith.select %gt3A_2128, %select_n3A_2123, %select_n3A_2073 : vector<16xi1>, vector<16xf32>
      %select_n3A_2130 = arith.select %gt3A_2128, %sub3A_2125, %select_n3A_2074 : vector<16xi1>, vector<16xf32>
      %jit3A_2131 = arith.constant 9 : i32
      %broadcast_in_dim3A_2132 = vector.broadcast %jit3A_2131 : i32 to vector<16xi32>
      %select_n3A_2133 = arith.select %gt3A_2128, %broadcast_in_dim3A_2132, %select_n3A_2077 : vector<16xi1>, vector<16xi32>
      %get3A_2134 = arith.constant 432 : index
      %get3A_2135 = tpu.vector_load %arg26[%get3A_2134] {strides = array<i32>} : memref<960xf32, #tpu.memory_space<vmem>>, vector<16xf32>,
      %get3A_2136 = arith.constant 448 : index
      %get3A_2137 = tpu.vector_load %arg26[%get3A_2136] {strides = array<i32>} : memref<960xf32, #tpu.memory_space<vmem>>, vector<16xf32>,
      %get3A_2138 = arith.constant 464 : index
      %get3A_2139 = tpu.vector_load %arg26[%get3A_2138] {strides = array<i32>} : memref<960xf32, #tpu.memory_space<vmem>>, vector<16xf32>,
      %bitcast_convert_type3A_2140 = tpu.bitcast %get3A_2139 : vector<16xf32> -> vector<16xi32>
      %mul3A_2141 = arith.mulf %select_n3A_2123, %get3A_2137 : vector<16xf32>
      %mul3A_2142 = arith.mulf %get3A_2135, %sub3A_2125 : vector<16xf32>
      %gt3A_2143 = arith.cmpf ogt, %mul3A_2141, %mul3A_2142 : vector<16xf32>
      %select_n3A_2144 = arith.select %gt3A_2143, %select_n3A_2123, %get3A_2135 : vector<16xi1>, vector<16xf32>
      %swap3A_2145 = arith.constant 432 : index
      %swap3A_2146 = tpu.vector_load %arg26[%swap3A_2145] {strides = array<i32>} : memref<960xf32, #tpu.memory_space<vmem>>, vector<16xf32>,
      tpu.vector_store %arg26[%swap3A_2145], %select_n3A_2144 {strides = array<i32>} : memref<960xf32, #tpu.memory_space<vmem>>, vector<16xf32>,
      %select_n3A_2147 = arith.select %gt3A_2143, %sub3A_2125, %get3A_2137 : vector<16xi1>, vector<16xf32>
      %swap3A_2148 = arith.constant 448 : index
      %swap3A_2149 = tpu.vector_load %arg26[%swap3A_2148] {strides = array<i32>} : memref<960xf32, #tpu.memory_space<vmem>>, vector<16xf32>,
      tpu.vector_store %arg26[%swap3A_2148], %select_n3A_2147 {strides = array<i32>} : memref<960xf32, #tpu.memory_space<vmem>>, vector<16xf32>,
      %select_n3A_2150 = arith.select %gt3A_2143, %add3A_1586, %bitcast_convert_type3A_2140 : vector<16xi1>, vector<16xi32>
      %bitcast_convert_type3A_2151 = tpu.bitcast %select_n3A_2150 : vector<16xi32> -> vector<16xf32>
      %swap3A_2152 = arith.constant 464 : index
      %swap3A_2153 = tpu.vector_load %arg26[%swap3A_2152] {strides = array<i32>} : memref<960xf32, #tpu.memory_space<vmem>>, vector<16xf32>,
      tpu.vector_store %arg26[%swap3A_2152], %bitcast_convert_type3A_2151 {strides = array<i32>} : memref<960xf32, #tpu.memory_space<vmem>>, vector<16xf32>,
      %get3A_2154 = arith.constant 800 : index
      %get3A_2155 = tpu.vector_load %arg25[%get3A_2154] {strides = array<i32>} : memref<1600xf32, #tpu.memory_space<vmem>>, vector<16xf32>,
      %get3A_2156 = arith.constant 816 : index
      %get3A_2157 = tpu.vector_load %arg25[%get3A_2156] {strides = array<i32>} : memref<1600xf32, #tpu.memory_space<vmem>>, vector<16xf32>,
      %get3A_2158 = arith.constant 832 : index
      %get3A_2159 = tpu.vector_load %arg25[%get3A_2158] {strides = array<i32>} : memref<1600xf32, #tpu.memory_space<vmem>>, vector<16xf32>,
      %get3A_2160 = arith.constant 848 : index
      %get3A_2161 = tpu.vector_load %arg25[%get3A_2160] {strides = array<i32>} : memref<1600xf32, #tpu.memory_space<vmem>>, vector<16xf32>,
      %get3A_2162 = arith.constant 864 : index
      %get3A_2163 = tpu.vector_load %arg25[%get3A_2162] {strides = array<i32>} : memref<1600xf32, #tpu.memory_space<vmem>>, vector<16xf32>,
      %min3A_2164 = arith.minimumf %get3A_1579, %get3A_2159 : vector<16xf32>
      %max3A_2165 = arith.maximumf %get3A_1575, %get3A_2155 : vector<16xf32>
      %sub3A_2166 = arith.subf %min3A_2164, %max3A_2165 : vector<16xf32>
      %max3A_2167 = arith.constant 0.000000e+00 : f32
      %max3A_2168 = vector.broadcast %max3A_2167 : f32 to vector<16xf32>
      %max3A_2169 = arith.maximumf %sub3A_2166, %max3A_2168 : vector<16xf32>
      %min3A_2170 = arith.minimumf %get3A_1581, %get3A_2161 : vector<16xf32>
      %max3A_2171 = arith.maximumf %get3A_1577, %get3A_2157 : vector<16xf32>
      %sub3A_2172 = arith.subf %min3A_2170, %max3A_2171 : vector<16xf32>
      %max3A_2173 = arith.constant 0.000000e+00 : f32
      %max3A_2174 = vector.broadcast %max3A_2173 : f32 to vector<16xf32>
      %max3A_2175 = arith.maximumf %sub3A_2172, %max3A_2174 : vector<16xf32>
      %mul3A_2176 = arith.mulf %max3A_2169, %max3A_2175 : vector<16xf32>
      %jit3A_2177 = arith.constant -1.000000e+00 : f32
      %broadcast_in_dim3A_2178 = vector.broadcast %jit3A_2177 : f32 to vector<16xf32>
      %select_n3A_2179 = arith.select %ge3A_1589, %broadcast_in_dim3A_2178, %mul3A_2176 : vector<16xi1>, vector<16xf32>
      %add3A_2180 = arith.addf %get3A_2163, %mul3A_1584 : vector<16xf32>
      %sub3A_2181 = arith.subf %add3A_2180, %select_n3A_2179 : vector<16xf32>
      %mul3A_2182 = arith.mulf %select_n3A_2179, %select_n3A_2130 : vector<16xf32>
      %mul3A_2183 = arith.mulf %select_n3A_2129, %sub3A_2181 : vector<16xf32>
      %gt3A_2184 = arith.cmpf ogt, %mul3A_2182, %mul3A_2183 : vector<16xf32>
      %select_n3A_2185 = arith.select %gt3A_2184, %select_n3A_2179, %select_n3A_2129 : vector<16xi1>, vector<16xf32>
      %select_n3A_2186 = arith.select %gt3A_2184, %sub3A_2181, %select_n3A_2130 : vector<16xi1>, vector<16xf32>
      %jit3A_2187 = arith.constant 10 : i32
      %broadcast_in_dim3A_2188 = vector.broadcast %jit3A_2187 : i32 to vector<16xi32>
      %select_n3A_2189 = arith.select %gt3A_2184, %broadcast_in_dim3A_2188, %select_n3A_2133 : vector<16xi1>, vector<16xi32>
      %get3A_2190 = arith.constant 480 : index
      %get3A_2191 = tpu.vector_load %arg26[%get3A_2190] {strides = array<i32>} : memref<960xf32, #tpu.memory_space<vmem>>, vector<16xf32>,
      %get3A_2192 = arith.constant 496 : index
      %get3A_2193 = tpu.vector_load %arg26[%get3A_2192] {strides = array<i32>} : memref<960xf32, #tpu.memory_space<vmem>>, vector<16xf32>,
      %get3A_2194 = arith.constant 512 : index
      %get3A_2195 = tpu.vector_load %arg26[%get3A_2194] {strides = array<i32>} : memref<960xf32, #tpu.memory_space<vmem>>, vector<16xf32>,
      %bitcast_convert_type3A_2196 = tpu.bitcast %get3A_2195 : vector<16xf32> -> vector<16xi32>
      %mul3A_2197 = arith.mulf %select_n3A_2179, %get3A_2193 : vector<16xf32>
      %mul3A_2198 = arith.mulf %get3A_2191, %sub3A_2181 : vector<16xf32>
      %gt3A_2199 = arith.cmpf ogt, %mul3A_2197, %mul3A_2198 : vector<16xf32>
      %select_n3A_2200 = arith.select %gt3A_2199, %select_n3A_2179, %get3A_2191 : vector<16xi1>, vector<16xf32>
      %swap3A_2201 = arith.constant 480 : index
      %swap3A_2202 = tpu.vector_load %arg26[%swap3A_2201] {strides = array<i32>} : memref<960xf32, #tpu.memory_space<vmem>>, vector<16xf32>,
      tpu.vector_store %arg26[%swap3A_2201], %select_n3A_2200 {strides = array<i32>} : memref<960xf32, #tpu.memory_space<vmem>>, vector<16xf32>,
      %select_n3A_2203 = arith.select %gt3A_2199, %sub3A_2181, %get3A_2193 : vector<16xi1>, vector<16xf32>
      %swap3A_2204 = arith.constant 496 : index
      %swap3A_2205 = tpu.vector_load %arg26[%swap3A_2204] {strides = array<i32>} : memref<960xf32, #tpu.memory_space<vmem>>, vector<16xf32>,
      tpu.vector_store %arg26[%swap3A_2204], %select_n3A_2203 {strides = array<i32>} : memref<960xf32, #tpu.memory_space<vmem>>, vector<16xf32>,
      %select_n3A_2206 = arith.select %gt3A_2199, %add3A_1586, %bitcast_convert_type3A_2196 : vector<16xi1>, vector<16xi32>
      %bitcast_convert_type3A_2207 = tpu.bitcast %select_n3A_2206 : vector<16xi32> -> vector<16xf32>
      %swap3A_2208 = arith.constant 512 : index
      %swap3A_2209 = tpu.vector_load %arg26[%swap3A_2208] {strides = array<i32>} : memref<960xf32, #tpu.memory_space<vmem>>, vector<16xf32>,
      tpu.vector_store %arg26[%swap3A_2208], %bitcast_convert_type3A_2207 {strides = array<i32>} : memref<960xf32, #tpu.memory_space<vmem>>, vector<16xf32>,
      %get3A_2210 = arith.constant 880 : index
      %get3A_2211 = tpu.vector_load %arg25[%get3A_2210] {strides = array<i32>} : memref<1600xf32, #tpu.memory_space<vmem>>, vector<16xf32>,
      %get3A_2212 = arith.constant 896 : index
      %get3A_2213 = tpu.vector_load %arg25[%get3A_2212] {strides = array<i32>} : memref<1600xf32, #tpu.memory_space<vmem>>, vector<16xf32>,
      %get3A_2214 = arith.constant 912 : index
      %get3A_2215 = tpu.vector_load %arg25[%get3A_2214] {strides = array<i32>} : memref<1600xf32, #tpu.memory_space<vmem>>, vector<16xf32>,
      %get3A_2216 = arith.constant 928 : index
      %get3A_2217 = tpu.vector_load %arg25[%get3A_2216] {strides = array<i32>} : memref<1600xf32, #tpu.memory_space<vmem>>, vector<16xf32>,
      %get3A_2218 = arith.constant 944 : index
      %get3A_2219 = tpu.vector_load %arg25[%get3A_2218] {strides = array<i32>} : memref<1600xf32, #tpu.memory_space<vmem>>, vector<16xf32>,
      %min3A_2220 = arith.minimumf %get3A_1579, %get3A_2215 : vector<16xf32>
      %max3A_2221 = arith.maximumf %get3A_1575, %get3A_2211 : vector<16xf32>
      %sub3A_2222 = arith.subf %min3A_2220, %max3A_2221 : vector<16xf32>
      %max3A_2223 = arith.constant 0.000000e+00 : f32
      %max3A_2224 = vector.broadcast %max3A_2223 : f32 to vector<16xf32>
      %max3A_2225 = arith.maximumf %sub3A_2222, %max3A_2224 : vector<16xf32>
      %min3A_2226 = arith.minimumf %get3A_1581, %get3A_2217 : vector<16xf32>
      %max3A_2227 = arith.maximumf %get3A_1577, %get3A_2213 : vector<16xf32>
      %sub3A_2228 = arith.subf %min3A_2226, %max3A_2227 : vector<16xf32>
      %max3A_2229 = arith.constant 0.000000e+00 : f32
      %max3A_2230 = vector.broadcast %max3A_2229 : f32 to vector<16xf32>
      %max3A_2231 = arith.maximumf %sub3A_2228, %max3A_2230 : vector<16xf32>
      %mul3A_2232 = arith.mulf %max3A_2225, %max3A_2231 : vector<16xf32>
      %jit3A_2233 = arith.constant -1.000000e+00 : f32
      %broadcast_in_dim3A_2234 = vector.broadcast %jit3A_2233 : f32 to vector<16xf32>
      %select_n3A_2235 = arith.select %ge3A_1589, %broadcast_in_dim3A_2234, %mul3A_2232 : vector<16xi1>, vector<16xf32>
      %add3A_2236 = arith.addf %get3A_2219, %mul3A_1584 : vector<16xf32>
      %sub3A_2237 = arith.subf %add3A_2236, %select_n3A_2235 : vector<16xf32>
      %mul3A_2238 = arith.mulf %select_n3A_2235, %select_n3A_2186 : vector<16xf32>
      %mul3A_2239 = arith.mulf %select_n3A_2185, %sub3A_2237 : vector<16xf32>
      %gt3A_2240 = arith.cmpf ogt, %mul3A_2238, %mul3A_2239 : vector<16xf32>
      %select_n3A_2241 = arith.select %gt3A_2240, %select_n3A_2235, %select_n3A_2185 : vector<16xi1>, vector<16xf32>
      %select_n3A_2242 = arith.select %gt3A_2240, %sub3A_2237, %select_n3A_2186 : vector<16xi1>, vector<16xf32>
      %jit3A_2243 = arith.constant 11 : i32
      %broadcast_in_dim3A_2244 = vector.broadcast %jit3A_2243 : i32 to vector<16xi32>
      %select_n3A_2245 = arith.select %gt3A_2240, %broadcast_in_dim3A_2244, %select_n3A_2189 : vector<16xi1>, vector<16xi32>
      %get3A_2246 = arith.constant 528 : index
      %get3A_2247 = tpu.vector_load %arg26[%get3A_2246] {strides = array<i32>} : memref<960xf32, #tpu.memory_space<vmem>>, vector<16xf32>,
      %get3A_2248 = arith.constant 544 : index
      %get3A_2249 = tpu.vector_load %arg26[%get3A_2248] {strides = array<i32>} : memref<960xf32, #tpu.memory_space<vmem>>, vector<16xf32>,
      %get3A_2250 = arith.constant 560 : index
      %get3A_2251 = tpu.vector_load %arg26[%get3A_2250] {strides = array<i32>} : memref<960xf32, #tpu.memory_space<vmem>>, vector<16xf32>,
      %bitcast_convert_type3A_2252 = tpu.bitcast %get3A_2251 : vector<16xf32> -> vector<16xi32>
      %mul3A_2253 = arith.mulf %select_n3A_2235, %get3A_2249 : vector<16xf32>
      %mul3A_2254 = arith.mulf %get3A_2247, %sub3A_2237 : vector<16xf32>
      %gt3A_2255 = arith.cmpf ogt, %mul3A_2253, %mul3A_2254 : vector<16xf32>
      %select_n3A_2256 = arith.select %gt3A_2255, %select_n3A_2235, %get3A_2247 : vector<16xi1>, vector<16xf32>
      %swap3A_2257 = arith.constant 528 : index
      %swap3A_2258 = tpu.vector_load %arg26[%swap3A_2257] {strides = array<i32>} : memref<960xf32, #tpu.memory_space<vmem>>, vector<16xf32>,
      tpu.vector_store %arg26[%swap3A_2257], %select_n3A_2256 {strides = array<i32>} : memref<960xf32, #tpu.memory_space<vmem>>, vector<16xf32>,
      %select_n3A_2259 = arith.select %gt3A_2255, %sub3A_2237, %get3A_2249 : vector<16xi1>, vector<16xf32>
      %swap3A_2260 = arith.constant 544 : index
      %swap3A_2261 = tpu.vector_load %arg26[%swap3A_2260] {strides = array<i32>} : memref<960xf32, #tpu.memory_space<vmem>>, vector<16xf32>,
      tpu.vector_store %arg26[%swap3A_2260], %select_n3A_2259 {strides = array<i32>} : memref<960xf32, #tpu.memory_space<vmem>>, vector<16xf32>,
      %select_n3A_2262 = arith.select %gt3A_2255, %add3A_1586, %bitcast_convert_type3A_2252 : vector<16xi1>, vector<16xi32>
      %bitcast_convert_type3A_2263 = tpu.bitcast %select_n3A_2262 : vector<16xi32> -> vector<16xf32>
      %swap3A_2264 = arith.constant 560 : index
      %swap3A_2265 = tpu.vector_load %arg26[%swap3A_2264] {strides = array<i32>} : memref<960xf32, #tpu.memory_space<vmem>>, vector<16xf32>,
      tpu.vector_store %arg26[%swap3A_2264], %bitcast_convert_type3A_2263 {strides = array<i32>} : memref<960xf32, #tpu.memory_space<vmem>>, vector<16xf32>,
      %get3A_2266 = arith.constant 960 : index
      %get3A_2267 = tpu.vector_load %arg25[%get3A_2266] {strides = array<i32>} : memref<1600xf32, #tpu.memory_space<vmem>>, vector<16xf32>,
      %get3A_2268 = arith.constant 976 : index
      %get3A_2269 = tpu.vector_load %arg25[%get3A_2268] {strides = array<i32>} : memref<1600xf32, #tpu.memory_space<vmem>>, vector<16xf32>,
      %get3A_2270 = arith.constant 992 : index
      %get3A_2271 = tpu.vector_load %arg25[%get3A_2270] {strides = array<i32>} : memref<1600xf32, #tpu.memory_space<vmem>>, vector<16xf32>,
      %get3A_2272 = arith.constant 1008 : index
      %get3A_2273 = tpu.vector_load %arg25[%get3A_2272] {strides = array<i32>} : memref<1600xf32, #tpu.memory_space<vmem>>, vector<16xf32>,
      %get3A_2274 = arith.constant 1024 : index
      %get3A_2275 = tpu.vector_load %arg25[%get3A_2274] {strides = array<i32>} : memref<1600xf32, #tpu.memory_space<vmem>>, vector<16xf32>,
      %min3A_2276 = arith.minimumf %get3A_1579, %get3A_2271 : vector<16xf32>
      %max3A_2277 = arith.maximumf %get3A_1575, %get3A_2267 : vector<16xf32>
      %sub3A_2278 = arith.subf %min3A_2276, %max3A_2277 : vector<16xf32>
      %max3A_2279 = arith.constant 0.000000e+00 : f32
      %max3A_2280 = vector.broadcast %max3A_2279 : f32 to vector<16xf32>
      %max3A_2281 = arith.maximumf %sub3A_2278, %max3A_2280 : vector<16xf32>
      %min3A_2282 = arith.minimumf %get3A_1581, %get3A_2273 : vector<16xf32>
      %max3A_2283 = arith.maximumf %get3A_1577, %get3A_2269 : vector<16xf32>
      %sub3A_2284 = arith.subf %min3A_2282, %max3A_2283 : vector<16xf32>
      %max3A_2285 = arith.constant 0.000000e+00 : f32
      %max3A_2286 = vector.broadcast %max3A_2285 : f32 to vector<16xf32>
      %max3A_2287 = arith.maximumf %sub3A_2284, %max3A_2286 : vector<16xf32>
      %mul3A_2288 = arith.mulf %max3A_2281, %max3A_2287 : vector<16xf32>
      %jit3A_2289 = arith.constant -1.000000e+00 : f32
      %broadcast_in_dim3A_2290 = vector.broadcast %jit3A_2289 : f32 to vector<16xf32>
      %select_n3A_2291 = arith.select %ge3A_1589, %broadcast_in_dim3A_2290, %mul3A_2288 : vector<16xi1>, vector<16xf32>
      %add3A_2292 = arith.addf %get3A_2275, %mul3A_1584 : vector<16xf32>
      %sub3A_2293 = arith.subf %add3A_2292, %select_n3A_2291 : vector<16xf32>
      %mul3A_2294 = arith.mulf %select_n3A_2291, %select_n3A_2242 : vector<16xf32>
      %mul3A_2295 = arith.mulf %select_n3A_2241, %sub3A_2293 : vector<16xf32>
      %gt3A_2296 = arith.cmpf ogt, %mul3A_2294, %mul3A_2295 : vector<16xf32>
      %select_n3A_2297 = arith.select %gt3A_2296, %select_n3A_2291, %select_n3A_2241 : vector<16xi1>, vector<16xf32>
      %select_n3A_2298 = arith.select %gt3A_2296, %sub3A_2293, %select_n3A_2242 : vector<16xi1>, vector<16xf32>
      %jit3A_2299 = arith.constant 12 : i32
      %broadcast_in_dim3A_2300 = vector.broadcast %jit3A_2299 : i32 to vector<16xi32>
      %select_n3A_2301 = arith.select %gt3A_2296, %broadcast_in_dim3A_2300, %select_n3A_2245 : vector<16xi1>, vector<16xi32>
      %get3A_2302 = arith.constant 576 : index
      %get3A_2303 = tpu.vector_load %arg26[%get3A_2302] {strides = array<i32>} : memref<960xf32, #tpu.memory_space<vmem>>, vector<16xf32>,
      %get3A_2304 = arith.constant 592 : index
      %get3A_2305 = tpu.vector_load %arg26[%get3A_2304] {strides = array<i32>} : memref<960xf32, #tpu.memory_space<vmem>>, vector<16xf32>,
      %get3A_2306 = arith.constant 608 : index
      %get3A_2307 = tpu.vector_load %arg26[%get3A_2306] {strides = array<i32>} : memref<960xf32, #tpu.memory_space<vmem>>, vector<16xf32>,
      %bitcast_convert_type3A_2308 = tpu.bitcast %get3A_2307 : vector<16xf32> -> vector<16xi32>
      %mul3A_2309 = arith.mulf %select_n3A_2291, %get3A_2305 : vector<16xf32>
      %mul3A_2310 = arith.mulf %get3A_2303, %sub3A_2293 : vector<16xf32>
      %gt3A_2311 = arith.cmpf ogt, %mul3A_2309, %mul3A_2310 : vector<16xf32>
      %select_n3A_2312 = arith.select %gt3A_2311, %select_n3A_2291, %get3A_2303 : vector<16xi1>, vector<16xf32>
      %swap3A_2313 = arith.constant 576 : index
      %swap3A_2314 = tpu.vector_load %arg26[%swap3A_2313] {strides = array<i32>} : memref<960xf32, #tpu.memory_space<vmem>>, vector<16xf32>,
      tpu.vector_store %arg26[%swap3A_2313], %select_n3A_2312 {strides = array<i32>} : memref<960xf32, #tpu.memory_space<vmem>>, vector<16xf32>,
      %select_n3A_2315 = arith.select %gt3A_2311, %sub3A_2293, %get3A_2305 : vector<16xi1>, vector<16xf32>
      %swap3A_2316 = arith.constant 592 : index
      %swap3A_2317 = tpu.vector_load %arg26[%swap3A_2316] {strides = array<i32>} : memref<960xf32, #tpu.memory_space<vmem>>, vector<16xf32>,
      tpu.vector_store %arg26[%swap3A_2316], %select_n3A_2315 {strides = array<i32>} : memref<960xf32, #tpu.memory_space<vmem>>, vector<16xf32>,
      %select_n3A_2318 = arith.select %gt3A_2311, %add3A_1586, %bitcast_convert_type3A_2308 : vector<16xi1>, vector<16xi32>
      %bitcast_convert_type3A_2319 = tpu.bitcast %select_n3A_2318 : vector<16xi32> -> vector<16xf32>
      %swap3A_2320 = arith.constant 608 : index
      %swap3A_2321 = tpu.vector_load %arg26[%swap3A_2320] {strides = array<i32>} : memref<960xf32, #tpu.memory_space<vmem>>, vector<16xf32>,
      tpu.vector_store %arg26[%swap3A_2320], %bitcast_convert_type3A_2319 {strides = array<i32>} : memref<960xf32, #tpu.memory_space<vmem>>, vector<16xf32>,
      %get3A_2322 = arith.constant 1040 : index
      %get3A_2323 = tpu.vector_load %arg25[%get3A_2322] {strides = array<i32>} : memref<1600xf32, #tpu.memory_space<vmem>>, vector<16xf32>,
      %get3A_2324 = arith.constant 1056 : index
      %get3A_2325 = tpu.vector_load %arg25[%get3A_2324] {strides = array<i32>} : memref<1600xf32, #tpu.memory_space<vmem>>, vector<16xf32>,
      %get3A_2326 = arith.constant 1072 : index
      %get3A_2327 = tpu.vector_load %arg25[%get3A_2326] {strides = array<i32>} : memref<1600xf32, #tpu.memory_space<vmem>>, vector<16xf32>,
      %get3A_2328 = arith.constant 1088 : index
      %get3A_2329 = tpu.vector_load %arg25[%get3A_2328] {strides = array<i32>} : memref<1600xf32, #tpu.memory_space<vmem>>, vector<16xf32>,
      %get3A_2330 = arith.constant 1104 : index
      %get3A_2331 = tpu.vector_load %arg25[%get3A_2330] {strides = array<i32>} : memref<1600xf32, #tpu.memory_space<vmem>>, vector<16xf32>,
      %min3A_2332 = arith.minimumf %get3A_1579, %get3A_2327 : vector<16xf32>
      %max3A_2333 = arith.maximumf %get3A_1575, %get3A_2323 : vector<16xf32>
      %sub3A_2334 = arith.subf %min3A_2332, %max3A_2333 : vector<16xf32>
      %max3A_2335 = arith.constant 0.000000e+00 : f32
      %max3A_2336 = vector.broadcast %max3A_2335 : f32 to vector<16xf32>
      %max3A_2337 = arith.maximumf %sub3A_2334, %max3A_2336 : vector<16xf32>
      %min3A_2338 = arith.minimumf %get3A_1581, %get3A_2329 : vector<16xf32>
      %max3A_2339 = arith.maximumf %get3A_1577, %get3A_2325 : vector<16xf32>
      %sub3A_2340 = arith.subf %min3A_2338, %max3A_2339 : vector<16xf32>
      %max3A_2341 = arith.constant 0.000000e+00 : f32
      %max3A_2342 = vector.broadcast %max3A_2341 : f32 to vector<16xf32>
      %max3A_2343 = arith.maximumf %sub3A_2340, %max3A_2342 : vector<16xf32>
      %mul3A_2344 = arith.mulf %max3A_2337, %max3A_2343 : vector<16xf32>
      %jit3A_2345 = arith.constant -1.000000e+00 : f32
      %broadcast_in_dim3A_2346 = vector.broadcast %jit3A_2345 : f32 to vector<16xf32>
      %select_n3A_2347 = arith.select %ge3A_1589, %broadcast_in_dim3A_2346, %mul3A_2344 : vector<16xi1>, vector<16xf32>
      %add3A_2348 = arith.addf %get3A_2331, %mul3A_1584 : vector<16xf32>
      %sub3A_2349 = arith.subf %add3A_2348, %select_n3A_2347 : vector<16xf32>
      %mul3A_2350 = arith.mulf %select_n3A_2347, %select_n3A_2298 : vector<16xf32>
      %mul3A_2351 = arith.mulf %select_n3A_2297, %sub3A_2349 : vector<16xf32>
      %gt3A_2352 = arith.cmpf ogt, %mul3A_2350, %mul3A_2351 : vector<16xf32>
      %select_n3A_2353 = arith.select %gt3A_2352, %select_n3A_2347, %select_n3A_2297 : vector<16xi1>, vector<16xf32>
      %select_n3A_2354 = arith.select %gt3A_2352, %sub3A_2349, %select_n3A_2298 : vector<16xi1>, vector<16xf32>
      %jit3A_2355 = arith.constant 13 : i32
      %broadcast_in_dim3A_2356 = vector.broadcast %jit3A_2355 : i32 to vector<16xi32>
      %select_n3A_2357 = arith.select %gt3A_2352, %broadcast_in_dim3A_2356, %select_n3A_2301 : vector<16xi1>, vector<16xi32>
      %get3A_2358 = arith.constant 624 : index
      %get3A_2359 = tpu.vector_load %arg26[%get3A_2358] {strides = array<i32>} : memref<960xf32, #tpu.memory_space<vmem>>, vector<16xf32>,
      %get3A_2360 = arith.constant 640 : index
      %get3A_2361 = tpu.vector_load %arg26[%get3A_2360] {strides = array<i32>} : memref<960xf32, #tpu.memory_space<vmem>>, vector<16xf32>,
      %get3A_2362 = arith.constant 656 : index
      %get3A_2363 = tpu.vector_load %arg26[%get3A_2362] {strides = array<i32>} : memref<960xf32, #tpu.memory_space<vmem>>, vector<16xf32>,
      %bitcast_convert_type3A_2364 = tpu.bitcast %get3A_2363 : vector<16xf32> -> vector<16xi32>
      %mul3A_2365 = arith.mulf %select_n3A_2347, %get3A_2361 : vector<16xf32>
      %mul3A_2366 = arith.mulf %get3A_2359, %sub3A_2349 : vector<16xf32>
      %gt3A_2367 = arith.cmpf ogt, %mul3A_2365, %mul3A_2366 : vector<16xf32>
      %select_n3A_2368 = arith.select %gt3A_2367, %select_n3A_2347, %get3A_2359 : vector<16xi1>, vector<16xf32>
      %swap3A_2369 = arith.constant 624 : index
      %swap3A_2370 = tpu.vector_load %arg26[%swap3A_2369] {strides = array<i32>} : memref<960xf32, #tpu.memory_space<vmem>>, vector<16xf32>,
      tpu.vector_store %arg26[%swap3A_2369], %select_n3A_2368 {strides = array<i32>} : memref<960xf32, #tpu.memory_space<vmem>>, vector<16xf32>,
      %select_n3A_2371 = arith.select %gt3A_2367, %sub3A_2349, %get3A_2361 : vector<16xi1>, vector<16xf32>
      %swap3A_2372 = arith.constant 640 : index
      %swap3A_2373 = tpu.vector_load %arg26[%swap3A_2372] {strides = array<i32>} : memref<960xf32, #tpu.memory_space<vmem>>, vector<16xf32>,
      tpu.vector_store %arg26[%swap3A_2372], %select_n3A_2371 {strides = array<i32>} : memref<960xf32, #tpu.memory_space<vmem>>, vector<16xf32>,
      %select_n3A_2374 = arith.select %gt3A_2367, %add3A_1586, %bitcast_convert_type3A_2364 : vector<16xi1>, vector<16xi32>
      %bitcast_convert_type3A_2375 = tpu.bitcast %select_n3A_2374 : vector<16xi32> -> vector<16xf32>
      %swap3A_2376 = arith.constant 656 : index
      %swap3A_2377 = tpu.vector_load %arg26[%swap3A_2376] {strides = array<i32>} : memref<960xf32, #tpu.memory_space<vmem>>, vector<16xf32>,
      tpu.vector_store %arg26[%swap3A_2376], %bitcast_convert_type3A_2375 {strides = array<i32>} : memref<960xf32, #tpu.memory_space<vmem>>, vector<16xf32>,
      %get3A_2378 = arith.constant 1120 : index
      %get3A_2379 = tpu.vector_load %arg25[%get3A_2378] {strides = array<i32>} : memref<1600xf32, #tpu.memory_space<vmem>>, vector<16xf32>,
      %get3A_2380 = arith.constant 1136 : index
      %get3A_2381 = tpu.vector_load %arg25[%get3A_2380] {strides = array<i32>} : memref<1600xf32, #tpu.memory_space<vmem>>, vector<16xf32>,
      %get3A_2382 = arith.constant 1152 : index
      %get3A_2383 = tpu.vector_load %arg25[%get3A_2382] {strides = array<i32>} : memref<1600xf32, #tpu.memory_space<vmem>>, vector<16xf32>,
      %get3A_2384 = arith.constant 1168 : index
      %get3A_2385 = tpu.vector_load %arg25[%get3A_2384] {strides = array<i32>} : memref<1600xf32, #tpu.memory_space<vmem>>, vector<16xf32>,
      %get3A_2386 = arith.constant 1184 : index
      %get3A_2387 = tpu.vector_load %arg25[%get3A_2386] {strides = array<i32>} : memref<1600xf32, #tpu.memory_space<vmem>>, vector<16xf32>,
      %min3A_2388 = arith.minimumf %get3A_1579, %get3A_2383 : vector<16xf32>
      %max3A_2389 = arith.maximumf %get3A_1575, %get3A_2379 : vector<16xf32>
      %sub3A_2390 = arith.subf %min3A_2388, %max3A_2389 : vector<16xf32>
      %max3A_2391 = arith.constant 0.000000e+00 : f32
      %max3A_2392 = vector.broadcast %max3A_2391 : f32 to vector<16xf32>
      %max3A_2393 = arith.maximumf %sub3A_2390, %max3A_2392 : vector<16xf32>
      %min3A_2394 = arith.minimumf %get3A_1581, %get3A_2385 : vector<16xf32>
      %max3A_2395 = arith.maximumf %get3A_1577, %get3A_2381 : vector<16xf32>
      %sub3A_2396 = arith.subf %min3A_2394, %max3A_2395 : vector<16xf32>
      %max3A_2397 = arith.constant 0.000000e+00 : f32
      %max3A_2398 = vector.broadcast %max3A_2397 : f32 to vector<16xf32>
      %max3A_2399 = arith.maximumf %sub3A_2396, %max3A_2398 : vector<16xf32>
      %mul3A_2400 = arith.mulf %max3A_2393, %max3A_2399 : vector<16xf32>
      %jit3A_2401 = arith.constant -1.000000e+00 : f32
      %broadcast_in_dim3A_2402 = vector.broadcast %jit3A_2401 : f32 to vector<16xf32>
      %select_n3A_2403 = arith.select %ge3A_1589, %broadcast_in_dim3A_2402, %mul3A_2400 : vector<16xi1>, vector<16xf32>
      %add3A_2404 = arith.addf %get3A_2387, %mul3A_1584 : vector<16xf32>
      %sub3A_2405 = arith.subf %add3A_2404, %select_n3A_2403 : vector<16xf32>
      %mul3A_2406 = arith.mulf %select_n3A_2403, %select_n3A_2354 : vector<16xf32>
      %mul3A_2407 = arith.mulf %select_n3A_2353, %sub3A_2405 : vector<16xf32>
      %gt3A_2408 = arith.cmpf ogt, %mul3A_2406, %mul3A_2407 : vector<16xf32>
      %select_n3A_2409 = arith.select %gt3A_2408, %select_n3A_2403, %select_n3A_2353 : vector<16xi1>, vector<16xf32>
      %select_n3A_2410 = arith.select %gt3A_2408, %sub3A_2405, %select_n3A_2354 : vector<16xi1>, vector<16xf32>
      %jit3A_2411 = arith.constant 14 : i32
      %broadcast_in_dim3A_2412 = vector.broadcast %jit3A_2411 : i32 to vector<16xi32>
      %select_n3A_2413 = arith.select %gt3A_2408, %broadcast_in_dim3A_2412, %select_n3A_2357 : vector<16xi1>, vector<16xi32>
      %get3A_2414 = arith.constant 672 : index
      %get3A_2415 = tpu.vector_load %arg26[%get3A_2414] {strides = array<i32>} : memref<960xf32, #tpu.memory_space<vmem>>, vector<16xf32>,
      %get3A_2416 = arith.constant 688 : index
      %get3A_2417 = tpu.vector_load %arg26[%get3A_2416] {strides = array<i32>} : memref<960xf32, #tpu.memory_space<vmem>>, vector<16xf32>,
      %get3A_2418 = arith.constant 704 : index
      %get3A_2419 = tpu.vector_load %arg26[%get3A_2418] {strides = array<i32>} : memref<960xf32, #tpu.memory_space<vmem>>, vector<16xf32>,
      %bitcast_convert_type3A_2420 = tpu.bitcast %get3A_2419 : vector<16xf32> -> vector<16xi32>
      %mul3A_2421 = arith.mulf %select_n3A_2403, %get3A_2417 : vector<16xf32>
      %mul3A_2422 = arith.mulf %get3A_2415, %sub3A_2405 : vector<16xf32>
      %gt3A_2423 = arith.cmpf ogt, %mul3A_2421, %mul3A_2422 : vector<16xf32>
      %select_n3A_2424 = arith.select %gt3A_2423, %select_n3A_2403, %get3A_2415 : vector<16xi1>, vector<16xf32>
      %swap3A_2425 = arith.constant 672 : index
      %swap3A_2426 = tpu.vector_load %arg26[%swap3A_2425] {strides = array<i32>} : memref<960xf32, #tpu.memory_space<vmem>>, vector<16xf32>,
      tpu.vector_store %arg26[%swap3A_2425], %select_n3A_2424 {strides = array<i32>} : memref<960xf32, #tpu.memory_space<vmem>>, vector<16xf32>,
      %select_n3A_2427 = arith.select %gt3A_2423, %sub3A_2405, %get3A_2417 : vector<16xi1>, vector<16xf32>
      %swap3A_2428 = arith.constant 688 : index
      %swap3A_2429 = tpu.vector_load %arg26[%swap3A_2428] {strides = array<i32>} : memref<960xf32, #tpu.memory_space<vmem>>, vector<16xf32>,
      tpu.vector_store %arg26[%swap3A_2428], %select_n3A_2427 {strides = array<i32>} : memref<960xf32, #tpu.memory_space<vmem>>, vector<16xf32>,
      %select_n3A_2430 = arith.select %gt3A_2423, %add3A_1586, %bitcast_convert_type3A_2420 : vector<16xi1>, vector<16xi32>
      %bitcast_convert_type3A_2431 = tpu.bitcast %select_n3A_2430 : vector<16xi32> -> vector<16xf32>
      %swap3A_2432 = arith.constant 704 : index
      %swap3A_2433 = tpu.vector_load %arg26[%swap3A_2432] {strides = array<i32>} : memref<960xf32, #tpu.memory_space<vmem>>, vector<16xf32>,
      tpu.vector_store %arg26[%swap3A_2432], %bitcast_convert_type3A_2431 {strides = array<i32>} : memref<960xf32, #tpu.memory_space<vmem>>, vector<16xf32>,
      %get3A_2434 = arith.constant 1200 : index
      %get3A_2435 = tpu.vector_load %arg25[%get3A_2434] {strides = array<i32>} : memref<1600xf32, #tpu.memory_space<vmem>>, vector<16xf32>,
      %get3A_2436 = arith.constant 1216 : index
      %get3A_2437 = tpu.vector_load %arg25[%get3A_2436] {strides = array<i32>} : memref<1600xf32, #tpu.memory_space<vmem>>, vector<16xf32>,
      %get3A_2438 = arith.constant 1232 : index
      %get3A_2439 = tpu.vector_load %arg25[%get3A_2438] {strides = array<i32>} : memref<1600xf32, #tpu.memory_space<vmem>>, vector<16xf32>,
      %get3A_2440 = arith.constant 1248 : index
      %get3A_2441 = tpu.vector_load %arg25[%get3A_2440] {strides = array<i32>} : memref<1600xf32, #tpu.memory_space<vmem>>, vector<16xf32>,
      %get3A_2442 = arith.constant 1264 : index
      %get3A_2443 = tpu.vector_load %arg25[%get3A_2442] {strides = array<i32>} : memref<1600xf32, #tpu.memory_space<vmem>>, vector<16xf32>,
      %min3A_2444 = arith.minimumf %get3A_1579, %get3A_2439 : vector<16xf32>
      %max3A_2445 = arith.maximumf %get3A_1575, %get3A_2435 : vector<16xf32>
      %sub3A_2446 = arith.subf %min3A_2444, %max3A_2445 : vector<16xf32>
      %max3A_2447 = arith.constant 0.000000e+00 : f32
      %max3A_2448 = vector.broadcast %max3A_2447 : f32 to vector<16xf32>
      %max3A_2449 = arith.maximumf %sub3A_2446, %max3A_2448 : vector<16xf32>
      %min3A_2450 = arith.minimumf %get3A_1581, %get3A_2441 : vector<16xf32>
      %max3A_2451 = arith.maximumf %get3A_1577, %get3A_2437 : vector<16xf32>
      %sub3A_2452 = arith.subf %min3A_2450, %max3A_2451 : vector<16xf32>
      %max3A_2453 = arith.constant 0.000000e+00 : f32
      %max3A_2454 = vector.broadcast %max3A_2453 : f32 to vector<16xf32>
      %max3A_2455 = arith.maximumf %sub3A_2452, %max3A_2454 : vector<16xf32>
      %mul3A_2456 = arith.mulf %max3A_2449, %max3A_2455 : vector<16xf32>
      %jit3A_2457 = arith.constant -1.000000e+00 : f32
      %broadcast_in_dim3A_2458 = vector.broadcast %jit3A_2457 : f32 to vector<16xf32>
      %select_n3A_2459 = arith.select %ge3A_1589, %broadcast_in_dim3A_2458, %mul3A_2456 : vector<16xi1>, vector<16xf32>
      %add3A_2460 = arith.addf %get3A_2443, %mul3A_1584 : vector<16xf32>
      %sub3A_2461 = arith.subf %add3A_2460, %select_n3A_2459 : vector<16xf32>
      %mul3A_2462 = arith.mulf %select_n3A_2459, %select_n3A_2410 : vector<16xf32>
      %mul3A_2463 = arith.mulf %select_n3A_2409, %sub3A_2461 : vector<16xf32>
      %gt3A_2464 = arith.cmpf ogt, %mul3A_2462, %mul3A_2463 : vector<16xf32>
      %select_n3A_2465 = arith.select %gt3A_2464, %select_n3A_2459, %select_n3A_2409 : vector<16xi1>, vector<16xf32>
      %select_n3A_2466 = arith.select %gt3A_2464, %sub3A_2461, %select_n3A_2410 : vector<16xi1>, vector<16xf32>
      %jit3A_2467 = arith.constant 15 : i32
      %broadcast_in_dim3A_2468 = vector.broadcast %jit3A_2467 : i32 to vector<16xi32>
      %select_n3A_2469 = arith.select %gt3A_2464, %broadcast_in_dim3A_2468, %select_n3A_2413 : vector<16xi1>, vector<16xi32>
      %get3A_2470 = arith.constant 720 : index
      %get3A_2471 = tpu.vector_load %arg26[%get3A_2470] {strides = array<i32>} : memref<960xf32, #tpu.memory_space<vmem>>, vector<16xf32>,
      %get3A_2472 = arith.constant 736 : index
      %get3A_2473 = tpu.vector_load %arg26[%get3A_2472] {strides = array<i32>} : memref<960xf32, #tpu.memory_space<vmem>>, vector<16xf32>,
      %get3A_2474 = arith.constant 752 : index
      %get3A_2475 = tpu.vector_load %arg26[%get3A_2474] {strides = array<i32>} : memref<960xf32, #tpu.memory_space<vmem>>, vector<16xf32>,
      %bitcast_convert_type3A_2476 = tpu.bitcast %get3A_2475 : vector<16xf32> -> vector<16xi32>
      %mul3A_2477 = arith.mulf %select_n3A_2459, %get3A_2473 : vector<16xf32>
      %mul3A_2478 = arith.mulf %get3A_2471, %sub3A_2461 : vector<16xf32>
      %gt3A_2479 = arith.cmpf ogt, %mul3A_2477, %mul3A_2478 : vector<16xf32>
      %select_n3A_2480 = arith.select %gt3A_2479, %select_n3A_2459, %get3A_2471 : vector<16xi1>, vector<16xf32>
      %swap3A_2481 = arith.constant 720 : index
      %swap3A_2482 = tpu.vector_load %arg26[%swap3A_2481] {strides = array<i32>} : memref<960xf32, #tpu.memory_space<vmem>>, vector<16xf32>,
      tpu.vector_store %arg26[%swap3A_2481], %select_n3A_2480 {strides = array<i32>} : memref<960xf32, #tpu.memory_space<vmem>>, vector<16xf32>,
      %select_n3A_2483 = arith.select %gt3A_2479, %sub3A_2461, %get3A_2473 : vector<16xi1>, vector<16xf32>
      %swap3A_2484 = arith.constant 736 : index
      %swap3A_2485 = tpu.vector_load %arg26[%swap3A_2484] {strides = array<i32>} : memref<960xf32, #tpu.memory_space<vmem>>, vector<16xf32>,
      tpu.vector_store %arg26[%swap3A_2484], %select_n3A_2483 {strides = array<i32>} : memref<960xf32, #tpu.memory_space<vmem>>, vector<16xf32>,
      %select_n3A_2486 = arith.select %gt3A_2479, %add3A_1586, %bitcast_convert_type3A_2476 : vector<16xi1>, vector<16xi32>
      %bitcast_convert_type3A_2487 = tpu.bitcast %select_n3A_2486 : vector<16xi32> -> vector<16xf32>
      %swap3A_2488 = arith.constant 752 : index
      %swap3A_2489 = tpu.vector_load %arg26[%swap3A_2488] {strides = array<i32>} : memref<960xf32, #tpu.memory_space<vmem>>, vector<16xf32>,
      tpu.vector_store %arg26[%swap3A_2488], %bitcast_convert_type3A_2487 {strides = array<i32>} : memref<960xf32, #tpu.memory_space<vmem>>, vector<16xf32>,
      %get3A_2490 = arith.constant 1280 : index
      %get3A_2491 = tpu.vector_load %arg25[%get3A_2490] {strides = array<i32>} : memref<1600xf32, #tpu.memory_space<vmem>>, vector<16xf32>,
      %get3A_2492 = arith.constant 1296 : index
      %get3A_2493 = tpu.vector_load %arg25[%get3A_2492] {strides = array<i32>} : memref<1600xf32, #tpu.memory_space<vmem>>, vector<16xf32>,
      %get3A_2494 = arith.constant 1312 : index
      %get3A_2495 = tpu.vector_load %arg25[%get3A_2494] {strides = array<i32>} : memref<1600xf32, #tpu.memory_space<vmem>>, vector<16xf32>,
      %get3A_2496 = arith.constant 1328 : index
      %get3A_2497 = tpu.vector_load %arg25[%get3A_2496] {strides = array<i32>} : memref<1600xf32, #tpu.memory_space<vmem>>, vector<16xf32>,
      %get3A_2498 = arith.constant 1344 : index
      %get3A_2499 = tpu.vector_load %arg25[%get3A_2498] {strides = array<i32>} : memref<1600xf32, #tpu.memory_space<vmem>>, vector<16xf32>,
      %min3A_2500 = arith.minimumf %get3A_1579, %get3A_2495 : vector<16xf32>
      %max3A_2501 = arith.maximumf %get3A_1575, %get3A_2491 : vector<16xf32>
      %sub3A_2502 = arith.subf %min3A_2500, %max3A_2501 : vector<16xf32>
      %max3A_2503 = arith.constant 0.000000e+00 : f32
      %max3A_2504 = vector.broadcast %max3A_2503 : f32 to vector<16xf32>
      %max3A_2505 = arith.maximumf %sub3A_2502, %max3A_2504 : vector<16xf32>
      %min3A_2506 = arith.minimumf %get3A_1581, %get3A_2497 : vector<16xf32>
      %max3A_2507 = arith.maximumf %get3A_1577, %get3A_2493 : vector<16xf32>
      %sub3A_2508 = arith.subf %min3A_2506, %max3A_2507 : vector<16xf32>
      %max3A_2509 = arith.constant 0.000000e+00 : f32
      %max3A_2510 = vector.broadcast %max3A_2509 : f32 to vector<16xf32>
      %max3A_2511 = arith.maximumf %sub3A_2508, %max3A_2510 : vector<16xf32>
      %mul3A_2512 = arith.mulf %max3A_2505, %max3A_2511 : vector<16xf32>
      %jit3A_2513 = arith.constant -1.000000e+00 : f32
      %broadcast_in_dim3A_2514 = vector.broadcast %jit3A_2513 : f32 to vector<16xf32>
      %select_n3A_2515 = arith.select %ge3A_1589, %broadcast_in_dim3A_2514, %mul3A_2512 : vector<16xi1>, vector<16xf32>
      %add3A_2516 = arith.addf %get3A_2499, %mul3A_1584 : vector<16xf32>
      %sub3A_2517 = arith.subf %add3A_2516, %select_n3A_2515 : vector<16xf32>
      %mul3A_2518 = arith.mulf %select_n3A_2515, %select_n3A_2466 : vector<16xf32>
      %mul3A_2519 = arith.mulf %select_n3A_2465, %sub3A_2517 : vector<16xf32>
      %gt3A_2520 = arith.cmpf ogt, %mul3A_2518, %mul3A_2519 : vector<16xf32>
      %select_n3A_2521 = arith.select %gt3A_2520, %select_n3A_2515, %select_n3A_2465 : vector<16xi1>, vector<16xf32>
      %select_n3A_2522 = arith.select %gt3A_2520, %sub3A_2517, %select_n3A_2466 : vector<16xi1>, vector<16xf32>
      %jit3A_2523 = arith.constant 16 : i32
      %broadcast_in_dim3A_2524 = vector.broadcast %jit3A_2523 : i32 to vector<16xi32>
      %select_n3A_2525 = arith.select %gt3A_2520, %broadcast_in_dim3A_2524, %select_n3A_2469 : vector<16xi1>, vector<16xi32>
      %get3A_2526 = arith.constant 768 : index
      %get3A_2527 = tpu.vector_load %arg26[%get3A_2526] {strides = array<i32>} : memref<960xf32, #tpu.memory_space<vmem>>, vector<16xf32>,
      %get3A_2528 = arith.constant 784 : index
      %get3A_2529 = tpu.vector_load %arg26[%get3A_2528] {strides = array<i32>} : memref<960xf32, #tpu.memory_space<vmem>>, vector<16xf32>,
      %get3A_2530 = arith.constant 800 : index
      %get3A_2531 = tpu.vector_load %arg26[%get3A_2530] {strides = array<i32>} : memref<960xf32, #tpu.memory_space<vmem>>, vector<16xf32>,
      %bitcast_convert_type3A_2532 = tpu.bitcast %get3A_2531 : vector<16xf32> -> vector<16xi32>
      %mul3A_2533 = arith.mulf %select_n3A_2515, %get3A_2529 : vector<16xf32>
      %mul3A_2534 = arith.mulf %get3A_2527, %sub3A_2517 : vector<16xf32>
      %gt3A_2535 = arith.cmpf ogt, %mul3A_2533, %mul3A_2534 : vector<16xf32>
      %select_n3A_2536 = arith.select %gt3A_2535, %select_n3A_2515, %get3A_2527 : vector<16xi1>, vector<16xf32>
      %swap3A_2537 = arith.constant 768 : index
      %swap3A_2538 = tpu.vector_load %arg26[%swap3A_2537] {strides = array<i32>} : memref<960xf32, #tpu.memory_space<vmem>>, vector<16xf32>,
      tpu.vector_store %arg26[%swap3A_2537], %select_n3A_2536 {strides = array<i32>} : memref<960xf32, #tpu.memory_space<vmem>>, vector<16xf32>,
      %select_n3A_2539 = arith.select %gt3A_2535, %sub3A_2517, %get3A_2529 : vector<16xi1>, vector<16xf32>
      %swap3A_2540 = arith.constant 784 : index
      %swap3A_2541 = tpu.vector_load %arg26[%swap3A_2540] {strides = array<i32>} : memref<960xf32, #tpu.memory_space<vmem>>, vector<16xf32>,
      tpu.vector_store %arg26[%swap3A_2540], %select_n3A_2539 {strides = array<i32>} : memref<960xf32, #tpu.memory_space<vmem>>, vector<16xf32>,
      %select_n3A_2542 = arith.select %gt3A_2535, %add3A_1586, %bitcast_convert_type3A_2532 : vector<16xi1>, vector<16xi32>
      %bitcast_convert_type3A_2543 = tpu.bitcast %select_n3A_2542 : vector<16xi32> -> vector<16xf32>
      %swap3A_2544 = arith.constant 800 : index
      %swap3A_2545 = tpu.vector_load %arg26[%swap3A_2544] {strides = array<i32>} : memref<960xf32, #tpu.memory_space<vmem>>, vector<16xf32>,
      tpu.vector_store %arg26[%swap3A_2544], %bitcast_convert_type3A_2543 {strides = array<i32>} : memref<960xf32, #tpu.memory_space<vmem>>, vector<16xf32>,
      %get3A_2546 = arith.constant 1360 : index
      %get3A_2547 = tpu.vector_load %arg25[%get3A_2546] {strides = array<i32>} : memref<1600xf32, #tpu.memory_space<vmem>>, vector<16xf32>,
      %get3A_2548 = arith.constant 1376 : index
      %get3A_2549 = tpu.vector_load %arg25[%get3A_2548] {strides = array<i32>} : memref<1600xf32, #tpu.memory_space<vmem>>, vector<16xf32>,
      %get3A_2550 = arith.constant 1392 : index
      %get3A_2551 = tpu.vector_load %arg25[%get3A_2550] {strides = array<i32>} : memref<1600xf32, #tpu.memory_space<vmem>>, vector<16xf32>,
      %get3A_2552 = arith.constant 1408 : index
      %get3A_2553 = tpu.vector_load %arg25[%get3A_2552] {strides = array<i32>} : memref<1600xf32, #tpu.memory_space<vmem>>, vector<16xf32>,
      %get3A_2554 = arith.constant 1424 : index
      %get3A_2555 = tpu.vector_load %arg25[%get3A_2554] {strides = array<i32>} : memref<1600xf32, #tpu.memory_space<vmem>>, vector<16xf32>,
      %min3A_2556 = arith.minimumf %get3A_1579, %get3A_2551 : vector<16xf32>
      %max3A_2557 = arith.maximumf %get3A_1575, %get3A_2547 : vector<16xf32>
      %sub3A_2558 = arith.subf %min3A_2556, %max3A_2557 : vector<16xf32>
      %max3A_2559 = arith.constant 0.000000e+00 : f32
      %max3A_2560 = vector.broadcast %max3A_2559 : f32 to vector<16xf32>
      %max3A_2561 = arith.maximumf %sub3A_2558, %max3A_2560 : vector<16xf32>
      %min3A_2562 = arith.minimumf %get3A_1581, %get3A_2553 : vector<16xf32>
      %max3A_2563 = arith.maximumf %get3A_1577, %get3A_2549 : vector<16xf32>
      %sub3A_2564 = arith.subf %min3A_2562, %max3A_2563 : vector<16xf32>
      %max3A_2565 = arith.constant 0.000000e+00 : f32
      %max3A_2566 = vector.broadcast %max3A_2565 : f32 to vector<16xf32>
      %max3A_2567 = arith.maximumf %sub3A_2564, %max3A_2566 : vector<16xf32>
      %mul3A_2568 = arith.mulf %max3A_2561, %max3A_2567 : vector<16xf32>
      %jit3A_2569 = arith.constant -1.000000e+00 : f32
      %broadcast_in_dim3A_2570 = vector.broadcast %jit3A_2569 : f32 to vector<16xf32>
      %select_n3A_2571 = arith.select %ge3A_1589, %broadcast_in_dim3A_2570, %mul3A_2568 : vector<16xi1>, vector<16xf32>
      %add3A_2572 = arith.addf %get3A_2555, %mul3A_1584 : vector<16xf32>
      %sub3A_2573 = arith.subf %add3A_2572, %select_n3A_2571 : vector<16xf32>
      %mul3A_2574 = arith.mulf %select_n3A_2571, %select_n3A_2522 : vector<16xf32>
      %mul3A_2575 = arith.mulf %select_n3A_2521, %sub3A_2573 : vector<16xf32>
      %gt3A_2576 = arith.cmpf ogt, %mul3A_2574, %mul3A_2575 : vector<16xf32>
      %select_n3A_2577 = arith.select %gt3A_2576, %select_n3A_2571, %select_n3A_2521 : vector<16xi1>, vector<16xf32>
      %select_n3A_2578 = arith.select %gt3A_2576, %sub3A_2573, %select_n3A_2522 : vector<16xi1>, vector<16xf32>
      %jit3A_2579 = arith.constant 17 : i32
      %broadcast_in_dim3A_2580 = vector.broadcast %jit3A_2579 : i32 to vector<16xi32>
      %select_n3A_2581 = arith.select %gt3A_2576, %broadcast_in_dim3A_2580, %select_n3A_2525 : vector<16xi1>, vector<16xi32>
      %get3A_2582 = arith.constant 816 : index
      %get3A_2583 = tpu.vector_load %arg26[%get3A_2582] {strides = array<i32>} : memref<960xf32, #tpu.memory_space<vmem>>, vector<16xf32>,
      %get3A_2584 = arith.constant 832 : index
      %get3A_2585 = tpu.vector_load %arg26[%get3A_2584] {strides = array<i32>} : memref<960xf32, #tpu.memory_space<vmem>>, vector<16xf32>,
      %get3A_2586 = arith.constant 848 : index
      %get3A_2587 = tpu.vector_load %arg26[%get3A_2586] {strides = array<i32>} : memref<960xf32, #tpu.memory_space<vmem>>, vector<16xf32>,
      %bitcast_convert_type3A_2588 = tpu.bitcast %get3A_2587 : vector<16xf32> -> vector<16xi32>
      %mul3A_2589 = arith.mulf %select_n3A_2571, %get3A_2585 : vector<16xf32>
      %mul3A_2590 = arith.mulf %get3A_2583, %sub3A_2573 : vector<16xf32>
      %gt3A_2591 = arith.cmpf ogt, %mul3A_2589, %mul3A_2590 : vector<16xf32>
      %select_n3A_2592 = arith.select %gt3A_2591, %select_n3A_2571, %get3A_2583 : vector<16xi1>, vector<16xf32>
      %swap3A_2593 = arith.constant 816 : index
      %swap3A_2594 = tpu.vector_load %arg26[%swap3A_2593] {strides = array<i32>} : memref<960xf32, #tpu.memory_space<vmem>>, vector<16xf32>,
      tpu.vector_store %arg26[%swap3A_2593], %select_n3A_2592 {strides = array<i32>} : memref<960xf32, #tpu.memory_space<vmem>>, vector<16xf32>,
      %select_n3A_2595 = arith.select %gt3A_2591, %sub3A_2573, %get3A_2585 : vector<16xi1>, vector<16xf32>
      %swap3A_2596 = arith.constant 832 : index
      %swap3A_2597 = tpu.vector_load %arg26[%swap3A_2596] {strides = array<i32>} : memref<960xf32, #tpu.memory_space<vmem>>, vector<16xf32>,
      tpu.vector_store %arg26[%swap3A_2596], %select_n3A_2595 {strides = array<i32>} : memref<960xf32, #tpu.memory_space<vmem>>, vector<16xf32>,
      %select_n3A_2598 = arith.select %gt3A_2591, %add3A_1586, %bitcast_convert_type3A_2588 : vector<16xi1>, vector<16xi32>
      %bitcast_convert_type3A_2599 = tpu.bitcast %select_n3A_2598 : vector<16xi32> -> vector<16xf32>
      %swap3A_2600 = arith.constant 848 : index
      %swap3A_2601 = tpu.vector_load %arg26[%swap3A_2600] {strides = array<i32>} : memref<960xf32, #tpu.memory_space<vmem>>, vector<16xf32>,
      tpu.vector_store %arg26[%swap3A_2600], %bitcast_convert_type3A_2599 {strides = array<i32>} : memref<960xf32, #tpu.memory_space<vmem>>, vector<16xf32>,
      %get3A_2602 = arith.constant 1440 : index
      %get3A_2603 = tpu.vector_load %arg25[%get3A_2602] {strides = array<i32>} : memref<1600xf32, #tpu.memory_space<vmem>>, vector<16xf32>,
      %get3A_2604 = arith.constant 1456 : index
      %get3A_2605 = tpu.vector_load %arg25[%get3A_2604] {strides = array<i32>} : memref<1600xf32, #tpu.memory_space<vmem>>, vector<16xf32>,
      %get3A_2606 = arith.constant 1472 : index
      %get3A_2607 = tpu.vector_load %arg25[%get3A_2606] {strides = array<i32>} : memref<1600xf32, #tpu.memory_space<vmem>>, vector<16xf32>,
      %get3A_2608 = arith.constant 1488 : index
      %get3A_2609 = tpu.vector_load %arg25[%get3A_2608] {strides = array<i32>} : memref<1600xf32, #tpu.memory_space<vmem>>, vector<16xf32>,
      %get3A_2610 = arith.constant 1504 : index
      %get3A_2611 = tpu.vector_load %arg25[%get3A_2610] {strides = array<i32>} : memref<1600xf32, #tpu.memory_space<vmem>>, vector<16xf32>,
      %min3A_2612 = arith.minimumf %get3A_1579, %get3A_2607 : vector<16xf32>
      %max3A_2613 = arith.maximumf %get3A_1575, %get3A_2603 : vector<16xf32>
      %sub3A_2614 = arith.subf %min3A_2612, %max3A_2613 : vector<16xf32>
      %max3A_2615 = arith.constant 0.000000e+00 : f32
      %max3A_2616 = vector.broadcast %max3A_2615 : f32 to vector<16xf32>
      %max3A_2617 = arith.maximumf %sub3A_2614, %max3A_2616 : vector<16xf32>
      %min3A_2618 = arith.minimumf %get3A_1581, %get3A_2609 : vector<16xf32>
      %max3A_2619 = arith.maximumf %get3A_1577, %get3A_2605 : vector<16xf32>
      %sub3A_2620 = arith.subf %min3A_2618, %max3A_2619 : vector<16xf32>
      %max3A_2621 = arith.constant 0.000000e+00 : f32
      %max3A_2622 = vector.broadcast %max3A_2621 : f32 to vector<16xf32>
      %max3A_2623 = arith.maximumf %sub3A_2620, %max3A_2622 : vector<16xf32>
      %mul3A_2624 = arith.mulf %max3A_2617, %max3A_2623 : vector<16xf32>
      %jit3A_2625 = arith.constant -1.000000e+00 : f32
      %broadcast_in_dim3A_2626 = vector.broadcast %jit3A_2625 : f32 to vector<16xf32>
      %select_n3A_2627 = arith.select %ge3A_1589, %broadcast_in_dim3A_2626, %mul3A_2624 : vector<16xi1>, vector<16xf32>
      %add3A_2628 = arith.addf %get3A_2611, %mul3A_1584 : vector<16xf32>
      %sub3A_2629 = arith.subf %add3A_2628, %select_n3A_2627 : vector<16xf32>
      %mul3A_2630 = arith.mulf %select_n3A_2627, %select_n3A_2578 : vector<16xf32>
      %mul3A_2631 = arith.mulf %select_n3A_2577, %sub3A_2629 : vector<16xf32>
      %gt3A_2632 = arith.cmpf ogt, %mul3A_2630, %mul3A_2631 : vector<16xf32>
      %select_n3A_2633 = arith.select %gt3A_2632, %select_n3A_2627, %select_n3A_2577 : vector<16xi1>, vector<16xf32>
      %select_n3A_2634 = arith.select %gt3A_2632, %sub3A_2629, %select_n3A_2578 : vector<16xi1>, vector<16xf32>
      %jit3A_2635 = arith.constant 18 : i32
      %broadcast_in_dim3A_2636 = vector.broadcast %jit3A_2635 : i32 to vector<16xi32>
      %select_n3A_2637 = arith.select %gt3A_2632, %broadcast_in_dim3A_2636, %select_n3A_2581 : vector<16xi1>, vector<16xi32>
      %get3A_2638 = arith.constant 864 : index
      %get3A_2639 = tpu.vector_load %arg26[%get3A_2638] {strides = array<i32>} : memref<960xf32, #tpu.memory_space<vmem>>, vector<16xf32>,
      %get3A_2640 = arith.constant 880 : index
      %get3A_2641 = tpu.vector_load %arg26[%get3A_2640] {strides = array<i32>} : memref<960xf32, #tpu.memory_space<vmem>>, vector<16xf32>,
      %get3A_2642 = arith.constant 896 : index
      %get3A_2643 = tpu.vector_load %arg26[%get3A_2642] {strides = array<i32>} : memref<960xf32, #tpu.memory_space<vmem>>, vector<16xf32>,
      %bitcast_convert_type3A_2644 = tpu.bitcast %get3A_2643 : vector<16xf32> -> vector<16xi32>
      %mul3A_2645 = arith.mulf %select_n3A_2627, %get3A_2641 : vector<16xf32>
      %mul3A_2646 = arith.mulf %get3A_2639, %sub3A_2629 : vector<16xf32>
      %gt3A_2647 = arith.cmpf ogt, %mul3A_2645, %mul3A_2646 : vector<16xf32>
      %select_n3A_2648 = arith.select %gt3A_2647, %select_n3A_2627, %get3A_2639 : vector<16xi1>, vector<16xf32>
      %swap3A_2649 = arith.constant 864 : index
      %swap3A_2650 = tpu.vector_load %arg26[%swap3A_2649] {strides = array<i32>} : memref<960xf32, #tpu.memory_space<vmem>>, vector<16xf32>,
      tpu.vector_store %arg26[%swap3A_2649], %select_n3A_2648 {strides = array<i32>} : memref<960xf32, #tpu.memory_space<vmem>>, vector<16xf32>,
      %select_n3A_2651 = arith.select %gt3A_2647, %sub3A_2629, %get3A_2641 : vector<16xi1>, vector<16xf32>
      %swap3A_2652 = arith.constant 880 : index
      %swap3A_2653 = tpu.vector_load %arg26[%swap3A_2652] {strides = array<i32>} : memref<960xf32, #tpu.memory_space<vmem>>, vector<16xf32>,
      tpu.vector_store %arg26[%swap3A_2652], %select_n3A_2651 {strides = array<i32>} : memref<960xf32, #tpu.memory_space<vmem>>, vector<16xf32>,
      %select_n3A_2654 = arith.select %gt3A_2647, %add3A_1586, %bitcast_convert_type3A_2644 : vector<16xi1>, vector<16xi32>
      %bitcast_convert_type3A_2655 = tpu.bitcast %select_n3A_2654 : vector<16xi32> -> vector<16xf32>
      %swap3A_2656 = arith.constant 896 : index
      %swap3A_2657 = tpu.vector_load %arg26[%swap3A_2656] {strides = array<i32>} : memref<960xf32, #tpu.memory_space<vmem>>, vector<16xf32>,
      tpu.vector_store %arg26[%swap3A_2656], %bitcast_convert_type3A_2655 {strides = array<i32>} : memref<960xf32, #tpu.memory_space<vmem>>, vector<16xf32>,
      %get3A_2658 = arith.constant 1520 : index
      %get3A_2659 = tpu.vector_load %arg25[%get3A_2658] {strides = array<i32>} : memref<1600xf32, #tpu.memory_space<vmem>>, vector<16xf32>,
      %get3A_2660 = arith.constant 1536 : index
      %get3A_2661 = tpu.vector_load %arg25[%get3A_2660] {strides = array<i32>} : memref<1600xf32, #tpu.memory_space<vmem>>, vector<16xf32>,
      %get3A_2662 = arith.constant 1552 : index
      %get3A_2663 = tpu.vector_load %arg25[%get3A_2662] {strides = array<i32>} : memref<1600xf32, #tpu.memory_space<vmem>>, vector<16xf32>,
      %get3A_2664 = arith.constant 1568 : index
      %get3A_2665 = tpu.vector_load %arg25[%get3A_2664] {strides = array<i32>} : memref<1600xf32, #tpu.memory_space<vmem>>, vector<16xf32>,
      %get3A_2666 = arith.constant 1584 : index
      %get3A_2667 = tpu.vector_load %arg25[%get3A_2666] {strides = array<i32>} : memref<1600xf32, #tpu.memory_space<vmem>>, vector<16xf32>,
      %min3A_2668 = arith.minimumf %get3A_1579, %get3A_2663 : vector<16xf32>
      %max3A_2669 = arith.maximumf %get3A_1575, %get3A_2659 : vector<16xf32>
      %sub3A_2670 = arith.subf %min3A_2668, %max3A_2669 : vector<16xf32>
      %max3A_2671 = arith.constant 0.000000e+00 : f32
      %max3A_2672 = vector.broadcast %max3A_2671 : f32 to vector<16xf32>
      %max3A_2673 = arith.maximumf %sub3A_2670, %max3A_2672 : vector<16xf32>
      %min3A_2674 = arith.minimumf %get3A_1581, %get3A_2665 : vector<16xf32>
      %max3A_2675 = arith.maximumf %get3A_1577, %get3A_2661 : vector<16xf32>
      %sub3A_2676 = arith.subf %min3A_2674, %max3A_2675 : vector<16xf32>
      %max3A_2677 = arith.constant 0.000000e+00 : f32
      %max3A_2678 = vector.broadcast %max3A_2677 : f32 to vector<16xf32>
      %max3A_2679 = arith.maximumf %sub3A_2676, %max3A_2678 : vector<16xf32>
      %mul3A_2680 = arith.mulf %max3A_2673, %max3A_2679 : vector<16xf32>
      %jit3A_2681 = arith.constant -1.000000e+00 : f32
      %broadcast_in_dim3A_2682 = vector.broadcast %jit3A_2681 : f32 to vector<16xf32>
      %select_n3A_2683 = arith.select %ge3A_1589, %broadcast_in_dim3A_2682, %mul3A_2680 : vector<16xi1>, vector<16xf32>
      %add3A_2684 = arith.addf %get3A_2667, %mul3A_1584 : vector<16xf32>
      %sub3A_2685 = arith.subf %add3A_2684, %select_n3A_2683 : vector<16xf32>
      %mul3A_2686 = arith.mulf %select_n3A_2683, %select_n3A_2634 : vector<16xf32>
      %mul3A_2687 = arith.mulf %select_n3A_2633, %sub3A_2685 : vector<16xf32>
      %gt3A_2688 = arith.cmpf ogt, %mul3A_2686, %mul3A_2687 : vector<16xf32>
      %select_n3A_2689 = arith.select %gt3A_2688, %select_n3A_2683, %select_n3A_2633 : vector<16xi1>, vector<16xf32>
      %select_n3A_2690 = arith.select %gt3A_2688, %sub3A_2685, %select_n3A_2634 : vector<16xi1>, vector<16xf32>
      %jit3A_2691 = arith.constant 19 : i32
      %broadcast_in_dim3A_2692 = vector.broadcast %jit3A_2691 : i32 to vector<16xi32>
      %select_n3A_2693 = arith.select %gt3A_2688, %broadcast_in_dim3A_2692, %select_n3A_2637 : vector<16xi1>, vector<16xi32>
      %get3A_2694 = arith.constant 912 : index
      %get3A_2695 = tpu.vector_load %arg26[%get3A_2694] {strides = array<i32>} : memref<960xf32, #tpu.memory_space<vmem>>, vector<16xf32>,
      %get3A_2696 = arith.constant 928 : index
      %get3A_2697 = tpu.vector_load %arg26[%get3A_2696] {strides = array<i32>} : memref<960xf32, #tpu.memory_space<vmem>>, vector<16xf32>,
      %get3A_2698 = arith.constant 944 : index
      %get3A_2699 = tpu.vector_load %arg26[%get3A_2698] {strides = array<i32>} : memref<960xf32, #tpu.memory_space<vmem>>, vector<16xf32>,
      %bitcast_convert_type3A_2700 = tpu.bitcast %get3A_2699 : vector<16xf32> -> vector<16xi32>
      %mul3A_2701 = arith.mulf %select_n3A_2683, %get3A_2697 : vector<16xf32>
      %mul3A_2702 = arith.mulf %get3A_2695, %sub3A_2685 : vector<16xf32>
      %gt3A_2703 = arith.cmpf ogt, %mul3A_2701, %mul3A_2702 : vector<16xf32>
      %select_n3A_2704 = arith.select %gt3A_2703, %select_n3A_2683, %get3A_2695 : vector<16xi1>, vector<16xf32>
      %swap3A_2705 = arith.constant 912 : index
      %swap3A_2706 = tpu.vector_load %arg26[%swap3A_2705] {strides = array<i32>} : memref<960xf32, #tpu.memory_space<vmem>>, vector<16xf32>,
      tpu.vector_store %arg26[%swap3A_2705], %select_n3A_2704 {strides = array<i32>} : memref<960xf32, #tpu.memory_space<vmem>>, vector<16xf32>,
      %select_n3A_2707 = arith.select %gt3A_2703, %sub3A_2685, %get3A_2697 : vector<16xi1>, vector<16xf32>
      %swap3A_2708 = arith.constant 928 : index
      %swap3A_2709 = tpu.vector_load %arg26[%swap3A_2708] {strides = array<i32>} : memref<960xf32, #tpu.memory_space<vmem>>, vector<16xf32>,
      tpu.vector_store %arg26[%swap3A_2708], %select_n3A_2707 {strides = array<i32>} : memref<960xf32, #tpu.memory_space<vmem>>, vector<16xf32>,
      %select_n3A_2710 = arith.select %gt3A_2703, %add3A_1586, %bitcast_convert_type3A_2700 : vector<16xi1>, vector<16xi32>
      %bitcast_convert_type3A_2711 = tpu.bitcast %select_n3A_2710 : vector<16xi32> -> vector<16xf32>
      %swap3A_2712 = arith.constant 944 : index
      %swap3A_2713 = tpu.vector_load %arg26[%swap3A_2712] {strides = array<i32>} : memref<960xf32, #tpu.memory_space<vmem>>, vector<16xf32>,
      tpu.vector_store %arg26[%swap3A_2712], %bitcast_convert_type3A_2711 {strides = array<i32>} : memref<960xf32, #tpu.memory_space<vmem>>, vector<16xf32>,
      %swap3A_2714 = arith.index_cast %multiple_of3A_1573 : i32 to index
      %swap3A_2715 = tpu.vector_load %arg17[%swap3A_2714] {strides = array<i32>} : memref<8736xf32, #tpu.memory_space<vmem>>, vector<16xf32>,
      tpu.vector_store %arg17[%swap3A_2714], %select_n3A_2689 {strides = array<i32>} : memref<8736xf32, #tpu.memory_space<vmem>>, vector<16xf32>,
      %swap3A_2716 = arith.index_cast %multiple_of3A_1573 : i32 to index
      %swap3A_2717 = tpu.vector_load %arg18[%swap3A_2716] {strides = array<i32>} : memref<8736xf32, #tpu.memory_space<vmem>>, vector<16xf32>,
      tpu.vector_store %arg18[%swap3A_2716], %select_n3A_2690 {strides = array<i32>} : memref<8736xf32, #tpu.memory_space<vmem>>, vector<16xf32>,
      %swap3A_2718 = arith.index_cast %multiple_of3A_1573 : i32 to index
      %swap3A_2719 = tpu.vector_load %arg19[%swap3A_2718] {strides = array<i32>} : memref<8736xi32, #tpu.memory_space<vmem>>, vector<16xi32>,
      tpu.vector_store %arg19[%swap3A_2718], %select_n3A_2693 {strides = array<i32>} : memref<8736xi32, #tpu.memory_space<vmem>>, vector<16xi32>,
      %scan3A_2720 = arith.constant 0 : i32
      scf.yield %scan3A_2720 : i32
    }
    %scan3A_182 = arith.constant 546 : i32
    "tpu.trace_stop"() : () -> ()
    "tpu.trace_start"() <{level = 10 : i32, message = "sc_bp_force"}> : () -> ()
    %scan3A_183 = arith.constant 0 : i32
    %scan3A_184 = arith.constant 0 : i32
    %scan3A_185 = arith.constant 20 : i32
    %scan3A_186 = arith.addi %scan3A_184, %scan3A_185 : i32
    %scan3A_187 = arith.constant 1 : i32
    %scan3A_188 = scf.for %scan3A_1569 = %scan3A_184 to %scan3A_186 step %scan3A_187 iter_args(%scan3A_1570 = %scan3A_183) -> (i32)  : i32 {
      %mul3A_1571 = arith.constant 3 : i32
      %mul3A_1572 = arith.muli %scan3A_1569, %mul3A_1571 : i32
      %mul3A_1573 = arith.constant 16 : i32
      %mul3A_1574 = arith.muli %mul3A_1572, %mul3A_1573 : i32
      %multiple_of3A_1575 = tpu.assume_multiple %mul3A_1574, 16 : i32
      %get3A_1576 = arith.index_cast %multiple_of3A_1575 : i32 to index
      %get3A_1577 = tpu.vector_load %arg26[%get3A_1576] {strides = array<i32>} : memref<960xf32, #tpu.memory_space<vmem>>, vector<16xf32>,
      %add3A_1578 = arith.constant 16 : i32
      %add3A_1579 = arith.addi %multiple_of3A_1575, %add3A_1578 : i32
      %get3A_1580 = arith.index_cast %add3A_1579 : i32 to index
      %get3A_1581 = tpu.vector_load %arg26[%get3A_1580] {strides = array<i32>} : memref<960xf32, #tpu.memory_space<vmem>>, vector<16xf32>,
      %add3A_1582 = arith.constant 32 : i32
      %add3A_1583 = arith.addi %multiple_of3A_1575, %add3A_1582 : i32
      %get3A_1584 = arith.index_cast %add3A_1583 : i32 to index
      %get3A_1585 = tpu.vector_load %arg26[%get3A_1584] {strides = array<i32>} : memref<960xf32, #tpu.memory_space<vmem>>, vector<16xf32>,
      %bitcast_convert_type3A_1586 = tpu.bitcast %get3A_1585 : vector<16xf32> -> vector<16xi32>
      %div3A = arith.divf %get3A_1577, %get3A_1581 : vector<16xf32>
      %reduce_max3A_1587 = arith.constant true
      %reduce_max3A_1588 = vector.broadcast %reduce_max3A_1587 : i1 to vector<16xi1>
      %reduce_max3A_1589 = tpu.scan <max>, %div3A masked %reduce_max3A_1588 : vector<16xf32>, vector<16xi1> -> vector<16xf32>
      %reduce_max3A_1590 = vector.extract %reduce_max3A_1589[15] : f32 from vector<16xf32>
      %eq3A_1591 = vector.broadcast %reduce_max3A_1590 : f32 to vector<16xf32>
      %eq3A_1592 = arith.cmpf oeq, %div3A, %eq3A_1591 : vector<16xf32>
      %jit3A_1593 = arith.constant 8736 : i32
      %broadcast_in_dim3A_1594 = vector.broadcast %jit3A_1593 : i32 to vector<16xi32>
      %select_n3A_1595 = arith.select %eq3A_1592, %bitcast_convert_type3A_1586, %broadcast_in_dim3A_1594 : vector<16xi1>, vector<16xi32>
      %reduce_min3A = arith.constant true
      %reduce_min3A_1596 = vector.broadcast %reduce_min3A : i1 to vector<16xi1>
      %reduce_min3A_1597 = arith.constant -2147483648 : i32
      %reduce_min3A_1598 = vector.broadcast %reduce_min3A_1597 : i32 to vector<16xi32>
      %reduce_min3A_1599 = arith.xori %select_n3A_1595, %reduce_min3A_1598 : vector<16xi32>
      %reduce_min3A_1600 = tpu.scan <min>, %reduce_min3A_1599 masked %reduce_min3A_1596 : vector<16xi32>, vector<16xi1> -> vector<16xi32>
      %reduce_min3A_1601 = arith.xori %reduce_min3A_1600, %reduce_min3A_1598 : vector<16xi32>
      %reduce_min3A_1602 = vector.extract %reduce_min3A_1601[15] : i32 from vector<16xi32>
      %swap3A_1603 = arith.index_cast %scan3A_1569 : i32 to index
      %swap3A_1604 = memref.load %arg29[%swap3A_1603] : memref<32xi32, #tpu.memory_space<smem>>
      memref.store %reduce_min3A_1602, %arg29[%swap3A_1603] : memref<32xi32, #tpu.memory_space<smem>>
      %scan3A_1605 = arith.constant 0 : i32
      scf.yield %scan3A_1605 : i32
    }
    %scan3A_189 = arith.constant 20 : i32
    %scan3A_190 = arith.constant 0 : i32
    %scan3A_191 = arith.constant 0 : i32
    %scan3A_192 = arith.constant 20 : i32
    %scan3A_193 = arith.addi %scan3A_191, %scan3A_192 : i32
    %scan3A_194 = arith.constant 1 : i32
    %scan3A_195 = scf.for %scan3A_1569 = %scan3A_191 to %scan3A_193 step %scan3A_194 iter_args(%scan3A_1570 = %scan3A_190) -> (i32)  : i32 {
      %get3A_1571 = arith.index_cast %scan3A_1569 : i32 to index
      %get3A_1572 = memref.load %arg29[%get3A_1571] : memref<32xi32, #tpu.memory_space<smem>>
      %shift_right_arithmetic3A = arith.constant 4 : i32
      %shift_right_arithmetic3A_1573 = arith.shrsi %get3A_1572, %shift_right_arithmetic3A : i32
      %shift_left3A_1574 = arith.constant 4 : i32
      %shift_left3A_1575 = arith.shli %shift_right_arithmetic3A_1573, %shift_left3A_1574 : i32
      %multiple_of3A_1576 = tpu.assume_multiple %shift_left3A_1575, 16 : i32
      %and3A = arith.constant 15 : i32
      %and3A_1577 = arith.andi %get3A_1572, %and3A : i32
      %eq3A_1578 = vector.broadcast %and3A_1577 : i32 to vector<16xi32>
      %eq3A_1579 = arith.cmpi eq, %iota3A, %eq3A_1578 : vector<16xi32>
      %get3A_1580 = arith.index_cast %multiple_of3A_1576 : i32 to index
      %get3A_1581 = tpu.vector_load %arg17[%get3A_1580] {strides = array<i32>} : memref<8736xf32, #tpu.memory_space<vmem>>, vector<16xf32>,
      %jit3A_1582 = arith.constant 2.000000e+00 : f32
      %broadcast_in_dim3A_1583 = vector.broadcast %jit3A_1582 : f32 to vector<16xf32>
      %select_n3A_1584 = arith.select %eq3A_1579, %broadcast_in_dim3A_1583, %get3A_1581 : vector<16xi1>, vector<16xf32>
      %swap3A_1585 = arith.index_cast %multiple_of3A_1576 : i32 to index
      %swap3A_1586 = tpu.vector_load %arg17[%swap3A_1585] {strides = array<i32>} : memref<8736xf32, #tpu.memory_space<vmem>>, vector<16xf32>,
      tpu.vector_store %arg17[%swap3A_1585], %select_n3A_1584 {strides = array<i32>} : memref<8736xf32, #tpu.memory_space<vmem>>, vector<16xf32>,
      %get3A_1587 = arith.index_cast %multiple_of3A_1576 : i32 to index
      %get3A_1588 = tpu.vector_load %arg18[%get3A_1587] {strides = array<i32>} : memref<8736xf32, #tpu.memory_space<vmem>>, vector<16xf32>,
      %jit3A_1589 = arith.constant 1.000000e+00 : f32
      %broadcast_in_dim3A_1590 = vector.broadcast %jit3A_1589 : f32 to vector<16xf32>
      %select_n3A_1591 = arith.select %eq3A_1579, %broadcast_in_dim3A_1590, %get3A_1588 : vector<16xi1>, vector<16xf32>
      %swap3A_1592 = arith.index_cast %multiple_of3A_1576 : i32 to index
      %swap3A_1593 = tpu.vector_load %arg18[%swap3A_1592] {strides = array<i32>} : memref<8736xf32, #tpu.memory_space<vmem>>, vector<16xf32>,
      tpu.vector_store %arg18[%swap3A_1592], %select_n3A_1591 {strides = array<i32>} : memref<8736xf32, #tpu.memory_space<vmem>>, vector<16xf32>,
      %get3A_1594 = arith.index_cast %multiple_of3A_1576 : i32 to index
      %get3A_1595 = tpu.vector_load %arg19[%get3A_1594] {strides = array<i32>} : memref<8736xi32, #tpu.memory_space<vmem>>, vector<16xi32>,
      %broadcast_in_dim3A_1596 = vector.broadcast %scan3A_1569 : i32 to vector<16xi32>
      %select_n3A_1597 = arith.select %eq3A_1579, %broadcast_in_dim3A_1596, %get3A_1595 : vector<16xi1>, vector<16xi32>
      %swap3A_1598 = arith.index_cast %multiple_of3A_1576 : i32 to index
      %swap3A_1599 = tpu.vector_load %arg19[%swap3A_1598] {strides = array<i32>} : memref<8736xi32, #tpu.memory_space<vmem>>, vector<16xi32>,
      tpu.vector_store %arg19[%swap3A_1598], %select_n3A_1597 {strides = array<i32>} : memref<8736xi32, #tpu.memory_space<vmem>>, vector<16xi32>,
      %scan3A_1600 = arith.constant 0 : i32
      scf.yield %scan3A_1600 : i32
    }
    %scan3A_196 = arith.constant 20 : i32
    %broadcast_in_dim3A = arith.constant 0 : i32
    %broadcast_in_dim3A_197 = vector.broadcast %broadcast_in_dim3A : i32 to vector<16xi32>
    %swap3A = arith.constant 0 : index
    %swap3A_198 = tpu.vector_load %arg27[%swap3A] {strides = array<i32>} : memref<256xi32, #tpu.memory_space<vmem>>, vector<16xi32>,
    tpu.vector_store %arg27[%swap3A], %broadcast_in_dim3A_197 {strides = array<i32>} : memref<256xi32, #tpu.memory_space<vmem>>, vector<16xi32>,
    %broadcast_in_dim3A_199 = arith.constant 0 : i32
    %broadcast_in_dim3A_200 = vector.broadcast %broadcast_in_dim3A_199 : i32 to vector<16xi32>
    %swap3A_201 = arith.constant 16 : index
    %swap3A_202 = tpu.vector_load %arg27[%swap3A_201] {strides = array<i32>} : memref<256xi32, #tpu.memory_space<vmem>>, vector<16xi32>,
    tpu.vector_store %arg27[%swap3A_201], %broadcast_in_dim3A_200 {strides = array<i32>} : memref<256xi32, #tpu.memory_space<vmem>>, vector<16xi32>,
    %broadcast_in_dim3A_203 = arith.constant 0 : i32
    %broadcast_in_dim3A_204 = vector.broadcast %broadcast_in_dim3A_203 : i32 to vector<16xi32>
    %swap3A_205 = arith.constant 32 : index
    %swap3A_206 = tpu.vector_load %arg27[%swap3A_205] {strides = array<i32>} : memref<256xi32, #tpu.memory_space<vmem>>, vector<16xi32>,
    tpu.vector_store %arg27[%swap3A_205], %broadcast_in_dim3A_204 {strides = array<i32>} : memref<256xi32, #tpu.memory_space<vmem>>, vector<16xi32>,
    %broadcast_in_dim3A_207 = arith.constant 0 : i32
    %broadcast_in_dim3A_208 = vector.broadcast %broadcast_in_dim3A_207 : i32 to vector<16xi32>
    %swap3A_209 = arith.constant 48 : index
    %swap3A_210 = tpu.vector_load %arg27[%swap3A_209] {strides = array<i32>} : memref<256xi32, #tpu.memory_space<vmem>>, vector<16xi32>,
    tpu.vector_store %arg27[%swap3A_209], %broadcast_in_dim3A_208 {strides = array<i32>} : memref<256xi32, #tpu.memory_space<vmem>>, vector<16xi32>,
    %broadcast_in_dim3A_211 = arith.constant 0 : i32
    %broadcast_in_dim3A_212 = vector.broadcast %broadcast_in_dim3A_211 : i32 to vector<16xi32>
    %swap3A_213 = arith.constant 64 : index
    %swap3A_214 = tpu.vector_load %arg27[%swap3A_213] {strides = array<i32>} : memref<256xi32, #tpu.memory_space<vmem>>, vector<16xi32>,
    tpu.vector_store %arg27[%swap3A_213], %broadcast_in_dim3A_212 {strides = array<i32>} : memref<256xi32, #tpu.memory_space<vmem>>, vector<16xi32>,
    %broadcast_in_dim3A_215 = arith.constant 0 : i32
    %broadcast_in_dim3A_216 = vector.broadcast %broadcast_in_dim3A_215 : i32 to vector<16xi32>
    %swap3A_217 = arith.constant 80 : index
    %swap3A_218 = tpu.vector_load %arg27[%swap3A_217] {strides = array<i32>} : memref<256xi32, #tpu.memory_space<vmem>>, vector<16xi32>,
    tpu.vector_store %arg27[%swap3A_217], %broadcast_in_dim3A_216 {strides = array<i32>} : memref<256xi32, #tpu.memory_space<vmem>>, vector<16xi32>,
    %broadcast_in_dim3A_219 = arith.constant 0 : i32
    %broadcast_in_dim3A_220 = vector.broadcast %broadcast_in_dim3A_219 : i32 to vector<16xi32>
    %swap3A_221 = arith.constant 96 : index
    %swap3A_222 = tpu.vector_load %arg27[%swap3A_221] {strides = array<i32>} : memref<256xi32, #tpu.memory_space<vmem>>, vector<16xi32>,
    tpu.vector_store %arg27[%swap3A_221], %broadcast_in_dim3A_220 {strides = array<i32>} : memref<256xi32, #tpu.memory_space<vmem>>, vector<16xi32>,
    %broadcast_in_dim3A_223 = arith.constant 0 : i32
    %broadcast_in_dim3A_224 = vector.broadcast %broadcast_in_dim3A_223 : i32 to vector<16xi32>
    %swap3A_225 = arith.constant 112 : index
    %swap3A_226 = tpu.vector_load %arg27[%swap3A_225] {strides = array<i32>} : memref<256xi32, #tpu.memory_space<vmem>>, vector<16xi32>,
    tpu.vector_store %arg27[%swap3A_225], %broadcast_in_dim3A_224 {strides = array<i32>} : memref<256xi32, #tpu.memory_space<vmem>>, vector<16xi32>,
    %broadcast_in_dim3A_227 = arith.constant 0 : i32
    %broadcast_in_dim3A_228 = vector.broadcast %broadcast_in_dim3A_227 : i32 to vector<16xi32>
    %swap3A_229 = arith.constant 128 : index
    %swap3A_230 = tpu.vector_load %arg27[%swap3A_229] {strides = array<i32>} : memref<256xi32, #tpu.memory_space<vmem>>, vector<16xi32>,
    tpu.vector_store %arg27[%swap3A_229], %broadcast_in_dim3A_228 {strides = array<i32>} : memref<256xi32, #tpu.memory_space<vmem>>, vector<16xi32>,
    %broadcast_in_dim3A_231 = arith.constant 0 : i32
    %broadcast_in_dim3A_232 = vector.broadcast %broadcast_in_dim3A_231 : i32 to vector<16xi32>
    %swap3A_233 = arith.constant 144 : index
    %swap3A_234 = tpu.vector_load %arg27[%swap3A_233] {strides = array<i32>} : memref<256xi32, #tpu.memory_space<vmem>>, vector<16xi32>,
    tpu.vector_store %arg27[%swap3A_233], %broadcast_in_dim3A_232 {strides = array<i32>} : memref<256xi32, #tpu.memory_space<vmem>>, vector<16xi32>,
    %broadcast_in_dim3A_235 = arith.constant 0 : i32
    %broadcast_in_dim3A_236 = vector.broadcast %broadcast_in_dim3A_235 : i32 to vector<16xi32>
    %swap3A_237 = arith.constant 160 : index
    %swap3A_238 = tpu.vector_load %arg27[%swap3A_237] {strides = array<i32>} : memref<256xi32, #tpu.memory_space<vmem>>, vector<16xi32>,
    tpu.vector_store %arg27[%swap3A_237], %broadcast_in_dim3A_236 {strides = array<i32>} : memref<256xi32, #tpu.memory_space<vmem>>, vector<16xi32>,
    %broadcast_in_dim3A_239 = arith.constant 0 : i32
    %broadcast_in_dim3A_240 = vector.broadcast %broadcast_in_dim3A_239 : i32 to vector<16xi32>
    %swap3A_241 = arith.constant 176 : index
    %swap3A_242 = tpu.vector_load %arg27[%swap3A_241] {strides = array<i32>} : memref<256xi32, #tpu.memory_space<vmem>>, vector<16xi32>,
    tpu.vector_store %arg27[%swap3A_241], %broadcast_in_dim3A_240 {strides = array<i32>} : memref<256xi32, #tpu.memory_space<vmem>>, vector<16xi32>,
    %broadcast_in_dim3A_243 = arith.constant 0 : i32
    %broadcast_in_dim3A_244 = vector.broadcast %broadcast_in_dim3A_243 : i32 to vector<16xi32>
    %swap3A_245 = arith.constant 192 : index
    %swap3A_246 = tpu.vector_load %arg27[%swap3A_245] {strides = array<i32>} : memref<256xi32, #tpu.memory_space<vmem>>, vector<16xi32>,
    tpu.vector_store %arg27[%swap3A_245], %broadcast_in_dim3A_244 {strides = array<i32>} : memref<256xi32, #tpu.memory_space<vmem>>, vector<16xi32>,
    %broadcast_in_dim3A_247 = arith.constant 0 : i32
    %broadcast_in_dim3A_248 = vector.broadcast %broadcast_in_dim3A_247 : i32 to vector<16xi32>
    %swap3A_249 = arith.constant 208 : index
    %swap3A_250 = tpu.vector_load %arg27[%swap3A_249] {strides = array<i32>} : memref<256xi32, #tpu.memory_space<vmem>>, vector<16xi32>,
    tpu.vector_store %arg27[%swap3A_249], %broadcast_in_dim3A_248 {strides = array<i32>} : memref<256xi32, #tpu.memory_space<vmem>>, vector<16xi32>,
    %broadcast_in_dim3A_251 = arith.constant 0 : i32
    %broadcast_in_dim3A_252 = vector.broadcast %broadcast_in_dim3A_251 : i32 to vector<16xi32>
    %swap3A_253 = arith.constant 224 : index
    %swap3A_254 = tpu.vector_load %arg27[%swap3A_253] {strides = array<i32>} : memref<256xi32, #tpu.memory_space<vmem>>, vector<16xi32>,
    tpu.vector_store %arg27[%swap3A_253], %broadcast_in_dim3A_252 {strides = array<i32>} : memref<256xi32, #tpu.memory_space<vmem>>, vector<16xi32>,
    %broadcast_in_dim3A_255 = arith.constant 0 : i32
    %broadcast_in_dim3A_256 = vector.broadcast %broadcast_in_dim3A_255 : i32 to vector<16xi32>
    %swap3A_257 = arith.constant 240 : index
    %swap3A_258 = tpu.vector_load %arg27[%swap3A_257] {strides = array<i32>} : memref<256xi32, #tpu.memory_space<vmem>>, vector<16xi32>,
    tpu.vector_store %arg27[%swap3A_257], %broadcast_in_dim3A_256 {strides = array<i32>} : memref<256xi32, #tpu.memory_space<vmem>>, vector<16xi32>,
    %broadcast_in_dim3A_259 = arith.constant 1 : i32
    "tpu.trace_stop"() : () -> ()
    %broadcast_in_dim3A_260 = vector.broadcast %broadcast_in_dim3A_259 : i32 to vector<16xi32>
    "tpu.trace_start"() <{level = 10 : i32, message = "sc_wait_lc"}> : () -> ()
    %dma_wait3A_261 = arith.constant 0 : i32
    %dma_wait3A_262 = tpu.memref_slice %arg2[%add3A_6, %dma_wait3A_261] : memref<128x8736xf32, #tpu.memory_space<hbm>> -> memref<1x8736xf32, #tpu.memory_space<hbm>>
    %dma_wait3A_263 = tpu.memref_squeeze %dma_wait3A_262 : memref<1x8736xf32, #tpu.memory_space<hbm>> -> memref<8736xf32, #tpu.memory_space<hbm>>
    %dma_wait3A_264 = arith.constant 0 : i32
    %dma_wait3A_265 = tpu.memref_slice %arg2[%add3A_6, %dma_wait3A_264] : memref<128x8736xf32, #tpu.memory_space<hbm>> -> memref<1x8736xf32, #tpu.memory_space<hbm>>
    %dma_wait3A_266 = tpu.memref_squeeze %dma_wait3A_265 : memref<1x8736xf32, #tpu.memory_space<hbm>> -> memref<8736xf32, #tpu.memory_space<hbm>>
    tpu.wait_dma2 semaphore(%arg30 : memref<!tpu.dma_semaphore, #tpu.memory_space<semaphore_mem>>) src(%dma_wait3A_266 : memref<8736xf32, #tpu.memory_space<hbm>>) dst(%arg11 : memref<8736xf32, #tpu.memory_space<vmem>>)
    %dma_wait3A_267 = arith.constant 0 : i32
    %dma_wait3A_268 = tpu.memref_slice %arg2[%add3A_8, %dma_wait3A_267] : memref<128x8736xf32, #tpu.memory_space<hbm>> -> memref<1x8736xf32, #tpu.memory_space<hbm>>
    %dma_wait3A_269 = tpu.memref_squeeze %dma_wait3A_268 : memref<1x8736xf32, #tpu.memory_space<hbm>> -> memref<8736xf32, #tpu.memory_space<hbm>>
    %dma_wait3A_270 = arith.constant 0 : i32
    %dma_wait3A_271 = tpu.memref_slice %arg2[%add3A_8, %dma_wait3A_270] : memref<128x8736xf32, #tpu.memory_space<hbm>> -> memref<1x8736xf32, #tpu.memory_space<hbm>>
    %dma_wait3A_272 = tpu.memref_squeeze %dma_wait3A_271 : memref<1x8736xf32, #tpu.memory_space<hbm>> -> memref<8736xf32, #tpu.memory_space<hbm>>
    tpu.wait_dma2 semaphore(%arg30 : memref<!tpu.dma_semaphore, #tpu.memory_space<semaphore_mem>>) src(%dma_wait3A_272 : memref<8736xf32, #tpu.memory_space<hbm>>) dst(%arg12 : memref<8736xf32, #tpu.memory_space<vmem>>)
    %dma_wait3A_273 = arith.constant 0 : i32
    %dma_wait3A_274 = tpu.memref_slice %arg2[%add3A_10, %dma_wait3A_273] : memref<128x8736xf32, #tpu.memory_space<hbm>> -> memref<1x8736xf32, #tpu.memory_space<hbm>>
    %dma_wait3A_275 = tpu.memref_squeeze %dma_wait3A_274 : memref<1x8736xf32, #tpu.memory_space<hbm>> -> memref<8736xf32, #tpu.memory_space<hbm>>
    %dma_wait3A_276 = arith.constant 0 : i32
    %dma_wait3A_277 = tpu.memref_slice %arg2[%add3A_10, %dma_wait3A_276] : memref<128x8736xf32, #tpu.memory_space<hbm>> -> memref<1x8736xf32, #tpu.memory_space<hbm>>
    %dma_wait3A_278 = tpu.memref_squeeze %dma_wait3A_277 : memref<1x8736xf32, #tpu.memory_space<hbm>> -> memref<8736xf32, #tpu.memory_space<hbm>>
    tpu.wait_dma2 semaphore(%arg30 : memref<!tpu.dma_semaphore, #tpu.memory_space<semaphore_mem>>) src(%dma_wait3A_278 : memref<8736xf32, #tpu.memory_space<hbm>>) dst(%arg13 : memref<8736xf32, #tpu.memory_space<vmem>>)
    %dma_wait3A_279 = arith.constant 0 : i32
    %dma_wait3A_280 = tpu.memref_slice %arg2[%add3A_12, %dma_wait3A_279] : memref<128x8736xf32, #tpu.memory_space<hbm>> -> memref<1x8736xf32, #tpu.memory_space<hbm>>
    %dma_wait3A_281 = tpu.memref_squeeze %dma_wait3A_280 : memref<1x8736xf32, #tpu.memory_space<hbm>> -> memref<8736xf32, #tpu.memory_space<hbm>>
    %dma_wait3A_282 = arith.constant 0 : i32
    %dma_wait3A_283 = tpu.memref_slice %arg2[%add3A_12, %dma_wait3A_282] : memref<128x8736xf32, #tpu.memory_space<hbm>> -> memref<1x8736xf32, #tpu.memory_space<hbm>>
    %dma_wait3A_284 = tpu.memref_squeeze %dma_wait3A_283 : memref<1x8736xf32, #tpu.memory_space<hbm>> -> memref<8736xf32, #tpu.memory_space<hbm>>
    tpu.wait_dma2 semaphore(%arg30 : memref<!tpu.dma_semaphore, #tpu.memory_space<semaphore_mem>>) src(%dma_wait3A_284 : memref<8736xf32, #tpu.memory_space<hbm>>) dst(%arg14 : memref<8736xf32, #tpu.memory_space<vmem>>)
    %dma_wait3A_285 = arith.constant 0 : i32
    %dma_wait3A_286 = tpu.memref_slice %arg3[%add3A_14, %dma_wait3A_285] : memref<64x8736xf32, #tpu.memory_space<hbm>> -> memref<1x8736xf32, #tpu.memory_space<hbm>>
    %dma_wait3A_287 = tpu.memref_squeeze %dma_wait3A_286 : memref<1x8736xf32, #tpu.memory_space<hbm>> -> memref<8736xf32, #tpu.memory_space<hbm>>
    %dma_wait3A_288 = arith.constant 0 : i32
    %dma_wait3A_289 = tpu.memref_slice %arg3[%add3A_14, %dma_wait3A_288] : memref<64x8736xf32, #tpu.memory_space<hbm>> -> memref<1x8736xf32, #tpu.memory_space<hbm>>
    %dma_wait3A_290 = tpu.memref_squeeze %dma_wait3A_289 : memref<1x8736xf32, #tpu.memory_space<hbm>> -> memref<8736xf32, #tpu.memory_space<hbm>>
    tpu.wait_dma2 semaphore(%arg30 : memref<!tpu.dma_semaphore, #tpu.memory_space<semaphore_mem>>) src(%dma_wait3A_290 : memref<8736xf32, #tpu.memory_space<hbm>>) dst(%arg15 : memref<8736xf32, #tpu.memory_space<vmem>>)
    %dma_wait3A_291 = arith.constant 0 : i32
    %dma_wait3A_292 = tpu.memref_slice %arg3[%add3A_16, %dma_wait3A_291] : memref<64x8736xf32, #tpu.memory_space<hbm>> -> memref<1x8736xf32, #tpu.memory_space<hbm>>
    %dma_wait3A_293 = tpu.memref_squeeze %dma_wait3A_292 : memref<1x8736xf32, #tpu.memory_space<hbm>> -> memref<8736xf32, #tpu.memory_space<hbm>>
    %dma_wait3A_294 = arith.constant 0 : i32
    %dma_wait3A_295 = tpu.memref_slice %arg3[%add3A_16, %dma_wait3A_294] : memref<64x8736xf32, #tpu.memory_space<hbm>> -> memref<1x8736xf32, #tpu.memory_space<hbm>>
    %dma_wait3A_296 = tpu.memref_squeeze %dma_wait3A_295 : memref<1x8736xf32, #tpu.memory_space<hbm>> -> memref<8736xf32, #tpu.memory_space<hbm>>
    tpu.wait_dma2 semaphore(%arg30 : memref<!tpu.dma_semaphore, #tpu.memory_space<semaphore_mem>>) src(%dma_wait3A_296 : memref<8736xf32, #tpu.memory_space<hbm>>) dst(%arg16 : memref<8736xf32, #tpu.memory_space<vmem>>)
    %broadcast_in_dim3A_297 = arith.constant 0.000000e+00 : f32
    "tpu.trace_stop"() : () -> ()
    "tpu.trace_start"() <{level = 10 : i32, message = "sc_passC"}> : () -> ()
    %broadcast_in_dim3A_298 = vector.broadcast %broadcast_in_dim3A_297 : f32 to vector<16xf32>
    %broadcast_in_dim3A_299 = arith.constant 0.000000e+00 : f32
    %broadcast_in_dim3A_300 = vector.broadcast %broadcast_in_dim3A_299 : f32 to vector<16xf32>
    %broadcast_in_dim3A_301 = arith.constant 0 : i32
    %broadcast_in_dim3A_302 = vector.broadcast %broadcast_in_dim3A_301 : i32 to vector<16xi32>
    %scan3A_303 = arith.constant 0 : i32
    %scan3A_304 = arith.constant 546 : i32
    %scan3A_305 = arith.addi %scan3A_303, %scan3A_304 : i32
    %scan3A_306 = arith.constant 1 : i32
    %scan3A_307:3 = scf.for %scan3A_1569 = %scan3A_303 to %scan3A_305 step %scan3A_306 iter_args(%scan3A_1570 = %broadcast_in_dim3A_298, %scan3A_1571 = %broadcast_in_dim3A_300, %scan3A_1572 = %broadcast_in_dim3A_302) -> (vector<16xf32>, vector<16xf32>, vector<16xi32>)  : i32 {
      %mul3A_1573 = arith.constant 16 : i32
      %mul3A_1574 = arith.muli %scan3A_1569, %mul3A_1573 : i32
      %multiple_of3A_1575 = tpu.assume_multiple %mul3A_1574, 16 : i32
      %get3A_1576 = arith.index_cast %multiple_of3A_1575 : i32 to index
      %get3A_1577 = tpu.vector_load %arg17[%get3A_1576] {strides = array<i32>} : memref<8736xf32, #tpu.memory_space<vmem>>, vector<16xf32>,
      %mul3A_1578 = arith.constant 2.000000e+00 : f32
      %mul3A_1579 = vector.broadcast %mul3A_1578 : f32 to vector<16xf32>
      %mul3A_1580 = arith.mulf %mul3A_1579, %get3A_1577 : vector<16xf32>
      %get3A_1581 = arith.index_cast %multiple_of3A_1575 : i32 to index
      %get3A_1582 = tpu.vector_load %arg18[%get3A_1581] {strides = array<i32>} : memref<8736xf32, #tpu.memory_space<vmem>>, vector<16xf32>,
      %ge3A_1583 = arith.cmpf oge, %mul3A_1580, %get3A_1582 : vector<16xf32>
      %get3A_1584 = arith.index_cast %multiple_of3A_1575 : i32 to index
      %get3A_1585 = tpu.vector_load %arg19[%get3A_1584] {strides = array<i32>} : memref<8736xi32, #tpu.memory_space<vmem>>, vector<16xi32>,
      %gather3A = tpu.vector_load_idx %arg21[%get3A_1585] : memref<32xf32, #tpu.memory_space<vmem>>[vector<16xi32>], vector<16xf32>,
      %gather3A_1586 = tpu.vector_load_idx %arg22[%get3A_1585] : memref<32xf32, #tpu.memory_space<vmem>>[vector<16xi32>], vector<16xf32>,
      %gather3A_1587 = tpu.vector_load_idx %arg23[%get3A_1585] : memref<32xf32, #tpu.memory_space<vmem>>[vector<16xi32>], vector<16xf32>,
      %gather3A_1588 = tpu.vector_load_idx %arg24[%get3A_1585] : memref<32xf32, #tpu.memory_space<vmem>>[vector<16xi32>], vector<16xf32>,
      %get3A_1589 = arith.index_cast %multiple_of3A_1575 : i32 to index
      %get3A_1590 = tpu.vector_load %arg7[%get3A_1589] {strides = array<i32>} : memref<8736xf32, #tpu.memory_space<vmem>>, vector<16xf32>,
      %get3A_1591 = arith.index_cast %multiple_of3A_1575 : i32 to index
      %get3A_1592 = tpu.vector_load %arg8[%get3A_1591] {strides = array<i32>} : memref<8736xf32, #tpu.memory_space<vmem>>, vector<16xf32>,
      %get3A_1593 = arith.index_cast %multiple_of3A_1575 : i32 to index
      %get3A_1594 = tpu.vector_load %arg9[%get3A_1593] {strides = array<i32>} : memref<8736xf32, #tpu.memory_space<vmem>>, vector<16xf32>,
      %get3A_1595 = arith.index_cast %multiple_of3A_1575 : i32 to index
      %get3A_1596 = tpu.vector_load %arg10[%get3A_1595] {strides = array<i32>} : memref<8736xf32, #tpu.memory_space<vmem>>, vector<16xf32>,
      %add3A_1597 = arith.addf %get3A_1590, %get3A_1594 : vector<16xf32>
      %mul3A_1598 = arith.constant 5.000000e-01 : f32
      %mul3A_1599 = vector.broadcast %mul3A_1598 : f32 to vector<16xf32>
      %mul3A_1600 = arith.mulf %add3A_1597, %mul3A_1599 : vector<16xf32>
      %add3A_1601 = arith.addf %get3A_1592, %get3A_1596 : vector<16xf32>
      %mul3A_1602 = arith.constant 5.000000e-01 : f32
      %mul3A_1603 = vector.broadcast %mul3A_1602 : f32 to vector<16xf32>
      %mul3A_1604 = arith.mulf %add3A_1601, %mul3A_1603 : vector<16xf32>
      %sub3A_1605 = arith.subf %get3A_1594, %get3A_1590 : vector<16xf32>
      %sub3A_1606 = arith.subf %get3A_1596, %get3A_1592 : vector<16xf32>
      %add3A_1607 = arith.addf %gather3A, %gather3A_1587 : vector<16xf32>
      %mul3A_1608 = arith.constant 5.000000e-01 : f32
      %mul3A_1609 = vector.broadcast %mul3A_1608 : f32 to vector<16xf32>
      %mul3A_1610 = arith.mulf %add3A_1607, %mul3A_1609 : vector<16xf32>
      %sub3A_1611 = arith.subf %mul3A_1610, %mul3A_1600 : vector<16xf32>
      %mul3A_1612 = arith.constant 1.000000e-01 : f32
      %mul3A_1613 = vector.broadcast %mul3A_1612 : f32 to vector<16xf32>
      %mul3A_1614 = arith.mulf %mul3A_1613, %sub3A_1605 : vector<16xf32>
      %div3A = arith.divf %sub3A_1611, %mul3A_1614 : vector<16xf32>
      %add3A_1615 = arith.addf %gather3A_1586, %gather3A_1588 : vector<16xf32>
      %mul3A_1616 = arith.constant 5.000000e-01 : f32
      %mul3A_1617 = vector.broadcast %mul3A_1616 : f32 to vector<16xf32>
      %mul3A_1618 = arith.mulf %add3A_1615, %mul3A_1617 : vector<16xf32>
      %sub3A_1619 = arith.subf %mul3A_1618, %mul3A_1604 : vector<16xf32>
      %mul3A_1620 = arith.constant 1.000000e-01 : f32
      %mul3A_1621 = vector.broadcast %mul3A_1620 : f32 to vector<16xf32>
      %mul3A_1622 = arith.mulf %mul3A_1621, %sub3A_1606 : vector<16xf32>
      %div3A_1623 = arith.divf %sub3A_1619, %mul3A_1622 : vector<16xf32>
      %sub3A_1624 = arith.subf %gather3A_1587, %gather3A : vector<16xf32>
      %div3A_1625 = arith.divf %sub3A_1624, %sub3A_1605 : vector<16xf32>
      %bitcast_convert_type3A_1626 = tpu.bitcast %div3A_1625 : vector<16xf32> -> vector<16xi32>
      %shift_right_arithmetic3A = arith.constant 23 : i32
      %shift_right_arithmetic3A_1627 = vector.broadcast %shift_right_arithmetic3A : i32 to vector<16xi32>
      %shift_right_arithmetic3A_1628 = arith.shrsi %bitcast_convert_type3A_1626, %shift_right_arithmetic3A_1627 : vector<16xi32>
      %sub3A_1629 = arith.constant 127 : i32
      %sub3A_1630 = vector.broadcast %sub3A_1629 : i32 to vector<16xi32>
      %sub3A_1631 = arith.subi %shift_right_arithmetic3A_1628, %sub3A_1630 : vector<16xi32>
      %and3A = arith.constant 8388607 : i32
      %and3A_1632 = vector.broadcast %and3A : i32 to vector<16xi32>
      %and3A_1633 = arith.andi %bitcast_convert_type3A_1626, %and3A_1632 : vector<16xi32>
      %or3A_1634 = arith.constant 1065353216 : i32
      %or3A_1635 = vector.broadcast %or3A_1634 : i32 to vector<16xi32>
      %or3A_1636 = arith.ori %and3A_1633, %or3A_1635 : vector<16xi32>
      %bitcast_convert_type3A_1637 = tpu.bitcast %or3A_1636 : vector<16xi32> -> vector<16xf32>
      %gt3A = arith.constant 1.41421354 : f32
      %gt3A_1638 = vector.broadcast %gt3A : f32 to vector<16xf32>
      %gt3A_1639 = arith.cmpf ogt, %bitcast_convert_type3A_1637, %gt3A_1638 : vector<16xf32>
      %mul3A_1640 = arith.constant 5.000000e-01 : f32
      %mul3A_1641 = vector.broadcast %mul3A_1640 : f32 to vector<16xf32>
      %mul3A_1642 = arith.mulf %bitcast_convert_type3A_1637, %mul3A_1641 : vector<16xf32>
      %select_n3A_1643 = arith.select %gt3A_1639, %mul3A_1642, %bitcast_convert_type3A_1637 : vector<16xi1>, vector<16xf32>
      %add3A_1644 = arith.constant 1 : i32
      %add3A_1645 = vector.broadcast %add3A_1644 : i32 to vector<16xi32>
      %add3A_1646 = arith.addi %sub3A_1631, %add3A_1645 : vector<16xi32>
      %select_n3A_1647 = arith.select %gt3A_1639, %add3A_1646, %sub3A_1631 : vector<16xi1>, vector<16xi32>
      %sub3A_1648 = arith.constant 1.000000e+00 : f32
      %sub3A_1649 = vector.broadcast %sub3A_1648 : f32 to vector<16xf32>
      %sub3A_1650 = arith.subf %select_n3A_1643, %sub3A_1649 : vector<16xf32>
      %mul3A_1651 = arith.constant -0.100070797 : f32
      %mul3A_1652 = vector.broadcast %mul3A_1651 : f32 to vector<16xf32>
      %mul3A_1653 = arith.mulf %mul3A_1652, %sub3A_1650 : vector<16xf32>
      %add3A_1654 = arith.constant 0.160338327 : f32
      %add3A_1655 = vector.broadcast %add3A_1654 : f32 to vector<16xf32>
      %add3A_1656 = arith.addf %mul3A_1653, %add3A_1655 : vector<16xf32>
      %mul3A_1657 = arith.mulf %add3A_1656, %sub3A_1650 : vector<16xf32>
      %add3A_1658 = arith.constant -0.172085017 : f32
      %add3A_1659 = vector.broadcast %add3A_1658 : f32 to vector<16xf32>
      %add3A_1660 = arith.addf %mul3A_1657, %add3A_1659 : vector<16xf32>
      %mul3A_1661 = arith.mulf %add3A_1660, %sub3A_1650 : vector<16xf32>
      %add3A_1662 = arith.constant 0.199207097 : f32
      %add3A_1663 = vector.broadcast %add3A_1662 : f32 to vector<16xf32>
      %add3A_1664 = arith.addf %mul3A_1661, %add3A_1663 : vector<16xf32>
      %mul3A_1665 = arith.mulf %add3A_1664, %sub3A_1650 : vector<16xf32>
      %add3A_1666 = arith.constant -2.497470e-01 : f32
      %add3A_1667 = vector.broadcast %add3A_1666 : f32 to vector<16xf32>
      %add3A_1668 = arith.addf %mul3A_1665, %add3A_1667 : vector<16xf32>
      %mul3A_1669 = arith.mulf %add3A_1668, %sub3A_1650 : vector<16xf32>
      %add3A_1670 = arith.constant 0.333344907 : f32
      %add3A_1671 = vector.broadcast %add3A_1670 : f32 to vector<16xf32>
      %add3A_1672 = arith.addf %mul3A_1669, %add3A_1671 : vector<16xf32>
      %mul3A_1673 = arith.mulf %add3A_1672, %sub3A_1650 : vector<16xf32>
      %add3A_1674 = arith.constant -0.500002742 : f32
      %add3A_1675 = vector.broadcast %add3A_1674 : f32 to vector<16xf32>
      %add3A_1676 = arith.addf %mul3A_1673, %add3A_1675 : vector<16xf32>
      %mul3A_1677 = arith.mulf %add3A_1676, %sub3A_1650 : vector<16xf32>
      %add3A_1678 = arith.constant 0.99999994 : f32
      %add3A_1679 = vector.broadcast %add3A_1678 : f32 to vector<16xf32>
      %add3A_1680 = arith.addf %mul3A_1677, %add3A_1679 : vector<16xf32>
      %convert_element_type3A_1681 = arith.sitofp %select_n3A_1647 : vector<16xi32> to vector<16xf32>
      %mul3A_1682 = arith.constant 0.693147182 : f32
      %mul3A_1683 = vector.broadcast %mul3A_1682 : f32 to vector<16xf32>
      %mul3A_1684 = arith.mulf %convert_element_type3A_1681, %mul3A_1683 : vector<16xf32>
      %mul3A_1685 = arith.mulf %add3A_1680, %sub3A_1650 : vector<16xf32>
      %add3A_1686 = arith.addf %mul3A_1684, %mul3A_1685 : vector<16xf32>
      %mul3A_1687 = arith.constant 5.000000e+00 : f32
      %mul3A_1688 = vector.broadcast %mul3A_1687 : f32 to vector<16xf32>
      %mul3A_1689 = arith.mulf %add3A_1686, %mul3A_1688 : vector<16xf32>
      %sub3A_1690 = arith.subf %gather3A_1588, %gather3A_1586 : vector<16xf32>
      %div3A_1691 = arith.divf %sub3A_1690, %sub3A_1606 : vector<16xf32>
      %bitcast_convert_type3A_1692 = tpu.bitcast %div3A_1691 : vector<16xf32> -> vector<16xi32>
      %shift_right_arithmetic3A_1693 = arith.constant 23 : i32
      %shift_right_arithmetic3A_1694 = vector.broadcast %shift_right_arithmetic3A_1693 : i32 to vector<16xi32>
      %shift_right_arithmetic3A_1695 = arith.shrsi %bitcast_convert_type3A_1692, %shift_right_arithmetic3A_1694 : vector<16xi32>
      %sub3A_1696 = arith.constant 127 : i32
      %sub3A_1697 = vector.broadcast %sub3A_1696 : i32 to vector<16xi32>
      %sub3A_1698 = arith.subi %shift_right_arithmetic3A_1695, %sub3A_1697 : vector<16xi32>
      %and3A_1699 = arith.constant 8388607 : i32
      %and3A_1700 = vector.broadcast %and3A_1699 : i32 to vector<16xi32>
      %and3A_1701 = arith.andi %bitcast_convert_type3A_1692, %and3A_1700 : vector<16xi32>
      %or3A_1702 = arith.constant 1065353216 : i32
      %or3A_1703 = vector.broadcast %or3A_1702 : i32 to vector<16xi32>
      %or3A_1704 = arith.ori %and3A_1701, %or3A_1703 : vector<16xi32>
      %bitcast_convert_type3A_1705 = tpu.bitcast %or3A_1704 : vector<16xi32> -> vector<16xf32>
      %gt3A_1706 = arith.constant 1.41421354 : f32
      %gt3A_1707 = vector.broadcast %gt3A_1706 : f32 to vector<16xf32>
      %gt3A_1708 = arith.cmpf ogt, %bitcast_convert_type3A_1705, %gt3A_1707 : vector<16xf32>
      %mul3A_1709 = arith.constant 5.000000e-01 : f32
      %mul3A_1710 = vector.broadcast %mul3A_1709 : f32 to vector<16xf32>
      %mul3A_1711 = arith.mulf %bitcast_convert_type3A_1705, %mul3A_1710 : vector<16xf32>
      %select_n3A_1712 = arith.select %gt3A_1708, %mul3A_1711, %bitcast_convert_type3A_1705 : vector<16xi1>, vector<16xf32>
      %add3A_1713 = arith.constant 1 : i32
      %add3A_1714 = vector.broadcast %add3A_1713 : i32 to vector<16xi32>
      %add3A_1715 = arith.addi %sub3A_1698, %add3A_1714 : vector<16xi32>
      %select_n3A_1716 = arith.select %gt3A_1708, %add3A_1715, %sub3A_1698 : vector<16xi1>, vector<16xi32>
      %sub3A_1717 = arith.constant 1.000000e+00 : f32
      %sub3A_1718 = vector.broadcast %sub3A_1717 : f32 to vector<16xf32>
      %sub3A_1719 = arith.subf %select_n3A_1712, %sub3A_1718 : vector<16xf32>
      %mul3A_1720 = arith.constant -0.100070797 : f32
      %mul3A_1721 = vector.broadcast %mul3A_1720 : f32 to vector<16xf32>
      %mul3A_1722 = arith.mulf %mul3A_1721, %sub3A_1719 : vector<16xf32>
      %add3A_1723 = arith.constant 0.160338327 : f32
      %add3A_1724 = vector.broadcast %add3A_1723 : f32 to vector<16xf32>
      %add3A_1725 = arith.addf %mul3A_1722, %add3A_1724 : vector<16xf32>
      %mul3A_1726 = arith.mulf %add3A_1725, %sub3A_1719 : vector<16xf32>
      %add3A_1727 = arith.constant -0.172085017 : f32
      %add3A_1728 = vector.broadcast %add3A_1727 : f32 to vector<16xf32>
      %add3A_1729 = arith.addf %mul3A_1726, %add3A_1728 : vector<16xf32>
      %mul3A_1730 = arith.mulf %add3A_1729, %sub3A_1719 : vector<16xf32>
      %add3A_1731 = arith.constant 0.199207097 : f32
      %add3A_1732 = vector.broadcast %add3A_1731 : f32 to vector<16xf32>
      %add3A_1733 = arith.addf %mul3A_1730, %add3A_1732 : vector<16xf32>
      %mul3A_1734 = arith.mulf %add3A_1733, %sub3A_1719 : vector<16xf32>
      %add3A_1735 = arith.constant -2.497470e-01 : f32
      %add3A_1736 = vector.broadcast %add3A_1735 : f32 to vector<16xf32>
      %add3A_1737 = arith.addf %mul3A_1734, %add3A_1736 : vector<16xf32>
      %mul3A_1738 = arith.mulf %add3A_1737, %sub3A_1719 : vector<16xf32>
      %add3A_1739 = arith.constant 0.333344907 : f32
      %add3A_1740 = vector.broadcast %add3A_1739 : f32 to vector<16xf32>
      %add3A_1741 = arith.addf %mul3A_1738, %add3A_1740 : vector<16xf32>
      %mul3A_1742 = arith.mulf %add3A_1741, %sub3A_1719 : vector<16xf32>
      %add3A_1743 = arith.constant -0.500002742 : f32
      %add3A_1744 = vector.broadcast %add3A_1743 : f32 to vector<16xf32>
      %add3A_1745 = arith.addf %mul3A_1742, %add3A_1744 : vector<16xf32>
      %mul3A_1746 = arith.mulf %add3A_1745, %sub3A_1719 : vector<16xf32>
      %add3A_1747 = arith.constant 0.99999994 : f32
      %add3A_1748 = vector.broadcast %add3A_1747 : f32 to vector<16xf32>
      %add3A_1749 = arith.addf %mul3A_1746, %add3A_1748 : vector<16xf32>
      %convert_element_type3A_1750 = arith.sitofp %select_n3A_1716 : vector<16xi32> to vector<16xf32>
      %mul3A_1751 = arith.constant 0.693147182 : f32
      %mul3A_1752 = vector.broadcast %mul3A_1751 : f32 to vector<16xf32>
      %mul3A_1753 = arith.mulf %convert_element_type3A_1750, %mul3A_1752 : vector<16xf32>
      %mul3A_1754 = arith.mulf %add3A_1749, %sub3A_1719 : vector<16xf32>
      %add3A_1755 = arith.addf %mul3A_1753, %mul3A_1754 : vector<16xf32>
      %mul3A_1756 = arith.constant 5.000000e+00 : f32
      %mul3A_1757 = vector.broadcast %mul3A_1756 : f32 to vector<16xf32>
      %mul3A_1758 = arith.mulf %add3A_1755, %mul3A_1757 : vector<16xf32>
      %broadcast_in_dim3A_1759 = arith.constant 0.000000e+00 : f32
      %broadcast_in_dim3A_1760 = vector.broadcast %broadcast_in_dim3A_1759 : f32 to vector<16xf32>
      %get3A_1761 = arith.index_cast %multiple_of3A_1575 : i32 to index
      %get3A_1762 = tpu.vector_load %arg11[%get3A_1761] {strides = array<i32>} : memref<8736xf32, #tpu.memory_space<vmem>>, vector<16xf32>,
      %sub3A_1763 = arith.subf %get3A_1762, %div3A : vector<16xf32>
      %abs3A = math.absf %sub3A_1763 : vector<16xf32>
      %lt3A_1764 = arith.constant 1.000000e+00 : f32
      %lt3A_1765 = vector.broadcast %lt3A_1764 : f32 to vector<16xf32>
      %lt3A_1766 = arith.cmpf olt, %abs3A, %lt3A_1765 : vector<16xf32>
      %mul3A_1767 = arith.constant 5.000000e-01 : f32
      %mul3A_1768 = vector.broadcast %mul3A_1767 : f32 to vector<16xf32>
      %mul3A_1769 = arith.mulf %mul3A_1768, %sub3A_1763 : vector<16xf32>
      %mul3A_1770 = arith.mulf %mul3A_1769, %sub3A_1763 : vector<16xf32>
      %sub3A_1771 = arith.constant 5.000000e-01 : f32
      %sub3A_1772 = vector.broadcast %sub3A_1771 : f32 to vector<16xf32>
      %sub3A_1773 = arith.subf %abs3A, %sub3A_1772 : vector<16xf32>
      %select_n3A_1774 = arith.select %lt3A_1766, %mul3A_1770, %sub3A_1773 : vector<16xi1>, vector<16xf32>
      %add3A_1775 = arith.addf %broadcast_in_dim3A_1760, %select_n3A_1774 : vector<16xf32>
      %get3A_1776 = arith.index_cast %multiple_of3A_1575 : i32 to index
      %get3A_1777 = tpu.vector_load %arg12[%get3A_1776] {strides = array<i32>} : memref<8736xf32, #tpu.memory_space<vmem>>, vector<16xf32>,
      %sub3A_1778 = arith.subf %get3A_1777, %div3A_1623 : vector<16xf32>
      %abs3A_1779 = math.absf %sub3A_1778 : vector<16xf32>
      %lt3A_1780 = arith.constant 1.000000e+00 : f32
      %lt3A_1781 = vector.broadcast %lt3A_1780 : f32 to vector<16xf32>
      %lt3A_1782 = arith.cmpf olt, %abs3A_1779, %lt3A_1781 : vector<16xf32>
      %mul3A_1783 = arith.constant 5.000000e-01 : f32
      %mul3A_1784 = vector.broadcast %mul3A_1783 : f32 to vector<16xf32>
      %mul3A_1785 = arith.mulf %mul3A_1784, %sub3A_1778 : vector<16xf32>
      %mul3A_1786 = arith.mulf %mul3A_1785, %sub3A_1778 : vector<16xf32>
      %sub3A_1787 = arith.constant 5.000000e-01 : f32
      %sub3A_1788 = vector.broadcast %sub3A_1787 : f32 to vector<16xf32>
      %sub3A_1789 = arith.subf %abs3A_1779, %sub3A_1788 : vector<16xf32>
      %select_n3A_1790 = arith.select %lt3A_1782, %mul3A_1786, %sub3A_1789 : vector<16xi1>, vector<16xf32>
      %add3A_1791 = arith.addf %add3A_1775, %select_n3A_1790 : vector<16xf32>
      %get3A_1792 = arith.index_cast %multiple_of3A_1575 : i32 to index
      %get3A_1793 = tpu.vector_load %arg13[%get3A_1792] {strides = array<i32>} : memref<8736xf32, #tpu.memory_space<vmem>>, vector<16xf32>,
      %sub3A_1794 = arith.subf %get3A_1793, %mul3A_1689 : vector<16xf32>
      %abs3A_1795 = math.absf %sub3A_1794 : vector<16xf32>
      %lt3A_1796 = arith.constant 1.000000e+00 : f32
      %lt3A_1797 = vector.broadcast %lt3A_1796 : f32 to vector<16xf32>
      %lt3A_1798 = arith.cmpf olt, %abs3A_1795, %lt3A_1797 : vector<16xf32>
      %mul3A_1799 = arith.constant 5.000000e-01 : f32
      %mul3A_1800 = vector.broadcast %mul3A_1799 : f32 to vector<16xf32>
      %mul3A_1801 = arith.mulf %mul3A_1800, %sub3A_1794 : vector<16xf32>
      %mul3A_1802 = arith.mulf %mul3A_1801, %sub3A_1794 : vector<16xf32>
      %sub3A_1803 = arith.constant 5.000000e-01 : f32
      %sub3A_1804 = vector.broadcast %sub3A_1803 : f32 to vector<16xf32>
      %sub3A_1805 = arith.subf %abs3A_1795, %sub3A_1804 : vector<16xf32>
      %select_n3A_1806 = arith.select %lt3A_1798, %mul3A_1802, %sub3A_1805 : vector<16xi1>, vector<16xf32>
      %add3A_1807 = arith.addf %add3A_1791, %select_n3A_1806 : vector<16xf32>
      %get3A_1808 = arith.index_cast %multiple_of3A_1575 : i32 to index
      %get3A_1809 = tpu.vector_load %arg14[%get3A_1808] {strides = array<i32>} : memref<8736xf32, #tpu.memory_space<vmem>>, vector<16xf32>,
      %sub3A_1810 = arith.subf %get3A_1809, %mul3A_1758 : vector<16xf32>
      %abs3A_1811 = math.absf %sub3A_1810 : vector<16xf32>
      %lt3A_1812 = arith.constant 1.000000e+00 : f32
      %lt3A_1813 = vector.broadcast %lt3A_1812 : f32 to vector<16xf32>
      %lt3A_1814 = arith.cmpf olt, %abs3A_1811, %lt3A_1813 : vector<16xf32>
      %mul3A_1815 = arith.constant 5.000000e-01 : f32
      %mul3A_1816 = vector.broadcast %mul3A_1815 : f32 to vector<16xf32>
      %mul3A_1817 = arith.mulf %mul3A_1816, %sub3A_1810 : vector<16xf32>
      %mul3A_1818 = arith.mulf %mul3A_1817, %sub3A_1810 : vector<16xf32>
      %sub3A_1819 = arith.constant 5.000000e-01 : f32
      %sub3A_1820 = vector.broadcast %sub3A_1819 : f32 to vector<16xf32>
      %sub3A_1821 = arith.subf %abs3A_1811, %sub3A_1820 : vector<16xf32>
      %select_n3A_1822 = arith.select %lt3A_1814, %mul3A_1818, %sub3A_1821 : vector<16xi1>, vector<16xf32>
      %add3A_1823 = arith.addf %add3A_1807, %select_n3A_1822 : vector<16xf32>
      %jit3A_1824 = arith.constant 0.000000e+00 : f32
      %broadcast_in_dim3A_1825 = vector.broadcast %jit3A_1824 : f32 to vector<16xf32>
      %select_n3A_1826 = arith.select %ge3A_1583, %add3A_1823, %broadcast_in_dim3A_1825 : vector<16xi1>, vector<16xf32>
      %add3A_1827 = arith.addf %scan3A_1570, %select_n3A_1826 : vector<16xf32>
      %jit3A_1828 = arith.constant 1 : i32
      %jit3A_1829 = arith.constant 0 : i32
      %broadcast_in_dim3A_1830 = vector.broadcast %jit3A_1828 : i32 to vector<16xi32>
      %broadcast_in_dim3A_1831 = vector.broadcast %jit3A_1829 : i32 to vector<16xi32>
      %select_n3A_1832 = arith.select %ge3A_1583, %broadcast_in_dim3A_1830, %broadcast_in_dim3A_1831 : vector<16xi1>, vector<16xi32>
      %add3A_1833 = arith.addi %scan3A_1572, %select_n3A_1832 : vector<16xi32>
      %get3A_1834 = arith.index_cast %multiple_of3A_1575 : i32 to index
      %get3A_1835 = tpu.vector_load %arg15[%get3A_1834] {strides = array<i32>} : memref<8736xf32, #tpu.memory_space<vmem>>, vector<16xf32>,
      %get3A_1836 = arith.index_cast %multiple_of3A_1575 : i32 to index
      %get3A_1837 = tpu.vector_load %arg16[%get3A_1836] {strides = array<i32>} : memref<8736xf32, #tpu.memory_space<vmem>>, vector<16xf32>,
      %max3A = arith.maximumf %get3A_1835, %get3A_1837 : vector<16xf32>
      %min3A_1838 = arith.minimumf %get3A_1835, %get3A_1837 : vector<16xf32>
      %sub3A_1839 = arith.subf %min3A_1838, %max3A : vector<16xf32>
      %exp3A = math.exp %sub3A_1839 : vector<16xf32>
      %add3A_1840 = arith.constant 1.000000e+00 : f32
      %add3A_1841 = vector.broadcast %add3A_1840 : f32 to vector<16xf32>
      %add3A_1842 = arith.addf %add3A_1841, %exp3A : vector<16xf32>
      %bitcast_convert_type3A_1843 = tpu.bitcast %add3A_1842 : vector<16xf32> -> vector<16xi32>
      %shift_right_arithmetic3A_1844 = arith.constant 23 : i32
      %shift_right_arithmetic3A_1845 = vector.broadcast %shift_right_arithmetic3A_1844 : i32 to vector<16xi32>
      %shift_right_arithmetic3A_1846 = arith.shrsi %bitcast_convert_type3A_1843, %shift_right_arithmetic3A_1845 : vector<16xi32>
      %sub3A_1847 = arith.constant 127 : i32
      %sub3A_1848 = vector.broadcast %sub3A_1847 : i32 to vector<16xi32>
      %sub3A_1849 = arith.subi %shift_right_arithmetic3A_1846, %sub3A_1848 : vector<16xi32>
      %and3A_1850 = arith.constant 8388607 : i32
      %and3A_1851 = vector.broadcast %and3A_1850 : i32 to vector<16xi32>
      %and3A_1852 = arith.andi %bitcast_convert_type3A_1843, %and3A_1851 : vector<16xi32>
      %or3A_1853 = arith.constant 1065353216 : i32
      %or3A_1854 = vector.broadcast %or3A_1853 : i32 to vector<16xi32>
      %or3A_1855 = arith.ori %and3A_1852, %or3A_1854 : vector<16xi32>
      %bitcast_convert_type3A_1856 = tpu.bitcast %or3A_1855 : vector<16xi32> -> vector<16xf32>
      %gt3A_1857 = arith.constant 1.41421354 : f32
      %gt3A_1858 = vector.broadcast %gt3A_1857 : f32 to vector<16xf32>
      %gt3A_1859 = arith.cmpf ogt, %bitcast_convert_type3A_1856, %gt3A_1858 : vector<16xf32>
      %mul3A_1860 = arith.constant 5.000000e-01 : f32
      %mul3A_1861 = vector.broadcast %mul3A_1860 : f32 to vector<16xf32>
      %mul3A_1862 = arith.mulf %bitcast_convert_type3A_1856, %mul3A_1861 : vector<16xf32>
      %select_n3A_1863 = arith.select %gt3A_1859, %mul3A_1862, %bitcast_convert_type3A_1856 : vector<16xi1>, vector<16xf32>
      %add3A_1864 = arith.constant 1 : i32
      %add3A_1865 = vector.broadcast %add3A_1864 : i32 to vector<16xi32>
      %add3A_1866 = arith.addi %sub3A_1849, %add3A_1865 : vector<16xi32>
      %select_n3A_1867 = arith.select %gt3A_1859, %add3A_1866, %sub3A_1849 : vector<16xi1>, vector<16xi32>
      %sub3A_1868 = arith.constant 1.000000e+00 : f32
      %sub3A_1869 = vector.broadcast %sub3A_1868 : f32 to vector<16xf32>
      %sub3A_1870 = arith.subf %select_n3A_1863, %sub3A_1869 : vector<16xf32>
      %mul3A_1871 = arith.constant -0.100070797 : f32
      %mul3A_1872 = vector.broadcast %mul3A_1871 : f32 to vector<16xf32>
      %mul3A_1873 = arith.mulf %mul3A_1872, %sub3A_1870 : vector<16xf32>
      %add3A_1874 = arith.constant 0.160338327 : f32
      %add3A_1875 = vector.broadcast %add3A_1874 : f32 to vector<16xf32>
      %add3A_1876 = arith.addf %mul3A_1873, %add3A_1875 : vector<16xf32>
      %mul3A_1877 = arith.mulf %add3A_1876, %sub3A_1870 : vector<16xf32>
      %add3A_1878 = arith.constant -0.172085017 : f32
      %add3A_1879 = vector.broadcast %add3A_1878 : f32 to vector<16xf32>
      %add3A_1880 = arith.addf %mul3A_1877, %add3A_1879 : vector<16xf32>
      %mul3A_1881 = arith.mulf %add3A_1880, %sub3A_1870 : vector<16xf32>
      %add3A_1882 = arith.constant 0.199207097 : f32
      %add3A_1883 = vector.broadcast %add3A_1882 : f32 to vector<16xf32>
      %add3A_1884 = arith.addf %mul3A_1881, %add3A_1883 : vector<16xf32>
      %mul3A_1885 = arith.mulf %add3A_1884, %sub3A_1870 : vector<16xf32>
      %add3A_1886 = arith.constant -2.497470e-01 : f32
      %add3A_1887 = vector.broadcast %add3A_1886 : f32 to vector<16xf32>
      %add3A_1888 = arith.addf %mul3A_1885, %add3A_1887 : vector<16xf32>
      %mul3A_1889 = arith.mulf %add3A_1888, %sub3A_1870 : vector<16xf32>
      %add3A_1890 = arith.constant 0.333344907 : f32
      %add3A_1891 = vector.broadcast %add3A_1890 : f32 to vector<16xf32>
      %add3A_1892 = arith.addf %mul3A_1889, %add3A_1891 : vector<16xf32>
      %mul3A_1893 = arith.mulf %add3A_1892, %sub3A_1870 : vector<16xf32>
      %add3A_1894 = arith.constant -0.500002742 : f32
      %add3A_1895 = vector.broadcast %add3A_1894 : f32 to vector<16xf32>
      %add3A_1896 = arith.addf %mul3A_1893, %add3A_1895 : vector<16xf32>
      %mul3A_1897 = arith.mulf %add3A_1896, %sub3A_1870 : vector<16xf32>
      %add3A_1898 = arith.constant 0.99999994 : f32
      %add3A_1899 = vector.broadcast %add3A_1898 : f32 to vector<16xf32>
      %add3A_1900 = arith.addf %mul3A_1897, %add3A_1899 : vector<16xf32>
      %convert_element_type3A_1901 = arith.sitofp %select_n3A_1867 : vector<16xi32> to vector<16xf32>
      %mul3A_1902 = arith.constant 0.693147182 : f32
      %mul3A_1903 = vector.broadcast %mul3A_1902 : f32 to vector<16xf32>
      %mul3A_1904 = arith.mulf %convert_element_type3A_1901, %mul3A_1903 : vector<16xf32>
      %mul3A_1905 = arith.mulf %add3A_1900, %sub3A_1870 : vector<16xf32>
      %add3A_1906 = arith.addf %mul3A_1904, %mul3A_1905 : vector<16xf32>
      %add3A_1907 = arith.addf %add3A_1906, %max3A : vector<16xf32>
      %select_n3A_1908 = arith.select %ge3A_1583, %get3A_1837, %get3A_1835 : vector<16xi1>, vector<16xf32>
      %sub3A_1909 = arith.subf %add3A_1907, %select_n3A_1908 : vector<16xf32>
      %jit3A_1910 = arith.constant 0.000000e+00 : f32
      %broadcast_in_dim3A_1911 = vector.broadcast %jit3A_1910 : f32 to vector<16xf32>
      %select_n3A_1912 = arith.select %ge3A_1583, %sub3A_1909, %broadcast_in_dim3A_1911 : vector<16xi1>, vector<16xf32>
      %add3A_1913 = arith.addf %scan3A_1571, %select_n3A_1912 : vector<16xf32>
      %add3A_1914 = vector.broadcast %multiple_of3A_1575 : i32 to vector<16xi32>
      %add3A_1915 = arith.addi %add3A_1914, %iota3A : vector<16xi32>
      %lt3A_1916 = arith.constant 8732 : i32
      %lt3A_1917 = vector.broadcast %lt3A_1916 : i32 to vector<16xi32>
      %lt3A_1918 = arith.cmpi slt, %add3A_1915, %lt3A_1917 : vector<16xi32>
      %not3A = arith.constant dense<true> : vector<16xi1>
      %not3A_1919 = arith.xori %ge3A_1583, %not3A : vector<16xi1>
      %and3A_1920 = arith.andi %lt3A_1918, %not3A_1919 : vector<16xi1>
      %jit3A_1921 = arith.constant 0.000000e+00 : f32
      %broadcast_in_dim3A_1922 = vector.broadcast %jit3A_1921 : f32 to vector<16xf32>
      %select_n3A_1923 = arith.select %and3A_1920, %sub3A_1909, %broadcast_in_dim3A_1922 : vector<16xi1>, vector<16xf32>
      %bitcast_convert_type3A_1924 = tpu.bitcast %select_n3A_1923 : vector<16xf32> -> vector<16xi32>
      %swap3A_1925 = arith.index_cast %multiple_of3A_1575 : i32 to index
      %swap3A_1926 = tpu.vector_load %arg20[%swap3A_1925] {strides = array<i32>} : memref<8736xi32, #tpu.memory_space<vmem>>, vector<16xi32>,
      tpu.vector_store %arg20[%swap3A_1925], %bitcast_convert_type3A_1924 {strides = array<i32>} : memref<8736xi32, #tpu.memory_space<vmem>>, vector<16xi32>,
      %shift_right_arithmetic3A_1927 = arith.constant 24 : i32
      %shift_right_arithmetic3A_1928 = vector.broadcast %shift_right_arithmetic3A_1927 : i32 to vector<16xi32>
      %shift_right_arithmetic3A_1929 = arith.shrsi %bitcast_convert_type3A_1924, %shift_right_arithmetic3A_1928 : vector<16xi32>
      %and3A_1930 = arith.constant 255 : i32
      %and3A_1931 = vector.broadcast %and3A_1930 : i32 to vector<16xi32>
      %and3A_1932 = arith.andi %shift_right_arithmetic3A_1929, %and3A_1931 : vector<16xi32>
      tpu.vector_store_idx %arg27[%and3A_1932], %broadcast_in_dim3A_260 {add = true} : memref<256xi32, #tpu.memory_space<vmem>>[vector<16xi32>], vector<16xi32>,
      scf.yield %add3A_1827, %add3A_1913, %add3A_1833 : vector<16xf32>, vector<16xf32>, vector<16xi32>
    }
    %scan3A_308 = arith.constant 546 : i32
    %reduce_sum3A = arith.constant true
    %reduce_sum3A_309 = vector.broadcast %reduce_sum3A : i1 to vector<16xi1>
    %reduce_sum3A_310 = tpu.scan <sum>, %scan3A_307#2 masked %reduce_sum3A_309 : vector<16xi32>, vector<16xi1> -> vector<16xi32>
    %reduce_sum3A_311 = vector.extract %reduce_sum3A_310[15] : i32 from vector<16xi32>
    %reduce_sum3A_312 = arith.constant true
    %reduce_sum3A_313 = vector.broadcast %reduce_sum3A_312 : i1 to vector<16xi1>
    %reduce_sum3A_314 = tpu.scan <sum>, %scan3A_307#0 masked %reduce_sum3A_313 : vector<16xf32>, vector<16xi1> -> vector<16xf32>
    %reduce_sum3A_315 = vector.extract %reduce_sum3A_314[15] : f32 from vector<16xf32>
    %reduce_sum3A_316 = arith.constant true
    %reduce_sum3A_317 = vector.broadcast %reduce_sum3A_316 : i1 to vector<16xi1>
    %reduce_sum3A_318 = tpu.scan <sum>, %scan3A_307#1 masked %reduce_sum3A_317 : vector<16xf32>, vector<16xi1> -> vector<16xf32>
    %reduce_sum3A_319 = vector.extract %reduce_sum3A_318[15] : f32 from vector<16xf32>
    %mul3A_320 = arith.constant 3 : i32
    %mul3A_321 = arith.muli %mul3A_320, %reduce_sum3A_311 : i32
    %min3A = arith.constant 8731 : i32
    %min3A_322 = arith.minsi %mul3A_321, %min3A : i32
    %broadcast_in_dim3A_323 = arith.constant 0 : i32
    "tpu.trace_stop"() : () -> ()
    "tpu.trace_start"() <{level = 10 : i32, message = "sc_radix"}> : () -> ()
    %broadcast_in_dim3A_324 = vector.broadcast %broadcast_in_dim3A_323 : i32 to vector<16xi32>
    %get3A = arith.constant 0 : index
    %get3A_325 = tpu.vector_load %arg27[%get3A] {strides = array<i32>} : memref<256xi32, #tpu.memory_space<vmem>>, vector<16xi32>,
    %reduce_sum3A_326 = arith.constant true
    %reduce_sum3A_327 = vector.broadcast %reduce_sum3A_326 : i1 to vector<16xi1>
    %reduce_sum3A_328 = tpu.scan <sum>, %get3A_325 masked %reduce_sum3A_327 : vector<16xi32>, vector<16xi1> -> vector<16xi32>
    %reduce_sum3A_329 = vector.extract %reduce_sum3A_328[15] : i32 from vector<16xi32>
    %eq3A = arith.constant 0 : i32
    %eq3A_330 = vector.broadcast %eq3A : i32 to vector<16xi32>
    %eq3A_331 = arith.cmpi eq, %iota3A, %eq3A_330 : vector<16xi32>
    %broadcast_in_dim3A_332 = vector.broadcast %reduce_sum3A_329 : i32 to vector<16xi32>
    %select_n3A = arith.select %eq3A_331, %broadcast_in_dim3A_332, %broadcast_in_dim3A_324 : vector<16xi1>, vector<16xi32>
    %get3A_333 = arith.constant 16 : index
    %get3A_334 = tpu.vector_load %arg27[%get3A_333] {strides = array<i32>} : memref<256xi32, #tpu.memory_space<vmem>>, vector<16xi32>,
    %reduce_sum3A_335 = arith.constant true
    %reduce_sum3A_336 = vector.broadcast %reduce_sum3A_335 : i1 to vector<16xi1>
    %reduce_sum3A_337 = tpu.scan <sum>, %get3A_334 masked %reduce_sum3A_336 : vector<16xi32>, vector<16xi1> -> vector<16xi32>
    %reduce_sum3A_338 = vector.extract %reduce_sum3A_337[15] : i32 from vector<16xi32>
    %eq3A_339 = arith.constant 1 : i32
    %eq3A_340 = vector.broadcast %eq3A_339 : i32 to vector<16xi32>
    %eq3A_341 = arith.cmpi eq, %iota3A, %eq3A_340 : vector<16xi32>
    %broadcast_in_dim3A_342 = vector.broadcast %reduce_sum3A_338 : i32 to vector<16xi32>
    %select_n3A_343 = arith.select %eq3A_341, %broadcast_in_dim3A_342, %select_n3A : vector<16xi1>, vector<16xi32>
    %get3A_344 = arith.constant 32 : index
    %get3A_345 = tpu.vector_load %arg27[%get3A_344] {strides = array<i32>} : memref<256xi32, #tpu.memory_space<vmem>>, vector<16xi32>,
    %reduce_sum3A_346 = arith.constant true
    %reduce_sum3A_347 = vector.broadcast %reduce_sum3A_346 : i1 to vector<16xi1>
    %reduce_sum3A_348 = tpu.scan <sum>, %get3A_345 masked %reduce_sum3A_347 : vector<16xi32>, vector<16xi1> -> vector<16xi32>
    %reduce_sum3A_349 = vector.extract %reduce_sum3A_348[15] : i32 from vector<16xi32>
    %eq3A_350 = arith.constant 2 : i32
    %eq3A_351 = vector.broadcast %eq3A_350 : i32 to vector<16xi32>
    %eq3A_352 = arith.cmpi eq, %iota3A, %eq3A_351 : vector<16xi32>
    %broadcast_in_dim3A_353 = vector.broadcast %reduce_sum3A_349 : i32 to vector<16xi32>
    %select_n3A_354 = arith.select %eq3A_352, %broadcast_in_dim3A_353, %select_n3A_343 : vector<16xi1>, vector<16xi32>
    %get3A_355 = arith.constant 48 : index
    %get3A_356 = tpu.vector_load %arg27[%get3A_355] {strides = array<i32>} : memref<256xi32, #tpu.memory_space<vmem>>, vector<16xi32>,
    %reduce_sum3A_357 = arith.constant true
    %reduce_sum3A_358 = vector.broadcast %reduce_sum3A_357 : i1 to vector<16xi1>
    %reduce_sum3A_359 = tpu.scan <sum>, %get3A_356 masked %reduce_sum3A_358 : vector<16xi32>, vector<16xi1> -> vector<16xi32>
    %reduce_sum3A_360 = vector.extract %reduce_sum3A_359[15] : i32 from vector<16xi32>
    %eq3A_361 = arith.constant 3 : i32
    %eq3A_362 = vector.broadcast %eq3A_361 : i32 to vector<16xi32>
    %eq3A_363 = arith.cmpi eq, %iota3A, %eq3A_362 : vector<16xi32>
    %broadcast_in_dim3A_364 = vector.broadcast %reduce_sum3A_360 : i32 to vector<16xi32>
    %select_n3A_365 = arith.select %eq3A_363, %broadcast_in_dim3A_364, %select_n3A_354 : vector<16xi1>, vector<16xi32>
    %get3A_366 = arith.constant 64 : index
    %get3A_367 = tpu.vector_load %arg27[%get3A_366] {strides = array<i32>} : memref<256xi32, #tpu.memory_space<vmem>>, vector<16xi32>,
    %reduce_sum3A_368 = arith.constant true
    %reduce_sum3A_369 = vector.broadcast %reduce_sum3A_368 : i1 to vector<16xi1>
    %reduce_sum3A_370 = tpu.scan <sum>, %get3A_367 masked %reduce_sum3A_369 : vector<16xi32>, vector<16xi1> -> vector<16xi32>
    %reduce_sum3A_371 = vector.extract %reduce_sum3A_370[15] : i32 from vector<16xi32>
    %eq3A_372 = arith.constant 4 : i32
    %eq3A_373 = vector.broadcast %eq3A_372 : i32 to vector<16xi32>
    %eq3A_374 = arith.cmpi eq, %iota3A, %eq3A_373 : vector<16xi32>
    %broadcast_in_dim3A_375 = vector.broadcast %reduce_sum3A_371 : i32 to vector<16xi32>
    %select_n3A_376 = arith.select %eq3A_374, %broadcast_in_dim3A_375, %select_n3A_365 : vector<16xi1>, vector<16xi32>
    %get3A_377 = arith.constant 80 : index
    %get3A_378 = tpu.vector_load %arg27[%get3A_377] {strides = array<i32>} : memref<256xi32, #tpu.memory_space<vmem>>, vector<16xi32>,
    %reduce_sum3A_379 = arith.constant true
    %reduce_sum3A_380 = vector.broadcast %reduce_sum3A_379 : i1 to vector<16xi1>
    %reduce_sum3A_381 = tpu.scan <sum>, %get3A_378 masked %reduce_sum3A_380 : vector<16xi32>, vector<16xi1> -> vector<16xi32>
    %reduce_sum3A_382 = vector.extract %reduce_sum3A_381[15] : i32 from vector<16xi32>
    %eq3A_383 = arith.constant 5 : i32
    %eq3A_384 = vector.broadcast %eq3A_383 : i32 to vector<16xi32>
    %eq3A_385 = arith.cmpi eq, %iota3A, %eq3A_384 : vector<16xi32>
    %broadcast_in_dim3A_386 = vector.broadcast %reduce_sum3A_382 : i32 to vector<16xi32>
    %select_n3A_387 = arith.select %eq3A_385, %broadcast_in_dim3A_386, %select_n3A_376 : vector<16xi1>, vector<16xi32>
    %get3A_388 = arith.constant 96 : index
    %get3A_389 = tpu.vector_load %arg27[%get3A_388] {strides = array<i32>} : memref<256xi32, #tpu.memory_space<vmem>>, vector<16xi32>,
    %reduce_sum3A_390 = arith.constant true
    %reduce_sum3A_391 = vector.broadcast %reduce_sum3A_390 : i1 to vector<16xi1>
    %reduce_sum3A_392 = tpu.scan <sum>, %get3A_389 masked %reduce_sum3A_391 : vector<16xi32>, vector<16xi1> -> vector<16xi32>
    %reduce_sum3A_393 = vector.extract %reduce_sum3A_392[15] : i32 from vector<16xi32>
    %eq3A_394 = arith.constant 6 : i32
    %eq3A_395 = vector.broadcast %eq3A_394 : i32 to vector<16xi32>
    %eq3A_396 = arith.cmpi eq, %iota3A, %eq3A_395 : vector<16xi32>
    %broadcast_in_dim3A_397 = vector.broadcast %reduce_sum3A_393 : i32 to vector<16xi32>
    %select_n3A_398 = arith.select %eq3A_396, %broadcast_in_dim3A_397, %select_n3A_387 : vector<16xi1>, vector<16xi32>
    %get3A_399 = arith.constant 112 : index
    %get3A_400 = tpu.vector_load %arg27[%get3A_399] {strides = array<i32>} : memref<256xi32, #tpu.memory_space<vmem>>, vector<16xi32>,
    %reduce_sum3A_401 = arith.constant true
    %reduce_sum3A_402 = vector.broadcast %reduce_sum3A_401 : i1 to vector<16xi1>
    %reduce_sum3A_403 = tpu.scan <sum>, %get3A_400 masked %reduce_sum3A_402 : vector<16xi32>, vector<16xi1> -> vector<16xi32>
    %reduce_sum3A_404 = vector.extract %reduce_sum3A_403[15] : i32 from vector<16xi32>
    %eq3A_405 = arith.constant 7 : i32
    %eq3A_406 = vector.broadcast %eq3A_405 : i32 to vector<16xi32>
    %eq3A_407 = arith.cmpi eq, %iota3A, %eq3A_406 : vector<16xi32>
    %broadcast_in_dim3A_408 = vector.broadcast %reduce_sum3A_404 : i32 to vector<16xi32>
    %select_n3A_409 = arith.select %eq3A_407, %broadcast_in_dim3A_408, %select_n3A_398 : vector<16xi1>, vector<16xi32>
    %get3A_410 = arith.constant 128 : index
    %get3A_411 = tpu.vector_load %arg27[%get3A_410] {strides = array<i32>} : memref<256xi32, #tpu.memory_space<vmem>>, vector<16xi32>,
    %reduce_sum3A_412 = arith.constant true
    %reduce_sum3A_413 = vector.broadcast %reduce_sum3A_412 : i1 to vector<16xi1>
    %reduce_sum3A_414 = tpu.scan <sum>, %get3A_411 masked %reduce_sum3A_413 : vector<16xi32>, vector<16xi1> -> vector<16xi32>
    %reduce_sum3A_415 = vector.extract %reduce_sum3A_414[15] : i32 from vector<16xi32>
    %eq3A_416 = arith.constant 8 : i32
    %eq3A_417 = vector.broadcast %eq3A_416 : i32 to vector<16xi32>
    %eq3A_418 = arith.cmpi eq, %iota3A, %eq3A_417 : vector<16xi32>
    %broadcast_in_dim3A_419 = vector.broadcast %reduce_sum3A_415 : i32 to vector<16xi32>
    %select_n3A_420 = arith.select %eq3A_418, %broadcast_in_dim3A_419, %select_n3A_409 : vector<16xi1>, vector<16xi32>
    %get3A_421 = arith.constant 144 : index
    %get3A_422 = tpu.vector_load %arg27[%get3A_421] {strides = array<i32>} : memref<256xi32, #tpu.memory_space<vmem>>, vector<16xi32>,
    %reduce_sum3A_423 = arith.constant true
    %reduce_sum3A_424 = vector.broadcast %reduce_sum3A_423 : i1 to vector<16xi1>
    %reduce_sum3A_425 = tpu.scan <sum>, %get3A_422 masked %reduce_sum3A_424 : vector<16xi32>, vector<16xi1> -> vector<16xi32>
    %reduce_sum3A_426 = vector.extract %reduce_sum3A_425[15] : i32 from vector<16xi32>
    %eq3A_427 = arith.constant 9 : i32
    %eq3A_428 = vector.broadcast %eq3A_427 : i32 to vector<16xi32>
    %eq3A_429 = arith.cmpi eq, %iota3A, %eq3A_428 : vector<16xi32>
    %broadcast_in_dim3A_430 = vector.broadcast %reduce_sum3A_426 : i32 to vector<16xi32>
    %select_n3A_431 = arith.select %eq3A_429, %broadcast_in_dim3A_430, %select_n3A_420 : vector<16xi1>, vector<16xi32>
    %get3A_432 = arith.constant 160 : index
    %get3A_433 = tpu.vector_load %arg27[%get3A_432] {strides = array<i32>} : memref<256xi32, #tpu.memory_space<vmem>>, vector<16xi32>,
    %reduce_sum3A_434 = arith.constant true
    %reduce_sum3A_435 = vector.broadcast %reduce_sum3A_434 : i1 to vector<16xi1>
    %reduce_sum3A_436 = tpu.scan <sum>, %get3A_433 masked %reduce_sum3A_435 : vector<16xi32>, vector<16xi1> -> vector<16xi32>
    %reduce_sum3A_437 = vector.extract %reduce_sum3A_436[15] : i32 from vector<16xi32>
    %eq3A_438 = arith.constant 10 : i32
    %eq3A_439 = vector.broadcast %eq3A_438 : i32 to vector<16xi32>
    %eq3A_440 = arith.cmpi eq, %iota3A, %eq3A_439 : vector<16xi32>
    %broadcast_in_dim3A_441 = vector.broadcast %reduce_sum3A_437 : i32 to vector<16xi32>
    %select_n3A_442 = arith.select %eq3A_440, %broadcast_in_dim3A_441, %select_n3A_431 : vector<16xi1>, vector<16xi32>
    %get3A_443 = arith.constant 176 : index
    %get3A_444 = tpu.vector_load %arg27[%get3A_443] {strides = array<i32>} : memref<256xi32, #tpu.memory_space<vmem>>, vector<16xi32>,
    %reduce_sum3A_445 = arith.constant true
    %reduce_sum3A_446 = vector.broadcast %reduce_sum3A_445 : i1 to vector<16xi1>
    %reduce_sum3A_447 = tpu.scan <sum>, %get3A_444 masked %reduce_sum3A_446 : vector<16xi32>, vector<16xi1> -> vector<16xi32>
    %reduce_sum3A_448 = vector.extract %reduce_sum3A_447[15] : i32 from vector<16xi32>
    %eq3A_449 = arith.constant 11 : i32
    %eq3A_450 = vector.broadcast %eq3A_449 : i32 to vector<16xi32>
    %eq3A_451 = arith.cmpi eq, %iota3A, %eq3A_450 : vector<16xi32>
    %broadcast_in_dim3A_452 = vector.broadcast %reduce_sum3A_448 : i32 to vector<16xi32>
    %select_n3A_453 = arith.select %eq3A_451, %broadcast_in_dim3A_452, %select_n3A_442 : vector<16xi1>, vector<16xi32>
    %get3A_454 = arith.constant 192 : index
    %get3A_455 = tpu.vector_load %arg27[%get3A_454] {strides = array<i32>} : memref<256xi32, #tpu.memory_space<vmem>>, vector<16xi32>,
    %reduce_sum3A_456 = arith.constant true
    %reduce_sum3A_457 = vector.broadcast %reduce_sum3A_456 : i1 to vector<16xi1>
    %reduce_sum3A_458 = tpu.scan <sum>, %get3A_455 masked %reduce_sum3A_457 : vector<16xi32>, vector<16xi1> -> vector<16xi32>
    %reduce_sum3A_459 = vector.extract %reduce_sum3A_458[15] : i32 from vector<16xi32>
    %eq3A_460 = arith.constant 12 : i32
    %eq3A_461 = vector.broadcast %eq3A_460 : i32 to vector<16xi32>
    %eq3A_462 = arith.cmpi eq, %iota3A, %eq3A_461 : vector<16xi32>
    %broadcast_in_dim3A_463 = vector.broadcast %reduce_sum3A_459 : i32 to vector<16xi32>
    %select_n3A_464 = arith.select %eq3A_462, %broadcast_in_dim3A_463, %select_n3A_453 : vector<16xi1>, vector<16xi32>
    %get3A_465 = arith.constant 208 : index
    %get3A_466 = tpu.vector_load %arg27[%get3A_465] {strides = array<i32>} : memref<256xi32, #tpu.memory_space<vmem>>, vector<16xi32>,
    %reduce_sum3A_467 = arith.constant true
    %reduce_sum3A_468 = vector.broadcast %reduce_sum3A_467 : i1 to vector<16xi1>
    %reduce_sum3A_469 = tpu.scan <sum>, %get3A_466 masked %reduce_sum3A_468 : vector<16xi32>, vector<16xi1> -> vector<16xi32>
    %reduce_sum3A_470 = vector.extract %reduce_sum3A_469[15] : i32 from vector<16xi32>
    %eq3A_471 = arith.constant 13 : i32
    %eq3A_472 = vector.broadcast %eq3A_471 : i32 to vector<16xi32>
    %eq3A_473 = arith.cmpi eq, %iota3A, %eq3A_472 : vector<16xi32>
    %broadcast_in_dim3A_474 = vector.broadcast %reduce_sum3A_470 : i32 to vector<16xi32>
    %select_n3A_475 = arith.select %eq3A_473, %broadcast_in_dim3A_474, %select_n3A_464 : vector<16xi1>, vector<16xi32>
    %get3A_476 = arith.constant 224 : index
    %get3A_477 = tpu.vector_load %arg27[%get3A_476] {strides = array<i32>} : memref<256xi32, #tpu.memory_space<vmem>>, vector<16xi32>,
    %reduce_sum3A_478 = arith.constant true
    %reduce_sum3A_479 = vector.broadcast %reduce_sum3A_478 : i1 to vector<16xi1>
    %reduce_sum3A_480 = tpu.scan <sum>, %get3A_477 masked %reduce_sum3A_479 : vector<16xi32>, vector<16xi1> -> vector<16xi32>
    %reduce_sum3A_481 = vector.extract %reduce_sum3A_480[15] : i32 from vector<16xi32>
    %eq3A_482 = arith.constant 14 : i32
    %eq3A_483 = vector.broadcast %eq3A_482 : i32 to vector<16xi32>
    %eq3A_484 = arith.cmpi eq, %iota3A, %eq3A_483 : vector<16xi32>
    %broadcast_in_dim3A_485 = vector.broadcast %reduce_sum3A_481 : i32 to vector<16xi32>
    %select_n3A_486 = arith.select %eq3A_484, %broadcast_in_dim3A_485, %select_n3A_475 : vector<16xi1>, vector<16xi32>
    %get3A_487 = arith.constant 240 : index
    %get3A_488 = tpu.vector_load %arg27[%get3A_487] {strides = array<i32>} : memref<256xi32, #tpu.memory_space<vmem>>, vector<16xi32>,
    %reduce_sum3A_489 = arith.constant true
    %reduce_sum3A_490 = vector.broadcast %reduce_sum3A_489 : i1 to vector<16xi1>
    %reduce_sum3A_491 = tpu.scan <sum>, %get3A_488 masked %reduce_sum3A_490 : vector<16xi32>, vector<16xi1> -> vector<16xi32>
    %reduce_sum3A_492 = vector.extract %reduce_sum3A_491[15] : i32 from vector<16xi32>
    %eq3A_493 = arith.constant 15 : i32
    %eq3A_494 = vector.broadcast %eq3A_493 : i32 to vector<16xi32>
    %eq3A_495 = arith.cmpi eq, %iota3A, %eq3A_494 : vector<16xi32>
    %broadcast_in_dim3A_496 = vector.broadcast %reduce_sum3A_492 : i32 to vector<16xi32>
    %select_n3A_497 = arith.select %eq3A_495, %broadcast_in_dim3A_496, %select_n3A_486 : vector<16xi1>, vector<16xi32>
    %rev3A = arith.constant 15 : i32
    %rev3A_498 = vector.broadcast %rev3A : i32 to vector<16xi32>
    %rev3A_499 = tpu.iota {dimensions = array<i32: 0>} : vector<16xi32>
    %rev3A_500 = arith.subi %rev3A_498, %rev3A_499 : vector<16xi32>
    %rev3A_501 = tpu.dynamic_gather %select_n3A_497[%rev3A_500] in [0] : vector<16xi32>, vector<16xi32> -> vector<16xi32>
    %broadcast_in_dim3A_502 = arith.constant true
    %broadcast_in_dim3A_503 = vector.broadcast %broadcast_in_dim3A_502 : i1 to vector<16xi1>
    %masked_cumsum3A = tpu.scan <sum>, %rev3A_501 masked %broadcast_in_dim3A_503 : vector<16xi32>, vector<16xi1> -> vector<16xi32>
    %sub3A = arith.constant 0 : i32
    %sub3A_504 = arith.subi %min3A_322, %sub3A : i32
    %ge3A = vector.broadcast %sub3A_504 : i32 to vector<16xi32>
    %ge3A_505 = arith.cmpi sge, %masked_cumsum3A, %ge3A : vector<16xi32>
    %all_reduce_ffs3A = tpu.all_reduce %ge3A_505 {dim = 0 : i64, kind = #tpu.reduction_kind<find_first_set>} : vector<16xi1> -> vector<16xi32>
    %reduce_max3A = arith.constant true
    %reduce_max3A_506 = vector.broadcast %reduce_max3A : i1 to vector<16xi1>
    %reduce_max3A_507 = arith.constant -2147483648 : i32
    %reduce_max3A_508 = vector.broadcast %reduce_max3A_507 : i32 to vector<16xi32>
    %reduce_max3A_509 = arith.xori %all_reduce_ffs3A, %reduce_max3A_508 : vector<16xi32>
    %reduce_max3A_510 = tpu.scan <max>, %reduce_max3A_509 masked %reduce_max3A_506 : vector<16xi32>, vector<16xi1> -> vector<16xi32>
    %reduce_max3A_511 = arith.xori %reduce_max3A_510, %reduce_max3A_508 : vector<16xi32>
    %reduce_max3A_512 = vector.extract %reduce_max3A_511[15] : i32 from vector<16xi32>
    %lt3A = vector.broadcast %reduce_max3A_512 : i32 to vector<16xi32>
    %lt3A_513 = arith.cmpi slt, %iota3A, %lt3A : vector<16xi32>
    %jit3A = arith.constant 0 : i32
    %broadcast_in_dim3A_514 = vector.broadcast %jit3A : i32 to vector<16xi32>
    %select_n3A_515 = arith.select %lt3A_513, %rev3A_501, %broadcast_in_dim3A_514 : vector<16xi1>, vector<16xi32>
    %reduce_sum3A_516 = arith.constant true
    %reduce_sum3A_517 = vector.broadcast %reduce_sum3A_516 : i1 to vector<16xi1>
    %reduce_sum3A_518 = tpu.scan <sum>, %select_n3A_515 masked %reduce_sum3A_517 : vector<16xi32>, vector<16xi1> -> vector<16xi32>
    %reduce_sum3A_519 = vector.extract %reduce_sum3A_518[15] : i32 from vector<16xi32>
    %sub3A_520 = arith.constant 15 : i32
    %sub3A_521 = arith.subi %sub3A_520, %reduce_max3A_512 : i32
    %mul3A_522 = arith.constant 16 : i32
    %mul3A_523 = arith.muli %sub3A_521, %mul3A_522 : i32
    %multiple_of3A = tpu.assume_multiple %mul3A_523, 16 : i32
    %get3A_524 = arith.index_cast %multiple_of3A : i32 to index
    %get3A_525 = tpu.vector_load %arg27[%get3A_524] {strides = array<i32>} : memref<256xi32, #tpu.memory_space<vmem>>, vector<16xi32>,
    %rev3A_526 = arith.constant 15 : i32
    %rev3A_527 = vector.broadcast %rev3A_526 : i32 to vector<16xi32>
    %rev3A_528 = tpu.iota {dimensions = array<i32: 0>} : vector<16xi32>
    %rev3A_529 = arith.subi %rev3A_527, %rev3A_528 : vector<16xi32>
    %rev3A_530 = tpu.dynamic_gather %get3A_525[%rev3A_529] in [0] : vector<16xi32>, vector<16xi32> -> vector<16xi32>
    %broadcast_in_dim3A_531 = arith.constant true
    %broadcast_in_dim3A_532 = vector.broadcast %broadcast_in_dim3A_531 : i1 to vector<16xi1>
    %masked_cumsum3A_533 = tpu.scan <sum>, %rev3A_530 masked %broadcast_in_dim3A_532 : vector<16xi32>, vector<16xi1> -> vector<16xi32>
    %sub3A_534 = arith.subi %sub3A_504, %reduce_sum3A_519 : i32
    %ge3A_535 = vector.broadcast %sub3A_534 : i32 to vector<16xi32>
    %ge3A_536 = arith.cmpi sge, %masked_cumsum3A_533, %ge3A_535 : vector<16xi32>
    %all_reduce_ffs3A_537 = tpu.all_reduce %ge3A_536 {dim = 0 : i64, kind = #tpu.reduction_kind<find_first_set>} : vector<16xi1> -> vector<16xi32>
    %reduce_max3A_538 = arith.constant true
    %reduce_max3A_539 = vector.broadcast %reduce_max3A_538 : i1 to vector<16xi1>
    %reduce_max3A_540 = arith.constant -2147483648 : i32
    %reduce_max3A_541 = vector.broadcast %reduce_max3A_540 : i32 to vector<16xi32>
    %reduce_max3A_542 = arith.xori %all_reduce_ffs3A_537, %reduce_max3A_541 : vector<16xi32>
    %reduce_max3A_543 = tpu.scan <max>, %reduce_max3A_542 masked %reduce_max3A_539 : vector<16xi32>, vector<16xi1> -> vector<16xi32>
    %reduce_max3A_544 = arith.xori %reduce_max3A_543, %reduce_max3A_541 : vector<16xi32>
    %reduce_max3A_545 = vector.extract %reduce_max3A_544[15] : i32 from vector<16xi32>
    %lt3A_546 = vector.broadcast %reduce_max3A_545 : i32 to vector<16xi32>
    %lt3A_547 = arith.cmpi slt, %iota3A, %lt3A_546 : vector<16xi32>
    %jit3A_548 = arith.constant 0 : i32
    %broadcast_in_dim3A_549 = vector.broadcast %jit3A_548 : i32 to vector<16xi32>
    %select_n3A_550 = arith.select %lt3A_547, %rev3A_530, %broadcast_in_dim3A_549 : vector<16xi1>, vector<16xi32>
    %reduce_sum3A_551 = arith.constant true
    %reduce_sum3A_552 = vector.broadcast %reduce_sum3A_551 : i1 to vector<16xi1>
    %reduce_sum3A_553 = tpu.scan <sum>, %select_n3A_550 masked %reduce_sum3A_552 : vector<16xi32>, vector<16xi1> -> vector<16xi32>
    %reduce_sum3A_554 = vector.extract %reduce_sum3A_553[15] : i32 from vector<16xi32>
    %mul3A_555 = arith.constant 16 : i32
    %mul3A_556 = arith.muli %sub3A_521, %mul3A_555 : i32
    %sub3A_557 = arith.constant 15 : i32
    %sub3A_558 = arith.subi %sub3A_557, %reduce_max3A_545 : i32
    %add3A_559 = arith.addi %mul3A_556, %sub3A_558 : i32
    %add3A_560 = arith.constant 0 : i32
    %add3A_561 = arith.addi %add3A_560, %reduce_sum3A_519 : i32
    %add3A_562 = arith.addi %add3A_561, %reduce_sum3A_554 : i32
    %broadcast_in_dim3A_563 = arith.constant 0 : i32
    %broadcast_in_dim3A_564 = vector.broadcast %broadcast_in_dim3A_563 : i32 to vector<16xi32>
    %swap3A_565 = arith.constant 0 : index
    %swap3A_566 = tpu.vector_load %arg27[%swap3A_565] {strides = array<i32>} : memref<256xi32, #tpu.memory_space<vmem>>, vector<16xi32>,
    tpu.vector_store %arg27[%swap3A_565], %broadcast_in_dim3A_564 {strides = array<i32>} : memref<256xi32, #tpu.memory_space<vmem>>, vector<16xi32>,
    %broadcast_in_dim3A_567 = arith.constant 0 : i32
    %broadcast_in_dim3A_568 = vector.broadcast %broadcast_in_dim3A_567 : i32 to vector<16xi32>
    %swap3A_569 = arith.constant 16 : index
    %swap3A_570 = tpu.vector_load %arg27[%swap3A_569] {strides = array<i32>} : memref<256xi32, #tpu.memory_space<vmem>>, vector<16xi32>,
    tpu.vector_store %arg27[%swap3A_569], %broadcast_in_dim3A_568 {strides = array<i32>} : memref<256xi32, #tpu.memory_space<vmem>>, vector<16xi32>,
    %broadcast_in_dim3A_571 = arith.constant 0 : i32
    %broadcast_in_dim3A_572 = vector.broadcast %broadcast_in_dim3A_571 : i32 to vector<16xi32>
    %swap3A_573 = arith.constant 32 : index
    %swap3A_574 = tpu.vector_load %arg27[%swap3A_573] {strides = array<i32>} : memref<256xi32, #tpu.memory_space<vmem>>, vector<16xi32>,
    tpu.vector_store %arg27[%swap3A_573], %broadcast_in_dim3A_572 {strides = array<i32>} : memref<256xi32, #tpu.memory_space<vmem>>, vector<16xi32>,
    %broadcast_in_dim3A_575 = arith.constant 0 : i32
    %broadcast_in_dim3A_576 = vector.broadcast %broadcast_in_dim3A_575 : i32 to vector<16xi32>
    %swap3A_577 = arith.constant 48 : index
    %swap3A_578 = tpu.vector_load %arg27[%swap3A_577] {strides = array<i32>} : memref<256xi32, #tpu.memory_space<vmem>>, vector<16xi32>,
    tpu.vector_store %arg27[%swap3A_577], %broadcast_in_dim3A_576 {strides = array<i32>} : memref<256xi32, #tpu.memory_space<vmem>>, vector<16xi32>,
    %broadcast_in_dim3A_579 = arith.constant 0 : i32
    %broadcast_in_dim3A_580 = vector.broadcast %broadcast_in_dim3A_579 : i32 to vector<16xi32>
    %swap3A_581 = arith.constant 64 : index
    %swap3A_582 = tpu.vector_load %arg27[%swap3A_581] {strides = array<i32>} : memref<256xi32, #tpu.memory_space<vmem>>, vector<16xi32>,
    tpu.vector_store %arg27[%swap3A_581], %broadcast_in_dim3A_580 {strides = array<i32>} : memref<256xi32, #tpu.memory_space<vmem>>, vector<16xi32>,
    %broadcast_in_dim3A_583 = arith.constant 0 : i32
    %broadcast_in_dim3A_584 = vector.broadcast %broadcast_in_dim3A_583 : i32 to vector<16xi32>
    %swap3A_585 = arith.constant 80 : index
    %swap3A_586 = tpu.vector_load %arg27[%swap3A_585] {strides = array<i32>} : memref<256xi32, #tpu.memory_space<vmem>>, vector<16xi32>,
    tpu.vector_store %arg27[%swap3A_585], %broadcast_in_dim3A_584 {strides = array<i32>} : memref<256xi32, #tpu.memory_space<vmem>>, vector<16xi32>,
    %broadcast_in_dim3A_587 = arith.constant 0 : i32
    %broadcast_in_dim3A_588 = vector.broadcast %broadcast_in_dim3A_587 : i32 to vector<16xi32>
    %swap3A_589 = arith.constant 96 : index
    %swap3A_590 = tpu.vector_load %arg27[%swap3A_589] {strides = array<i32>} : memref<256xi32, #tpu.memory_space<vmem>>, vector<16xi32>,
    tpu.vector_store %arg27[%swap3A_589], %broadcast_in_dim3A_588 {strides = array<i32>} : memref<256xi32, #tpu.memory_space<vmem>>, vector<16xi32>,
    %broadcast_in_dim3A_591 = arith.constant 0 : i32
    %broadcast_in_dim3A_592 = vector.broadcast %broadcast_in_dim3A_591 : i32 to vector<16xi32>
    %swap3A_593 = arith.constant 112 : index
    %swap3A_594 = tpu.vector_load %arg27[%swap3A_593] {strides = array<i32>} : memref<256xi32, #tpu.memory_space<vmem>>, vector<16xi32>,
    tpu.vector_store %arg27[%swap3A_593], %broadcast_in_dim3A_592 {strides = array<i32>} : memref<256xi32, #tpu.memory_space<vmem>>, vector<16xi32>,
    %broadcast_in_dim3A_595 = arith.constant 0 : i32
    %broadcast_in_dim3A_596 = vector.broadcast %broadcast_in_dim3A_595 : i32 to vector<16xi32>
    %swap3A_597 = arith.constant 128 : index
    %swap3A_598 = tpu.vector_load %arg27[%swap3A_597] {strides = array<i32>} : memref<256xi32, #tpu.memory_space<vmem>>, vector<16xi32>,
    tpu.vector_store %arg27[%swap3A_597], %broadcast_in_dim3A_596 {strides = array<i32>} : memref<256xi32, #tpu.memory_space<vmem>>, vector<16xi32>,
    %broadcast_in_dim3A_599 = arith.constant 0 : i32
    %broadcast_in_dim3A_600 = vector.broadcast %broadcast_in_dim3A_599 : i32 to vector<16xi32>
    %swap3A_601 = arith.constant 144 : index
    %swap3A_602 = tpu.vector_load %arg27[%swap3A_601] {strides = array<i32>} : memref<256xi32, #tpu.memory_space<vmem>>, vector<16xi32>,
    tpu.vector_store %arg27[%swap3A_601], %broadcast_in_dim3A_600 {strides = array<i32>} : memref<256xi32, #tpu.memory_space<vmem>>, vector<16xi32>,
    %broadcast_in_dim3A_603 = arith.constant 0 : i32
    %broadcast_in_dim3A_604 = vector.broadcast %broadcast_in_dim3A_603 : i32 to vector<16xi32>
    %swap3A_605 = arith.constant 160 : index
    %swap3A_606 = tpu.vector_load %arg27[%swap3A_605] {strides = array<i32>} : memref<256xi32, #tpu.memory_space<vmem>>, vector<16xi32>,
    tpu.vector_store %arg27[%swap3A_605], %broadcast_in_dim3A_604 {strides = array<i32>} : memref<256xi32, #tpu.memory_space<vmem>>, vector<16xi32>,
    %broadcast_in_dim3A_607 = arith.constant 0 : i32
    %broadcast_in_dim3A_608 = vector.broadcast %broadcast_in_dim3A_607 : i32 to vector<16xi32>
    %swap3A_609 = arith.constant 176 : index
    %swap3A_610 = tpu.vector_load %arg27[%swap3A_609] {strides = array<i32>} : memref<256xi32, #tpu.memory_space<vmem>>, vector<16xi32>,
    tpu.vector_store %arg27[%swap3A_609], %broadcast_in_dim3A_608 {strides = array<i32>} : memref<256xi32, #tpu.memory_space<vmem>>, vector<16xi32>,
    %broadcast_in_dim3A_611 = arith.constant 0 : i32
    %broadcast_in_dim3A_612 = vector.broadcast %broadcast_in_dim3A_611 : i32 to vector<16xi32>
    %swap3A_613 = arith.constant 192 : index
    %swap3A_614 = tpu.vector_load %arg27[%swap3A_613] {strides = array<i32>} : memref<256xi32, #tpu.memory_space<vmem>>, vector<16xi32>,
    tpu.vector_store %arg27[%swap3A_613], %broadcast_in_dim3A_612 {strides = array<i32>} : memref<256xi32, #tpu.memory_space<vmem>>, vector<16xi32>,
    %broadcast_in_dim3A_615 = arith.constant 0 : i32
    %broadcast_in_dim3A_616 = vector.broadcast %broadcast_in_dim3A_615 : i32 to vector<16xi32>
    %swap3A_617 = arith.constant 208 : index
    %swap3A_618 = tpu.vector_load %arg27[%swap3A_617] {strides = array<i32>} : memref<256xi32, #tpu.memory_space<vmem>>, vector<16xi32>,
    tpu.vector_store %arg27[%swap3A_617], %broadcast_in_dim3A_616 {strides = array<i32>} : memref<256xi32, #tpu.memory_space<vmem>>, vector<16xi32>,
    %broadcast_in_dim3A_619 = arith.constant 0 : i32
    %broadcast_in_dim3A_620 = vector.broadcast %broadcast_in_dim3A_619 : i32 to vector<16xi32>
    %swap3A_621 = arith.constant 224 : index
    %swap3A_622 = tpu.vector_load %arg27[%swap3A_621] {strides = array<i32>} : memref<256xi32, #tpu.memory_space<vmem>>, vector<16xi32>,
    tpu.vector_store %arg27[%swap3A_621], %broadcast_in_dim3A_620 {strides = array<i32>} : memref<256xi32, #tpu.memory_space<vmem>>, vector<16xi32>,
    %broadcast_in_dim3A_623 = arith.constant 0 : i32
    %broadcast_in_dim3A_624 = vector.broadcast %broadcast_in_dim3A_623 : i32 to vector<16xi32>
    %swap3A_625 = arith.constant 240 : index
    %swap3A_626 = tpu.vector_load %arg27[%swap3A_625] {strides = array<i32>} : memref<256xi32, #tpu.memory_space<vmem>>, vector<16xi32>,
    tpu.vector_store %arg27[%swap3A_625], %broadcast_in_dim3A_624 {strides = array<i32>} : memref<256xi32, #tpu.memory_space<vmem>>, vector<16xi32>,
    %scan3A_627 = arith.constant 0 : i32
    %scan3A_628 = arith.constant 0 : i32
    %scan3A_629 = arith.constant 91 : i32
    %scan3A_630 = arith.addi %scan3A_628, %scan3A_629 : i32
    %scan3A_631 = arith.constant 1 : i32
    %scan3A_632 = scf.for %scan3A_1569 = %scan3A_628 to %scan3A_630 step %scan3A_631 iter_args(%scan3A_1570 = %scan3A_627) -> (i32)  : i32 {
      %mul3A_1571 = arith.constant 96 : i32
      %mul3A_1572 = arith.muli %scan3A_1569, %mul3A_1571 : i32
      %multiple_of3A_1573 = tpu.assume_multiple %mul3A_1572, 16 : i32
      %add3A_1574 = arith.constant 0 : i32
      %add3A_1575 = arith.addi %multiple_of3A_1573, %add3A_1574 : i32
      %get3A_1576 = arith.index_cast %add3A_1575 : i32 to index
      %get3A_1577 = tpu.vector_load %arg20[%get3A_1576] {strides = array<i32>} : memref<8736xi32, #tpu.memory_space<vmem>>, vector<16xi32>,
      %shift_right_arithmetic3A = arith.constant 16 : i32
      %shift_right_arithmetic3A_1578 = vector.broadcast %shift_right_arithmetic3A : i32 to vector<16xi32>
      %shift_right_arithmetic3A_1579 = arith.shrsi %get3A_1577, %shift_right_arithmetic3A_1578 : vector<16xi32>
      %and3A = arith.constant 255 : i32
      %and3A_1580 = vector.broadcast %and3A : i32 to vector<16xi32>
      %and3A_1581 = arith.andi %shift_right_arithmetic3A_1579, %and3A_1580 : vector<16xi32>
      %shift_right_arithmetic3A_1582 = arith.constant 24 : i32
      %shift_right_arithmetic3A_1583 = vector.broadcast %shift_right_arithmetic3A_1582 : i32 to vector<16xi32>
      %shift_right_arithmetic3A_1584 = arith.shrsi %get3A_1577, %shift_right_arithmetic3A_1583 : vector<16xi32>
      %eq3A_1585 = vector.broadcast %add3A_559 : i32 to vector<16xi32>
      %eq3A_1586 = arith.cmpi eq, %shift_right_arithmetic3A_1584, %eq3A_1585 : vector<16xi32>
      tpu.vector_store_idx %arg27[%and3A_1581], %broadcast_in_dim3A_260 masked %eq3A_1586 {add = true} : memref<256xi32, #tpu.memory_space<vmem>>[vector<16xi32>], vector<16xi32>, vector<16xi1>
      %add3A_1587 = arith.constant 16 : i32
      %add3A_1588 = arith.addi %multiple_of3A_1573, %add3A_1587 : i32
      %get3A_1589 = arith.index_cast %add3A_1588 : i32 to index
      %get3A_1590 = tpu.vector_load %arg20[%get3A_1589] {strides = array<i32>} : memref<8736xi32, #tpu.memory_space<vmem>>, vector<16xi32>,
      %shift_right_arithmetic3A_1591 = arith.constant 16 : i32
      %shift_right_arithmetic3A_1592 = vector.broadcast %shift_right_arithmetic3A_1591 : i32 to vector<16xi32>
      %shift_right_arithmetic3A_1593 = arith.shrsi %get3A_1590, %shift_right_arithmetic3A_1592 : vector<16xi32>
      %and3A_1594 = arith.constant 255 : i32
      %and3A_1595 = vector.broadcast %and3A_1594 : i32 to vector<16xi32>
      %and3A_1596 = arith.andi %shift_right_arithmetic3A_1593, %and3A_1595 : vector<16xi32>
      %shift_right_arithmetic3A_1597 = arith.constant 24 : i32
      %shift_right_arithmetic3A_1598 = vector.broadcast %shift_right_arithmetic3A_1597 : i32 to vector<16xi32>
      %shift_right_arithmetic3A_1599 = arith.shrsi %get3A_1590, %shift_right_arithmetic3A_1598 : vector<16xi32>
      %eq3A_1600 = vector.broadcast %add3A_559 : i32 to vector<16xi32>
      %eq3A_1601 = arith.cmpi eq, %shift_right_arithmetic3A_1599, %eq3A_1600 : vector<16xi32>
      tpu.vector_store_idx %arg27[%and3A_1596], %broadcast_in_dim3A_260 masked %eq3A_1601 {add = true} : memref<256xi32, #tpu.memory_space<vmem>>[vector<16xi32>], vector<16xi32>, vector<16xi1>
      %add3A_1602 = arith.constant 32 : i32
      %add3A_1603 = arith.addi %multiple_of3A_1573, %add3A_1602 : i32
      %get3A_1604 = arith.index_cast %add3A_1603 : i32 to index
      %get3A_1605 = tpu.vector_load %arg20[%get3A_1604] {strides = array<i32>} : memref<8736xi32, #tpu.memory_space<vmem>>, vector<16xi32>,
      %shift_right_arithmetic3A_1606 = arith.constant 16 : i32
      %shift_right_arithmetic3A_1607 = vector.broadcast %shift_right_arithmetic3A_1606 : i32 to vector<16xi32>
      %shift_right_arithmetic3A_1608 = arith.shrsi %get3A_1605, %shift_right_arithmetic3A_1607 : vector<16xi32>
      %and3A_1609 = arith.constant 255 : i32
      %and3A_1610 = vector.broadcast %and3A_1609 : i32 to vector<16xi32>
      %and3A_1611 = arith.andi %shift_right_arithmetic3A_1608, %and3A_1610 : vector<16xi32>
      %shift_right_arithmetic3A_1612 = arith.constant 24 : i32
      %shift_right_arithmetic3A_1613 = vector.broadcast %shift_right_arithmetic3A_1612 : i32 to vector<16xi32>
      %shift_right_arithmetic3A_1614 = arith.shrsi %get3A_1605, %shift_right_arithmetic3A_1613 : vector<16xi32>
      %eq3A_1615 = vector.broadcast %add3A_559 : i32 to vector<16xi32>
      %eq3A_1616 = arith.cmpi eq, %shift_right_arithmetic3A_1614, %eq3A_1615 : vector<16xi32>
      tpu.vector_store_idx %arg27[%and3A_1611], %broadcast_in_dim3A_260 masked %eq3A_1616 {add = true} : memref<256xi32, #tpu.memory_space<vmem>>[vector<16xi32>], vector<16xi32>, vector<16xi1>
      %add3A_1617 = arith.constant 48 : i32
      %add3A_1618 = arith.addi %multiple_of3A_1573, %add3A_1617 : i32
      %get3A_1619 = arith.index_cast %add3A_1618 : i32 to index
      %get3A_1620 = tpu.vector_load %arg20[%get3A_1619] {strides = array<i32>} : memref<8736xi32, #tpu.memory_space<vmem>>, vector<16xi32>,
      %shift_right_arithmetic3A_1621 = arith.constant 16 : i32
      %shift_right_arithmetic3A_1622 = vector.broadcast %shift_right_arithmetic3A_1621 : i32 to vector<16xi32>
      %shift_right_arithmetic3A_1623 = arith.shrsi %get3A_1620, %shift_right_arithmetic3A_1622 : vector<16xi32>
      %and3A_1624 = arith.constant 255 : i32
      %and3A_1625 = vector.broadcast %and3A_1624 : i32 to vector<16xi32>
      %and3A_1626 = arith.andi %shift_right_arithmetic3A_1623, %and3A_1625 : vector<16xi32>
      %shift_right_arithmetic3A_1627 = arith.constant 24 : i32
      %shift_right_arithmetic3A_1628 = vector.broadcast %shift_right_arithmetic3A_1627 : i32 to vector<16xi32>
      %shift_right_arithmetic3A_1629 = arith.shrsi %get3A_1620, %shift_right_arithmetic3A_1628 : vector<16xi32>
      %eq3A_1630 = vector.broadcast %add3A_559 : i32 to vector<16xi32>
      %eq3A_1631 = arith.cmpi eq, %shift_right_arithmetic3A_1629, %eq3A_1630 : vector<16xi32>
      tpu.vector_store_idx %arg27[%and3A_1626], %broadcast_in_dim3A_260 masked %eq3A_1631 {add = true} : memref<256xi32, #tpu.memory_space<vmem>>[vector<16xi32>], vector<16xi32>, vector<16xi1>
      %add3A_1632 = arith.constant 64 : i32
      %add3A_1633 = arith.addi %multiple_of3A_1573, %add3A_1632 : i32
      %get3A_1634 = arith.index_cast %add3A_1633 : i32 to index
      %get3A_1635 = tpu.vector_load %arg20[%get3A_1634] {strides = array<i32>} : memref<8736xi32, #tpu.memory_space<vmem>>, vector<16xi32>,
      %shift_right_arithmetic3A_1636 = arith.constant 16 : i32
      %shift_right_arithmetic3A_1637 = vector.broadcast %shift_right_arithmetic3A_1636 : i32 to vector<16xi32>
      %shift_right_arithmetic3A_1638 = arith.shrsi %get3A_1635, %shift_right_arithmetic3A_1637 : vector<16xi32>
      %and3A_1639 = arith.constant 255 : i32
      %and3A_1640 = vector.broadcast %and3A_1639 : i32 to vector<16xi32>
      %and3A_1641 = arith.andi %shift_right_arithmetic3A_1638, %and3A_1640 : vector<16xi32>
      %shift_right_arithmetic3A_1642 = arith.constant 24 : i32
      %shift_right_arithmetic3A_1643 = vector.broadcast %shift_right_arithmetic3A_1642 : i32 to vector<16xi32>
      %shift_right_arithmetic3A_1644 = arith.shrsi %get3A_1635, %shift_right_arithmetic3A_1643 : vector<16xi32>
      %eq3A_1645 = vector.broadcast %add3A_559 : i32 to vector<16xi32>
      %eq3A_1646 = arith.cmpi eq, %shift_right_arithmetic3A_1644, %eq3A_1645 : vector<16xi32>
      tpu.vector_store_idx %arg27[%and3A_1641], %broadcast_in_dim3A_260 masked %eq3A_1646 {add = true} : memref<256xi32, #tpu.memory_space<vmem>>[vector<16xi32>], vector<16xi32>, vector<16xi1>
      %add3A_1647 = arith.constant 80 : i32
      %add3A_1648 = arith.addi %multiple_of3A_1573, %add3A_1647 : i32
      %get3A_1649 = arith.index_cast %add3A_1648 : i32 to index
      %get3A_1650 = tpu.vector_load %arg20[%get3A_1649] {strides = array<i32>} : memref<8736xi32, #tpu.memory_space<vmem>>, vector<16xi32>,
      %shift_right_arithmetic3A_1651 = arith.constant 16 : i32
      %shift_right_arithmetic3A_1652 = vector.broadcast %shift_right_arithmetic3A_1651 : i32 to vector<16xi32>
      %shift_right_arithmetic3A_1653 = arith.shrsi %get3A_1650, %shift_right_arithmetic3A_1652 : vector<16xi32>
      %and3A_1654 = arith.constant 255 : i32
      %and3A_1655 = vector.broadcast %and3A_1654 : i32 to vector<16xi32>
      %and3A_1656 = arith.andi %shift_right_arithmetic3A_1653, %and3A_1655 : vector<16xi32>
      %shift_right_arithmetic3A_1657 = arith.constant 24 : i32
      %shift_right_arithmetic3A_1658 = vector.broadcast %shift_right_arithmetic3A_1657 : i32 to vector<16xi32>
      %shift_right_arithmetic3A_1659 = arith.shrsi %get3A_1650, %shift_right_arithmetic3A_1658 : vector<16xi32>
      %eq3A_1660 = vector.broadcast %add3A_559 : i32 to vector<16xi32>
      %eq3A_1661 = arith.cmpi eq, %shift_right_arithmetic3A_1659, %eq3A_1660 : vector<16xi32>
      tpu.vector_store_idx %arg27[%and3A_1656], %broadcast_in_dim3A_260 masked %eq3A_1661 {add = true} : memref<256xi32, #tpu.memory_space<vmem>>[vector<16xi32>], vector<16xi32>, vector<16xi1>
      %scan3A_1662 = arith.constant 0 : i32
      scf.yield %scan3A_1662 : i32
    }
    %scan3A_633 = arith.constant 91 : i32
    %broadcast_in_dim3A_634 = arith.constant 0 : i32
    %broadcast_in_dim3A_635 = vector.broadcast %broadcast_in_dim3A_634 : i32 to vector<16xi32>
    %get3A_636 = arith.constant 0 : index
    %get3A_637 = tpu.vector_load %arg27[%get3A_636] {strides = array<i32>} : memref<256xi32, #tpu.memory_space<vmem>>, vector<16xi32>,
    %reduce_sum3A_638 = arith.constant true
    %reduce_sum3A_639 = vector.broadcast %reduce_sum3A_638 : i1 to vector<16xi1>
    %reduce_sum3A_640 = tpu.scan <sum>, %get3A_637 masked %reduce_sum3A_639 : vector<16xi32>, vector<16xi1> -> vector<16xi32>
    %reduce_sum3A_641 = vector.extract %reduce_sum3A_640[15] : i32 from vector<16xi32>
    %eq3A_642 = arith.constant 0 : i32
    %eq3A_643 = vector.broadcast %eq3A_642 : i32 to vector<16xi32>
    %eq3A_644 = arith.cmpi eq, %iota3A, %eq3A_643 : vector<16xi32>
    %broadcast_in_dim3A_645 = vector.broadcast %reduce_sum3A_641 : i32 to vector<16xi32>
    %select_n3A_646 = arith.select %eq3A_644, %broadcast_in_dim3A_645, %broadcast_in_dim3A_635 : vector<16xi1>, vector<16xi32>
    %get3A_647 = arith.constant 16 : index
    %get3A_648 = tpu.vector_load %arg27[%get3A_647] {strides = array<i32>} : memref<256xi32, #tpu.memory_space<vmem>>, vector<16xi32>,
    %reduce_sum3A_649 = arith.constant true
    %reduce_sum3A_650 = vector.broadcast %reduce_sum3A_649 : i1 to vector<16xi1>
    %reduce_sum3A_651 = tpu.scan <sum>, %get3A_648 masked %reduce_sum3A_650 : vector<16xi32>, vector<16xi1> -> vector<16xi32>
    %reduce_sum3A_652 = vector.extract %reduce_sum3A_651[15] : i32 from vector<16xi32>
    %eq3A_653 = arith.constant 1 : i32
    %eq3A_654 = vector.broadcast %eq3A_653 : i32 to vector<16xi32>
    %eq3A_655 = arith.cmpi eq, %iota3A, %eq3A_654 : vector<16xi32>
    %broadcast_in_dim3A_656 = vector.broadcast %reduce_sum3A_652 : i32 to vector<16xi32>
    %select_n3A_657 = arith.select %eq3A_655, %broadcast_in_dim3A_656, %select_n3A_646 : vector<16xi1>, vector<16xi32>
    %get3A_658 = arith.constant 32 : index
    %get3A_659 = tpu.vector_load %arg27[%get3A_658] {strides = array<i32>} : memref<256xi32, #tpu.memory_space<vmem>>, vector<16xi32>,
    %reduce_sum3A_660 = arith.constant true
    %reduce_sum3A_661 = vector.broadcast %reduce_sum3A_660 : i1 to vector<16xi1>
    %reduce_sum3A_662 = tpu.scan <sum>, %get3A_659 masked %reduce_sum3A_661 : vector<16xi32>, vector<16xi1> -> vector<16xi32>
    %reduce_sum3A_663 = vector.extract %reduce_sum3A_662[15] : i32 from vector<16xi32>
    %eq3A_664 = arith.constant 2 : i32
    %eq3A_665 = vector.broadcast %eq3A_664 : i32 to vector<16xi32>
    %eq3A_666 = arith.cmpi eq, %iota3A, %eq3A_665 : vector<16xi32>
    %broadcast_in_dim3A_667 = vector.broadcast %reduce_sum3A_663 : i32 to vector<16xi32>
    %select_n3A_668 = arith.select %eq3A_666, %broadcast_in_dim3A_667, %select_n3A_657 : vector<16xi1>, vector<16xi32>
    %get3A_669 = arith.constant 48 : index
    %get3A_670 = tpu.vector_load %arg27[%get3A_669] {strides = array<i32>} : memref<256xi32, #tpu.memory_space<vmem>>, vector<16xi32>,
    %reduce_sum3A_671 = arith.constant true
    %reduce_sum3A_672 = vector.broadcast %reduce_sum3A_671 : i1 to vector<16xi1>
    %reduce_sum3A_673 = tpu.scan <sum>, %get3A_670 masked %reduce_sum3A_672 : vector<16xi32>, vector<16xi1> -> vector<16xi32>
    %reduce_sum3A_674 = vector.extract %reduce_sum3A_673[15] : i32 from vector<16xi32>
    %eq3A_675 = arith.constant 3 : i32
    %eq3A_676 = vector.broadcast %eq3A_675 : i32 to vector<16xi32>
    %eq3A_677 = arith.cmpi eq, %iota3A, %eq3A_676 : vector<16xi32>
    %broadcast_in_dim3A_678 = vector.broadcast %reduce_sum3A_674 : i32 to vector<16xi32>
    %select_n3A_679 = arith.select %eq3A_677, %broadcast_in_dim3A_678, %select_n3A_668 : vector<16xi1>, vector<16xi32>
    %get3A_680 = arith.constant 64 : index
    %get3A_681 = tpu.vector_load %arg27[%get3A_680] {strides = array<i32>} : memref<256xi32, #tpu.memory_space<vmem>>, vector<16xi32>,
    %reduce_sum3A_682 = arith.constant true
    %reduce_sum3A_683 = vector.broadcast %reduce_sum3A_682 : i1 to vector<16xi1>
    %reduce_sum3A_684 = tpu.scan <sum>, %get3A_681 masked %reduce_sum3A_683 : vector<16xi32>, vector<16xi1> -> vector<16xi32>
    %reduce_sum3A_685 = vector.extract %reduce_sum3A_684[15] : i32 from vector<16xi32>
    %eq3A_686 = arith.constant 4 : i32
    %eq3A_687 = vector.broadcast %eq3A_686 : i32 to vector<16xi32>
    %eq3A_688 = arith.cmpi eq, %iota3A, %eq3A_687 : vector<16xi32>
    %broadcast_in_dim3A_689 = vector.broadcast %reduce_sum3A_685 : i32 to vector<16xi32>
    %select_n3A_690 = arith.select %eq3A_688, %broadcast_in_dim3A_689, %select_n3A_679 : vector<16xi1>, vector<16xi32>
    %get3A_691 = arith.constant 80 : index
    %get3A_692 = tpu.vector_load %arg27[%get3A_691] {strides = array<i32>} : memref<256xi32, #tpu.memory_space<vmem>>, vector<16xi32>,
    %reduce_sum3A_693 = arith.constant true
    %reduce_sum3A_694 = vector.broadcast %reduce_sum3A_693 : i1 to vector<16xi1>
    %reduce_sum3A_695 = tpu.scan <sum>, %get3A_692 masked %reduce_sum3A_694 : vector<16xi32>, vector<16xi1> -> vector<16xi32>
    %reduce_sum3A_696 = vector.extract %reduce_sum3A_695[15] : i32 from vector<16xi32>
    %eq3A_697 = arith.constant 5 : i32
    %eq3A_698 = vector.broadcast %eq3A_697 : i32 to vector<16xi32>
    %eq3A_699 = arith.cmpi eq, %iota3A, %eq3A_698 : vector<16xi32>
    %broadcast_in_dim3A_700 = vector.broadcast %reduce_sum3A_696 : i32 to vector<16xi32>
    %select_n3A_701 = arith.select %eq3A_699, %broadcast_in_dim3A_700, %select_n3A_690 : vector<16xi1>, vector<16xi32>
    %get3A_702 = arith.constant 96 : index
    %get3A_703 = tpu.vector_load %arg27[%get3A_702] {strides = array<i32>} : memref<256xi32, #tpu.memory_space<vmem>>, vector<16xi32>,
    %reduce_sum3A_704 = arith.constant true
    %reduce_sum3A_705 = vector.broadcast %reduce_sum3A_704 : i1 to vector<16xi1>
    %reduce_sum3A_706 = tpu.scan <sum>, %get3A_703 masked %reduce_sum3A_705 : vector<16xi32>, vector<16xi1> -> vector<16xi32>
    %reduce_sum3A_707 = vector.extract %reduce_sum3A_706[15] : i32 from vector<16xi32>
    %eq3A_708 = arith.constant 6 : i32
    %eq3A_709 = vector.broadcast %eq3A_708 : i32 to vector<16xi32>
    %eq3A_710 = arith.cmpi eq, %iota3A, %eq3A_709 : vector<16xi32>
    %broadcast_in_dim3A_711 = vector.broadcast %reduce_sum3A_707 : i32 to vector<16xi32>
    %select_n3A_712 = arith.select %eq3A_710, %broadcast_in_dim3A_711, %select_n3A_701 : vector<16xi1>, vector<16xi32>
    %get3A_713 = arith.constant 112 : index
    %get3A_714 = tpu.vector_load %arg27[%get3A_713] {strides = array<i32>} : memref<256xi32, #tpu.memory_space<vmem>>, vector<16xi32>,
    %reduce_sum3A_715 = arith.constant true
    %reduce_sum3A_716 = vector.broadcast %reduce_sum3A_715 : i1 to vector<16xi1>
    %reduce_sum3A_717 = tpu.scan <sum>, %get3A_714 masked %reduce_sum3A_716 : vector<16xi32>, vector<16xi1> -> vector<16xi32>
    %reduce_sum3A_718 = vector.extract %reduce_sum3A_717[15] : i32 from vector<16xi32>
    %eq3A_719 = arith.constant 7 : i32
    %eq3A_720 = vector.broadcast %eq3A_719 : i32 to vector<16xi32>
    %eq3A_721 = arith.cmpi eq, %iota3A, %eq3A_720 : vector<16xi32>
    %broadcast_in_dim3A_722 = vector.broadcast %reduce_sum3A_718 : i32 to vector<16xi32>
    %select_n3A_723 = arith.select %eq3A_721, %broadcast_in_dim3A_722, %select_n3A_712 : vector<16xi1>, vector<16xi32>
    %get3A_724 = arith.constant 128 : index
    %get3A_725 = tpu.vector_load %arg27[%get3A_724] {strides = array<i32>} : memref<256xi32, #tpu.memory_space<vmem>>, vector<16xi32>,
    %reduce_sum3A_726 = arith.constant true
    %reduce_sum3A_727 = vector.broadcast %reduce_sum3A_726 : i1 to vector<16xi1>
    %reduce_sum3A_728 = tpu.scan <sum>, %get3A_725 masked %reduce_sum3A_727 : vector<16xi32>, vector<16xi1> -> vector<16xi32>
    %reduce_sum3A_729 = vector.extract %reduce_sum3A_728[15] : i32 from vector<16xi32>
    %eq3A_730 = arith.constant 8 : i32
    %eq3A_731 = vector.broadcast %eq3A_730 : i32 to vector<16xi32>
    %eq3A_732 = arith.cmpi eq, %iota3A, %eq3A_731 : vector<16xi32>
    %broadcast_in_dim3A_733 = vector.broadcast %reduce_sum3A_729 : i32 to vector<16xi32>
    %select_n3A_734 = arith.select %eq3A_732, %broadcast_in_dim3A_733, %select_n3A_723 : vector<16xi1>, vector<16xi32>
    %get3A_735 = arith.constant 144 : index
    %get3A_736 = tpu.vector_load %arg27[%get3A_735] {strides = array<i32>} : memref<256xi32, #tpu.memory_space<vmem>>, vector<16xi32>,
    %reduce_sum3A_737 = arith.constant true
    %reduce_sum3A_738 = vector.broadcast %reduce_sum3A_737 : i1 to vector<16xi1>
    %reduce_sum3A_739 = tpu.scan <sum>, %get3A_736 masked %reduce_sum3A_738 : vector<16xi32>, vector<16xi1> -> vector<16xi32>
    %reduce_sum3A_740 = vector.extract %reduce_sum3A_739[15] : i32 from vector<16xi32>
    %eq3A_741 = arith.constant 9 : i32
    %eq3A_742 = vector.broadcast %eq3A_741 : i32 to vector<16xi32>
    %eq3A_743 = arith.cmpi eq, %iota3A, %eq3A_742 : vector<16xi32>
    %broadcast_in_dim3A_744 = vector.broadcast %reduce_sum3A_740 : i32 to vector<16xi32>
    %select_n3A_745 = arith.select %eq3A_743, %broadcast_in_dim3A_744, %select_n3A_734 : vector<16xi1>, vector<16xi32>
    %get3A_746 = arith.constant 160 : index
    %get3A_747 = tpu.vector_load %arg27[%get3A_746] {strides = array<i32>} : memref<256xi32, #tpu.memory_space<vmem>>, vector<16xi32>,
    %reduce_sum3A_748 = arith.constant true
    %reduce_sum3A_749 = vector.broadcast %reduce_sum3A_748 : i1 to vector<16xi1>
    %reduce_sum3A_750 = tpu.scan <sum>, %get3A_747 masked %reduce_sum3A_749 : vector<16xi32>, vector<16xi1> -> vector<16xi32>
    %reduce_sum3A_751 = vector.extract %reduce_sum3A_750[15] : i32 from vector<16xi32>
    %eq3A_752 = arith.constant 10 : i32
    %eq3A_753 = vector.broadcast %eq3A_752 : i32 to vector<16xi32>
    %eq3A_754 = arith.cmpi eq, %iota3A, %eq3A_753 : vector<16xi32>
    %broadcast_in_dim3A_755 = vector.broadcast %reduce_sum3A_751 : i32 to vector<16xi32>
    %select_n3A_756 = arith.select %eq3A_754, %broadcast_in_dim3A_755, %select_n3A_745 : vector<16xi1>, vector<16xi32>
    %get3A_757 = arith.constant 176 : index
    %get3A_758 = tpu.vector_load %arg27[%get3A_757] {strides = array<i32>} : memref<256xi32, #tpu.memory_space<vmem>>, vector<16xi32>,
    %reduce_sum3A_759 = arith.constant true
    %reduce_sum3A_760 = vector.broadcast %reduce_sum3A_759 : i1 to vector<16xi1>
    %reduce_sum3A_761 = tpu.scan <sum>, %get3A_758 masked %reduce_sum3A_760 : vector<16xi32>, vector<16xi1> -> vector<16xi32>
    %reduce_sum3A_762 = vector.extract %reduce_sum3A_761[15] : i32 from vector<16xi32>
    %eq3A_763 = arith.constant 11 : i32
    %eq3A_764 = vector.broadcast %eq3A_763 : i32 to vector<16xi32>
    %eq3A_765 = arith.cmpi eq, %iota3A, %eq3A_764 : vector<16xi32>
    %broadcast_in_dim3A_766 = vector.broadcast %reduce_sum3A_762 : i32 to vector<16xi32>
    %select_n3A_767 = arith.select %eq3A_765, %broadcast_in_dim3A_766, %select_n3A_756 : vector<16xi1>, vector<16xi32>
    %get3A_768 = arith.constant 192 : index
    %get3A_769 = tpu.vector_load %arg27[%get3A_768] {strides = array<i32>} : memref<256xi32, #tpu.memory_space<vmem>>, vector<16xi32>,
    %reduce_sum3A_770 = arith.constant true
    %reduce_sum3A_771 = vector.broadcast %reduce_sum3A_770 : i1 to vector<16xi1>
    %reduce_sum3A_772 = tpu.scan <sum>, %get3A_769 masked %reduce_sum3A_771 : vector<16xi32>, vector<16xi1> -> vector<16xi32>
    %reduce_sum3A_773 = vector.extract %reduce_sum3A_772[15] : i32 from vector<16xi32>
    %eq3A_774 = arith.constant 12 : i32
    %eq3A_775 = vector.broadcast %eq3A_774 : i32 to vector<16xi32>
    %eq3A_776 = arith.cmpi eq, %iota3A, %eq3A_775 : vector<16xi32>
    %broadcast_in_dim3A_777 = vector.broadcast %reduce_sum3A_773 : i32 to vector<16xi32>
    %select_n3A_778 = arith.select %eq3A_776, %broadcast_in_dim3A_777, %select_n3A_767 : vector<16xi1>, vector<16xi32>
    %get3A_779 = arith.constant 208 : index
    %get3A_780 = tpu.vector_load %arg27[%get3A_779] {strides = array<i32>} : memref<256xi32, #tpu.memory_space<vmem>>, vector<16xi32>,
    %reduce_sum3A_781 = arith.constant true
    %reduce_sum3A_782 = vector.broadcast %reduce_sum3A_781 : i1 to vector<16xi1>
    %reduce_sum3A_783 = tpu.scan <sum>, %get3A_780 masked %reduce_sum3A_782 : vector<16xi32>, vector<16xi1> -> vector<16xi32>
    %reduce_sum3A_784 = vector.extract %reduce_sum3A_783[15] : i32 from vector<16xi32>
    %eq3A_785 = arith.constant 13 : i32
    %eq3A_786 = vector.broadcast %eq3A_785 : i32 to vector<16xi32>
    %eq3A_787 = arith.cmpi eq, %iota3A, %eq3A_786 : vector<16xi32>
    %broadcast_in_dim3A_788 = vector.broadcast %reduce_sum3A_784 : i32 to vector<16xi32>
    %select_n3A_789 = arith.select %eq3A_787, %broadcast_in_dim3A_788, %select_n3A_778 : vector<16xi1>, vector<16xi32>
    %get3A_790 = arith.constant 224 : index
    %get3A_791 = tpu.vector_load %arg27[%get3A_790] {strides = array<i32>} : memref<256xi32, #tpu.memory_space<vmem>>, vector<16xi32>,
    %reduce_sum3A_792 = arith.constant true
    %reduce_sum3A_793 = vector.broadcast %reduce_sum3A_792 : i1 to vector<16xi1>
    %reduce_sum3A_794 = tpu.scan <sum>, %get3A_791 masked %reduce_sum3A_793 : vector<16xi32>, vector<16xi1> -> vector<16xi32>
    %reduce_sum3A_795 = vector.extract %reduce_sum3A_794[15] : i32 from vector<16xi32>
    %eq3A_796 = arith.constant 14 : i32
    %eq3A_797 = vector.broadcast %eq3A_796 : i32 to vector<16xi32>
    %eq3A_798 = arith.cmpi eq, %iota3A, %eq3A_797 : vector<16xi32>
    %broadcast_in_dim3A_799 = vector.broadcast %reduce_sum3A_795 : i32 to vector<16xi32>
    %select_n3A_800 = arith.select %eq3A_798, %broadcast_in_dim3A_799, %select_n3A_789 : vector<16xi1>, vector<16xi32>
    %get3A_801 = arith.constant 240 : index
    %get3A_802 = tpu.vector_load %arg27[%get3A_801] {strides = array<i32>} : memref<256xi32, #tpu.memory_space<vmem>>, vector<16xi32>,
    %reduce_sum3A_803 = arith.constant true
    %reduce_sum3A_804 = vector.broadcast %reduce_sum3A_803 : i1 to vector<16xi1>
    %reduce_sum3A_805 = tpu.scan <sum>, %get3A_802 masked %reduce_sum3A_804 : vector<16xi32>, vector<16xi1> -> vector<16xi32>
    %reduce_sum3A_806 = vector.extract %reduce_sum3A_805[15] : i32 from vector<16xi32>
    %eq3A_807 = arith.constant 15 : i32
    %eq3A_808 = vector.broadcast %eq3A_807 : i32 to vector<16xi32>
    %eq3A_809 = arith.cmpi eq, %iota3A, %eq3A_808 : vector<16xi32>
    %broadcast_in_dim3A_810 = vector.broadcast %reduce_sum3A_806 : i32 to vector<16xi32>
    %select_n3A_811 = arith.select %eq3A_809, %broadcast_in_dim3A_810, %select_n3A_800 : vector<16xi1>, vector<16xi32>
    %rev3A_812 = arith.constant 15 : i32
    %rev3A_813 = vector.broadcast %rev3A_812 : i32 to vector<16xi32>
    %rev3A_814 = tpu.iota {dimensions = array<i32: 0>} : vector<16xi32>
    %rev3A_815 = arith.subi %rev3A_813, %rev3A_814 : vector<16xi32>
    %rev3A_816 = tpu.dynamic_gather %select_n3A_811[%rev3A_815] in [0] : vector<16xi32>, vector<16xi32> -> vector<16xi32>
    %broadcast_in_dim3A_817 = arith.constant true
    %broadcast_in_dim3A_818 = vector.broadcast %broadcast_in_dim3A_817 : i1 to vector<16xi1>
    %masked_cumsum3A_819 = tpu.scan <sum>, %rev3A_816 masked %broadcast_in_dim3A_818 : vector<16xi32>, vector<16xi1> -> vector<16xi32>
    %sub3A_820 = arith.subi %min3A_322, %add3A_562 : i32
    %ge3A_821 = vector.broadcast %sub3A_820 : i32 to vector<16xi32>
    %ge3A_822 = arith.cmpi sge, %masked_cumsum3A_819, %ge3A_821 : vector<16xi32>
    %all_reduce_ffs3A_823 = tpu.all_reduce %ge3A_822 {dim = 0 : i64, kind = #tpu.reduction_kind<find_first_set>} : vector<16xi1> -> vector<16xi32>
    %reduce_max3A_824 = arith.constant true
    %reduce_max3A_825 = vector.broadcast %reduce_max3A_824 : i1 to vector<16xi1>
    %reduce_max3A_826 = arith.constant -2147483648 : i32
    %reduce_max3A_827 = vector.broadcast %reduce_max3A_826 : i32 to vector<16xi32>
    %reduce_max3A_828 = arith.xori %all_reduce_ffs3A_823, %reduce_max3A_827 : vector<16xi32>
    %reduce_max3A_829 = tpu.scan <max>, %reduce_max3A_828 masked %reduce_max3A_825 : vector<16xi32>, vector<16xi1> -> vector<16xi32>
    %reduce_max3A_830 = arith.xori %reduce_max3A_829, %reduce_max3A_827 : vector<16xi32>
    %reduce_max3A_831 = vector.extract %reduce_max3A_830[15] : i32 from vector<16xi32>
    %lt3A_832 = vector.broadcast %reduce_max3A_831 : i32 to vector<16xi32>
    %lt3A_833 = arith.cmpi slt, %iota3A, %lt3A_832 : vector<16xi32>
    %jit3A_834 = arith.constant 0 : i32
    %broadcast_in_dim3A_835 = vector.broadcast %jit3A_834 : i32 to vector<16xi32>
    %select_n3A_836 = arith.select %lt3A_833, %rev3A_816, %broadcast_in_dim3A_835 : vector<16xi1>, vector<16xi32>
    %reduce_sum3A_837 = arith.constant true
    %reduce_sum3A_838 = vector.broadcast %reduce_sum3A_837 : i1 to vector<16xi1>
    %reduce_sum3A_839 = tpu.scan <sum>, %select_n3A_836 masked %reduce_sum3A_838 : vector<16xi32>, vector<16xi1> -> vector<16xi32>
    %reduce_sum3A_840 = vector.extract %reduce_sum3A_839[15] : i32 from vector<16xi32>
    %sub3A_841 = arith.constant 15 : i32
    %sub3A_842 = arith.subi %sub3A_841, %reduce_max3A_831 : i32
    %mul3A_843 = arith.constant 16 : i32
    %mul3A_844 = arith.muli %sub3A_842, %mul3A_843 : i32
    %multiple_of3A_845 = tpu.assume_multiple %mul3A_844, 16 : i32
    %get3A_846 = arith.index_cast %multiple_of3A_845 : i32 to index
    %get3A_847 = tpu.vector_load %arg27[%get3A_846] {strides = array<i32>} : memref<256xi32, #tpu.memory_space<vmem>>, vector<16xi32>,
    %rev3A_848 = arith.constant 15 : i32
    %rev3A_849 = vector.broadcast %rev3A_848 : i32 to vector<16xi32>
    %rev3A_850 = tpu.iota {dimensions = array<i32: 0>} : vector<16xi32>
    %rev3A_851 = arith.subi %rev3A_849, %rev3A_850 : vector<16xi32>
    %rev3A_852 = tpu.dynamic_gather %get3A_847[%rev3A_851] in [0] : vector<16xi32>, vector<16xi32> -> vector<16xi32>
    %broadcast_in_dim3A_853 = arith.constant true
    %broadcast_in_dim3A_854 = vector.broadcast %broadcast_in_dim3A_853 : i1 to vector<16xi1>
    %masked_cumsum3A_855 = tpu.scan <sum>, %rev3A_852 masked %broadcast_in_dim3A_854 : vector<16xi32>, vector<16xi1> -> vector<16xi32>
    %sub3A_856 = arith.subi %sub3A_820, %reduce_sum3A_840 : i32
    %ge3A_857 = vector.broadcast %sub3A_856 : i32 to vector<16xi32>
    %ge3A_858 = arith.cmpi sge, %masked_cumsum3A_855, %ge3A_857 : vector<16xi32>
    %all_reduce_ffs3A_859 = tpu.all_reduce %ge3A_858 {dim = 0 : i64, kind = #tpu.reduction_kind<find_first_set>} : vector<16xi1> -> vector<16xi32>
    %reduce_max3A_860 = arith.constant true
    %reduce_max3A_861 = vector.broadcast %reduce_max3A_860 : i1 to vector<16xi1>
    %reduce_max3A_862 = arith.constant -2147483648 : i32
    %reduce_max3A_863 = vector.broadcast %reduce_max3A_862 : i32 to vector<16xi32>
    %reduce_max3A_864 = arith.xori %all_reduce_ffs3A_859, %reduce_max3A_863 : vector<16xi32>
    %reduce_max3A_865 = tpu.scan <max>, %reduce_max3A_864 masked %reduce_max3A_861 : vector<16xi32>, vector<16xi1> -> vector<16xi32>
    %reduce_max3A_866 = arith.xori %reduce_max3A_865, %reduce_max3A_863 : vector<16xi32>
    %reduce_max3A_867 = vector.extract %reduce_max3A_866[15] : i32 from vector<16xi32>
    %lt3A_868 = vector.broadcast %reduce_max3A_867 : i32 to vector<16xi32>
    %lt3A_869 = arith.cmpi slt, %iota3A, %lt3A_868 : vector<16xi32>
    %jit3A_870 = arith.constant 0 : i32
    %broadcast_in_dim3A_871 = vector.broadcast %jit3A_870 : i32 to vector<16xi32>
    %select_n3A_872 = arith.select %lt3A_869, %rev3A_852, %broadcast_in_dim3A_871 : vector<16xi1>, vector<16xi32>
    %reduce_sum3A_873 = arith.constant true
    %reduce_sum3A_874 = vector.broadcast %reduce_sum3A_873 : i1 to vector<16xi1>
    %reduce_sum3A_875 = tpu.scan <sum>, %select_n3A_872 masked %reduce_sum3A_874 : vector<16xi32>, vector<16xi1> -> vector<16xi32>
    %reduce_sum3A_876 = vector.extract %reduce_sum3A_875[15] : i32 from vector<16xi32>
    %mul3A_877 = arith.constant 16 : i32
    %mul3A_878 = arith.muli %sub3A_842, %mul3A_877 : i32
    %sub3A_879 = arith.constant 15 : i32
    %sub3A_880 = arith.subi %sub3A_879, %reduce_max3A_867 : i32
    %add3A_881 = arith.addi %mul3A_878, %sub3A_880 : i32
    %add3A_882 = arith.addi %add3A_562, %reduce_sum3A_840 : i32
    %add3A_883 = arith.addi %add3A_882, %reduce_sum3A_876 : i32
    %shift_left3A = arith.constant 8 : i32
    %shift_left3A_884 = arith.shli %add3A_559, %shift_left3A : i32
    %or3A = arith.ori %shift_left3A_884, %add3A_881 : i32
    %broadcast_in_dim3A_885 = arith.constant 0 : i32
    %broadcast_in_dim3A_886 = vector.broadcast %broadcast_in_dim3A_885 : i32 to vector<16xi32>
    %swap3A_887 = arith.constant 0 : index
    %swap3A_888 = tpu.vector_load %arg27[%swap3A_887] {strides = array<i32>} : memref<256xi32, #tpu.memory_space<vmem>>, vector<16xi32>,
    tpu.vector_store %arg27[%swap3A_887], %broadcast_in_dim3A_886 {strides = array<i32>} : memref<256xi32, #tpu.memory_space<vmem>>, vector<16xi32>,
    %broadcast_in_dim3A_889 = arith.constant 0 : i32
    %broadcast_in_dim3A_890 = vector.broadcast %broadcast_in_dim3A_889 : i32 to vector<16xi32>
    %swap3A_891 = arith.constant 16 : index
    %swap3A_892 = tpu.vector_load %arg27[%swap3A_891] {strides = array<i32>} : memref<256xi32, #tpu.memory_space<vmem>>, vector<16xi32>,
    tpu.vector_store %arg27[%swap3A_891], %broadcast_in_dim3A_890 {strides = array<i32>} : memref<256xi32, #tpu.memory_space<vmem>>, vector<16xi32>,
    %broadcast_in_dim3A_893 = arith.constant 0 : i32
    %broadcast_in_dim3A_894 = vector.broadcast %broadcast_in_dim3A_893 : i32 to vector<16xi32>
    %swap3A_895 = arith.constant 32 : index
    %swap3A_896 = tpu.vector_load %arg27[%swap3A_895] {strides = array<i32>} : memref<256xi32, #tpu.memory_space<vmem>>, vector<16xi32>,
    tpu.vector_store %arg27[%swap3A_895], %broadcast_in_dim3A_894 {strides = array<i32>} : memref<256xi32, #tpu.memory_space<vmem>>, vector<16xi32>,
    %broadcast_in_dim3A_897 = arith.constant 0 : i32
    %broadcast_in_dim3A_898 = vector.broadcast %broadcast_in_dim3A_897 : i32 to vector<16xi32>
    %swap3A_899 = arith.constant 48 : index
    %swap3A_900 = tpu.vector_load %arg27[%swap3A_899] {strides = array<i32>} : memref<256xi32, #tpu.memory_space<vmem>>, vector<16xi32>,
    tpu.vector_store %arg27[%swap3A_899], %broadcast_in_dim3A_898 {strides = array<i32>} : memref<256xi32, #tpu.memory_space<vmem>>, vector<16xi32>,
    %broadcast_in_dim3A_901 = arith.constant 0 : i32
    %broadcast_in_dim3A_902 = vector.broadcast %broadcast_in_dim3A_901 : i32 to vector<16xi32>
    %swap3A_903 = arith.constant 64 : index
    %swap3A_904 = tpu.vector_load %arg27[%swap3A_903] {strides = array<i32>} : memref<256xi32, #tpu.memory_space<vmem>>, vector<16xi32>,
    tpu.vector_store %arg27[%swap3A_903], %broadcast_in_dim3A_902 {strides = array<i32>} : memref<256xi32, #tpu.memory_space<vmem>>, vector<16xi32>,
    %broadcast_in_dim3A_905 = arith.constant 0 : i32
    %broadcast_in_dim3A_906 = vector.broadcast %broadcast_in_dim3A_905 : i32 to vector<16xi32>
    %swap3A_907 = arith.constant 80 : index
    %swap3A_908 = tpu.vector_load %arg27[%swap3A_907] {strides = array<i32>} : memref<256xi32, #tpu.memory_space<vmem>>, vector<16xi32>,
    tpu.vector_store %arg27[%swap3A_907], %broadcast_in_dim3A_906 {strides = array<i32>} : memref<256xi32, #tpu.memory_space<vmem>>, vector<16xi32>,
    %broadcast_in_dim3A_909 = arith.constant 0 : i32
    %broadcast_in_dim3A_910 = vector.broadcast %broadcast_in_dim3A_909 : i32 to vector<16xi32>
    %swap3A_911 = arith.constant 96 : index
    %swap3A_912 = tpu.vector_load %arg27[%swap3A_911] {strides = array<i32>} : memref<256xi32, #tpu.memory_space<vmem>>, vector<16xi32>,
    tpu.vector_store %arg27[%swap3A_911], %broadcast_in_dim3A_910 {strides = array<i32>} : memref<256xi32, #tpu.memory_space<vmem>>, vector<16xi32>,
    %broadcast_in_dim3A_913 = arith.constant 0 : i32
    %broadcast_in_dim3A_914 = vector.broadcast %broadcast_in_dim3A_913 : i32 to vector<16xi32>
    %swap3A_915 = arith.constant 112 : index
    %swap3A_916 = tpu.vector_load %arg27[%swap3A_915] {strides = array<i32>} : memref<256xi32, #tpu.memory_space<vmem>>, vector<16xi32>,
    tpu.vector_store %arg27[%swap3A_915], %broadcast_in_dim3A_914 {strides = array<i32>} : memref<256xi32, #tpu.memory_space<vmem>>, vector<16xi32>,
    %broadcast_in_dim3A_917 = arith.constant 0 : i32
    %broadcast_in_dim3A_918 = vector.broadcast %broadcast_in_dim3A_917 : i32 to vector<16xi32>
    %swap3A_919 = arith.constant 128 : index
    %swap3A_920 = tpu.vector_load %arg27[%swap3A_919] {strides = array<i32>} : memref<256xi32, #tpu.memory_space<vmem>>, vector<16xi32>,
    tpu.vector_store %arg27[%swap3A_919], %broadcast_in_dim3A_918 {strides = array<i32>} : memref<256xi32, #tpu.memory_space<vmem>>, vector<16xi32>,
    %broadcast_in_dim3A_921 = arith.constant 0 : i32
    %broadcast_in_dim3A_922 = vector.broadcast %broadcast_in_dim3A_921 : i32 to vector<16xi32>
    %swap3A_923 = arith.constant 144 : index
    %swap3A_924 = tpu.vector_load %arg27[%swap3A_923] {strides = array<i32>} : memref<256xi32, #tpu.memory_space<vmem>>, vector<16xi32>,
    tpu.vector_store %arg27[%swap3A_923], %broadcast_in_dim3A_922 {strides = array<i32>} : memref<256xi32, #tpu.memory_space<vmem>>, vector<16xi32>,
    %broadcast_in_dim3A_925 = arith.constant 0 : i32
    %broadcast_in_dim3A_926 = vector.broadcast %broadcast_in_dim3A_925 : i32 to vector<16xi32>
    %swap3A_927 = arith.constant 160 : index
    %swap3A_928 = tpu.vector_load %arg27[%swap3A_927] {strides = array<i32>} : memref<256xi32, #tpu.memory_space<vmem>>, vector<16xi32>,
    tpu.vector_store %arg27[%swap3A_927], %broadcast_in_dim3A_926 {strides = array<i32>} : memref<256xi32, #tpu.memory_space<vmem>>, vector<16xi32>,
    %broadcast_in_dim3A_929 = arith.constant 0 : i32
    %broadcast_in_dim3A_930 = vector.broadcast %broadcast_in_dim3A_929 : i32 to vector<16xi32>
    %swap3A_931 = arith.constant 176 : index
    %swap3A_932 = tpu.vector_load %arg27[%swap3A_931] {strides = array<i32>} : memref<256xi32, #tpu.memory_space<vmem>>, vector<16xi32>,
    tpu.vector_store %arg27[%swap3A_931], %broadcast_in_dim3A_930 {strides = array<i32>} : memref<256xi32, #tpu.memory_space<vmem>>, vector<16xi32>,
    %broadcast_in_dim3A_933 = arith.constant 0 : i32
    %broadcast_in_dim3A_934 = vector.broadcast %broadcast_in_dim3A_933 : i32 to vector<16xi32>
    %swap3A_935 = arith.constant 192 : index
    %swap3A_936 = tpu.vector_load %arg27[%swap3A_935] {strides = array<i32>} : memref<256xi32, #tpu.memory_space<vmem>>, vector<16xi32>,
    tpu.vector_store %arg27[%swap3A_935], %broadcast_in_dim3A_934 {strides = array<i32>} : memref<256xi32, #tpu.memory_space<vmem>>, vector<16xi32>,
    %broadcast_in_dim3A_937 = arith.constant 0 : i32
    %broadcast_in_dim3A_938 = vector.broadcast %broadcast_in_dim3A_937 : i32 to vector<16xi32>
    %swap3A_939 = arith.constant 208 : index
    %swap3A_940 = tpu.vector_load %arg27[%swap3A_939] {strides = array<i32>} : memref<256xi32, #tpu.memory_space<vmem>>, vector<16xi32>,
    tpu.vector_store %arg27[%swap3A_939], %broadcast_in_dim3A_938 {strides = array<i32>} : memref<256xi32, #tpu.memory_space<vmem>>, vector<16xi32>,
    %broadcast_in_dim3A_941 = arith.constant 0 : i32
    %broadcast_in_dim3A_942 = vector.broadcast %broadcast_in_dim3A_941 : i32 to vector<16xi32>
    %swap3A_943 = arith.constant 224 : index
    %swap3A_944 = tpu.vector_load %arg27[%swap3A_943] {strides = array<i32>} : memref<256xi32, #tpu.memory_space<vmem>>, vector<16xi32>,
    tpu.vector_store %arg27[%swap3A_943], %broadcast_in_dim3A_942 {strides = array<i32>} : memref<256xi32, #tpu.memory_space<vmem>>, vector<16xi32>,
    %broadcast_in_dim3A_945 = arith.constant 0 : i32
    %broadcast_in_dim3A_946 = vector.broadcast %broadcast_in_dim3A_945 : i32 to vector<16xi32>
    %swap3A_947 = arith.constant 240 : index
    %swap3A_948 = tpu.vector_load %arg27[%swap3A_947] {strides = array<i32>} : memref<256xi32, #tpu.memory_space<vmem>>, vector<16xi32>,
    tpu.vector_store %arg27[%swap3A_947], %broadcast_in_dim3A_946 {strides = array<i32>} : memref<256xi32, #tpu.memory_space<vmem>>, vector<16xi32>,
    %scan3A_949 = arith.constant 0 : i32
    %scan3A_950 = arith.constant 0 : i32
    %scan3A_951 = arith.constant 91 : i32
    %scan3A_952 = arith.addi %scan3A_950, %scan3A_951 : i32
    %scan3A_953 = arith.constant 1 : i32
    %scan3A_954 = scf.for %scan3A_1569 = %scan3A_950 to %scan3A_952 step %scan3A_953 iter_args(%scan3A_1570 = %scan3A_949) -> (i32)  : i32 {
      %mul3A_1571 = arith.constant 96 : i32
      %mul3A_1572 = arith.muli %scan3A_1569, %mul3A_1571 : i32
      %multiple_of3A_1573 = tpu.assume_multiple %mul3A_1572, 16 : i32
      %add3A_1574 = arith.constant 0 : i32
      %add3A_1575 = arith.addi %multiple_of3A_1573, %add3A_1574 : i32
      %get3A_1576 = arith.index_cast %add3A_1575 : i32 to index
      %get3A_1577 = tpu.vector_load %arg20[%get3A_1576] {strides = array<i32>} : memref<8736xi32, #tpu.memory_space<vmem>>, vector<16xi32>,
      %shift_right_arithmetic3A = arith.constant 8 : i32
      %shift_right_arithmetic3A_1578 = vector.broadcast %shift_right_arithmetic3A : i32 to vector<16xi32>
      %shift_right_arithmetic3A_1579 = arith.shrsi %get3A_1577, %shift_right_arithmetic3A_1578 : vector<16xi32>
      %and3A = arith.constant 255 : i32
      %and3A_1580 = vector.broadcast %and3A : i32 to vector<16xi32>
      %and3A_1581 = arith.andi %shift_right_arithmetic3A_1579, %and3A_1580 : vector<16xi32>
      %shift_right_arithmetic3A_1582 = arith.constant 16 : i32
      %shift_right_arithmetic3A_1583 = vector.broadcast %shift_right_arithmetic3A_1582 : i32 to vector<16xi32>
      %shift_right_arithmetic3A_1584 = arith.shrsi %get3A_1577, %shift_right_arithmetic3A_1583 : vector<16xi32>
      %eq3A_1585 = vector.broadcast %or3A : i32 to vector<16xi32>
      %eq3A_1586 = arith.cmpi eq, %shift_right_arithmetic3A_1584, %eq3A_1585 : vector<16xi32>
      tpu.vector_store_idx %arg27[%and3A_1581], %broadcast_in_dim3A_260 masked %eq3A_1586 {add = true} : memref<256xi32, #tpu.memory_space<vmem>>[vector<16xi32>], vector<16xi32>, vector<16xi1>
      %add3A_1587 = arith.constant 16 : i32
      %add3A_1588 = arith.addi %multiple_of3A_1573, %add3A_1587 : i32
      %get3A_1589 = arith.index_cast %add3A_1588 : i32 to index
      %get3A_1590 = tpu.vector_load %arg20[%get3A_1589] {strides = array<i32>} : memref<8736xi32, #tpu.memory_space<vmem>>, vector<16xi32>,
      %shift_right_arithmetic3A_1591 = arith.constant 8 : i32
      %shift_right_arithmetic3A_1592 = vector.broadcast %shift_right_arithmetic3A_1591 : i32 to vector<16xi32>
      %shift_right_arithmetic3A_1593 = arith.shrsi %get3A_1590, %shift_right_arithmetic3A_1592 : vector<16xi32>
      %and3A_1594 = arith.constant 255 : i32
      %and3A_1595 = vector.broadcast %and3A_1594 : i32 to vector<16xi32>
      %and3A_1596 = arith.andi %shift_right_arithmetic3A_1593, %and3A_1595 : vector<16xi32>
      %shift_right_arithmetic3A_1597 = arith.constant 16 : i32
      %shift_right_arithmetic3A_1598 = vector.broadcast %shift_right_arithmetic3A_1597 : i32 to vector<16xi32>
      %shift_right_arithmetic3A_1599 = arith.shrsi %get3A_1590, %shift_right_arithmetic3A_1598 : vector<16xi32>
      %eq3A_1600 = vector.broadcast %or3A : i32 to vector<16xi32>
      %eq3A_1601 = arith.cmpi eq, %shift_right_arithmetic3A_1599, %eq3A_1600 : vector<16xi32>
      tpu.vector_store_idx %arg27[%and3A_1596], %broadcast_in_dim3A_260 masked %eq3A_1601 {add = true} : memref<256xi32, #tpu.memory_space<vmem>>[vector<16xi32>], vector<16xi32>, vector<16xi1>
      %add3A_1602 = arith.constant 32 : i32
      %add3A_1603 = arith.addi %multiple_of3A_1573, %add3A_1602 : i32
      %get3A_1604 = arith.index_cast %add3A_1603 : i32 to index
      %get3A_1605 = tpu.vector_load %arg20[%get3A_1604] {strides = array<i32>} : memref<8736xi32, #tpu.memory_space<vmem>>, vector<16xi32>,
      %shift_right_arithmetic3A_1606 = arith.constant 8 : i32
      %shift_right_arithmetic3A_1607 = vector.broadcast %shift_right_arithmetic3A_1606 : i32 to vector<16xi32>
      %shift_right_arithmetic3A_1608 = arith.shrsi %get3A_1605, %shift_right_arithmetic3A_1607 : vector<16xi32>
      %and3A_1609 = arith.constant 255 : i32
      %and3A_1610 = vector.broadcast %and3A_1609 : i32 to vector<16xi32>
      %and3A_1611 = arith.andi %shift_right_arithmetic3A_1608, %and3A_1610 : vector<16xi32>
      %shift_right_arithmetic3A_1612 = arith.constant 16 : i32
      %shift_right_arithmetic3A_1613 = vector.broadcast %shift_right_arithmetic3A_1612 : i32 to vector<16xi32>
      %shift_right_arithmetic3A_1614 = arith.shrsi %get3A_1605, %shift_right_arithmetic3A_1613 : vector<16xi32>
      %eq3A_1615 = vector.broadcast %or3A : i32 to vector<16xi32>
      %eq3A_1616 = arith.cmpi eq, %shift_right_arithmetic3A_1614, %eq3A_1615 : vector<16xi32>
      tpu.vector_store_idx %arg27[%and3A_1611], %broadcast_in_dim3A_260 masked %eq3A_1616 {add = true} : memref<256xi32, #tpu.memory_space<vmem>>[vector<16xi32>], vector<16xi32>, vector<16xi1>
      %add3A_1617 = arith.constant 48 : i32
      %add3A_1618 = arith.addi %multiple_of3A_1573, %add3A_1617 : i32
      %get3A_1619 = arith.index_cast %add3A_1618 : i32 to index
      %get3A_1620 = tpu.vector_load %arg20[%get3A_1619] {strides = array<i32>} : memref<8736xi32, #tpu.memory_space<vmem>>, vector<16xi32>,
      %shift_right_arithmetic3A_1621 = arith.constant 8 : i32
      %shift_right_arithmetic3A_1622 = vector.broadcast %shift_right_arithmetic3A_1621 : i32 to vector<16xi32>
      %shift_right_arithmetic3A_1623 = arith.shrsi %get3A_1620, %shift_right_arithmetic3A_1622 : vector<16xi32>
      %and3A_1624 = arith.constant 255 : i32
      %and3A_1625 = vector.broadcast %and3A_1624 : i32 to vector<16xi32>
      %and3A_1626 = arith.andi %shift_right_arithmetic3A_1623, %and3A_1625 : vector<16xi32>
      %shift_right_arithmetic3A_1627 = arith.constant 16 : i32
      %shift_right_arithmetic3A_1628 = vector.broadcast %shift_right_arithmetic3A_1627 : i32 to vector<16xi32>
      %shift_right_arithmetic3A_1629 = arith.shrsi %get3A_1620, %shift_right_arithmetic3A_1628 : vector<16xi32>
      %eq3A_1630 = vector.broadcast %or3A : i32 to vector<16xi32>
      %eq3A_1631 = arith.cmpi eq, %shift_right_arithmetic3A_1629, %eq3A_1630 : vector<16xi32>
      tpu.vector_store_idx %arg27[%and3A_1626], %broadcast_in_dim3A_260 masked %eq3A_1631 {add = true} : memref<256xi32, #tpu.memory_space<vmem>>[vector<16xi32>], vector<16xi32>, vector<16xi1>
      %add3A_1632 = arith.constant 64 : i32
      %add3A_1633 = arith.addi %multiple_of3A_1573, %add3A_1632 : i32
      %get3A_1634 = arith.index_cast %add3A_1633 : i32 to index
      %get3A_1635 = tpu.vector_load %arg20[%get3A_1634] {strides = array<i32>} : memref<8736xi32, #tpu.memory_space<vmem>>, vector<16xi32>,
      %shift_right_arithmetic3A_1636 = arith.constant 8 : i32
      %shift_right_arithmetic3A_1637 = vector.broadcast %shift_right_arithmetic3A_1636 : i32 to vector<16xi32>
      %shift_right_arithmetic3A_1638 = arith.shrsi %get3A_1635, %shift_right_arithmetic3A_1637 : vector<16xi32>
      %and3A_1639 = arith.constant 255 : i32
      %and3A_1640 = vector.broadcast %and3A_1639 : i32 to vector<16xi32>
      %and3A_1641 = arith.andi %shift_right_arithmetic3A_1638, %and3A_1640 : vector<16xi32>
      %shift_right_arithmetic3A_1642 = arith.constant 16 : i32
      %shift_right_arithmetic3A_1643 = vector.broadcast %shift_right_arithmetic3A_1642 : i32 to vector<16xi32>
      %shift_right_arithmetic3A_1644 = arith.shrsi %get3A_1635, %shift_right_arithmetic3A_1643 : vector<16xi32>
      %eq3A_1645 = vector.broadcast %or3A : i32 to vector<16xi32>
      %eq3A_1646 = arith.cmpi eq, %shift_right_arithmetic3A_1644, %eq3A_1645 : vector<16xi32>
      tpu.vector_store_idx %arg27[%and3A_1641], %broadcast_in_dim3A_260 masked %eq3A_1646 {add = true} : memref<256xi32, #tpu.memory_space<vmem>>[vector<16xi32>], vector<16xi32>, vector<16xi1>
      %add3A_1647 = arith.constant 80 : i32
      %add3A_1648 = arith.addi %multiple_of3A_1573, %add3A_1647 : i32
      %get3A_1649 = arith.index_cast %add3A_1648 : i32 to index
      %get3A_1650 = tpu.vector_load %arg20[%get3A_1649] {strides = array<i32>} : memref<8736xi32, #tpu.memory_space<vmem>>, vector<16xi32>,
      %shift_right_arithmetic3A_1651 = arith.constant 8 : i32
      %shift_right_arithmetic3A_1652 = vector.broadcast %shift_right_arithmetic3A_1651 : i32 to vector<16xi32>
      %shift_right_arithmetic3A_1653 = arith.shrsi %get3A_1650, %shift_right_arithmetic3A_1652 : vector<16xi32>
      %and3A_1654 = arith.constant 255 : i32
      %and3A_1655 = vector.broadcast %and3A_1654 : i32 to vector<16xi32>
      %and3A_1656 = arith.andi %shift_right_arithmetic3A_1653, %and3A_1655 : vector<16xi32>
      %shift_right_arithmetic3A_1657 = arith.constant 16 : i32
      %shift_right_arithmetic3A_1658 = vector.broadcast %shift_right_arithmetic3A_1657 : i32 to vector<16xi32>
      %shift_right_arithmetic3A_1659 = arith.shrsi %get3A_1650, %shift_right_arithmetic3A_1658 : vector<16xi32>
      %eq3A_1660 = vector.broadcast %or3A : i32 to vector<16xi32>
      %eq3A_1661 = arith.cmpi eq, %shift_right_arithmetic3A_1659, %eq3A_1660 : vector<16xi32>
      tpu.vector_store_idx %arg27[%and3A_1656], %broadcast_in_dim3A_260 masked %eq3A_1661 {add = true} : memref<256xi32, #tpu.memory_space<vmem>>[vector<16xi32>], vector<16xi32>, vector<16xi1>
      %scan3A_1662 = arith.constant 0 : i32
      scf.yield %scan3A_1662 : i32
    }
    %scan3A_955 = arith.constant 91 : i32
    %broadcast_in_dim3A_956 = arith.constant 0 : i32
    %broadcast_in_dim3A_957 = vector.broadcast %broadcast_in_dim3A_956 : i32 to vector<16xi32>
    %get3A_958 = arith.constant 0 : index
    %get3A_959 = tpu.vector_load %arg27[%get3A_958] {strides = array<i32>} : memref<256xi32, #tpu.memory_space<vmem>>, vector<16xi32>,
    %reduce_sum3A_960 = arith.constant true
    %reduce_sum3A_961 = vector.broadcast %reduce_sum3A_960 : i1 to vector<16xi1>
    %reduce_sum3A_962 = tpu.scan <sum>, %get3A_959 masked %reduce_sum3A_961 : vector<16xi32>, vector<16xi1> -> vector<16xi32>
    %reduce_sum3A_963 = vector.extract %reduce_sum3A_962[15] : i32 from vector<16xi32>
    %eq3A_964 = arith.constant 0 : i32
    %eq3A_965 = vector.broadcast %eq3A_964 : i32 to vector<16xi32>
    %eq3A_966 = arith.cmpi eq, %iota3A, %eq3A_965 : vector<16xi32>
    %broadcast_in_dim3A_967 = vector.broadcast %reduce_sum3A_963 : i32 to vector<16xi32>
    %select_n3A_968 = arith.select %eq3A_966, %broadcast_in_dim3A_967, %broadcast_in_dim3A_957 : vector<16xi1>, vector<16xi32>
    %get3A_969 = arith.constant 16 : index
    %get3A_970 = tpu.vector_load %arg27[%get3A_969] {strides = array<i32>} : memref<256xi32, #tpu.memory_space<vmem>>, vector<16xi32>,
    %reduce_sum3A_971 = arith.constant true
    %reduce_sum3A_972 = vector.broadcast %reduce_sum3A_971 : i1 to vector<16xi1>
    %reduce_sum3A_973 = tpu.scan <sum>, %get3A_970 masked %reduce_sum3A_972 : vector<16xi32>, vector<16xi1> -> vector<16xi32>
    %reduce_sum3A_974 = vector.extract %reduce_sum3A_973[15] : i32 from vector<16xi32>
    %eq3A_975 = arith.constant 1 : i32
    %eq3A_976 = vector.broadcast %eq3A_975 : i32 to vector<16xi32>
    %eq3A_977 = arith.cmpi eq, %iota3A, %eq3A_976 : vector<16xi32>
    %broadcast_in_dim3A_978 = vector.broadcast %reduce_sum3A_974 : i32 to vector<16xi32>
    %select_n3A_979 = arith.select %eq3A_977, %broadcast_in_dim3A_978, %select_n3A_968 : vector<16xi1>, vector<16xi32>
    %get3A_980 = arith.constant 32 : index
    %get3A_981 = tpu.vector_load %arg27[%get3A_980] {strides = array<i32>} : memref<256xi32, #tpu.memory_space<vmem>>, vector<16xi32>,
    %reduce_sum3A_982 = arith.constant true
    %reduce_sum3A_983 = vector.broadcast %reduce_sum3A_982 : i1 to vector<16xi1>
    %reduce_sum3A_984 = tpu.scan <sum>, %get3A_981 masked %reduce_sum3A_983 : vector<16xi32>, vector<16xi1> -> vector<16xi32>
    %reduce_sum3A_985 = vector.extract %reduce_sum3A_984[15] : i32 from vector<16xi32>
    %eq3A_986 = arith.constant 2 : i32
    %eq3A_987 = vector.broadcast %eq3A_986 : i32 to vector<16xi32>
    %eq3A_988 = arith.cmpi eq, %iota3A, %eq3A_987 : vector<16xi32>
    %broadcast_in_dim3A_989 = vector.broadcast %reduce_sum3A_985 : i32 to vector<16xi32>
    %select_n3A_990 = arith.select %eq3A_988, %broadcast_in_dim3A_989, %select_n3A_979 : vector<16xi1>, vector<16xi32>
    %get3A_991 = arith.constant 48 : index
    %get3A_992 = tpu.vector_load %arg27[%get3A_991] {strides = array<i32>} : memref<256xi32, #tpu.memory_space<vmem>>, vector<16xi32>,
    %reduce_sum3A_993 = arith.constant true
    %reduce_sum3A_994 = vector.broadcast %reduce_sum3A_993 : i1 to vector<16xi1>
    %reduce_sum3A_995 = tpu.scan <sum>, %get3A_992 masked %reduce_sum3A_994 : vector<16xi32>, vector<16xi1> -> vector<16xi32>
    %reduce_sum3A_996 = vector.extract %reduce_sum3A_995[15] : i32 from vector<16xi32>
    %eq3A_997 = arith.constant 3 : i32
    %eq3A_998 = vector.broadcast %eq3A_997 : i32 to vector<16xi32>
    %eq3A_999 = arith.cmpi eq, %iota3A, %eq3A_998 : vector<16xi32>
    %broadcast_in_dim3A_1000 = vector.broadcast %reduce_sum3A_996 : i32 to vector<16xi32>
    %select_n3A_1001 = arith.select %eq3A_999, %broadcast_in_dim3A_1000, %select_n3A_990 : vector<16xi1>, vector<16xi32>
    %get3A_1002 = arith.constant 64 : index
    %get3A_1003 = tpu.vector_load %arg27[%get3A_1002] {strides = array<i32>} : memref<256xi32, #tpu.memory_space<vmem>>, vector<16xi32>,
    %reduce_sum3A_1004 = arith.constant true
    %reduce_sum3A_1005 = vector.broadcast %reduce_sum3A_1004 : i1 to vector<16xi1>
    %reduce_sum3A_1006 = tpu.scan <sum>, %get3A_1003 masked %reduce_sum3A_1005 : vector<16xi32>, vector<16xi1> -> vector<16xi32>
    %reduce_sum3A_1007 = vector.extract %reduce_sum3A_1006[15] : i32 from vector<16xi32>
    %eq3A_1008 = arith.constant 4 : i32
    %eq3A_1009 = vector.broadcast %eq3A_1008 : i32 to vector<16xi32>
    %eq3A_1010 = arith.cmpi eq, %iota3A, %eq3A_1009 : vector<16xi32>
    %broadcast_in_dim3A_1011 = vector.broadcast %reduce_sum3A_1007 : i32 to vector<16xi32>
    %select_n3A_1012 = arith.select %eq3A_1010, %broadcast_in_dim3A_1011, %select_n3A_1001 : vector<16xi1>, vector<16xi32>
    %get3A_1013 = arith.constant 80 : index
    %get3A_1014 = tpu.vector_load %arg27[%get3A_1013] {strides = array<i32>} : memref<256xi32, #tpu.memory_space<vmem>>, vector<16xi32>,
    %reduce_sum3A_1015 = arith.constant true
    %reduce_sum3A_1016 = vector.broadcast %reduce_sum3A_1015 : i1 to vector<16xi1>
    %reduce_sum3A_1017 = tpu.scan <sum>, %get3A_1014 masked %reduce_sum3A_1016 : vector<16xi32>, vector<16xi1> -> vector<16xi32>
    %reduce_sum3A_1018 = vector.extract %reduce_sum3A_1017[15] : i32 from vector<16xi32>
    %eq3A_1019 = arith.constant 5 : i32
    %eq3A_1020 = vector.broadcast %eq3A_1019 : i32 to vector<16xi32>
    %eq3A_1021 = arith.cmpi eq, %iota3A, %eq3A_1020 : vector<16xi32>
    %broadcast_in_dim3A_1022 = vector.broadcast %reduce_sum3A_1018 : i32 to vector<16xi32>
    %select_n3A_1023 = arith.select %eq3A_1021, %broadcast_in_dim3A_1022, %select_n3A_1012 : vector<16xi1>, vector<16xi32>
    %get3A_1024 = arith.constant 96 : index
    %get3A_1025 = tpu.vector_load %arg27[%get3A_1024] {strides = array<i32>} : memref<256xi32, #tpu.memory_space<vmem>>, vector<16xi32>,
    %reduce_sum3A_1026 = arith.constant true
    %reduce_sum3A_1027 = vector.broadcast %reduce_sum3A_1026 : i1 to vector<16xi1>
    %reduce_sum3A_1028 = tpu.scan <sum>, %get3A_1025 masked %reduce_sum3A_1027 : vector<16xi32>, vector<16xi1> -> vector<16xi32>
    %reduce_sum3A_1029 = vector.extract %reduce_sum3A_1028[15] : i32 from vector<16xi32>
    %eq3A_1030 = arith.constant 6 : i32
    %eq3A_1031 = vector.broadcast %eq3A_1030 : i32 to vector<16xi32>
    %eq3A_1032 = arith.cmpi eq, %iota3A, %eq3A_1031 : vector<16xi32>
    %broadcast_in_dim3A_1033 = vector.broadcast %reduce_sum3A_1029 : i32 to vector<16xi32>
    %select_n3A_1034 = arith.select %eq3A_1032, %broadcast_in_dim3A_1033, %select_n3A_1023 : vector<16xi1>, vector<16xi32>
    %get3A_1035 = arith.constant 112 : index
    %get3A_1036 = tpu.vector_load %arg27[%get3A_1035] {strides = array<i32>} : memref<256xi32, #tpu.memory_space<vmem>>, vector<16xi32>,
    %reduce_sum3A_1037 = arith.constant true
    %reduce_sum3A_1038 = vector.broadcast %reduce_sum3A_1037 : i1 to vector<16xi1>
    %reduce_sum3A_1039 = tpu.scan <sum>, %get3A_1036 masked %reduce_sum3A_1038 : vector<16xi32>, vector<16xi1> -> vector<16xi32>
    %reduce_sum3A_1040 = vector.extract %reduce_sum3A_1039[15] : i32 from vector<16xi32>
    %eq3A_1041 = arith.constant 7 : i32
    %eq3A_1042 = vector.broadcast %eq3A_1041 : i32 to vector<16xi32>
    %eq3A_1043 = arith.cmpi eq, %iota3A, %eq3A_1042 : vector<16xi32>
    %broadcast_in_dim3A_1044 = vector.broadcast %reduce_sum3A_1040 : i32 to vector<16xi32>
    %select_n3A_1045 = arith.select %eq3A_1043, %broadcast_in_dim3A_1044, %select_n3A_1034 : vector<16xi1>, vector<16xi32>
    %get3A_1046 = arith.constant 128 : index
    %get3A_1047 = tpu.vector_load %arg27[%get3A_1046] {strides = array<i32>} : memref<256xi32, #tpu.memory_space<vmem>>, vector<16xi32>,
    %reduce_sum3A_1048 = arith.constant true
    %reduce_sum3A_1049 = vector.broadcast %reduce_sum3A_1048 : i1 to vector<16xi1>
    %reduce_sum3A_1050 = tpu.scan <sum>, %get3A_1047 masked %reduce_sum3A_1049 : vector<16xi32>, vector<16xi1> -> vector<16xi32>
    %reduce_sum3A_1051 = vector.extract %reduce_sum3A_1050[15] : i32 from vector<16xi32>
    %eq3A_1052 = arith.constant 8 : i32
    %eq3A_1053 = vector.broadcast %eq3A_1052 : i32 to vector<16xi32>
    %eq3A_1054 = arith.cmpi eq, %iota3A, %eq3A_1053 : vector<16xi32>
    %broadcast_in_dim3A_1055 = vector.broadcast %reduce_sum3A_1051 : i32 to vector<16xi32>
    %select_n3A_1056 = arith.select %eq3A_1054, %broadcast_in_dim3A_1055, %select_n3A_1045 : vector<16xi1>, vector<16xi32>
    %get3A_1057 = arith.constant 144 : index
    %get3A_1058 = tpu.vector_load %arg27[%get3A_1057] {strides = array<i32>} : memref<256xi32, #tpu.memory_space<vmem>>, vector<16xi32>,
    %reduce_sum3A_1059 = arith.constant true
    %reduce_sum3A_1060 = vector.broadcast %reduce_sum3A_1059 : i1 to vector<16xi1>
    %reduce_sum3A_1061 = tpu.scan <sum>, %get3A_1058 masked %reduce_sum3A_1060 : vector<16xi32>, vector<16xi1> -> vector<16xi32>
    %reduce_sum3A_1062 = vector.extract %reduce_sum3A_1061[15] : i32 from vector<16xi32>
    %eq3A_1063 = arith.constant 9 : i32
    %eq3A_1064 = vector.broadcast %eq3A_1063 : i32 to vector<16xi32>
    %eq3A_1065 = arith.cmpi eq, %iota3A, %eq3A_1064 : vector<16xi32>
    %broadcast_in_dim3A_1066 = vector.broadcast %reduce_sum3A_1062 : i32 to vector<16xi32>
    %select_n3A_1067 = arith.select %eq3A_1065, %broadcast_in_dim3A_1066, %select_n3A_1056 : vector<16xi1>, vector<16xi32>
    %get3A_1068 = arith.constant 160 : index
    %get3A_1069 = tpu.vector_load %arg27[%get3A_1068] {strides = array<i32>} : memref<256xi32, #tpu.memory_space<vmem>>, vector<16xi32>,
    %reduce_sum3A_1070 = arith.constant true
    %reduce_sum3A_1071 = vector.broadcast %reduce_sum3A_1070 : i1 to vector<16xi1>
    %reduce_sum3A_1072 = tpu.scan <sum>, %get3A_1069 masked %reduce_sum3A_1071 : vector<16xi32>, vector<16xi1> -> vector<16xi32>
    %reduce_sum3A_1073 = vector.extract %reduce_sum3A_1072[15] : i32 from vector<16xi32>
    %eq3A_1074 = arith.constant 10 : i32
    %eq3A_1075 = vector.broadcast %eq3A_1074 : i32 to vector<16xi32>
    %eq3A_1076 = arith.cmpi eq, %iota3A, %eq3A_1075 : vector<16xi32>
    %broadcast_in_dim3A_1077 = vector.broadcast %reduce_sum3A_1073 : i32 to vector<16xi32>
    %select_n3A_1078 = arith.select %eq3A_1076, %broadcast_in_dim3A_1077, %select_n3A_1067 : vector<16xi1>, vector<16xi32>
    %get3A_1079 = arith.constant 176 : index
    %get3A_1080 = tpu.vector_load %arg27[%get3A_1079] {strides = array<i32>} : memref<256xi32, #tpu.memory_space<vmem>>, vector<16xi32>,
    %reduce_sum3A_1081 = arith.constant true
    %reduce_sum3A_1082 = vector.broadcast %reduce_sum3A_1081 : i1 to vector<16xi1>
    %reduce_sum3A_1083 = tpu.scan <sum>, %get3A_1080 masked %reduce_sum3A_1082 : vector<16xi32>, vector<16xi1> -> vector<16xi32>
    %reduce_sum3A_1084 = vector.extract %reduce_sum3A_1083[15] : i32 from vector<16xi32>
    %eq3A_1085 = arith.constant 11 : i32
    %eq3A_1086 = vector.broadcast %eq3A_1085 : i32 to vector<16xi32>
    %eq3A_1087 = arith.cmpi eq, %iota3A, %eq3A_1086 : vector<16xi32>
    %broadcast_in_dim3A_1088 = vector.broadcast %reduce_sum3A_1084 : i32 to vector<16xi32>
    %select_n3A_1089 = arith.select %eq3A_1087, %broadcast_in_dim3A_1088, %select_n3A_1078 : vector<16xi1>, vector<16xi32>
    %get3A_1090 = arith.constant 192 : index
    %get3A_1091 = tpu.vector_load %arg27[%get3A_1090] {strides = array<i32>} : memref<256xi32, #tpu.memory_space<vmem>>, vector<16xi32>,
    %reduce_sum3A_1092 = arith.constant true
    %reduce_sum3A_1093 = vector.broadcast %reduce_sum3A_1092 : i1 to vector<16xi1>
    %reduce_sum3A_1094 = tpu.scan <sum>, %get3A_1091 masked %reduce_sum3A_1093 : vector<16xi32>, vector<16xi1> -> vector<16xi32>
    %reduce_sum3A_1095 = vector.extract %reduce_sum3A_1094[15] : i32 from vector<16xi32>
    %eq3A_1096 = arith.constant 12 : i32
    %eq3A_1097 = vector.broadcast %eq3A_1096 : i32 to vector<16xi32>
    %eq3A_1098 = arith.cmpi eq, %iota3A, %eq3A_1097 : vector<16xi32>
    %broadcast_in_dim3A_1099 = vector.broadcast %reduce_sum3A_1095 : i32 to vector<16xi32>
    %select_n3A_1100 = arith.select %eq3A_1098, %broadcast_in_dim3A_1099, %select_n3A_1089 : vector<16xi1>, vector<16xi32>
    %get3A_1101 = arith.constant 208 : index
    %get3A_1102 = tpu.vector_load %arg27[%get3A_1101] {strides = array<i32>} : memref<256xi32, #tpu.memory_space<vmem>>, vector<16xi32>,
    %reduce_sum3A_1103 = arith.constant true
    %reduce_sum3A_1104 = vector.broadcast %reduce_sum3A_1103 : i1 to vector<16xi1>
    %reduce_sum3A_1105 = tpu.scan <sum>, %get3A_1102 masked %reduce_sum3A_1104 : vector<16xi32>, vector<16xi1> -> vector<16xi32>
    %reduce_sum3A_1106 = vector.extract %reduce_sum3A_1105[15] : i32 from vector<16xi32>
    %eq3A_1107 = arith.constant 13 : i32
    %eq3A_1108 = vector.broadcast %eq3A_1107 : i32 to vector<16xi32>
    %eq3A_1109 = arith.cmpi eq, %iota3A, %eq3A_1108 : vector<16xi32>
    %broadcast_in_dim3A_1110 = vector.broadcast %reduce_sum3A_1106 : i32 to vector<16xi32>
    %select_n3A_1111 = arith.select %eq3A_1109, %broadcast_in_dim3A_1110, %select_n3A_1100 : vector<16xi1>, vector<16xi32>
    %get3A_1112 = arith.constant 224 : index
    %get3A_1113 = tpu.vector_load %arg27[%get3A_1112] {strides = array<i32>} : memref<256xi32, #tpu.memory_space<vmem>>, vector<16xi32>,
    %reduce_sum3A_1114 = arith.constant true
    %reduce_sum3A_1115 = vector.broadcast %reduce_sum3A_1114 : i1 to vector<16xi1>
    %reduce_sum3A_1116 = tpu.scan <sum>, %get3A_1113 masked %reduce_sum3A_1115 : vector<16xi32>, vector<16xi1> -> vector<16xi32>
    %reduce_sum3A_1117 = vector.extract %reduce_sum3A_1116[15] : i32 from vector<16xi32>
    %eq3A_1118 = arith.constant 14 : i32
    %eq3A_1119 = vector.broadcast %eq3A_1118 : i32 to vector<16xi32>
    %eq3A_1120 = arith.cmpi eq, %iota3A, %eq3A_1119 : vector<16xi32>
    %broadcast_in_dim3A_1121 = vector.broadcast %reduce_sum3A_1117 : i32 to vector<16xi32>
    %select_n3A_1122 = arith.select %eq3A_1120, %broadcast_in_dim3A_1121, %select_n3A_1111 : vector<16xi1>, vector<16xi32>
    %get3A_1123 = arith.constant 240 : index
    %get3A_1124 = tpu.vector_load %arg27[%get3A_1123] {strides = array<i32>} : memref<256xi32, #tpu.memory_space<vmem>>, vector<16xi32>,
    %reduce_sum3A_1125 = arith.constant true
    %reduce_sum3A_1126 = vector.broadcast %reduce_sum3A_1125 : i1 to vector<16xi1>
    %reduce_sum3A_1127 = tpu.scan <sum>, %get3A_1124 masked %reduce_sum3A_1126 : vector<16xi32>, vector<16xi1> -> vector<16xi32>
    %reduce_sum3A_1128 = vector.extract %reduce_sum3A_1127[15] : i32 from vector<16xi32>
    %eq3A_1129 = arith.constant 15 : i32
    %eq3A_1130 = vector.broadcast %eq3A_1129 : i32 to vector<16xi32>
    %eq3A_1131 = arith.cmpi eq, %iota3A, %eq3A_1130 : vector<16xi32>
    %broadcast_in_dim3A_1132 = vector.broadcast %reduce_sum3A_1128 : i32 to vector<16xi32>
    %select_n3A_1133 = arith.select %eq3A_1131, %broadcast_in_dim3A_1132, %select_n3A_1122 : vector<16xi1>, vector<16xi32>
    %rev3A_1134 = arith.constant 15 : i32
    %rev3A_1135 = vector.broadcast %rev3A_1134 : i32 to vector<16xi32>
    %rev3A_1136 = tpu.iota {dimensions = array<i32: 0>} : vector<16xi32>
    %rev3A_1137 = arith.subi %rev3A_1135, %rev3A_1136 : vector<16xi32>
    %rev3A_1138 = tpu.dynamic_gather %select_n3A_1133[%rev3A_1137] in [0] : vector<16xi32>, vector<16xi32> -> vector<16xi32>
    %broadcast_in_dim3A_1139 = arith.constant true
    %broadcast_in_dim3A_1140 = vector.broadcast %broadcast_in_dim3A_1139 : i1 to vector<16xi1>
    %masked_cumsum3A_1141 = tpu.scan <sum>, %rev3A_1138 masked %broadcast_in_dim3A_1140 : vector<16xi32>, vector<16xi1> -> vector<16xi32>
    %sub3A_1142 = arith.subi %min3A_322, %add3A_883 : i32
    %ge3A_1143 = vector.broadcast %sub3A_1142 : i32 to vector<16xi32>
    %ge3A_1144 = arith.cmpi sge, %masked_cumsum3A_1141, %ge3A_1143 : vector<16xi32>
    %all_reduce_ffs3A_1145 = tpu.all_reduce %ge3A_1144 {dim = 0 : i64, kind = #tpu.reduction_kind<find_first_set>} : vector<16xi1> -> vector<16xi32>
    %reduce_max3A_1146 = arith.constant true
    %reduce_max3A_1147 = vector.broadcast %reduce_max3A_1146 : i1 to vector<16xi1>
    %reduce_max3A_1148 = arith.constant -2147483648 : i32
    %reduce_max3A_1149 = vector.broadcast %reduce_max3A_1148 : i32 to vector<16xi32>
    %reduce_max3A_1150 = arith.xori %all_reduce_ffs3A_1145, %reduce_max3A_1149 : vector<16xi32>
    %reduce_max3A_1151 = tpu.scan <max>, %reduce_max3A_1150 masked %reduce_max3A_1147 : vector<16xi32>, vector<16xi1> -> vector<16xi32>
    %reduce_max3A_1152 = arith.xori %reduce_max3A_1151, %reduce_max3A_1149 : vector<16xi32>
    %reduce_max3A_1153 = vector.extract %reduce_max3A_1152[15] : i32 from vector<16xi32>
    %lt3A_1154 = vector.broadcast %reduce_max3A_1153 : i32 to vector<16xi32>
    %lt3A_1155 = arith.cmpi slt, %iota3A, %lt3A_1154 : vector<16xi32>
    %jit3A_1156 = arith.constant 0 : i32
    %broadcast_in_dim3A_1157 = vector.broadcast %jit3A_1156 : i32 to vector<16xi32>
    %select_n3A_1158 = arith.select %lt3A_1155, %rev3A_1138, %broadcast_in_dim3A_1157 : vector<16xi1>, vector<16xi32>
    %reduce_sum3A_1159 = arith.constant true
    %reduce_sum3A_1160 = vector.broadcast %reduce_sum3A_1159 : i1 to vector<16xi1>
    %reduce_sum3A_1161 = tpu.scan <sum>, %select_n3A_1158 masked %reduce_sum3A_1160 : vector<16xi32>, vector<16xi1> -> vector<16xi32>
    %reduce_sum3A_1162 = vector.extract %reduce_sum3A_1161[15] : i32 from vector<16xi32>
    %sub3A_1163 = arith.constant 15 : i32
    %sub3A_1164 = arith.subi %sub3A_1163, %reduce_max3A_1153 : i32
    %mul3A_1165 = arith.constant 16 : i32
    %mul3A_1166 = arith.muli %sub3A_1164, %mul3A_1165 : i32
    %multiple_of3A_1167 = tpu.assume_multiple %mul3A_1166, 16 : i32
    %get3A_1168 = arith.index_cast %multiple_of3A_1167 : i32 to index
    %get3A_1169 = tpu.vector_load %arg27[%get3A_1168] {strides = array<i32>} : memref<256xi32, #tpu.memory_space<vmem>>, vector<16xi32>,
    %rev3A_1170 = arith.constant 15 : i32
    %rev3A_1171 = vector.broadcast %rev3A_1170 : i32 to vector<16xi32>
    %rev3A_1172 = tpu.iota {dimensions = array<i32: 0>} : vector<16xi32>
    %rev3A_1173 = arith.subi %rev3A_1171, %rev3A_1172 : vector<16xi32>
    %rev3A_1174 = tpu.dynamic_gather %get3A_1169[%rev3A_1173] in [0] : vector<16xi32>, vector<16xi32> -> vector<16xi32>
    %broadcast_in_dim3A_1175 = arith.constant true
    %broadcast_in_dim3A_1176 = vector.broadcast %broadcast_in_dim3A_1175 : i1 to vector<16xi1>
    %masked_cumsum3A_1177 = tpu.scan <sum>, %rev3A_1174 masked %broadcast_in_dim3A_1176 : vector<16xi32>, vector<16xi1> -> vector<16xi32>
    %sub3A_1178 = arith.subi %sub3A_1142, %reduce_sum3A_1162 : i32
    %ge3A_1179 = vector.broadcast %sub3A_1178 : i32 to vector<16xi32>
    %ge3A_1180 = arith.cmpi sge, %masked_cumsum3A_1177, %ge3A_1179 : vector<16xi32>
    %all_reduce_ffs3A_1181 = tpu.all_reduce %ge3A_1180 {dim = 0 : i64, kind = #tpu.reduction_kind<find_first_set>} : vector<16xi1> -> vector<16xi32>
    %reduce_max3A_1182 = arith.constant true
    %reduce_max3A_1183 = vector.broadcast %reduce_max3A_1182 : i1 to vector<16xi1>
    %reduce_max3A_1184 = arith.constant -2147483648 : i32
    %reduce_max3A_1185 = vector.broadcast %reduce_max3A_1184 : i32 to vector<16xi32>
    %reduce_max3A_1186 = arith.xori %all_reduce_ffs3A_1181, %reduce_max3A_1185 : vector<16xi32>
    %reduce_max3A_1187 = tpu.scan <max>, %reduce_max3A_1186 masked %reduce_max3A_1183 : vector<16xi32>, vector<16xi1> -> vector<16xi32>
    %reduce_max3A_1188 = arith.xori %reduce_max3A_1187, %reduce_max3A_1185 : vector<16xi32>
    %reduce_max3A_1189 = vector.extract %reduce_max3A_1188[15] : i32 from vector<16xi32>
    %lt3A_1190 = vector.broadcast %reduce_max3A_1189 : i32 to vector<16xi32>
    %lt3A_1191 = arith.cmpi slt, %iota3A, %lt3A_1190 : vector<16xi32>
    %jit3A_1192 = arith.constant 0 : i32
    %broadcast_in_dim3A_1193 = vector.broadcast %jit3A_1192 : i32 to vector<16xi32>
    %select_n3A_1194 = arith.select %lt3A_1191, %rev3A_1174, %broadcast_in_dim3A_1193 : vector<16xi1>, vector<16xi32>
    %reduce_sum3A_1195 = arith.constant true
    %reduce_sum3A_1196 = vector.broadcast %reduce_sum3A_1195 : i1 to vector<16xi1>
    %reduce_sum3A_1197 = tpu.scan <sum>, %select_n3A_1194 masked %reduce_sum3A_1196 : vector<16xi32>, vector<16xi1> -> vector<16xi32>
    %reduce_sum3A_1198 = vector.extract %reduce_sum3A_1197[15] : i32 from vector<16xi32>
    %mul3A_1199 = arith.constant 16 : i32
    %mul3A_1200 = arith.muli %sub3A_1164, %mul3A_1199 : i32
    %sub3A_1201 = arith.constant 15 : i32
    %sub3A_1202 = arith.subi %sub3A_1201, %reduce_max3A_1189 : i32
    %add3A_1203 = arith.addi %mul3A_1200, %sub3A_1202 : i32
    %add3A_1204 = arith.addi %add3A_883, %reduce_sum3A_1162 : i32
    %add3A_1205 = arith.addi %add3A_1204, %reduce_sum3A_1198 : i32
    %shift_left3A_1206 = arith.constant 8 : i32
    %shift_left3A_1207 = arith.shli %or3A, %shift_left3A_1206 : i32
    %or3A_1208 = arith.ori %shift_left3A_1207, %add3A_1203 : i32
    %broadcast_in_dim3A_1209 = arith.constant 0 : i32
    %broadcast_in_dim3A_1210 = vector.broadcast %broadcast_in_dim3A_1209 : i32 to vector<16xi32>
    %swap3A_1211 = arith.constant 0 : index
    %swap3A_1212 = tpu.vector_load %arg27[%swap3A_1211] {strides = array<i32>} : memref<256xi32, #tpu.memory_space<vmem>>, vector<16xi32>,
    tpu.vector_store %arg27[%swap3A_1211], %broadcast_in_dim3A_1210 {strides = array<i32>} : memref<256xi32, #tpu.memory_space<vmem>>, vector<16xi32>,
    %broadcast_in_dim3A_1213 = arith.constant 0 : i32
    %broadcast_in_dim3A_1214 = vector.broadcast %broadcast_in_dim3A_1213 : i32 to vector<16xi32>
    %swap3A_1215 = arith.constant 16 : index
    %swap3A_1216 = tpu.vector_load %arg27[%swap3A_1215] {strides = array<i32>} : memref<256xi32, #tpu.memory_space<vmem>>, vector<16xi32>,
    tpu.vector_store %arg27[%swap3A_1215], %broadcast_in_dim3A_1214 {strides = array<i32>} : memref<256xi32, #tpu.memory_space<vmem>>, vector<16xi32>,
    %broadcast_in_dim3A_1217 = arith.constant 0 : i32
    %broadcast_in_dim3A_1218 = vector.broadcast %broadcast_in_dim3A_1217 : i32 to vector<16xi32>
    %swap3A_1219 = arith.constant 32 : index
    %swap3A_1220 = tpu.vector_load %arg27[%swap3A_1219] {strides = array<i32>} : memref<256xi32, #tpu.memory_space<vmem>>, vector<16xi32>,
    tpu.vector_store %arg27[%swap3A_1219], %broadcast_in_dim3A_1218 {strides = array<i32>} : memref<256xi32, #tpu.memory_space<vmem>>, vector<16xi32>,
    %broadcast_in_dim3A_1221 = arith.constant 0 : i32
    %broadcast_in_dim3A_1222 = vector.broadcast %broadcast_in_dim3A_1221 : i32 to vector<16xi32>
    %swap3A_1223 = arith.constant 48 : index
    %swap3A_1224 = tpu.vector_load %arg27[%swap3A_1223] {strides = array<i32>} : memref<256xi32, #tpu.memory_space<vmem>>, vector<16xi32>,
    tpu.vector_store %arg27[%swap3A_1223], %broadcast_in_dim3A_1222 {strides = array<i32>} : memref<256xi32, #tpu.memory_space<vmem>>, vector<16xi32>,
    %broadcast_in_dim3A_1225 = arith.constant 0 : i32
    %broadcast_in_dim3A_1226 = vector.broadcast %broadcast_in_dim3A_1225 : i32 to vector<16xi32>
    %swap3A_1227 = arith.constant 64 : index
    %swap3A_1228 = tpu.vector_load %arg27[%swap3A_1227] {strides = array<i32>} : memref<256xi32, #tpu.memory_space<vmem>>, vector<16xi32>,
    tpu.vector_store %arg27[%swap3A_1227], %broadcast_in_dim3A_1226 {strides = array<i32>} : memref<256xi32, #tpu.memory_space<vmem>>, vector<16xi32>,
    %broadcast_in_dim3A_1229 = arith.constant 0 : i32
    %broadcast_in_dim3A_1230 = vector.broadcast %broadcast_in_dim3A_1229 : i32 to vector<16xi32>
    %swap3A_1231 = arith.constant 80 : index
    %swap3A_1232 = tpu.vector_load %arg27[%swap3A_1231] {strides = array<i32>} : memref<256xi32, #tpu.memory_space<vmem>>, vector<16xi32>,
    tpu.vector_store %arg27[%swap3A_1231], %broadcast_in_dim3A_1230 {strides = array<i32>} : memref<256xi32, #tpu.memory_space<vmem>>, vector<16xi32>,
    %broadcast_in_dim3A_1233 = arith.constant 0 : i32
    %broadcast_in_dim3A_1234 = vector.broadcast %broadcast_in_dim3A_1233 : i32 to vector<16xi32>
    %swap3A_1235 = arith.constant 96 : index
    %swap3A_1236 = tpu.vector_load %arg27[%swap3A_1235] {strides = array<i32>} : memref<256xi32, #tpu.memory_space<vmem>>, vector<16xi32>,
    tpu.vector_store %arg27[%swap3A_1235], %broadcast_in_dim3A_1234 {strides = array<i32>} : memref<256xi32, #tpu.memory_space<vmem>>, vector<16xi32>,
    %broadcast_in_dim3A_1237 = arith.constant 0 : i32
    %broadcast_in_dim3A_1238 = vector.broadcast %broadcast_in_dim3A_1237 : i32 to vector<16xi32>
    %swap3A_1239 = arith.constant 112 : index
    %swap3A_1240 = tpu.vector_load %arg27[%swap3A_1239] {strides = array<i32>} : memref<256xi32, #tpu.memory_space<vmem>>, vector<16xi32>,
    tpu.vector_store %arg27[%swap3A_1239], %broadcast_in_dim3A_1238 {strides = array<i32>} : memref<256xi32, #tpu.memory_space<vmem>>, vector<16xi32>,
    %broadcast_in_dim3A_1241 = arith.constant 0 : i32
    %broadcast_in_dim3A_1242 = vector.broadcast %broadcast_in_dim3A_1241 : i32 to vector<16xi32>
    %swap3A_1243 = arith.constant 128 : index
    %swap3A_1244 = tpu.vector_load %arg27[%swap3A_1243] {strides = array<i32>} : memref<256xi32, #tpu.memory_space<vmem>>, vector<16xi32>,
    tpu.vector_store %arg27[%swap3A_1243], %broadcast_in_dim3A_1242 {strides = array<i32>} : memref<256xi32, #tpu.memory_space<vmem>>, vector<16xi32>,
    %broadcast_in_dim3A_1245 = arith.constant 0 : i32
    %broadcast_in_dim3A_1246 = vector.broadcast %broadcast_in_dim3A_1245 : i32 to vector<16xi32>
    %swap3A_1247 = arith.constant 144 : index
    %swap3A_1248 = tpu.vector_load %arg27[%swap3A_1247] {strides = array<i32>} : memref<256xi32, #tpu.memory_space<vmem>>, vector<16xi32>,
    tpu.vector_store %arg27[%swap3A_1247], %broadcast_in_dim3A_1246 {strides = array<i32>} : memref<256xi32, #tpu.memory_space<vmem>>, vector<16xi32>,
    %broadcast_in_dim3A_1249 = arith.constant 0 : i32
    %broadcast_in_dim3A_1250 = vector.broadcast %broadcast_in_dim3A_1249 : i32 to vector<16xi32>
    %swap3A_1251 = arith.constant 160 : index
    %swap3A_1252 = tpu.vector_load %arg27[%swap3A_1251] {strides = array<i32>} : memref<256xi32, #tpu.memory_space<vmem>>, vector<16xi32>,
    tpu.vector_store %arg27[%swap3A_1251], %broadcast_in_dim3A_1250 {strides = array<i32>} : memref<256xi32, #tpu.memory_space<vmem>>, vector<16xi32>,
    %broadcast_in_dim3A_1253 = arith.constant 0 : i32
    %broadcast_in_dim3A_1254 = vector.broadcast %broadcast_in_dim3A_1253 : i32 to vector<16xi32>
    %swap3A_1255 = arith.constant 176 : index
    %swap3A_1256 = tpu.vector_load %arg27[%swap3A_1255] {strides = array<i32>} : memref<256xi32, #tpu.memory_space<vmem>>, vector<16xi32>,
    tpu.vector_store %arg27[%swap3A_1255], %broadcast_in_dim3A_1254 {strides = array<i32>} : memref<256xi32, #tpu.memory_space<vmem>>, vector<16xi32>,
    %broadcast_in_dim3A_1257 = arith.constant 0 : i32
    %broadcast_in_dim3A_1258 = vector.broadcast %broadcast_in_dim3A_1257 : i32 to vector<16xi32>
    %swap3A_1259 = arith.constant 192 : index
    %swap3A_1260 = tpu.vector_load %arg27[%swap3A_1259] {strides = array<i32>} : memref<256xi32, #tpu.memory_space<vmem>>, vector<16xi32>,
    tpu.vector_store %arg27[%swap3A_1259], %broadcast_in_dim3A_1258 {strides = array<i32>} : memref<256xi32, #tpu.memory_space<vmem>>, vector<16xi32>,
    %broadcast_in_dim3A_1261 = arith.constant 0 : i32
    %broadcast_in_dim3A_1262 = vector.broadcast %broadcast_in_dim3A_1261 : i32 to vector<16xi32>
    %swap3A_1263 = arith.constant 208 : index
    %swap3A_1264 = tpu.vector_load %arg27[%swap3A_1263] {strides = array<i32>} : memref<256xi32, #tpu.memory_space<vmem>>, vector<16xi32>,
    tpu.vector_store %arg27[%swap3A_1263], %broadcast_in_dim3A_1262 {strides = array<i32>} : memref<256xi32, #tpu.memory_space<vmem>>, vector<16xi32>,
    %broadcast_in_dim3A_1265 = arith.constant 0 : i32
    %broadcast_in_dim3A_1266 = vector.broadcast %broadcast_in_dim3A_1265 : i32 to vector<16xi32>
    %swap3A_1267 = arith.constant 224 : index
    %swap3A_1268 = tpu.vector_load %arg27[%swap3A_1267] {strides = array<i32>} : memref<256xi32, #tpu.memory_space<vmem>>, vector<16xi32>,
    tpu.vector_store %arg27[%swap3A_1267], %broadcast_in_dim3A_1266 {strides = array<i32>} : memref<256xi32, #tpu.memory_space<vmem>>, vector<16xi32>,
    %broadcast_in_dim3A_1269 = arith.constant 0 : i32
    %broadcast_in_dim3A_1270 = vector.broadcast %broadcast_in_dim3A_1269 : i32 to vector<16xi32>
    %swap3A_1271 = arith.constant 240 : index
    %swap3A_1272 = tpu.vector_load %arg27[%swap3A_1271] {strides = array<i32>} : memref<256xi32, #tpu.memory_space<vmem>>, vector<16xi32>,
    tpu.vector_store %arg27[%swap3A_1271], %broadcast_in_dim3A_1270 {strides = array<i32>} : memref<256xi32, #tpu.memory_space<vmem>>, vector<16xi32>,
    %scan3A_1273 = arith.constant 0 : i32
    %scan3A_1274 = arith.constant 0 : i32
    %scan3A_1275 = arith.constant 91 : i32
    %scan3A_1276 = arith.addi %scan3A_1274, %scan3A_1275 : i32
    %scan3A_1277 = arith.constant 1 : i32
    %scan3A_1278 = scf.for %scan3A_1569 = %scan3A_1274 to %scan3A_1276 step %scan3A_1277 iter_args(%scan3A_1570 = %scan3A_1273) -> (i32)  : i32 {
      %mul3A_1571 = arith.constant 96 : i32
      %mul3A_1572 = arith.muli %scan3A_1569, %mul3A_1571 : i32
      %multiple_of3A_1573 = tpu.assume_multiple %mul3A_1572, 16 : i32
      %add3A_1574 = arith.constant 0 : i32
      %add3A_1575 = arith.addi %multiple_of3A_1573, %add3A_1574 : i32
      %get3A_1576 = arith.index_cast %add3A_1575 : i32 to index
      %get3A_1577 = tpu.vector_load %arg20[%get3A_1576] {strides = array<i32>} : memref<8736xi32, #tpu.memory_space<vmem>>, vector<16xi32>,
      %shift_right_arithmetic3A = arith.constant 0 : i32
      %shift_right_arithmetic3A_1578 = vector.broadcast %shift_right_arithmetic3A : i32 to vector<16xi32>
      %shift_right_arithmetic3A_1579 = arith.shrsi %get3A_1577, %shift_right_arithmetic3A_1578 : vector<16xi32>
      %and3A = arith.constant 255 : i32
      %and3A_1580 = vector.broadcast %and3A : i32 to vector<16xi32>
      %and3A_1581 = arith.andi %shift_right_arithmetic3A_1579, %and3A_1580 : vector<16xi32>
      %shift_right_arithmetic3A_1582 = arith.constant 8 : i32
      %shift_right_arithmetic3A_1583 = vector.broadcast %shift_right_arithmetic3A_1582 : i32 to vector<16xi32>
      %shift_right_arithmetic3A_1584 = arith.shrsi %get3A_1577, %shift_right_arithmetic3A_1583 : vector<16xi32>
      %eq3A_1585 = vector.broadcast %or3A_1208 : i32 to vector<16xi32>
      %eq3A_1586 = arith.cmpi eq, %shift_right_arithmetic3A_1584, %eq3A_1585 : vector<16xi32>
      tpu.vector_store_idx %arg27[%and3A_1581], %broadcast_in_dim3A_260 masked %eq3A_1586 {add = true} : memref<256xi32, #tpu.memory_space<vmem>>[vector<16xi32>], vector<16xi32>, vector<16xi1>
      %add3A_1587 = arith.constant 16 : i32
      %add3A_1588 = arith.addi %multiple_of3A_1573, %add3A_1587 : i32
      %get3A_1589 = arith.index_cast %add3A_1588 : i32 to index
      %get3A_1590 = tpu.vector_load %arg20[%get3A_1589] {strides = array<i32>} : memref<8736xi32, #tpu.memory_space<vmem>>, vector<16xi32>,
      %shift_right_arithmetic3A_1591 = arith.constant 0 : i32
      %shift_right_arithmetic3A_1592 = vector.broadcast %shift_right_arithmetic3A_1591 : i32 to vector<16xi32>
      %shift_right_arithmetic3A_1593 = arith.shrsi %get3A_1590, %shift_right_arithmetic3A_1592 : vector<16xi32>
      %and3A_1594 = arith.constant 255 : i32
      %and3A_1595 = vector.broadcast %and3A_1594 : i32 to vector<16xi32>
      %and3A_1596 = arith.andi %shift_right_arithmetic3A_1593, %and3A_1595 : vector<16xi32>
      %shift_right_arithmetic3A_1597 = arith.constant 8 : i32
      %shift_right_arithmetic3A_1598 = vector.broadcast %shift_right_arithmetic3A_1597 : i32 to vector<16xi32>
      %shift_right_arithmetic3A_1599 = arith.shrsi %get3A_1590, %shift_right_arithmetic3A_1598 : vector<16xi32>
      %eq3A_1600 = vector.broadcast %or3A_1208 : i32 to vector<16xi32>
      %eq3A_1601 = arith.cmpi eq, %shift_right_arithmetic3A_1599, %eq3A_1600 : vector<16xi32>
      tpu.vector_store_idx %arg27[%and3A_1596], %broadcast_in_dim3A_260 masked %eq3A_1601 {add = true} : memref<256xi32, #tpu.memory_space<vmem>>[vector<16xi32>], vector<16xi32>, vector<16xi1>
      %add3A_1602 = arith.constant 32 : i32
      %add3A_1603 = arith.addi %multiple_of3A_1573, %add3A_1602 : i32
      %get3A_1604 = arith.index_cast %add3A_1603 : i32 to index
      %get3A_1605 = tpu.vector_load %arg20[%get3A_1604] {strides = array<i32>} : memref<8736xi32, #tpu.memory_space<vmem>>, vector<16xi32>,
      %shift_right_arithmetic3A_1606 = arith.constant 0 : i32
      %shift_right_arithmetic3A_1607 = vector.broadcast %shift_right_arithmetic3A_1606 : i32 to vector<16xi32>
      %shift_right_arithmetic3A_1608 = arith.shrsi %get3A_1605, %shift_right_arithmetic3A_1607 : vector<16xi32>
      %and3A_1609 = arith.constant 255 : i32
      %and3A_1610 = vector.broadcast %and3A_1609 : i32 to vector<16xi32>
      %and3A_1611 = arith.andi %shift_right_arithmetic3A_1608, %and3A_1610 : vector<16xi32>
      %shift_right_arithmetic3A_1612 = arith.constant 8 : i32
      %shift_right_arithmetic3A_1613 = vector.broadcast %shift_right_arithmetic3A_1612 : i32 to vector<16xi32>
      %shift_right_arithmetic3A_1614 = arith.shrsi %get3A_1605, %shift_right_arithmetic3A_1613 : vector<16xi32>
      %eq3A_1615 = vector.broadcast %or3A_1208 : i32 to vector<16xi32>
      %eq3A_1616 = arith.cmpi eq, %shift_right_arithmetic3A_1614, %eq3A_1615 : vector<16xi32>
      tpu.vector_store_idx %arg27[%and3A_1611], %broadcast_in_dim3A_260 masked %eq3A_1616 {add = true} : memref<256xi32, #tpu.memory_space<vmem>>[vector<16xi32>], vector<16xi32>, vector<16xi1>
      %add3A_1617 = arith.constant 48 : i32
      %add3A_1618 = arith.addi %multiple_of3A_1573, %add3A_1617 : i32
      %get3A_1619 = arith.index_cast %add3A_1618 : i32 to index
      %get3A_1620 = tpu.vector_load %arg20[%get3A_1619] {strides = array<i32>} : memref<8736xi32, #tpu.memory_space<vmem>>, vector<16xi32>,
      %shift_right_arithmetic3A_1621 = arith.constant 0 : i32
      %shift_right_arithmetic3A_1622 = vector.broadcast %shift_right_arithmetic3A_1621 : i32 to vector<16xi32>
      %shift_right_arithmetic3A_1623 = arith.shrsi %get3A_1620, %shift_right_arithmetic3A_1622 : vector<16xi32>
      %and3A_1624 = arith.constant 255 : i32
      %and3A_1625 = vector.broadcast %and3A_1624 : i32 to vector<16xi32>
      %and3A_1626 = arith.andi %shift_right_arithmetic3A_1623, %and3A_1625 : vector<16xi32>
      %shift_right_arithmetic3A_1627 = arith.constant 8 : i32
      %shift_right_arithmetic3A_1628 = vector.broadcast %shift_right_arithmetic3A_1627 : i32 to vector<16xi32>
      %shift_right_arithmetic3A_1629 = arith.shrsi %get3A_1620, %shift_right_arithmetic3A_1628 : vector<16xi32>
      %eq3A_1630 = vector.broadcast %or3A_1208 : i32 to vector<16xi32>
      %eq3A_1631 = arith.cmpi eq, %shift_right_arithmetic3A_1629, %eq3A_1630 : vector<16xi32>
      tpu.vector_store_idx %arg27[%and3A_1626], %broadcast_in_dim3A_260 masked %eq3A_1631 {add = true} : memref<256xi32, #tpu.memory_space<vmem>>[vector<16xi32>], vector<16xi32>, vector<16xi1>
      %add3A_1632 = arith.constant 64 : i32
      %add3A_1633 = arith.addi %multiple_of3A_1573, %add3A_1632 : i32
      %get3A_1634 = arith.index_cast %add3A_1633 : i32 to index
      %get3A_1635 = tpu.vector_load %arg20[%get3A_1634] {strides = array<i32>} : memref<8736xi32, #tpu.memory_space<vmem>>, vector<16xi32>,
      %shift_right_arithmetic3A_1636 = arith.constant 0 : i32
      %shift_right_arithmetic3A_1637 = vector.broadcast %shift_right_arithmetic3A_1636 : i32 to vector<16xi32>
      %shift_right_arithmetic3A_1638 = arith.shrsi %get3A_1635, %shift_right_arithmetic3A_1637 : vector<16xi32>
      %and3A_1639 = arith.constant 255 : i32
      %and3A_1640 = vector.broadcast %and3A_1639 : i32 to vector<16xi32>
      %and3A_1641 = arith.andi %shift_right_arithmetic3A_1638, %and3A_1640 : vector<16xi32>
      %shift_right_arithmetic3A_1642 = arith.constant 8 : i32
      %shift_right_arithmetic3A_1643 = vector.broadcast %shift_right_arithmetic3A_1642 : i32 to vector<16xi32>
      %shift_right_arithmetic3A_1644 = arith.shrsi %get3A_1635, %shift_right_arithmetic3A_1643 : vector<16xi32>
      %eq3A_1645 = vector.broadcast %or3A_1208 : i32 to vector<16xi32>
      %eq3A_1646 = arith.cmpi eq, %shift_right_arithmetic3A_1644, %eq3A_1645 : vector<16xi32>
      tpu.vector_store_idx %arg27[%and3A_1641], %broadcast_in_dim3A_260 masked %eq3A_1646 {add = true} : memref<256xi32, #tpu.memory_space<vmem>>[vector<16xi32>], vector<16xi32>, vector<16xi1>
      %add3A_1647 = arith.constant 80 : i32
      %add3A_1648 = arith.addi %multiple_of3A_1573, %add3A_1647 : i32
      %get3A_1649 = arith.index_cast %add3A_1648 : i32 to index
      %get3A_1650 = tpu.vector_load %arg20[%get3A_1649] {strides = array<i32>} : memref<8736xi32, #tpu.memory_space<vmem>>, vector<16xi32>,
      %shift_right_arithmetic3A_1651 = arith.constant 0 : i32
      %shift_right_arithmetic3A_1652 = vector.broadcast %shift_right_arithmetic3A_1651 : i32 to vector<16xi32>
      %shift_right_arithmetic3A_1653 = arith.shrsi %get3A_1650, %shift_right_arithmetic3A_1652 : vector<16xi32>
      %and3A_1654 = arith.constant 255 : i32
      %and3A_1655 = vector.broadcast %and3A_1654 : i32 to vector<16xi32>
      %and3A_1656 = arith.andi %shift_right_arithmetic3A_1653, %and3A_1655 : vector<16xi32>
      %shift_right_arithmetic3A_1657 = arith.constant 8 : i32
      %shift_right_arithmetic3A_1658 = vector.broadcast %shift_right_arithmetic3A_1657 : i32 to vector<16xi32>
      %shift_right_arithmetic3A_1659 = arith.shrsi %get3A_1650, %shift_right_arithmetic3A_1658 : vector<16xi32>
      %eq3A_1660 = vector.broadcast %or3A_1208 : i32 to vector<16xi32>
      %eq3A_1661 = arith.cmpi eq, %shift_right_arithmetic3A_1659, %eq3A_1660 : vector<16xi32>
      tpu.vector_store_idx %arg27[%and3A_1656], %broadcast_in_dim3A_260 masked %eq3A_1661 {add = true} : memref<256xi32, #tpu.memory_space<vmem>>[vector<16xi32>], vector<16xi32>, vector<16xi1>
      %scan3A_1662 = arith.constant 0 : i32
      scf.yield %scan3A_1662 : i32
    }
    %scan3A_1279 = arith.constant 91 : i32
    %broadcast_in_dim3A_1280 = arith.constant 0 : i32
    %broadcast_in_dim3A_1281 = vector.broadcast %broadcast_in_dim3A_1280 : i32 to vector<16xi32>
    %get3A_1282 = arith.constant 0 : index
    %get3A_1283 = tpu.vector_load %arg27[%get3A_1282] {strides = array<i32>} : memref<256xi32, #tpu.memory_space<vmem>>, vector<16xi32>,
    %reduce_sum3A_1284 = arith.constant true
    %reduce_sum3A_1285 = vector.broadcast %reduce_sum3A_1284 : i1 to vector<16xi1>
    %reduce_sum3A_1286 = tpu.scan <sum>, %get3A_1283 masked %reduce_sum3A_1285 : vector<16xi32>, vector<16xi1> -> vector<16xi32>
    %reduce_sum3A_1287 = vector.extract %reduce_sum3A_1286[15] : i32 from vector<16xi32>
    %eq3A_1288 = arith.constant 0 : i32
    %eq3A_1289 = vector.broadcast %eq3A_1288 : i32 to vector<16xi32>
    %eq3A_1290 = arith.cmpi eq, %iota3A, %eq3A_1289 : vector<16xi32>
    %broadcast_in_dim3A_1291 = vector.broadcast %reduce_sum3A_1287 : i32 to vector<16xi32>
    %select_n3A_1292 = arith.select %eq3A_1290, %broadcast_in_dim3A_1291, %broadcast_in_dim3A_1281 : vector<16xi1>, vector<16xi32>
    %get3A_1293 = arith.constant 16 : index
    %get3A_1294 = tpu.vector_load %arg27[%get3A_1293] {strides = array<i32>} : memref<256xi32, #tpu.memory_space<vmem>>, vector<16xi32>,
    %reduce_sum3A_1295 = arith.constant true
    %reduce_sum3A_1296 = vector.broadcast %reduce_sum3A_1295 : i1 to vector<16xi1>
    %reduce_sum3A_1297 = tpu.scan <sum>, %get3A_1294 masked %reduce_sum3A_1296 : vector<16xi32>, vector<16xi1> -> vector<16xi32>
    %reduce_sum3A_1298 = vector.extract %reduce_sum3A_1297[15] : i32 from vector<16xi32>
    %eq3A_1299 = arith.constant 1 : i32
    %eq3A_1300 = vector.broadcast %eq3A_1299 : i32 to vector<16xi32>
    %eq3A_1301 = arith.cmpi eq, %iota3A, %eq3A_1300 : vector<16xi32>
    %broadcast_in_dim3A_1302 = vector.broadcast %reduce_sum3A_1298 : i32 to vector<16xi32>
    %select_n3A_1303 = arith.select %eq3A_1301, %broadcast_in_dim3A_1302, %select_n3A_1292 : vector<16xi1>, vector<16xi32>
    %get3A_1304 = arith.constant 32 : index
    %get3A_1305 = tpu.vector_load %arg27[%get3A_1304] {strides = array<i32>} : memref<256xi32, #tpu.memory_space<vmem>>, vector<16xi32>,
    %reduce_sum3A_1306 = arith.constant true
    %reduce_sum3A_1307 = vector.broadcast %reduce_sum3A_1306 : i1 to vector<16xi1>
    %reduce_sum3A_1308 = tpu.scan <sum>, %get3A_1305 masked %reduce_sum3A_1307 : vector<16xi32>, vector<16xi1> -> vector<16xi32>
    %reduce_sum3A_1309 = vector.extract %reduce_sum3A_1308[15] : i32 from vector<16xi32>
    %eq3A_1310 = arith.constant 2 : i32
    %eq3A_1311 = vector.broadcast %eq3A_1310 : i32 to vector<16xi32>
    %eq3A_1312 = arith.cmpi eq, %iota3A, %eq3A_1311 : vector<16xi32>
    %broadcast_in_dim3A_1313 = vector.broadcast %reduce_sum3A_1309 : i32 to vector<16xi32>
    %select_n3A_1314 = arith.select %eq3A_1312, %broadcast_in_dim3A_1313, %select_n3A_1303 : vector<16xi1>, vector<16xi32>
    %get3A_1315 = arith.constant 48 : index
    %get3A_1316 = tpu.vector_load %arg27[%get3A_1315] {strides = array<i32>} : memref<256xi32, #tpu.memory_space<vmem>>, vector<16xi32>,
    %reduce_sum3A_1317 = arith.constant true
    %reduce_sum3A_1318 = vector.broadcast %reduce_sum3A_1317 : i1 to vector<16xi1>
    %reduce_sum3A_1319 = tpu.scan <sum>, %get3A_1316 masked %reduce_sum3A_1318 : vector<16xi32>, vector<16xi1> -> vector<16xi32>
    %reduce_sum3A_1320 = vector.extract %reduce_sum3A_1319[15] : i32 from vector<16xi32>
    %eq3A_1321 = arith.constant 3 : i32
    %eq3A_1322 = vector.broadcast %eq3A_1321 : i32 to vector<16xi32>
    %eq3A_1323 = arith.cmpi eq, %iota3A, %eq3A_1322 : vector<16xi32>
    %broadcast_in_dim3A_1324 = vector.broadcast %reduce_sum3A_1320 : i32 to vector<16xi32>
    %select_n3A_1325 = arith.select %eq3A_1323, %broadcast_in_dim3A_1324, %select_n3A_1314 : vector<16xi1>, vector<16xi32>
    %get3A_1326 = arith.constant 64 : index
    %get3A_1327 = tpu.vector_load %arg27[%get3A_1326] {strides = array<i32>} : memref<256xi32, #tpu.memory_space<vmem>>, vector<16xi32>,
    %reduce_sum3A_1328 = arith.constant true
    %reduce_sum3A_1329 = vector.broadcast %reduce_sum3A_1328 : i1 to vector<16xi1>
    %reduce_sum3A_1330 = tpu.scan <sum>, %get3A_1327 masked %reduce_sum3A_1329 : vector<16xi32>, vector<16xi1> -> vector<16xi32>
    %reduce_sum3A_1331 = vector.extract %reduce_sum3A_1330[15] : i32 from vector<16xi32>
    %eq3A_1332 = arith.constant 4 : i32
    %eq3A_1333 = vector.broadcast %eq3A_1332 : i32 to vector<16xi32>
    %eq3A_1334 = arith.cmpi eq, %iota3A, %eq3A_1333 : vector<16xi32>
    %broadcast_in_dim3A_1335 = vector.broadcast %reduce_sum3A_1331 : i32 to vector<16xi32>
    %select_n3A_1336 = arith.select %eq3A_1334, %broadcast_in_dim3A_1335, %select_n3A_1325 : vector<16xi1>, vector<16xi32>
    %get3A_1337 = arith.constant 80 : index
    %get3A_1338 = tpu.vector_load %arg27[%get3A_1337] {strides = array<i32>} : memref<256xi32, #tpu.memory_space<vmem>>, vector<16xi32>,
    %reduce_sum3A_1339 = arith.constant true
    %reduce_sum3A_1340 = vector.broadcast %reduce_sum3A_1339 : i1 to vector<16xi1>
    %reduce_sum3A_1341 = tpu.scan <sum>, %get3A_1338 masked %reduce_sum3A_1340 : vector<16xi32>, vector<16xi1> -> vector<16xi32>
    %reduce_sum3A_1342 = vector.extract %reduce_sum3A_1341[15] : i32 from vector<16xi32>
    %eq3A_1343 = arith.constant 5 : i32
    %eq3A_1344 = vector.broadcast %eq3A_1343 : i32 to vector<16xi32>
    %eq3A_1345 = arith.cmpi eq, %iota3A, %eq3A_1344 : vector<16xi32>
    %broadcast_in_dim3A_1346 = vector.broadcast %reduce_sum3A_1342 : i32 to vector<16xi32>
    %select_n3A_1347 = arith.select %eq3A_1345, %broadcast_in_dim3A_1346, %select_n3A_1336 : vector<16xi1>, vector<16xi32>
    %get3A_1348 = arith.constant 96 : index
    %get3A_1349 = tpu.vector_load %arg27[%get3A_1348] {strides = array<i32>} : memref<256xi32, #tpu.memory_space<vmem>>, vector<16xi32>,
    %reduce_sum3A_1350 = arith.constant true
    %reduce_sum3A_1351 = vector.broadcast %reduce_sum3A_1350 : i1 to vector<16xi1>
    %reduce_sum3A_1352 = tpu.scan <sum>, %get3A_1349 masked %reduce_sum3A_1351 : vector<16xi32>, vector<16xi1> -> vector<16xi32>
    %reduce_sum3A_1353 = vector.extract %reduce_sum3A_1352[15] : i32 from vector<16xi32>
    %eq3A_1354 = arith.constant 6 : i32
    %eq3A_1355 = vector.broadcast %eq3A_1354 : i32 to vector<16xi32>
    %eq3A_1356 = arith.cmpi eq, %iota3A, %eq3A_1355 : vector<16xi32>
    %broadcast_in_dim3A_1357 = vector.broadcast %reduce_sum3A_1353 : i32 to vector<16xi32>
    %select_n3A_1358 = arith.select %eq3A_1356, %broadcast_in_dim3A_1357, %select_n3A_1347 : vector<16xi1>, vector<16xi32>
    %get3A_1359 = arith.constant 112 : index
    %get3A_1360 = tpu.vector_load %arg27[%get3A_1359] {strides = array<i32>} : memref<256xi32, #tpu.memory_space<vmem>>, vector<16xi32>,
    %reduce_sum3A_1361 = arith.constant true
    %reduce_sum3A_1362 = vector.broadcast %reduce_sum3A_1361 : i1 to vector<16xi1>
    %reduce_sum3A_1363 = tpu.scan <sum>, %get3A_1360 masked %reduce_sum3A_1362 : vector<16xi32>, vector<16xi1> -> vector<16xi32>
    %reduce_sum3A_1364 = vector.extract %reduce_sum3A_1363[15] : i32 from vector<16xi32>
    %eq3A_1365 = arith.constant 7 : i32
    %eq3A_1366 = vector.broadcast %eq3A_1365 : i32 to vector<16xi32>
    %eq3A_1367 = arith.cmpi eq, %iota3A, %eq3A_1366 : vector<16xi32>
    %broadcast_in_dim3A_1368 = vector.broadcast %reduce_sum3A_1364 : i32 to vector<16xi32>
    %select_n3A_1369 = arith.select %eq3A_1367, %broadcast_in_dim3A_1368, %select_n3A_1358 : vector<16xi1>, vector<16xi32>
    %get3A_1370 = arith.constant 128 : index
    %get3A_1371 = tpu.vector_load %arg27[%get3A_1370] {strides = array<i32>} : memref<256xi32, #tpu.memory_space<vmem>>, vector<16xi32>,
    %reduce_sum3A_1372 = arith.constant true
    %reduce_sum3A_1373 = vector.broadcast %reduce_sum3A_1372 : i1 to vector<16xi1>
    %reduce_sum3A_1374 = tpu.scan <sum>, %get3A_1371 masked %reduce_sum3A_1373 : vector<16xi32>, vector<16xi1> -> vector<16xi32>
    %reduce_sum3A_1375 = vector.extract %reduce_sum3A_1374[15] : i32 from vector<16xi32>
    %eq3A_1376 = arith.constant 8 : i32
    %eq3A_1377 = vector.broadcast %eq3A_1376 : i32 to vector<16xi32>
    %eq3A_1378 = arith.cmpi eq, %iota3A, %eq3A_1377 : vector<16xi32>
    %broadcast_in_dim3A_1379 = vector.broadcast %reduce_sum3A_1375 : i32 to vector<16xi32>
    %select_n3A_1380 = arith.select %eq3A_1378, %broadcast_in_dim3A_1379, %select_n3A_1369 : vector<16xi1>, vector<16xi32>
    %get3A_1381 = arith.constant 144 : index
    %get3A_1382 = tpu.vector_load %arg27[%get3A_1381] {strides = array<i32>} : memref<256xi32, #tpu.memory_space<vmem>>, vector<16xi32>,
    %reduce_sum3A_1383 = arith.constant true
    %reduce_sum3A_1384 = vector.broadcast %reduce_sum3A_1383 : i1 to vector<16xi1>
    %reduce_sum3A_1385 = tpu.scan <sum>, %get3A_1382 masked %reduce_sum3A_1384 : vector<16xi32>, vector<16xi1> -> vector<16xi32>
    %reduce_sum3A_1386 = vector.extract %reduce_sum3A_1385[15] : i32 from vector<16xi32>
    %eq3A_1387 = arith.constant 9 : i32
    %eq3A_1388 = vector.broadcast %eq3A_1387 : i32 to vector<16xi32>
    %eq3A_1389 = arith.cmpi eq, %iota3A, %eq3A_1388 : vector<16xi32>
    %broadcast_in_dim3A_1390 = vector.broadcast %reduce_sum3A_1386 : i32 to vector<16xi32>
    %select_n3A_1391 = arith.select %eq3A_1389, %broadcast_in_dim3A_1390, %select_n3A_1380 : vector<16xi1>, vector<16xi32>
    %get3A_1392 = arith.constant 160 : index
    %get3A_1393 = tpu.vector_load %arg27[%get3A_1392] {strides = array<i32>} : memref<256xi32, #tpu.memory_space<vmem>>, vector<16xi32>,
    %reduce_sum3A_1394 = arith.constant true
    %reduce_sum3A_1395 = vector.broadcast %reduce_sum3A_1394 : i1 to vector<16xi1>
    %reduce_sum3A_1396 = tpu.scan <sum>, %get3A_1393 masked %reduce_sum3A_1395 : vector<16xi32>, vector<16xi1> -> vector<16xi32>
    %reduce_sum3A_1397 = vector.extract %reduce_sum3A_1396[15] : i32 from vector<16xi32>
    %eq3A_1398 = arith.constant 10 : i32
    %eq3A_1399 = vector.broadcast %eq3A_1398 : i32 to vector<16xi32>
    %eq3A_1400 = arith.cmpi eq, %iota3A, %eq3A_1399 : vector<16xi32>
    %broadcast_in_dim3A_1401 = vector.broadcast %reduce_sum3A_1397 : i32 to vector<16xi32>
    %select_n3A_1402 = arith.select %eq3A_1400, %broadcast_in_dim3A_1401, %select_n3A_1391 : vector<16xi1>, vector<16xi32>
    %get3A_1403 = arith.constant 176 : index
    %get3A_1404 = tpu.vector_load %arg27[%get3A_1403] {strides = array<i32>} : memref<256xi32, #tpu.memory_space<vmem>>, vector<16xi32>,
    %reduce_sum3A_1405 = arith.constant true
    %reduce_sum3A_1406 = vector.broadcast %reduce_sum3A_1405 : i1 to vector<16xi1>
    %reduce_sum3A_1407 = tpu.scan <sum>, %get3A_1404 masked %reduce_sum3A_1406 : vector<16xi32>, vector<16xi1> -> vector<16xi32>
    %reduce_sum3A_1408 = vector.extract %reduce_sum3A_1407[15] : i32 from vector<16xi32>
    %eq3A_1409 = arith.constant 11 : i32
    %eq3A_1410 = vector.broadcast %eq3A_1409 : i32 to vector<16xi32>
    %eq3A_1411 = arith.cmpi eq, %iota3A, %eq3A_1410 : vector<16xi32>
    %broadcast_in_dim3A_1412 = vector.broadcast %reduce_sum3A_1408 : i32 to vector<16xi32>
    %select_n3A_1413 = arith.select %eq3A_1411, %broadcast_in_dim3A_1412, %select_n3A_1402 : vector<16xi1>, vector<16xi32>
    %get3A_1414 = arith.constant 192 : index
    %get3A_1415 = tpu.vector_load %arg27[%get3A_1414] {strides = array<i32>} : memref<256xi32, #tpu.memory_space<vmem>>, vector<16xi32>,
    %reduce_sum3A_1416 = arith.constant true
    %reduce_sum3A_1417 = vector.broadcast %reduce_sum3A_1416 : i1 to vector<16xi1>
    %reduce_sum3A_1418 = tpu.scan <sum>, %get3A_1415 masked %reduce_sum3A_1417 : vector<16xi32>, vector<16xi1> -> vector<16xi32>
    %reduce_sum3A_1419 = vector.extract %reduce_sum3A_1418[15] : i32 from vector<16xi32>
    %eq3A_1420 = arith.constant 12 : i32
    %eq3A_1421 = vector.broadcast %eq3A_1420 : i32 to vector<16xi32>
    %eq3A_1422 = arith.cmpi eq, %iota3A, %eq3A_1421 : vector<16xi32>
    %broadcast_in_dim3A_1423 = vector.broadcast %reduce_sum3A_1419 : i32 to vector<16xi32>
    %select_n3A_1424 = arith.select %eq3A_1422, %broadcast_in_dim3A_1423, %select_n3A_1413 : vector<16xi1>, vector<16xi32>
    %get3A_1425 = arith.constant 208 : index
    %get3A_1426 = tpu.vector_load %arg27[%get3A_1425] {strides = array<i32>} : memref<256xi32, #tpu.memory_space<vmem>>, vector<16xi32>,
    %reduce_sum3A_1427 = arith.constant true
    %reduce_sum3A_1428 = vector.broadcast %reduce_sum3A_1427 : i1 to vector<16xi1>
    %reduce_sum3A_1429 = tpu.scan <sum>, %get3A_1426 masked %reduce_sum3A_1428 : vector<16xi32>, vector<16xi1> -> vector<16xi32>
    %reduce_sum3A_1430 = vector.extract %reduce_sum3A_1429[15] : i32 from vector<16xi32>
    %eq3A_1431 = arith.constant 13 : i32
    %eq3A_1432 = vector.broadcast %eq3A_1431 : i32 to vector<16xi32>
    %eq3A_1433 = arith.cmpi eq, %iota3A, %eq3A_1432 : vector<16xi32>
    %broadcast_in_dim3A_1434 = vector.broadcast %reduce_sum3A_1430 : i32 to vector<16xi32>
    %select_n3A_1435 = arith.select %eq3A_1433, %broadcast_in_dim3A_1434, %select_n3A_1424 : vector<16xi1>, vector<16xi32>
    %get3A_1436 = arith.constant 224 : index
    %get3A_1437 = tpu.vector_load %arg27[%get3A_1436] {strides = array<i32>} : memref<256xi32, #tpu.memory_space<vmem>>, vector<16xi32>,
    %reduce_sum3A_1438 = arith.constant true
    %reduce_sum3A_1439 = vector.broadcast %reduce_sum3A_1438 : i1 to vector<16xi1>
    %reduce_sum3A_1440 = tpu.scan <sum>, %get3A_1437 masked %reduce_sum3A_1439 : vector<16xi32>, vector<16xi1> -> vector<16xi32>
    %reduce_sum3A_1441 = vector.extract %reduce_sum3A_1440[15] : i32 from vector<16xi32>
    %eq3A_1442 = arith.constant 14 : i32
    %eq3A_1443 = vector.broadcast %eq3A_1442 : i32 to vector<16xi32>
    %eq3A_1444 = arith.cmpi eq, %iota3A, %eq3A_1443 : vector<16xi32>
    %broadcast_in_dim3A_1445 = vector.broadcast %reduce_sum3A_1441 : i32 to vector<16xi32>
    %select_n3A_1446 = arith.select %eq3A_1444, %broadcast_in_dim3A_1445, %select_n3A_1435 : vector<16xi1>, vector<16xi32>
    %get3A_1447 = arith.constant 240 : index
    %get3A_1448 = tpu.vector_load %arg27[%get3A_1447] {strides = array<i32>} : memref<256xi32, #tpu.memory_space<vmem>>, vector<16xi32>,
    %reduce_sum3A_1449 = arith.constant true
    %reduce_sum3A_1450 = vector.broadcast %reduce_sum3A_1449 : i1 to vector<16xi1>
    %reduce_sum3A_1451 = tpu.scan <sum>, %get3A_1448 masked %reduce_sum3A_1450 : vector<16xi32>, vector<16xi1> -> vector<16xi32>
    %reduce_sum3A_1452 = vector.extract %reduce_sum3A_1451[15] : i32 from vector<16xi32>
    %eq3A_1453 = arith.constant 15 : i32
    %eq3A_1454 = vector.broadcast %eq3A_1453 : i32 to vector<16xi32>
    %eq3A_1455 = arith.cmpi eq, %iota3A, %eq3A_1454 : vector<16xi32>
    %broadcast_in_dim3A_1456 = vector.broadcast %reduce_sum3A_1452 : i32 to vector<16xi32>
    %select_n3A_1457 = arith.select %eq3A_1455, %broadcast_in_dim3A_1456, %select_n3A_1446 : vector<16xi1>, vector<16xi32>
    %rev3A_1458 = arith.constant 15 : i32
    %rev3A_1459 = vector.broadcast %rev3A_1458 : i32 to vector<16xi32>
    %rev3A_1460 = tpu.iota {dimensions = array<i32: 0>} : vector<16xi32>
    %rev3A_1461 = arith.subi %rev3A_1459, %rev3A_1460 : vector<16xi32>
    %rev3A_1462 = tpu.dynamic_gather %select_n3A_1457[%rev3A_1461] in [0] : vector<16xi32>, vector<16xi32> -> vector<16xi32>
    %broadcast_in_dim3A_1463 = arith.constant true
    %broadcast_in_dim3A_1464 = vector.broadcast %broadcast_in_dim3A_1463 : i1 to vector<16xi1>
    %masked_cumsum3A_1465 = tpu.scan <sum>, %rev3A_1462 masked %broadcast_in_dim3A_1464 : vector<16xi32>, vector<16xi1> -> vector<16xi32>
    %sub3A_1466 = arith.subi %min3A_322, %add3A_1205 : i32
    %ge3A_1467 = vector.broadcast %sub3A_1466 : i32 to vector<16xi32>
    %ge3A_1468 = arith.cmpi sge, %masked_cumsum3A_1465, %ge3A_1467 : vector<16xi32>
    %all_reduce_ffs3A_1469 = tpu.all_reduce %ge3A_1468 {dim = 0 : i64, kind = #tpu.reduction_kind<find_first_set>} : vector<16xi1> -> vector<16xi32>
    %reduce_max3A_1470 = arith.constant true
    %reduce_max3A_1471 = vector.broadcast %reduce_max3A_1470 : i1 to vector<16xi1>
    %reduce_max3A_1472 = arith.constant -2147483648 : i32
    %reduce_max3A_1473 = vector.broadcast %reduce_max3A_1472 : i32 to vector<16xi32>
    %reduce_max3A_1474 = arith.xori %all_reduce_ffs3A_1469, %reduce_max3A_1473 : vector<16xi32>
    %reduce_max3A_1475 = tpu.scan <max>, %reduce_max3A_1474 masked %reduce_max3A_1471 : vector<16xi32>, vector<16xi1> -> vector<16xi32>
    %reduce_max3A_1476 = arith.xori %reduce_max3A_1475, %reduce_max3A_1473 : vector<16xi32>
    %reduce_max3A_1477 = vector.extract %reduce_max3A_1476[15] : i32 from vector<16xi32>
    %lt3A_1478 = vector.broadcast %reduce_max3A_1477 : i32 to vector<16xi32>
    %lt3A_1479 = arith.cmpi slt, %iota3A, %lt3A_1478 : vector<16xi32>
    %jit3A_1480 = arith.constant 0 : i32
    %broadcast_in_dim3A_1481 = vector.broadcast %jit3A_1480 : i32 to vector<16xi32>
    %select_n3A_1482 = arith.select %lt3A_1479, %rev3A_1462, %broadcast_in_dim3A_1481 : vector<16xi1>, vector<16xi32>
    %reduce_sum3A_1483 = arith.constant true
    %reduce_sum3A_1484 = vector.broadcast %reduce_sum3A_1483 : i1 to vector<16xi1>
    %reduce_sum3A_1485 = tpu.scan <sum>, %select_n3A_1482 masked %reduce_sum3A_1484 : vector<16xi32>, vector<16xi1> -> vector<16xi32>
    %reduce_sum3A_1486 = vector.extract %reduce_sum3A_1485[15] : i32 from vector<16xi32>
    %sub3A_1487 = arith.constant 15 : i32
    %sub3A_1488 = arith.subi %sub3A_1487, %reduce_max3A_1477 : i32
    %mul3A_1489 = arith.constant 16 : i32
    %mul3A_1490 = arith.muli %sub3A_1488, %mul3A_1489 : i32
    %multiple_of3A_1491 = tpu.assume_multiple %mul3A_1490, 16 : i32
    %get3A_1492 = arith.index_cast %multiple_of3A_1491 : i32 to index
    %get3A_1493 = tpu.vector_load %arg27[%get3A_1492] {strides = array<i32>} : memref<256xi32, #tpu.memory_space<vmem>>, vector<16xi32>,
    %rev3A_1494 = arith.constant 15 : i32
    %rev3A_1495 = vector.broadcast %rev3A_1494 : i32 to vector<16xi32>
    %rev3A_1496 = tpu.iota {dimensions = array<i32: 0>} : vector<16xi32>
    %rev3A_1497 = arith.subi %rev3A_1495, %rev3A_1496 : vector<16xi32>
    %rev3A_1498 = tpu.dynamic_gather %get3A_1493[%rev3A_1497] in [0] : vector<16xi32>, vector<16xi32> -> vector<16xi32>
    %broadcast_in_dim3A_1499 = arith.constant true
    %broadcast_in_dim3A_1500 = vector.broadcast %broadcast_in_dim3A_1499 : i1 to vector<16xi1>
    %masked_cumsum3A_1501 = tpu.scan <sum>, %rev3A_1498 masked %broadcast_in_dim3A_1500 : vector<16xi32>, vector<16xi1> -> vector<16xi32>
    %sub3A_1502 = arith.subi %sub3A_1466, %reduce_sum3A_1486 : i32
    %ge3A_1503 = vector.broadcast %sub3A_1502 : i32 to vector<16xi32>
    %ge3A_1504 = arith.cmpi sge, %masked_cumsum3A_1501, %ge3A_1503 : vector<16xi32>
    %all_reduce_ffs3A_1505 = tpu.all_reduce %ge3A_1504 {dim = 0 : i64, kind = #tpu.reduction_kind<find_first_set>} : vector<16xi1> -> vector<16xi32>
    %reduce_max3A_1506 = arith.constant true
    %reduce_max3A_1507 = vector.broadcast %reduce_max3A_1506 : i1 to vector<16xi1>
    %reduce_max3A_1508 = arith.constant -2147483648 : i32
    %reduce_max3A_1509 = vector.broadcast %reduce_max3A_1508 : i32 to vector<16xi32>
    %reduce_max3A_1510 = arith.xori %all_reduce_ffs3A_1505, %reduce_max3A_1509 : vector<16xi32>
    %reduce_max3A_1511 = tpu.scan <max>, %reduce_max3A_1510 masked %reduce_max3A_1507 : vector<16xi32>, vector<16xi1> -> vector<16xi32>
    %reduce_max3A_1512 = arith.xori %reduce_max3A_1511, %reduce_max3A_1509 : vector<16xi32>
    %reduce_max3A_1513 = vector.extract %reduce_max3A_1512[15] : i32 from vector<16xi32>
    %lt3A_1514 = vector.broadcast %reduce_max3A_1513 : i32 to vector<16xi32>
    %lt3A_1515 = arith.cmpi slt, %iota3A, %lt3A_1514 : vector<16xi32>
    %jit3A_1516 = arith.constant 0 : i32
    %broadcast_in_dim3A_1517 = vector.broadcast %jit3A_1516 : i32 to vector<16xi32>
    %select_n3A_1518 = arith.select %lt3A_1515, %rev3A_1498, %broadcast_in_dim3A_1517 : vector<16xi1>, vector<16xi32>
    %reduce_sum3A_1519 = arith.constant true
    %reduce_sum3A_1520 = vector.broadcast %reduce_sum3A_1519 : i1 to vector<16xi1>
    %reduce_sum3A_1521 = tpu.scan <sum>, %select_n3A_1518 masked %reduce_sum3A_1520 : vector<16xi32>, vector<16xi1> -> vector<16xi32>
    %reduce_sum3A_1522 = vector.extract %reduce_sum3A_1521[15] : i32 from vector<16xi32>
    %mul3A_1523 = arith.constant 16 : i32
    %mul3A_1524 = arith.muli %sub3A_1488, %mul3A_1523 : i32
    %sub3A_1525 = arith.constant 15 : i32
    %sub3A_1526 = arith.subi %sub3A_1525, %reduce_max3A_1513 : i32
    %add3A_1527 = arith.addi %mul3A_1524, %sub3A_1526 : i32
    %add3A_1528 = arith.addi %add3A_1205, %reduce_sum3A_1486 : i32
    %add3A_1529 = arith.addi %add3A_1528, %reduce_sum3A_1522 : i32
    %shift_left3A_1530 = arith.constant 8 : i32
    %shift_left3A_1531 = arith.shli %or3A_1208, %shift_left3A_1530 : i32
    %or3A_1532 = arith.ori %shift_left3A_1531, %add3A_1527 : i32
    %broadcast_in_dim3A_1533 = arith.constant 0.000000e+00 : f32
    "tpu.trace_stop"() : () -> ()
    "tpu.trace_start"() <{level = 10 : i32, message = "sc_passE"}> : () -> ()
    %broadcast_in_dim3A_1534 = vector.broadcast %broadcast_in_dim3A_1533 : f32 to vector<16xf32>
    %scan3A_1535 = arith.constant 0 : i32
    %scan3A_1536 = arith.constant 91 : i32
    %scan3A_1537 = arith.addi %scan3A_1535, %scan3A_1536 : i32
    %scan3A_1538 = arith.constant 1 : i32
    %scan3A_1539 = scf.for %scan3A_1569 = %scan3A_1535 to %scan3A_1537 step %scan3A_1538 iter_args(%scan3A_1570 = %broadcast_in_dim3A_1534) -> (vector<16xf32>)  : i32 {
      %mul3A_1571 = arith.constant 96 : i32
      %mul3A_1572 = arith.muli %scan3A_1569, %mul3A_1571 : i32
      %multiple_of3A_1573 = tpu.assume_multiple %mul3A_1572, 16 : i32
      %add3A_1574 = arith.constant 0 : i32
      %add3A_1575 = arith.addi %multiple_of3A_1573, %add3A_1574 : i32
      %get3A_1576 = arith.index_cast %add3A_1575 : i32 to index
      %get3A_1577 = tpu.vector_load %arg20[%get3A_1576] {strides = array<i32>} : memref<8736xi32, #tpu.memory_space<vmem>>, vector<16xi32>,
      %bitcast_convert_type3A_1578 = tpu.bitcast %get3A_1577 : vector<16xi32> -> vector<16xf32>
      %gt3A = vector.broadcast %or3A_1532 : i32 to vector<16xi32>
      %gt3A_1579 = arith.cmpi sgt, %get3A_1577, %gt3A : vector<16xi32>
      %jit3A_1580 = arith.constant 0.000000e+00 : f32
      %broadcast_in_dim3A_1581 = vector.broadcast %jit3A_1580 : f32 to vector<16xf32>
      %select_n3A_1582 = arith.select %gt3A_1579, %bitcast_convert_type3A_1578, %broadcast_in_dim3A_1581 : vector<16xi1>, vector<16xf32>
      %add3A_1583 = arith.addf %scan3A_1570, %select_n3A_1582 : vector<16xf32>
      %add3A_1584 = arith.constant 16 : i32
      %add3A_1585 = arith.addi %multiple_of3A_1573, %add3A_1584 : i32
      %get3A_1586 = arith.index_cast %add3A_1585 : i32 to index
      %get3A_1587 = tpu.vector_load %arg20[%get3A_1586] {strides = array<i32>} : memref<8736xi32, #tpu.memory_space<vmem>>, vector<16xi32>,
      %bitcast_convert_type3A_1588 = tpu.bitcast %get3A_1587 : vector<16xi32> -> vector<16xf32>
      %gt3A_1589 = vector.broadcast %or3A_1532 : i32 to vector<16xi32>
      %gt3A_1590 = arith.cmpi sgt, %get3A_1587, %gt3A_1589 : vector<16xi32>
      %jit3A_1591 = arith.constant 0.000000e+00 : f32
      %broadcast_in_dim3A_1592 = vector.broadcast %jit3A_1591 : f32 to vector<16xf32>
      %select_n3A_1593 = arith.select %gt3A_1590, %bitcast_convert_type3A_1588, %broadcast_in_dim3A_1592 : vector<16xi1>, vector<16xf32>
      %add3A_1594 = arith.addf %add3A_1583, %select_n3A_1593 : vector<16xf32>
      %add3A_1595 = arith.constant 32 : i32
      %add3A_1596 = arith.addi %multiple_of3A_1573, %add3A_1595 : i32
      %get3A_1597 = arith.index_cast %add3A_1596 : i32 to index
      %get3A_1598 = tpu.vector_load %arg20[%get3A_1597] {strides = array<i32>} : memref<8736xi32, #tpu.memory_space<vmem>>, vector<16xi32>,
      %bitcast_convert_type3A_1599 = tpu.bitcast %get3A_1598 : vector<16xi32> -> vector<16xf32>
      %gt3A_1600 = vector.broadcast %or3A_1532 : i32 to vector<16xi32>
      %gt3A_1601 = arith.cmpi sgt, %get3A_1598, %gt3A_1600 : vector<16xi32>
      %jit3A_1602 = arith.constant 0.000000e+00 : f32
      %broadcast_in_dim3A_1603 = vector.broadcast %jit3A_1602 : f32 to vector<16xf32>
      %select_n3A_1604 = arith.select %gt3A_1601, %bitcast_convert_type3A_1599, %broadcast_in_dim3A_1603 : vector<16xi1>, vector<16xf32>
      %add3A_1605 = arith.addf %add3A_1594, %select_n3A_1604 : vector<16xf32>
      %add3A_1606 = arith.constant 48 : i32
      %add3A_1607 = arith.addi %multiple_of3A_1573, %add3A_1606 : i32
      %get3A_1608 = arith.index_cast %add3A_1607 : i32 to index
      %get3A_1609 = tpu.vector_load %arg20[%get3A_1608] {strides = array<i32>} : memref<8736xi32, #tpu.memory_space<vmem>>, vector<16xi32>,
      %bitcast_convert_type3A_1610 = tpu.bitcast %get3A_1609 : vector<16xi32> -> vector<16xf32>
      %gt3A_1611 = vector.broadcast %or3A_1532 : i32 to vector<16xi32>
      %gt3A_1612 = arith.cmpi sgt, %get3A_1609, %gt3A_1611 : vector<16xi32>
      %jit3A_1613 = arith.constant 0.000000e+00 : f32
      %broadcast_in_dim3A_1614 = vector.broadcast %jit3A_1613 : f32 to vector<16xf32>
      %select_n3A_1615 = arith.select %gt3A_1612, %bitcast_convert_type3A_1610, %broadcast_in_dim3A_1614 : vector<16xi1>, vector<16xf32>
      %add3A_1616 = arith.addf %add3A_1605, %select_n3A_1615 : vector<16xf32>
      %add3A_1617 = arith.constant 64 : i32
      %add3A_1618 = arith.addi %multiple_of3A_1573, %add3A_1617 : i32
      %get3A_1619 = arith.index_cast %add3A_1618 : i32 to index
      %get3A_1620 = tpu.vector_load %arg20[%get3A_1619] {strides = array<i32>} : memref<8736xi32, #tpu.memory_space<vmem>>, vector<16xi32>,
      %bitcast_convert_type3A_1621 = tpu.bitcast %get3A_1620 : vector<16xi32> -> vector<16xf32>
      %gt3A_1622 = vector.broadcast %or3A_1532 : i32 to vector<16xi32>
      %gt3A_1623 = arith.cmpi sgt, %get3A_1620, %gt3A_1622 : vector<16xi32>
      %jit3A_1624 = arith.constant 0.000000e+00 : f32
      %broadcast_in_dim3A_1625 = vector.broadcast %jit3A_1624 : f32 to vector<16xf32>
      %select_n3A_1626 = arith.select %gt3A_1623, %bitcast_convert_type3A_1621, %broadcast_in_dim3A_1625 : vector<16xi1>, vector<16xf32>
      %add3A_1627 = arith.addf %add3A_1616, %select_n3A_1626 : vector<16xf32>
      %add3A_1628 = arith.constant 80 : i32
      %add3A_1629 = arith.addi %multiple_of3A_1573, %add3A_1628 : i32
      %get3A_1630 = arith.index_cast %add3A_1629 : i32 to index
      %get3A_1631 = tpu.vector_load %arg20[%get3A_1630] {strides = array<i32>} : memref<8736xi32, #tpu.memory_space<vmem>>, vector<16xi32>,
      %bitcast_convert_type3A_1632 = tpu.bitcast %get3A_1631 : vector<16xi32> -> vector<16xf32>
      %gt3A_1633 = vector.broadcast %or3A_1532 : i32 to vector<16xi32>
      %gt3A_1634 = arith.cmpi sgt, %get3A_1631, %gt3A_1633 : vector<16xi32>
      %jit3A_1635 = arith.constant 0.000000e+00 : f32
      %broadcast_in_dim3A_1636 = vector.broadcast %jit3A_1635 : f32 to vector<16xf32>
      %select_n3A_1637 = arith.select %gt3A_1634, %bitcast_convert_type3A_1632, %broadcast_in_dim3A_1636 : vector<16xi1>, vector<16xf32>
      %add3A_1638 = arith.addf %add3A_1627, %select_n3A_1637 : vector<16xf32>
      scf.yield %add3A_1638 : vector<16xf32>
    }
    %scan3A_1540 = arith.constant 91 : i32
    %bitcast_convert_type3A = arith.bitcast %or3A_1532 : i32 to f32
    %reduce_sum3A_1541 = arith.constant true
    %reduce_sum3A_1542 = vector.broadcast %reduce_sum3A_1541 : i1 to vector<16xi1>
    %reduce_sum3A_1543 = tpu.scan <sum>, %scan3A_1539 masked %reduce_sum3A_1542 : vector<16xf32>, vector<16xi1> -> vector<16xf32>
    %reduce_sum3A_1544 = vector.extract %reduce_sum3A_1543[15] : f32 from vector<16xf32>
    %add3A_1545 = arith.addf %reduce_sum3A_319, %reduce_sum3A_1544 : f32
    %sub3A_1546 = arith.subi %min3A_322, %add3A_1529 : i32
    %convert_element_type3A = arith.sitofp %sub3A_1546 : i32 to f32
    %mul3A_1547 = arith.mulf %convert_element_type3A, %bitcast_convert_type3A : f32
    %add3A_1548 = arith.addf %add3A_1545, %mul3A_1547 : f32
    %eq3A_1549 = arith.constant 0 : i32
    %eq3A_1550 = vector.broadcast %eq3A_1549 : i32 to vector<16xi32>
    %eq3A_1551 = arith.cmpi eq, %iota3A, %eq3A_1550 : vector<16xi32>
    %eq3A_1552 = arith.constant 1 : i32
    %eq3A_1553 = vector.broadcast %eq3A_1552 : i32 to vector<16xi32>
    %eq3A_1554 = arith.cmpi eq, %iota3A, %eq3A_1553 : vector<16xi32>
    %eq3A_1555 = arith.constant 2 : i32
    %eq3A_1556 = vector.broadcast %eq3A_1555 : i32 to vector<16xi32>
    %eq3A_1557 = arith.cmpi eq, %iota3A, %eq3A_1556 : vector<16xi32>
    %convert_element_type3A_1558 = arith.sitofp %reduce_sum3A_311 : i32 to f32
    %jit3A_1559 = arith.constant 0.000000e+00 : f32
    %broadcast_in_dim3A_1560 = vector.broadcast %convert_element_type3A_1558 : f32 to vector<16xf32>
    %broadcast_in_dim3A_1561 = vector.broadcast %jit3A_1559 : f32 to vector<16xf32>
    %select_n3A_1562 = arith.select %eq3A_1557, %broadcast_in_dim3A_1560, %broadcast_in_dim3A_1561 : vector<16xi1>, vector<16xf32>
    %broadcast_in_dim3A_1563 = vector.broadcast %add3A_1548 : f32 to vector<16xf32>
    %select_n3A_1564 = arith.select %eq3A_1554, %broadcast_in_dim3A_1563, %select_n3A_1562 : vector<16xi1>, vector<16xf32>
    %broadcast_in_dim3A_1565 = vector.broadcast %reduce_sum3A_315 : f32 to vector<16xf32>
    %select_n3A_1566 = arith.select %eq3A_1551, %broadcast_in_dim3A_1565, %select_n3A_1564 : vector<16xi1>, vector<16xf32>
    %swap3A_1567 = arith.constant 0 : index
    %swap3A_1568 = tpu.vector_load %arg28[%swap3A_1567] {strides = array<i32>} : memref<16xf32, #tpu.memory_space<vmem>>, vector<16xf32>,
    tpu.vector_store %arg28[%swap3A_1567], %select_n3A_1566 {strides = array<i32>} : memref<16xf32, #tpu.memory_space<vmem>>, vector<16xf32>,
    "tpu.region"() ({
      %run_scoped3A = tpu.sem_alloc : memref<!tpu.dma_semaphore, #tpu.memory_space<semaphore_mem>>
      %dma_start3A_1569 = arith.constant 0 : i32
      %dma_start3A_1570 = tpu.memref_slice %arg6[%add3A, %dma_start3A_1569] : memref<32x16xf32, #tpu.memory_space<hbm>> -> memref<1x16xf32, #tpu.memory_space<hbm>>
      %dma_start3A_1571 = tpu.memref_squeeze %dma_start3A_1570 : memref<1x16xf32, #tpu.memory_space<hbm>> -> memref<16xf32, #tpu.memory_space<hbm>>
      %dma_start3A_1572 = arith.constant 0 : i32
      %dma_start3A_1573 = tpu.memref_slice %arg6[%add3A, %dma_start3A_1572] : memref<32x16xf32, #tpu.memory_space<hbm>> -> memref<1x16xf32, #tpu.memory_space<hbm>>
      %dma_start3A_1574 = tpu.memref_squeeze %dma_start3A_1573 : memref<1x16xf32, #tpu.memory_space<hbm>> -> memref<16xf32, #tpu.memory_space<hbm>>
      tpu.enqueue_dma source(%arg28 : memref<16xf32, #tpu.memory_space<vmem>>) target(%dma_start3A_1574 : memref<16xf32, #tpu.memory_space<hbm>>) target_semaphore(%run_scoped3A : memref<!tpu.dma_semaphore, #tpu.memory_space<semaphore_mem>>)
      %dma_wait3A_1575 = arith.constant 0 : i32
      %dma_wait3A_1576 = tpu.memref_slice %arg6[%add3A, %dma_wait3A_1575] : memref<32x16xf32, #tpu.memory_space<hbm>> -> memref<1x16xf32, #tpu.memory_space<hbm>>
      %dma_wait3A_1577 = tpu.memref_squeeze %dma_wait3A_1576 : memref<1x16xf32, #tpu.memory_space<hbm>> -> memref<16xf32, #tpu.memory_space<hbm>>
      %dma_wait3A_1578 = arith.constant 0 : i32
      %dma_wait3A_1579 = tpu.memref_slice %arg6[%add3A, %dma_wait3A_1578] : memref<32x16xf32, #tpu.memory_space<hbm>> -> memref<1x16xf32, #tpu.memory_space<hbm>>
      %dma_wait3A_1580 = tpu.memref_squeeze %dma_wait3A_1579 : memref<1x16xf32, #tpu.memory_space<hbm>> -> memref<16xf32, #tpu.memory_space<hbm>>
      tpu.wait_dma2 semaphore(%run_scoped3A : memref<!tpu.dma_semaphore, #tpu.memory_space<semaphore_mem>>) src(%arg28 : memref<16xf32, #tpu.memory_space<vmem>>) dst(%dma_wait3A_1580 : memref<16xf32, #tpu.memory_space<hbm>>)
      tpu.yield
    }) : () -> ()
    "tpu.trace_stop"() : () -> ()
    return
  }
}

</mosaic_0001>

<sc_bundles>
// kernel: kernel.3.cloned.1.call-start
scs
__scs_entry_jumppad:
0x0: {  	(pc) =	sbr.rel $0x88, $3  }
0x1: {  	(tag) =	ssettag $0x0;
	lr =	simm.s32 $0x1  }
0x2: {  	[smem:$0x3F9D] =	sst lr;
	_ =	strace $0xD0000000  }
0x3: {  	_ = 	snop  }
0x4: {  	_ = 	snop  }
0x5: {  	_ = 	snop  }
0x6: {  	_ = 	snop  }
0x7: {  	_ = 	snop  }
__scs_overlays_trampoline_lowered:
0x8: {  	[smem:$0x3FAC] =	sst s0  }
0x9: {  	[smem:$0x3FAD] =	sst s1  }
0xa: {  	[smem:$0x3FAE] =	sst s2  }
0xb: {  	[smem:$0x3FAF] =	sst s3  }
0xc: {  	[smem:$0x3FB0] =	sst s4  }
0xd: {  	[smem:$0x3FB1] =	sst s5  }
0xe: {  	[smem:$0x3FB2] =	sst s6  }
0xf: {  	[smem:$0x3FB3] =	sst s7  }
0x10: {  	[smem:$0x3FB4] =	sst s8  }
0x11: {  	[smem:$0x3FB5] =	sst s9;
	s0 =	simm.s32 @!p0 $0x0  }
0x12: {  	s1 =	sld [smem:$0x3F9B];
	s0 =	simm.s32 @p0 $0x1  }
0x13: {  	[smem:$0x3FB6] =	sst s0;
	s0 =	simm.s32 @!p1 $0x0  }
0x14: {  	s2 =	sld [smem:$0x3F9A];
	s0 =	simm.s32 @p1 $0x1  }
0x15: {  	[smem:$0x3FB7] =	sst s0;
	s0 =	simm.s32 @!p2 $0x0  }
0x16: {  	s3 =	sld [smem:$0x3FDB];
	s0 =	simm.s32 @p2 $0x1  }
0x17: {  	s4 =	simm.s32 $0x1BF5;
	[smem:$0x3FB9] =	sst s0  }
0x18: {  	s0 =	sld [smem:$0x3F9C];
	_ =	swait.ge [sflag:s4], $0x0  }
0x19: {  	s7 =	sld [smem:$0x3F9D]  }
0x1a: {  	s8 =	sadd.s32 $0xFFFFE003, lr  }
0x1b: {  	s9 =	sadd.s32 $0xFFFFFEF7, lr;
	s5 =	simm.s32 $0xFFFFFFFF;
	p2 =	slt.u32 s8, $0xFFFFF086  }
0x1c: {  	p1 =	slt.u32 s9, $0xF7A;
	s5 =	simm.s32 @!p2 $0x0  }
0x1d: {  	s5 =	simm.s32 @p1 $0x1;
	p0 =	seq.s32 s7, s2  }
0x1e: {  	s7 =	smul.u32 @!p0 $0xF7A, s2;
	p2 =	seq.s32 @!p0 s5, $0x0  }
0x1f: {  	s9 =	smul.u32 $0xF7A, s1;
	s8 =	simm.s32 @!p0 $0x1BF5;
	p2 =	por !p2, p0  }
0x20: {  	[sflag:s8] =	ssyncset.s32 @!p0 $0xFFFFF086;
	s6 =	sadd.s32 @!p0 s3, s7;
	s7 =	simm.s32 @!p0 $0x108  }
0x21: {  	s3 =	sadd.s32 s3, s9;
	s6 =	sadd.s32 @!p0 $0x88, s6;
	s7 =	simm.s32 @p2 $0x1082  }
0x22: {  	[simem:s7], [sflag:s8] =	dma.local @!p0 [hbm:s6], $0xF7A  }
0x23: {  	s9 =	sor.u32 $0xD0000000, s2;
	s6 =	simm.s32 $0x108;
	_ =	swait.ge @!p0 [sflag:s8], $0x0  }
0x24: {  	s3 =	sadd.s32 $0x88, s3;
	s6 =	simm.s32 @!p1 $0x1082;
	[sflag:s4] =	ssyncset.s32 $0xFFFFF086  }
0x25: {  	[simem:s6], [sflag:s4] =	dma.local [hbm:s3], $0xF7A  }
0x26: {  	[smem:$0x3F9D] =	sst s1;
	(tag) =	ssettag s2;
	_ =	strace s9  }
0x27: {  	s1 =	sld [smem:$0x3FAD]  }
0x28: {  	s2 =	sld [smem:$0x3FAE]  }
0x29: {  	s4 =	sld [smem:$0x3FB0]  }
0x2a: {  	p0 =	seq.s32 s5, $0x0;
	s5 =	sld [smem:$0x3FB1]  }
0x2b: {  	s6 =	sld [smem:$0x3FB2]  }
0x2c: {  	s7 =	sld [smem:$0x3FB3]  }
0x2d: {  	s3 =	simm.s32 $0x108;
	s8 =	sld [smem:$0x3FB4]  }
0x2e: {  	s3 =	simm.s32 @!p0 $0x1082;
	s9 =	sld [smem:$0x3FB5]  }
0x2f: {  	lr =	sadd.s32 s0, s3;
	s0 =	sld [smem:$0x3FAC]  }
0x30: {  	s3 =	sld [smem:$0x3FAF]  }
0x31: {  	[smem:$0x3FB8] =	sst s10  }
0x32: {  	s10 =	sld [smem:$0x3FB6];
	_ =	sdelay $0x3  }
0x33: {  	p0 =	seq.s32 s10, $0x1;
	s10 =	sld [smem:$0x3FB8];
	_ =	sdelay $0x3  }
0x34: {  	[smem:$0x3FB8] =	sst s10  }
0x35: {  	s10 =	sld [smem:$0x3FB7];
	_ =	sdelay $0x3  }
0x36: {  	p1 =	seq.s32 s10, $0x1;
	s10 =	sld [smem:$0x3FB8];
	_ =	sdelay $0x3  }
0x37: {  	[smem:$0x3FB8] =	sst s10  }
0x38: {  	s10 =	sld [smem:$0x3FB9]  }
0x39: {  	_ = 	snop;
	(pc) =	sbr.ind lr, $3  }
0x3a: {  	_ = 	snop  }
0x3b: {  	_ = 	snop  }
0x3c: {  	p2 =	seq.s32 s10, $0x1;
	s10 =	sld [smem:$0x3FB8]  }
0x3d: {  	_ =	shalt  }
0x3e: {  	_ =	shalt  }
0x3f: {  	_ =	shalt  }
0x40: {  	_ =	shalt  }
0x41: {  	_ =	shalt  }
0x42: {  	_ =	shalt  }
0x43: {  	_ =	shalt  }
0x44: {  	_ =	shalt  }
0x45: {  	_ =	shalt  }
0x46: {  	_ =	shalt  }
0x47: {  	_ =	shalt  }
0x48: {  	_ =	shalt  }
0x49: {  	_ =	shalt  }
0x4a: {  	_ =	shalt  }
0x4b: {  	_ =	shalt  }
0x4c: {  	_ =	shalt  }
0x4d: {  	_ =	shalt  }
0x4e: {  	_ =	shalt  }
0x4f: {  	_ =	shalt  }
0x50: {  	_ =	shalt  }
0x51: {  	_ =	shalt  }
0x52: {  	_ =	shalt  }
0x53: {  	_ =	shalt  }
0x54: {  	_ =	shalt  }
0x55: {  	_ =	shalt  }
0x56: {  	_ =	shalt  }
0x57: {  	_ =	shalt  }
0x58: {  	_ =	shalt  }
0x59: {  	_ =	shalt  }
0x5a: {  	_ =	shalt  }
0x5b: {  	_ =	shalt  }
0x5c: {  	_ =	shalt  }
0x5d: {  	_ =	shalt  }
0x5e: {  	_ =	shalt  }
0x5f: {  	_ =	shalt  }
0x60: {  	_ =	shalt  }
0x61: {  	_ =	shalt  }
0x62: {  	_ =	shalt  }
0x63: {  	_ =	shalt  }
0x64: {  	_ =	shalt  }
0x65: {  	_ =	shalt  }
0x66: {  	_ =	shalt  }
0x67: {  	_ =	shalt  }
0x68: {  	_ =	shalt  }
0x69: {  	_ =	shalt  }
0x6a: {  	_ =	shalt  }
0x6b: {  	_ =	shalt  }
0x6c: {  	_ =	shalt  }
0x6d: {  	_ =	shalt  }
0x6e: {  	_ =	shalt  }
0x6f: {  	_ =	shalt  }
0x70: {  	_ =	shalt  }
0x71: {  	_ =	shalt  }
0x72: {  	_ =	shalt  }
0x73: {  	_ =	shalt  }
0x74: {  	_ =	shalt  }
0x75: {  	_ =	shalt  }
0x76: {  	_ =	shalt  }
0x77: {  	_ =	shalt  }
0x78: {  	_ =	shalt  }
0x79: {  	_ =	shalt  }
0x7a: {  	_ =	shalt  }
0x7b: {  	_ =	shalt  }
0x7c: {  	_ =	shalt  }
0x7d: {  	_ =	shalt  }
0x7e: {  	_ =	shalt  }
0x7f: {  	_ =	shalt  }
0x80: {  	_ =	shalt  }
0x81: {  	_ =	shalt  }
0x82: {  	_ =	shalt  }
0x83: {  	_ =	shalt  }
0x84: {  	_ =	shalt  }
0x85: {  	_ =	shalt  }
0x86: {  	_ =	shalt  }
0x87: {  	_ =	shalt  }
.Lfunc_end0:
.L_simem_size_0:
called_computation_lowered:
.L_overlay_start_0:
0x88: {  	s2 =	sld [smem:$0x3FD9]  }
0x89: {  	s3 =	sld [smem:$0x3FFE];
	_ =	sdelay $0x1  }
0x8a: {  	s1 =	srdreg.scid  }
0x8b: {  	s0 =	sand.u32 $0x1, s1  }
0x8c: {  	s16 =	sshll.u32 s0, $0xA;
	s2 =	sadd.s32 s3, s2  }
0x8d: {  	s2 =	sadd.s32 s2, s16  }
0x8e: {  	[smem:$0x3FC4] =	sst s2  }
0x8f: {  	_ = 	snop  }
0x90: {  	(tm) =	ssettm $0x1  }
0x91: {  	s17 =	sld [smem:$0x3FFB];
	_ =	sdelay $0x3  }
0x92: {  	_ =	strace s17  }
0x93: {  	s2 =	sld [smem:$0x3FFC];
	_ =	sdelay $0x3  }
0x94: {  	_ =	strace s2  }
0x95: {  	s2 =	sld [smem:$0x3FFD];
	_ =	sdelay $0x3  }
0x96: {  	_ =	strace s2  }
0x97: {  	_ =	strace $0x8FFFFFFF  }
0x98: {  	s18 =	sld [smem:$0x3FDB];
	_ =	sdelay $0x1  }
0x99: {  	s19 =	simm.s32 $_scs_section_size  }
0x9a: {  	s4 =	simm.s32 $_size__tile_overlayer_lowered;
	s5 =	simm.s32 $_tile_overlayer_lowered  }
0x9b: {  	s22 =	simm.s32 $0x1BFF;
	s21 =	sshll.u32 s5, $0x1;
	s2 =	sadd.s32 s19, s18  }
0x9c: {  	s6 =	simm.s32 $0x0;
	s20 =	sshll.u32 s4, $0x1;
	s4 =	sadd.s32 s21, s2  }
0x9d: {  	[timem:s6], [sflag:s22] =	dma.local [hbm:s4], s20  }
0x9e: {  	_ =	swait.ge [sflag:s22], s20  }
0x9f: {  	s3 =	ssub.s32 $0x0, s20;
	[sflag:s22] =	ssyncset.done $0x0  }
0xa0: {  	[sflag:s22] =	ssyncadd.s32 s3;
	_ =	sdelay $0x1  }
0xa1: {  	s23 =	simm.s32 $0x1B8B  }
0xa2: {  	_ =	swait.ge [sflag:s23], $0x1  }
0xa3: {  	[sflag:s23] =	ssyncset.done $0x0  }
0xa4: {  	s25 =	simm.s32 $0x1B8E;
	s24 =	sld [smem:$0x3FFE];
	[sflag:s23] =	ssyncadd.s32 $0xFFFFFFFF  }
0xa5: {  	s26 =	simm.s32 $execute0_lowered;
	[smem:$0x3FD2] =	sst s25  }
0xa6: {  	s4 =	sshll.u32 s26, $0x1;
	_ =	strace $0x80000046;
	[dreg:$0x1] =	wrdreg $0xFFFFFFFF  }
0xa7: {  	s28 =	simm.s32 $_size_execute0_lowered;
	s2 =	sadd.s32 s2, s4;
	[dreg:$0x0] =	wrdreg $0x0  }
0xa8: {  	s4 =	sshll.u32 s28, $0x1;
	[dreg:$0x2] =	wrdreg s2  }
0xa9: {  	[dreg:$0x3] =	wrdreg s4  }
0xaa: {  	[dreg:$0x4] =	wrdreg $0xC0  }
0xab: {  	_ =	task [dreg:s6], $0x5FFFF  }
0xac: {  	[dreg:$0x1] =	wrdreg $0xFFFFFFFF  }
0xad: {  	[dreg:$0x0] =	wrdreg $0x60  }
0xae: {  	[dreg:$0x2] =	wrdreg s24  }
0xaf: {  	[dreg:$0x3] =	wrdreg $0x9  }
0xb0: {  	_ =	task.clear_ibuf [dreg:s6], $0x4FFFF;
	_ =	strace $0x90000046  }
0xb1: {  	s29 =	simm.s32 $0x9;
	_ =	strace $0x80000050  }
0xb2: {  	_ =	swait.ge [sflag:s29], $0x1  }
0xb3: {  	[sflag:s29] =	ssyncadd.s32 $0xFFFFFFFF  }
0xb4: {  	_ =	strace $0x90000050  }
0xb5: {  	_ =	sfence  }
0xb6: {  	s30 =	sld [smem:$0x0];
	_ =	sdelay $0x2  }
0xb7: {  	s31 =	sshll.u32 s1, $0xD;
	s1 =	sshrl.u32 s1, $0x2  }
0xb8: {  	s3 =	sand.u32 $0x4000, s31;
	s1 =	sadd.s32 s1, s30  }
0xb9: {  	s0 =	sor.u32 s3, s0;
	s1 =	sshll.u32 s1, $0x11  }
0xba: {  	s0 =	sor.u32 s1, s0  }
0xbb: {  	s0 =	sadd.s32 $0x8F2B, s0  }
0xbc: {  	[sflag:s0] =	ssyncadd.remote.s32 $0x1  }
0xbd: {  	_ =	sfence.sel $0xFFFF  }
0xbe: {  	[dreg:$0x0] =	wrdreg $0xFFFFFFFF;
	(pc) =	sbr.abs _section_cstart, $3  }
0xbf: {  	[dreg:$0x1] =	wrdreg $0xFFFFFFFF  }
0xc0: {  	_ =	task.clear_ibuf [dreg:s6], $0x2FFFF;
	_ =	strace $0x9FFFFFFF  }
0xc1: {  	(tm) =	ssettm $0x7FFFFFFF  }
tec
execute0_lowered:
.L_overlay_start_1:
0x0: {  	(tag) =	ssettag $0x1  }
0x1: {  	s0 =	srdreg.scid  }
0x2: {  	s12 =	stileid.u32;
	s3 =	rddreg [dreg:$0x0];
	s28 =	simm.s32 $0x2  }
0x3: {  	s29 =	simm.s32 $0x0;
	s0 =	sand.u32 $0x1, s0;
	s1 =	sshll.u32 s12, $0x1  }
0x4: {  	s2 =	sshrl.u32 s12, $0x1;
	s14 =	sadd.s32 $0x34400, s3;
	s15 =	sadd.s32 $0x33C00, s3  }
0x5: {  	s7 =	smul.u32 $0x11400, s12;
	s16 =	sadd.s32 $0x34410, s3;
	s9 =	sadd.s32 $0x34420, s3  }
0x6: {  	s10 =	sadd.s32 $0x34430, s3;
	s12 =	sshll.u32 s12, $0xA;
	s1 =	sor.u32 s0, s1  }
0x7: {  	s4 =	smul.u32 $0x11400, s2;
	s2 =	simm.s32 $0x0;
	s6 =	ssub.s32 $0x2, s0  }
0x8: {  	s0 =	sshll.u32 s0, $0x9;
	s5 =	sshll.u32 s1, $0x8;
	[smem:$0x7FF] =	sst s2  }
0x9: {  	s1 =	sshll.u32 s1, $0x4;
	s8 =	sshrl.u32 s6, $0x1;
	s17 =	sor.u32 s0, s7  }
0xa: {  	s18 =	sor.u32 $0x80, s0;
	s20 =	sor.u32 $0x100, s0;
	s11 =	sor.u32 $0x180, s0  }
0xb: {  	s0 =	sor.u32 s0, s12;
	_ =	strace $0x80000047;
	[dreg:$0x2] =	wrdreg s14  }
0xc: {  	s5 =	sand.u32 $0x300, s5;
	s1 =	sadd.s32 s1, s3;
	[dreg:$0x3] =	wrdreg s16  }
0xd: {  	s6 =	ssub.s32 s6, s8;
	[dreg:$0x4] =	wrdreg s9;
	s8 =	sshrl.u32 s17, $0x3  }
0xe: {  	[dreg:$0x5] =	wrdreg s10;
	s19 =	sor.u32 s7, s18;
	s21 =	sor.u32 s7, s20  }
0xf: {  	s7 =	sor.u32 s7, s11;
	s0 =	sshrl.u32 s0, $0x3;
	s24 =	sor.u32 s12, s18  }
0x10: {  	s25 =	sor.u32 s12, s20;
	s26 =	sor.u32 s12, s11;
	s20 =	simm.s32 $0x200  }
0x11: {  	s4 =	sor.u32 s4, s5;
	s8 =	sadd.s32 s3, s8;
	s7 =	sshrl.u32 s7, $0x3  }
0x12: {  	s0 =	sadd.s32 s15, s0;
	s31 =	sshrl.u32 s26, $0x3;
	s17 =	sadd.s32 $0x35600, s1  }
0x13: {  	s18 =	smax.u32 s6, $0x1;
	s1 =	simm.s32 $0x1E300;
	[dreg:$0x6] =	wrdreg s8  }
0x14: {  	s4 =	sshrl.u32 s4, $0x3;
	s8 =	sshrl.u32 s19, $0x3;
	[dreg:$0xc] =	wrdreg s0  }
0x15: {  	s0 =	sshrl.u32 s24, $0x3;
	s19 =	simm.s32 $0x80;
	s8 =	sadd.s32 s3, s8  }
0x16: {  	s4 =	sadd.s32 s4, s3;
	s0 =	sadd.s32 s15, s0;
	[dreg:$0x7] =	wrdreg s8  }
0x17: {  	s24 =	simm.s32 $0x400;
	s22 =	sadd.s32 $0x22800, s4;
	[dreg:$0xd] =	wrdreg s0  }
0x18: {  	s8 =	sshrl.u32 s21, $0x3;
	s23 =	sadd.s32 $0x22810, s4;
	[dreg:$0xa] =	wrdreg s22  }
0x19: {  	v0 =	vimm.f32 $-1.000000000e+00;
	v1 =	vimm.f32 $1.000000000e+00;
	v2 =	vimm.f32 $0.0e+00;
	s0 =	sadd.s32 s15, s31;
	s21 =	simm.s32 $0x1E400;
	[dreg:$0xb] =	wrdreg s23  }
0x1a: {  	v3 =	vlaneseq.u32;
	v4 =	vimm.s32 $0x0;
	v5 =	vimm.s32 $0xFFFFFF81;
	s8 =	sadd.s32 s3, s8;
	s3 =	sadd.s32 s3, s7;
	[dreg:$0xf] =	wrdreg s0  }
0x1b: {  	v6 =	vimm.s32 $0x1;
	vm8 =	vmmov $0x7f;
	vm10 =	vmmov $0xff;
	s0 =	simm.s32 $0x1E380;
	[dreg:$0x9] =	wrdreg s3;
	s3 =	sshrl.u32 s25, $0x3  }
0x1c: {  	vm9 =	vmmov $0x1ff;
	vm11 =	vmmov $0x3ff;
	vm12 =	vmmov $0x7ff;
	s22 =	simm.s32 $0x1E480;
	[dreg:$0x8] =	wrdreg s8;
	s30 =	sadd.s32 s15, s3  }
0x1d: {  	vm13 =	vmmov $0xfff;
	vm14 =	vmmov $0x1fff;
	vm15 =	vmmov $0x3fff;
	s23 =	simm.s32 $0x1;
	s25 =	simm.s32 $0x1EF80;
	[dreg:$0xe] =	wrdreg s30  }
.LBB2_1:
0x1e: {  	_ =	strace $0x80000048  }
0x1f: {  	s3 =	rddreg [dreg:$0x2]  }
0x20: {  	[tilespmem:s2], [sflag:$0x1] =	stream.strided.gather [hbm4b:s3+s19], $0x2280, s20, s19, $0x200038;
	[tilespmem:$0x1F100] =	vst v63  }
0x21: {  	s4 =	simm.s32 $0x2280;
	s15 =	rddreg [dreg:$0x3]  }
0x22: {  	[tilespmem:s4], [sflag:$0x1] =	stream.strided.gather [hbm4b:s15+s19], $0x2280, s20, s19, $0x200038;
	[tilespmem:$0x1F100] =	vst v63  }
0x23: {  	s26 =	simm.s32 $0x4500;
	s16 =	rddreg [dreg:$0x4]  }
0x24: {  	[tilespmem:s26], [sflag:$0x1] =	stream.strided.gather [hbm4b:s16+s19], $0x2280, s20, s19, $0x200038;
	[tilespmem:$0x1F100] =	vst v63  }
0x25: {  	s31 =	simm.s32 $0x6780;
	s30 =	rddreg [dreg:$0x5]  }
0x26: {  	[tilespmem:s31], [sflag:$0x1] =	stream.strided.gather [hbm4b:s30+s19], $0x2280, s20, s19, $0x200038;
	[tilespmem:$0x1F100] =	vst v63  }
0x27: {  	s5 =	simm.s32 $0x8A00;
	s4 =	rddreg [dreg:$0x6]  }
0x28: {  	[tilespmem:s5], [sflag:$0x1] =	stream.strided.gather [hbm4b:s4+s19], $0x2280, s24, s19, $0x200038;
	[tilespmem:$0x1F100] =	vst v63  }
0x29: {  	s7 =	simm.s32 $0xAC80;
	s6 =	rddreg [dreg:$0x7]  }
0x2a: {  	[tilespmem:s7], [sflag:$0x1] =	stream.strided.gather [hbm4b:s6+s19], $0x2280, s24, s19, $0x200038;
	[tilespmem:$0x1F100] =	vst v63  }
0x2b: {  	s9 =	simm.s32 $0xCF00;
	s8 =	rddreg [dreg:$0x8]  }
0x2c: {  	[tilespmem:s9], [sflag:$0x1] =	stream.strided.gather [hbm4b:s8+s19], $0x2280, s24, s19, $0x200038;
	[tilespmem:$0x1F100] =	vst v63  }
0x2d: {  	s11 =	simm.s32 $0xF180;
	s10 =	rddreg [dreg:$0x9]  }
0x2e: {  	[tilespmem:s11], [sflag:$0x1] =	stream.strided.gather [hbm4b:s10+s19], $0x2280, s24, s19, $0x200038;
	[tilespmem:$0x1F100] =	vst v63  }
0x2f: {  	s13 =	simm.s32 $0x11400;
	s12 =	rddreg [dreg:$0xa]  }
0x30: {  	[tilespmem:s13], [sflag:$0x1] =	stream.strided.gather [hbm4b:s12+s19], $0x2280, s24, s19, $0x200038;
	[tilespmem:$0x1F100] =	vst v63  }
0x31: {  	s14 =	rddreg [dreg:$0xb];
	s15 =	simm.s32 $0x13680  }
0x32: {  	[tilespmem:s15], [sflag:$0x1] =	stream.strided.gather [hbm4b:s14+s19], $0x2280, s24, s19, $0x200038;
	[tilespmem:$0x1F100] =	vst v63  }
0x33: {  	s16 =	rddreg [dreg:$0xc]  }
0x34: {  	[tilespmem:s1], [sflag:$0x1] =	stream.linear.gather [hbm4b:s16+s2], $0x80, $0x200038;
	[tilespmem:$0x1F100] =	vst v63  }
0x35: {  	s26 =	rddreg [dreg:$0xd]  }
0x36: {  	[tilespmem:s0], [sflag:$0x1] =	stream.linear.gather [hbm4b:s26+s2], $0x80, $0x200038;
	[tilespmem:$0x1F100] =	vst v63  }
0x37: {  	s30 =	rddreg [dreg:$0xe]  }
0x38: {  	[tilespmem:s21], [sflag:$0x1] =	stream.linear.gather [hbm4b:s30+s2], $0x80, $0x200038;
	[tilespmem:$0x1F100] =	vst v63  }
0x39: {  	s31 =	rddreg [dreg:$0xf]  }
0x3a: {  	[tilespmem:s22], [sflag:$0x1] =	stream.linear.gather [hbm4b:s31+s2], $0x80, $0x200038;
	[tilespmem:$0x1F100] =	vst v63  }
0x3b: {  	_ =	swait.ge [sflag:s23], $0x2280  }
0x3c: {  	[sflag:s23] =	ssyncset.done $0x0  }
0x3d: {  	[sflag:s23] =	ssyncadd.s32 $0xFFFFDD80  }
0x3e: {  	_ =	swait.ge [sflag:s23], $0x2280  }
0x3f: {  	[sflag:s23] =	ssyncset.done $0x0  }
0x40: {  	[sflag:s23] =	ssyncadd.s32 $0xFFFFDD80  }
0x41: {  	_ =	swait.ge [sflag:s23], $0x2280  }
0x42: {  	[sflag:s23] =	ssyncset.done $0x0  }
0x43: {  	[sflag:s23] =	ssyncadd.s32 $0xFFFFDD80  }
0x44: {  	_ =	swait.ge [sflag:s23], $0x2280  }
0x45: {  	[sflag:s23] =	ssyncset.done $0x0  }
0x46: {  	[sflag:s23] =	ssyncadd.s32 $0xFFFFDD80  }
0x47: {  	_ =	swait.ge [sflag:s23], $0x80  }
0x48: {  	[sflag:s23] =	ssyncset.done $0x0  }
0x49: {  	[sflag:s23] =	ssyncadd.s32 $0xFFFFFF80  }
0x4a: {  	_ =	swait.ge [sflag:s23], $0x80  }
0x4b: {  	[sflag:s23] =	ssyncset.done $0x0  }
0x4c: {  	[sflag:s23] =	ssyncadd.s32 $0xFFFFFF80  }
0x4d: {  	_ =	swait.ge [sflag:s23], $0x80  }
0x4e: {  	[sflag:s23] =	ssyncset.done $0x0  }
0x4f: {  	[sflag:s23] =	ssyncadd.s32 $0xFFFFFF80  }
0x50: {  	_ =	swait.ge [sflag:s23], $0x80  }
0x51: {  	[sflag:s23] =	ssyncset.done $0x0  }
0x52: {  	[sflag:s23] =	ssyncadd.s32 $0xFFFFFF80  }
0x53: {  	_ =	strace $0x90000048  }
0x54: {  	s3 =	simm.s32 $0x0;
	_ =	strace $0x80000049  }
0x55: {  	v7 =	vld [tilespmem:s3+$0x4500]  }
0x56: {  	v8 =	vld [tilespmem:s3+$0x6780]  }
0x57: {  	v9 =	vld [tilespmem:s3+$0x0]  }
0x58: {  	v10 =	vld [tilespmem:s3+$0x2280];
	_ =	sdelay $0x1  }
0x59: {  	v11 =	vmul.f32 $5.000000000e-01, v7  }
0x5a: {  	v7 =	vmul.f32 $5.000000000e-01, v8  }
0x5b: {  	v8 =	vadd.f32 v11, v9  }
0x5c: {  	v12 =	vadd.f32 v7, v10  }
0x5d: {  	v10 =	vsub.f32 v10, v7;
	[tilespmem:s3+$0x4500] =	vst v8  }
0x5e: {  	s4 =	simm.s32 $0x10;
	[tilespmem:s3+$0x6780] =	vst v12;
	v8 =	vsub.f32 v9, v11  }
0x5f: {  	s5 =	simm.s32 $0x80;
	v7 =	vld [tilespmem:s4+$0x4500];
	[tilespmem:s3+$0x2280] =	vst v10  }
.LBB2_2:
0x60: {  	p0 =	sne.s32 s5, $0x8840;
	v9 =	vld [tilespmem:s4+$0x6780];
	[tilespmem:s3+$0x0] =	vst v8;
	s3 =	smov.u32 s4  }
0x61: {  	v10 =	vld [tilespmem:s3+$0x0]  }
0x62: {  	v11 =	vld [tilespmem:s3+$0x2280];
	_ =	sdelay $0x1  }
0x63: {  	v7 =	vmul.f32 $5.000000000e-01, v7  }
0x64: {  	v9 =	vmul.f32 $5.000000000e-01, v9  }
.Ltmp0:
0x65: {  	v8 =	vsub.f32 v10, v7;
	v7 =	vadd.f32 v7, v10;
	(pc) =	sbr.rel @p0 .LBB2_2-.Ltmp0, $4  }
0x66: {  	v10 =	vsub.f32 v11, v9;
	v9 =	vadd.f32 v9, v11  }
0x67: {  	[tilespmem:s3+$0x4500] =	vst v7  }
0x68: {  	s4 =	sshra.s32 s5, $0x2;
	[tilespmem:s3+$0x6780] =	vst v9  }
0x69: {  	s5 =	sadd.s32 $0x40, s5;
	v7 =	vld [tilespmem:s4+$0x4500];
	[tilespmem:s3+$0x2280] =	vst v10  }
0x6a: {  	v9 =	vld [tilespmem:s4+$0x6780];
	[tilespmem:s3+$0x0] =	vst v8  }
0x6b: {  	v8 =	vld [tilespmem:s4+$0x0];
	_ =	sdelay $0x1  }
0x6c: {  	v10 =	vld [tilespmem:s4+$0x2280]  }
0x6d: {  	v7 =	vmul.f32 $5.000000000e-01, v7;
	_ =	sdelay $0x1  }
0x6e: {  	s31 =	simm.s32 $0x0;
	v9 =	vmul.f32 $5.000000000e-01, v9;
	v11 =	vadd.f32 v7, v8  }
0x6f: {  	v13 =	vmov s31;
	v7 =	vsub.f32 v8, v7  }
0x70: {  	v12 =	vadd.f32 v9, v10;
	[tilespmem:s4+$0x4500] =	vst v11  }
0x71: {  	v9 =	vsub.f32 v10, v9;
	[tilespmem:s4+$0x0] =	vst v7  }
0x72: {  	[tilespmem:s4+$0x6780] =	vst v12  }
0x73: {  	[tilespmem:s4+$0x2280] =	vst v9  }
0x74: {  	v7 =	vld.idx.msk [tilespmem:v13+s22+$0x0], $0xffff  }
0x75: {  	v8 =	vld.idx.msk [tilespmem:v13+s21+$0x0], $0xffff  }
0x76: {  	v9 =	vld.idx.msk [tilespmem:v13+s0+$0x0], $0xffff  }
0x77: {  	v10 =	vld.idx.msk [tilespmem:v13+s1+$0x0], $0xffff  }
0x78: {  	s3 =	simm.s32 $0x1E520  }
0x79: {  	[tilespmem:s3+$0x10] =	vst v7  }
0x7a: {  	[tilespmem:s3+$0x0] =	vst v8  }
0x7b: {  	s5 =	simm.s32 $0x1;
	[tilespmem:s3+$0xFFFFFFF0] =	vst v9  }
0x7c: {  	s7 =	simm.s32 $0x1E520;
	s6 =	simm.s32 $0x1EBA0;
	s4 =	simm.s32 $0x1EBA0;
	v7 =	vsub.f32 v7, v9;
	[tilespmem:s3+$0xFFFFFFE0] =	vst v10;
	v8 =	vsub.f32 v8, v10  }
.LBB2_4:
0x7d: {  	p0 =	sne.s32 s5, $0x13;
	s4 =	sadd.s32 $0x30, s4;
	s3 =	sadd.s32 $0x50, s3  }
0x7e: {  	v9 =	vmov s5;
	s5 =	sadd.s32 $0x1, s5;
	v7 =	vmul.f32 v7, v8;
	_ =	sdelay $0x1  }
0x7f: {  	[tilespmem:s7+$0x20] =	vst v7;
	s7 =	smov.u32 s3  }
0x80: {  	[tilespmem:s6+$0xFFFFFFE0] =	vst v0  }
0x81: {  	[tilespmem:s6+$0x0] =	vst v2  }
0x82: {  	[tilespmem:s6+$0xFFFFFFF0] =	vst v1;
	s6 =	smov.u32 s4  }
0x83: {  	v7 =	vld.idx.msk [tilespmem:v9+s22+$0x0], $0xffff  }
0x84: {  	v8 =	vld.idx.msk [tilespmem:v9+s21+$0x0], $0xffff  }
0x85: {  	v10 =	vld.idx.msk [tilespmem:v9+s0+$0x0], $0xffff  }
0x86: {  	v9 =	vld.idx.msk [tilespmem:v9+s1+$0x0], $0xffff;
	_ =	sdelay $0x1  }
.Ltmp1:
0x87: {  	(pc) =	sbr.rel @p0 .LBB2_4-.Ltmp1, $4  }
0x88: {  	[tilespmem:s3+$0x10] =	vst v7  }
0x89: {  	[tilespmem:s3+$0x0] =	vst v8  }
0x8a: {  	v7 =	vsub.f32 v7, v10;
	[tilespmem:s3+$0xFFFFFFF0] =	vst v10  }
0x8b: {  	v8 =	vsub.f32 v8, v9;
	[tilespmem:s3+$0xFFFFFFE0] =	vst v9  }
0x8c: {  	_ = 	snop  }
0x8d: {  	v7 =	vmul.f32 v7, v8;
	_ =	sdelay $0x1  }
0x8e: {  	[tilespmem:s7+$0x20] =	vst v7  }
0x8f: {  	[tilespmem:s6+$0xFFFFFFE0] =	vst v0  }
0x90: {  	s30 =	simm.s32 $0x0;
	[tilespmem:s6+$0x0] =	vst v2  }
0x91: {  	s31 =	simm.s32 $0x2280;
	s26 =	simm.s32 $0x4500;
	s3 =	simm.s32 $0x6780;
	[tilespmem:s6+$0xFFFFFFF0] =	vst v1  }
0x92: {  	s4 =	simm.s32 $0x15900;
	s5 =	simm.s32 $0x17B80;
	_ =	strace $0x90000049  }
0x93: {  	s7 =	simm.s32 $0x0;
	s6 =	simm.s32 $0x19E00;
	_ =	strace $0x8000004A  }
.LBB2_6:
0x94: {  	v11 =	vld [tilespmem:s30+$0x0]  }
0x95: {  	v9 =	vld [tilespmem:s31+$0x0]  }
0x96: {  	v12 =	vld [tilespmem:s26+$0x0]  }
0x97: {  	v10 =	vld [tilespmem:s3+$0x0]  }
0x98: {  	v7 =	vld [tilespmem:$0x1E500]  }
0x99: {  	v8 =	vld [tilespmem:$0x1E510]  }
0x9a: {  	v13 =	vld [tilespmem:$0x1E520]  }
0x9b: {  	v14 =	vld [tilespmem:$0x1E530]  }
0x9c: {  	v17 =	vld [tilespmem:$0x1E540]  }
0x9d: {  	v18 =	vld [tilespmem:$0x1E550]  }
0x9e: {  	v57 =	vld [tilespmem:$0x1E560]  }
0x9f: {  	v19 =	vld [tilespmem:$0x1E570]  }
0xa0: {  	v23 =	vld [tilespmem:$0x1E5A0]  }
0xa1: {  	v25 =	vld [tilespmem:$0x1E5D0]  }
0xa2: {  	v31 =	vld [tilespmem:$0x1E5F0]  }
0xa3: {  	v33 =	vld [tilespmem:$0x1E610]  }
0xa4: {  	v59 =	vld [tilespmem:$0x1E580]  }
0xa5: {  	v62 =	vld [tilespmem:$0x1E5C0];
	v15 =	vsub.f32 v12, v11;
	v16 =	vsub.f32 v10, v9;
	v13 =	vmin.f32 v12, v13  }
0xa6: {  	v42 =	vld [tilespmem:$0x1E600];
	v7 =	vmax.f32 v11, v7;
	v14 =	vmin.f32 v10, v14;
	v8 =	vmax.f32 v9, v8  }
0xa7: {  	v22 =	vld [tilespmem:$0x1E590];
	v19 =	vmin.f32 v12, v19;
	v18 =	vmax.f32 v11, v18;
	v23 =	vmax.f32 v11, v23  }
0xa8: {  	v61 =	vld [tilespmem:$0x1E5B0];
	v25 =	vmin.f32 v10, v25;
	v53 =	vmin.f32 v12, v33;
	v31 =	vmax.f32 v11, v31  }
0xa9: {  	v30 =	vld [tilespmem:$0x1E5E0];
	v7 =	vsub.f32 v13, v7;
	v56 =	vsub.f32 v14, v8;
	v14 =	vmax.f32 v9, v57  }
0xaa: {  	v46 =	vld [tilespmem:$0x1E620];
	v18 =	vsub.f32 v19, v18;
	v19 =	vmin.f32 v12, v62;
	v8 =	vmul.f32 v16, v15  }
0xab: {  	v35 =	vld [tilespmem:$0x1E630];
	v16 =	vmin.f32 v10, v59;
	v19 =	vsub.f32 v19, v23;
	v23 =	vmax.f32 v9, v42  }
0xac: {  	v37 =	vld [tilespmem:$0x1E670];
	v58 =	vmax.f32 v7, $0.0e+00;
	v13 =	vmax.f32 v56, $0.0e+00;
	v7 =	vor.u32 s7, v3  }
0xad: {  	v55 =	vld [tilespmem:$0x1E650];
	v14 =	vsub.f32 v16, v14;
	v18 =	vmax.f32 v18, $0.0e+00;
	v16 =	vmax.f32 v9, v61  }
0xae: {  	v13 =	vmul.f32 v13, v58;
	vm2 =	vgt.u32 v7, $0x221B;
	v17 =	vadd.f32 v17, v8  }
0xaf: {  	v20 =	vld [tilespmem:$0x1EB90];
	v22 =	vadd.f32 v22, v8;
	v16 =	vsub.f32 v25, v16;
	v45 =	vmax.f32 v19, $0.0e+00  }
0xb0: {  	v54 =	vld [tilespmem:$0x1E640];
	v48 =	vadd.f32 v30, v8;
	v19 =	vmin.f32 v10, v46;
	v61 =	vadd.f32 v35, v8  }
0xb1: {  	v60 =	vld [tilespmem:$0x1EB80];
	v46 =	vmin.f32 v10, v37;
	v14 =	vmax.f32 v14, $0.0e+00;
	v19 =	vsub.f32 v19, v23  }
0xb2: {  	v40 =	vld [tilespmem:$0x1EBC0];
	v23 =	vmax.f32 v9, v55;
	v13 =	vsel vm2, $0xBF800000, v13;
	v14 =	vmul.f32 v14, v18  }
0xb3: {  	v25 =	vld [tilespmem:$0x1EBF0];
	v16 =	vmax.f32 v16, $0.0e+00;
	v23 =	vsub.f32 v46, v23;
	v17 =	vsub.f32 v17, v13  }
0xb4: {  	v63 =	vld [tilespmem:$0x1EBB0];
	v27 =	vmul.f32 v13, v20;
	v16 =	vmul.f32 v16, v45;
	v19 =	vmax.f32 v19, $0.0e+00  }
0xb5: {  	v21 =	vld [tilespmem:$0x1EBA0];
	v45 =	vmax.f32 v11, v54;
	v28 =	vsel vm2, $0xBF800000, v14;
	v23 =	vmax.f32 v23, $0.0e+00  }
0xb6: {  	v39 =	vld [tilespmem:$0x1E680];
	v24 =	vmul.f32 $0.0e+00, v17;
	v41 =	vmul.f32 v17, v60;
	v51 =	vsel vm2, $0xBF800000, v16  }
0xb7: {  	v29 =	vld [tilespmem:$0x1EBD0];
	v22 =	vsub.f32 v22, v28;
	v50 =	vmul.f32 v28, v40;
	v34 =	vsub.f32 v48, v51  }
0xb8: {  	v42 =	vld [tilespmem:$0x1E6D0];
	v62 =	vmul.f32 v51, v25;
	vm0 =	vgt.f32 v13, v24;
	vm4 =	vgt.f32 v27, v41  }
0xb9: {  	v58 =	vld [tilespmem:$0x1E660];
	v52 =	vmul.f32 v22, v63;
	v26 =	vnsel vm0, $0x0, v13;
	v32 =	vnsel vm0, $0x3F800000, v17  }
0xba: {  	v48 =	vld [tilespmem:$0x1E6A0];
	v15 =	vsel vm4, v13, v60;
	v14 =	vsel vm4, v17, v20;
	v13 =	vsel vm4, v7, v21  }
0xbb: {  	v27 =	vld [tilespmem:$0x1EC20];
	v17 =	vsub.f32 v53, v31;
	v53 =	vadd.f32 v39, v8;
	vm5 =	vgt.f32 v50, v52  }
0xbc: {  	v20 =	vld [tilespmem:$0x1EBE0];
	v43 =	vmul.f32 v28, v32;
	v44 =	vmul.f32 v22, v26;
	v18 =	vsel vm5, v28, v63  }
0xbd: {  	v52 =	vld [tilespmem:$0x1E6C0];
	v59 =	vmax.f32 v17, $0.0e+00;
	v17 =	vsel vm5, v22, v40;
	v16 =	vsel vm5, v7, v29  }
0xbe: {  	v40 =	vld [tilespmem:$0x1E6B0];
	vm1 =	vgt.f32 v43, v44;
	v19 =	vmul.f32 v19, v59;
	v44 =	vmin.f32 v12, v58  }
0xbf: {  	v33 =	vmax.f32 v9, v48;
	v58 =	vld [tilespmem:$0x1E6E0];
	v48 =	vadd.f32 v42, v8;
	v49 =	vsel vm1, v22, v32  }
0xc0: {  	v59 =	vld [tilespmem:$0x1E6F0];
	v47 =	vsel vm1, v28, v26;
	v36 =	vsel vm1, $0x1, v4;
	v56 =	vmul.f32 v51, v49  }
0xc1: {  	v32 =	vld [tilespmem:$0x1EC00];
	v57 =	vmul.f32 v34, v47;
	v63 =	vsel vm2, $0xBF800000, v19;
	v43 =	vmul.f32 v34, v20  }
0xc2: {  	v22 =	vld [tilespmem:$0x1EC10];
	v31 =	vsub.f32 v44, v45;
	v38 =	vsub.f32 v61, v63;
	v54 =	vmul.f32 v63, v27  }
0xc3: {  	v44 =	vld [tilespmem:$0x1E700];
	vm4 =	vgt.f32 v56, v57;
	vm5 =	vgt.f32 v62, v43;
	v57 =	vmin.f32 v12, v40  }
0xc4: {  	v45 =	vld [tilespmem:$0x1E730];
	v60 =	vsel vm4, v51, v47;
	v26 =	vsel vm4, v34, v49;
	v36 =	vsel vm4, $0x2, v36  }
0xc5: {  	v21 =	vsel vm5, v51, v20;
	v51 =	vmax.f32 v31, $0.0e+00;
	v20 =	vsel vm5, v34, v25  }
0xc6: {  	v35 =	vld [tilespmem:$0x1EC30];
	v31 =	vmin.f32 v10, v52;
	v40 =	vmax.f32 v11, v58;
	v49 =	vmul.f32 v63, v26  }
0xc7: {  	v30 =	vld [tilespmem:$0x1EC50];
	v50 =	vmul.f32 v38, v60;
	v23 =	vmul.f32 v23, v51;
	v19 =	vsel vm5, v7, v32  }
0xc8: {  	v47 =	vld [tilespmem:$0x1E690];
	v56 =	vmul.f32 v38, v22;
	v31 =	vsub.f32 v31, v33;
	v44 =	vmin.f32 v12, v44  }
0xc9: {  	v25 =	vld [tilespmem:$0x1EC40];
	v33 =	vmax.f32 v9, v59;
	v45 =	vmax.f32 v11, v45;
	v40 =	vsub.f32 v44, v40  }
0xca: {  	v52 =	vld [tilespmem:$0x1E720];
	vm4 =	vgt.f32 v49, v50;
	v55 =	vsel vm2, $0xBF800000, v23;
	vm5 =	vgt.f32 v54, v56  }
0xcb: {  	v0 =	vld [tilespmem:$0x1ED80];
	v62 =	vmax.f32 v31, $0.0e+00;
	v28 =	vsel vm4, v63, v60;
	v26 =	vsel vm4, v38, v26  }
0xcc: {  	v56 =	vld [tilespmem:$0x1E760];
	v41 =	vsub.f32 v53, v55;
	v36 =	vsel vm4, $0x3, v36;
	v24 =	vsel vm5, v63, v22  }
0xcd: {  	v63 =	vld [tilespmem:$0x1E710];
	v50 =	vmul.f32 v55, v30;
	v37 =	vmax.f32 v11, v47;
	v60 =	vmul.f32 v55, v26  }
0xce: {  	v39 =	vld [tilespmem:$0x1EC60];
	v37 =	vsub.f32 v57, v37;
	v43 =	vmul.f32 v41, v28;
	v51 =	vmul.f32 v41, v25  }
0xcf: {  	v29 =	vld [tilespmem:$0x1EC70];
	v23 =	vsel vm5, v38, v27;
	v22 =	vsel vm5, v7, v35;
	v58 =	vadd.f32 v52, v8  }
0xd0: {  	v53 =	vld [tilespmem:$0x1E740];
	v61 =	vmax.f32 v37, $0.0e+00;
	vm4 =	vgt.f32 v60, v43;
	vm5 =	vgt.f32 v50, v51  }
0xd1: {  	v42 =	vld [tilespmem:$0x1EC90];
	v34 =	vmin.f32 v10, v56;
	v47 =	vmul.f32 v62, v61;
	v28 =	vsel vm4, v55, v28  }
0xd2: {  	v35 =	vld [tilespmem:$0x1EC80];
	v49 =	vsel vm4, v41, v26;
	v31 =	vmin.f32 v10, v63;
	v36 =	vsel vm4, $0x4, v36  }
0xd3: {  	v44 =	vld [tilespmem:$0x1ECC0];
	v27 =	vsel vm5, v55, v25;
	v31 =	vsub.f32 v31, v33;
	v38 =	vsel vm2, $0xBF800000, v47  }
0xd4: {  	v55 =	vmax.f32 v40, $0.0e+00;
	v26 =	vsel vm5, v41, v30;
	v47 =	vld [tilespmem:$0x1E750];
	v32 =	vsub.f32 v48, v38  }
0xd5: {  	v40 =	vld [tilespmem:$0x1ECB0];
	v33 =	vmax.f32 v9, v53;
	v54 =	vmul.f32 v38, v49;
	v31 =	vmax.f32 v31, $0.0e+00  }
0xd6: {  	v52 =	vld [tilespmem:$0x1E780];
	v33 =	vsub.f32 v34, v33;
	v57 =	vmul.f32 v31, v55;
	v46 =	vmul.f32 v32, v28  }
0xd7: {  	v25 =	vsel vm5, v7, v39;
	v59 =	vmul.f32 v38, v35;
	v48 =	vld [tilespmem:$0x1E770];
	v60 =	vmul.f32 v32, v29  }
0xd8: {  	v31 =	vld [tilespmem:$0x1ECA0];
	v33 =	vmax.f32 v33, $0.0e+00;
	v43 =	vsel vm2, $0xBF800000, v57;
	vm4 =	vgt.f32 v54, v46  }
0xd9: {  	v50 =	vld [tilespmem:$0x1E7C0];
	v46 =	vsub.f32 v58, v43;
	v61 =	vmin.f32 v12, v47;
	vm5 =	vgt.f32 v59, v60  }
0xda: {  	v55 =	vld [tilespmem:$0x1E7A0];
	v56 =	vmul.f32 v43, v40;
	v39 =	vsel vm4, v38, v28;
	v37 =	vsel vm4, v32, v49  }
0xdb: {  	v51 =	vld [tilespmem:$0x1E800];
	v36 =	vsel vm4, $0x5, v36;
	v28 =	vsub.f32 v61, v45;
	v29 =	vsel vm5, v38, v29  }
0xdc: {  	v59 =	vld [tilespmem:$0x1E7B0];
	v58 =	vadd.f32 v48, v8;
	v62 =	vmul.f32 v43, v37;
	v63 =	vmul.f32 v46, v39  }
0xdd: {  	v60 =	vld [tilespmem:$0x1E7D0];
	v30 =	vsel vm5, v7, v42;
	v45 =	vmax.f32 v11, v52;
	v57 =	vmul.f32 v46, v31  }
0xde: {  	v49 =	vld [tilespmem:$0x1E790];
	v53 =	vmax.f32 v28, $0.0e+00;
	v28 =	vsel vm5, v32, v35;
	vm4 =	vgt.f32 v62, v63  }
0xdf: {  	v34 =	vld [tilespmem:$0x1ECE0];
	v54 =	vmul.f32 v33, v53;
	vm5 =	vgt.f32 v56, v57;
	v33 =	vmin.f32 v12, v55  }
0xe0: {  	v63 =	vld [tilespmem:$0x1E7F0];
	v39 =	vsel vm4, v43, v39;
	v37 =	vsel vm4, v46, v37;
	v36 =	vsel vm4, $0x6, v36  }
0xe1: {  	v32 =	vsel vm5, v43, v31;
	v31 =	vsel vm5, v46, v40;
	v40 =	vld [tilespmem:$0x1E7E0];
	v48 =	vmin.f32 v10, v59  }
0xe2: {  	v59 =	vld [tilespmem:$0x1E810];
	v38 =	vmax.f32 v11, v60;
	v60 =	vmin.f32 v10, v51;
	v42 =	vsel vm2, $0xBF800000, v54  }
0xe3: {  	v53 =	vld [tilespmem:$0x1E840];
	v49 =	vmax.f32 v9, v49;
	v54 =	vsub.f32 v33, v45;
	v35 =	vsub.f32 v58, v42  }
0xe4: {  	v33 =	vsel vm5, v7, v44;
	[tilespmem:$0x1ECB0] =	vst v31;
	v31 =	vld [tilespmem:$0x1EA50];
	v61 =	vmul.f32 v42, v37;
	v55 =	vsub.f32 v48, v49  }
0xe5: {  	v47 =	vld [tilespmem:$0x1ECD0];
	v58 =	vadd.f32 v50, v8;
	v56 =	vmax.f32 v54, $0.0e+00;
	v62 =	vmul.f32 v35, v39  }
0xe6: {  	v51 =	vld [tilespmem:$0x1E820];
	v57 =	vmax.f32 v55, $0.0e+00;
	v46 =	vmin.f32 v12, v63;
	v63 =	vmul.f32 v42, v34  }
0xe7: {  	v55 =	vld [tilespmem:$0x1E850];
	v40 =	vmax.f32 v9, v40;
	v59 =	vadd.f32 v59, v8;
	vm4 =	vgt.f32 v61, v62  }
0xe8: {  	v41 =	vld [tilespmem:$0x1ECF0];
	v61 =	vsub.f32 v46, v38;
	v62 =	vsub.f32 v60, v40;
	v60 =	vmin.f32 v12, v53  }
0xe9: {  	v45 =	vld [tilespmem:$0x1ED10];
	v31 =	vmax.f32 v11, v31;
	v48 =	vsel vm4, $0x7, v36;
	v36 =	vmul.f32 v57, v56  }
0xea: {  	v40 =	vld [tilespmem:$0x1E830];
	v39 =	vsel vm4, v42, v39;
	v37 =	vsel vm4, v35, v37;
	v57 =	vmul.f32 v35, v47  }
0xeb: {  	v46 =	vld [tilespmem:$0x1E880];
	v38 =	vmax.f32 v62, $0.0e+00;
	v52 =	vsel vm2, $0xBF800000, v36;
	v36 =	vmax.f32 v61, $0.0e+00  }
0xec: {  	v53 =	vld [tilespmem:$0x1E870];
	vm5 =	vgt.f32 v63, v57;
	v61 =	vmax.f32 v11, v51;
	v62 =	vmin.f32 v10, v55  }
0xed: {  	[tilespmem:$0x1EBF0] =	vst v20;
	v20 =	vld [tilespmem:$0x1EDE0];
	v43 =	vsub.f32 v58, v52;
	v54 =	vmul.f32 v52, v37;
	v38 =	vmul.f32 v38, v36  }
0xee: {  	v44 =	vld [tilespmem:$0x1ED00];
	v36 =	vsel vm5, v42, v47;
	v35 =	vsel vm5, v35, v34;
	v34 =	vsel vm5, v7, v41  }
0xef: {  	v57 =	vld [tilespmem:$0x1E890];
	v63 =	vmul.f32 v52, v45;
	v40 =	vmax.f32 v9, v40;
	v58 =	vmul.f32 v43, v39  }
0xf0: {  	v42 =	vld [tilespmem:$0x1E860];
	v46 =	vmax.f32 v9, v46;
	v41 =	vsel vm2, $0xBF800000, v38;
	v40 =	vsub.f32 v62, v40  }
0xf1: {  	v50 =	vld [tilespmem:$0x1ED20];
	v62 =	vmax.f32 v11, v53;
	vm4 =	vgt.f32 v54, v58;
	v54 =	vsub.f32 v59, v41  }
0xf2: {  	v47 =	vld [tilespmem:$0x1ED30];
	v40 =	vmax.f32 v40, $0.0e+00;
	v38 =	vsel vm4, v43, v37;
	v37 =	vsub.f32 v60, v61  }
0xf3: {  	v59 =	vld [tilespmem:$0x1E8A0];
	v39 =	vsel vm4, v52, v39;
	v60 =	vmul.f32 v43, v44;
	v48 =	vsel vm4, $0x8, v48  }
0xf4: {  	v49 =	vld [tilespmem:$0x1ED40];
	v61 =	vmin.f32 v12, v57;
	v56 =	vmul.f32 v41, v38;
	v58 =	vmul.f32 v54, v39  }
0xf5: {  	v51 =	vld [tilespmem:$0x1ED50];
	v42 =	vadd.f32 v42, v8;
	v61 =	vsub.f32 v61, v62;
	v37 =	vmax.f32 v37, $0.0e+00  }
0xf6: {  	v57 =	vld [tilespmem:$0x1E8C0];
	vm5 =	vgt.f32 v63, v60;
	v40 =	vmul.f32 v40, v37;
	vm1 =	vgt.f32 v56, v58  }
0xf7: {  	v62 =	vld [tilespmem:$0x1E8E0];
	v37 =	vsel vm5, v52, v44;
	v44 =	vsel vm1, v41, v39;
	v55 =	vsel vm1, v54, v38  }
0xf8: {  	v58 =	vld [tilespmem:$0x1ED70];
	v53 =	vmin.f32 v10, v59;
	v59 =	vmul.f32 v54, v47;
	v38 =	vsel vm5, v7, v50  }
0xf9: {  	v50 =	vmax.f32 v61, $0.0e+00;
	v61 =	vld [tilespmem:$0x1E8F0];
	v56 =	vsel vm2, $0xBF800000, v40;
	v46 =	vsub.f32 v53, v46  }
0xfa: {  	v39 =	vsel vm5, v43, v45;
	v40 =	vmul.f32 v41, v49;
	v60 =	vsub.f32 v42, v56;
	v42 =	vld [tilespmem:$0x1E8B0]  }
0xfb: {  	v53 =	vld [tilespmem:$0x1E8D0];
	v57 =	vmax.f32 v11, v57;
	v43 =	vmul.f32 v56, v55;
	v46 =	vmax.f32 v46, $0.0e+00  }
0xfc: {  	v52 =	vld [tilespmem:$0x1ED60];
	vm0 =	vgt.f32 v40, v59;
	v40 =	vmin.f32 v12, v62;
	v45 =	vmul.f32 v60, v44  }
0xfd: {  	[tilespmem:$0x1EC10] =	vst v24;
	v24 =	vld [tilespmem:$0x1EE00];
	v48 =	vsel vm1, $0x9, v48;
	v63 =	vmul.f32 v46, v50;
	v57 =	vsub.f32 v40, v57  }
0xfe: {  	[tilespmem:$0x1EBE0] =	vst v21;
	v21 =	vsel vm0, v7, v51;
	v40 =	vmin.f32 v10, v61;
	v61 =	vld [tilespmem:$0x1E940];
	vm4 =	vgt.f32 v43, v45  }
0xff: {  	v62 =	vld [tilespmem:$0x1E930];
	v45 =	vmul.f32 v56, v58;
	v59 =	vsel vm2, $0xBF800000, v63;
	v42 =	vadd.f32 v42, v8  }
0x100: {  	v43 =	vld [tilespmem:$0x1E900];
	v53 =	vmax.f32 v9, v53;
	v46 =	vsel vm4, v56, v44;
	v50 =	vsel vm4, v60, v55  }
0x101: {  	v63 =	vld [tilespmem:$0x1E920];
	v55 =	vmul.f32 v60, v52;
	v53 =	vsub.f32 v40, v53;
	v42 =	vsub.f32 v42, v59  }
0x102: {  	v44 =	vld [tilespmem:$0x1E910];
	v40 =	vsel vm0, v41, v47;
	v48 =	vsel vm4, $0xA, v48;
	v1 =	vmul.f32 v59, v50  }
0x103: {  	[tilespmem:$0x1EB80] =	vst v15;
	v47 =	vld [tilespmem:$0x1ED90];
	vm6 =	vgt.f32 v45, v55;
	v61 =	vmin.f32 v10, v61;
	v2 =	vmul.f32 v42, v46  }
0x104: {  	[tilespmem:$0x1EB90] =	vst v14;
	v55 =	vld [tilespmem:$0x1E950];
	v15 =	vsel vm6, v56, v52;
	v14 =	vsel vm6, v60, v58;
	v0 =	vsel vm6, v7, v0  }
0x105: {  	v60 =	vld [tilespmem:$0x1E9E0];
	vm1 =	vgt.f32 v1, v2;
	v2 =	vmax.f32 v57, $0.0e+00;
	v57 =	vmax.f32 v53, $0.0e+00  }
0x106: {  	v41 =	vadd.f32 v43, v8;
	v43 =	vld [tilespmem:$0x1EDC0];
	v53 =	vmin.f32 v12, v62;
	v2 =	vmul.f32 v57, v2  }
0x107: {  	v1 =	vld [tilespmem:$0x1EDA0];
	v62 =	vmax.f32 v9, v63;
	v57 =	vmax.f32 v11, v44;
	v50 =	vsel vm1, v42, v50  }
0x108: {  	[tilespmem:$0x1EC60] =	vst v25;
	v63 =	vld [tilespmem:$0x1E970];
	v25 =	vsel vm1, $0xB, v48;
	v45 =	vsel vm2, $0xBF800000, v2;
	v2 =	vsub.f32 v53, v57  }
0x109: {  	v53 =	vsub.f32 v61, v62;
	v57 =	vsel vm1, v59, v46;
	v61 =	vld [tilespmem:$0x1E960];
	v46 =	vsub.f32 v41, v45  }
0x10a: {  	[tilespmem:$0x1EC20] =	vst v23;
	v23 =	vld [tilespmem:$0x1E9F0];
	v62 =	vmul.f32 v45, v50;
	v41 =	vsel vm0, v54, v49;
	v54 =	vadd.f32 v55, v8  }
0x10b: {  	v55 =	vld [tilespmem:$0x1E990];
	v2 =	vmax.f32 v2, $0.0e+00;
	v53 =	vmax.f32 v53, $0.0e+00;
	v49 =	vmul.f32 v46, v57  }
0x10c: {  	[tilespmem:$0x1EBA0] =	vst v13;
	v60 =	vmin.f32 v10, v60;
	v52 =	vmul.f32 v59, v1;
	v2 =	vmul.f32 v53, v2;
	v53 =	vld [tilespmem:$0x1E980]  }
0x10d: {  	[tilespmem:$0x1EC00] =	vst v19;
	v56 =	vld [tilespmem:$0x1E9A0];
	v63 =	vmax.f32 v9, v63;
	v19 =	vmul.f32 v46, v43;
	vm3 =	vgt.f32 v62, v49  }
0x10e: {  	[tilespmem:$0x1EBB0] =	vst v18;
	v58 =	vld [tilespmem:$0x1E9D0];
	v62 =	vmul.f32 v42, v47;
	v2 =	vsel vm2, $0xBF800000, v2;
	v61 =	vmax.f32 v11, v61  }
0x10f: {  	[tilespmem:$0x1EBC0] =	vst v17;
	v44 =	vld [tilespmem:$0x1EDD0];
	v13 =	vsel vm3, v46, v50;
	v50 =	vsub.f32 v54, v2;
	v18 =	vsel vm3, v45, v57  }
0x110: {  	[tilespmem:$0x1EBD0] =	vst v16;
	v54 =	vld [tilespmem:$0x1E9B0];
	v57 =	vmul.f32 v2, v24;
	vm5 =	vgt.f32 v52, v62;
	v49 =	vmul.f32 v2, v13  }
0x111: {  	[tilespmem:$0x1EC50] =	vst v26;
	v26 =	vld [tilespmem:$0x1EE40];
	v62 =	vmin.f32 v10, v55;
	v17 =	vmul.f32 v50, v18;
	v53 =	vmin.f32 v12, v53  }
0x112: {  	[tilespmem:$0x1EC70] =	vst v29;
	v52 =	vld [tilespmem:$0x1E9C0];
	v29 =	vsel vm5, v59, v47;
	v1 =	vsel vm5, v42, v1;
	v16 =	vsub.f32 v53, v61  }
0x113: {  	v55 =	vld [tilespmem:$0x1EE30];
	v61 =	vsub.f32 v62, v63;
	v62 =	vadd.f32 v56, v8;
	v63 =	vmin.f32 v12, v58  }
0x114: {  	v53 =	vld [tilespmem:$0x1EDB0];
	v56 =	vadd.f32 v23, v8;
	vm0 =	vgt.f32 v49, v17;
	v17 =	vmul.f32 v45, v44  }
0x115: {  	v49 =	vld [tilespmem:$0x1EDF0];
	v16 =	vmax.f32 v16, $0.0e+00;
	v51 =	vmax.f32 v61, $0.0e+00;
	v54 =	vmax.f32 v11, v54  }
0x116: {  	[tilespmem:$0x1EC30] =	vst v22;
	v58 =	vld [tilespmem:$0x1EA20];
	v18 =	vsel vm0, v2, v18;
	v13 =	vsel vm0, v50, v13;
	v16 =	vmul.f32 v51, v16  }
0x117: {  	[tilespmem:$0x1EC40] =	vst v27;
	v52 =	vmax.f32 v9, v52;
	v61 =	vsub.f32 v63, v54;
	v51 =	vld [tilespmem:$0x1EE20];
	vm6 =	vgt.f32 v17, v19  }
0x118: {  	[tilespmem:$0x1EC80] =	vst v28;
	v19 =	vld [tilespmem:$0x1EA10];
	v52 =	vsub.f32 v60, v52;
	v28 =	vsel vm6, v46, v44;
	v16 =	vsel vm2, $0xBF800000, v16  }
0x119: {  	[tilespmem:$0x1EC90] =	vst v30;
	v30 =	vld [tilespmem:$0x1EA30];
	v20 =	vsel vm6, v7, v20;
	v22 =	vmax.f32 v61, $0.0e+00;
	v27 =	vsub.f32 v62, v16  }
0x11a: {  	[tilespmem:$0x1ECE0] =	vst v35;
	v35 =	vld [tilespmem:$0x1EE50];
	v62 =	vmul.f32 v16, v13;
	v52 =	vmax.f32 v52, $0.0e+00;
	v59 =	vmul.f32 v50, v49  }
0x11b: {  	v42 =	vsel vm5, v7, v53;
	v53 =	vld [tilespmem:$0x1EAC0];
	v60 =	vmul.f32 v16, v55;
	v22 =	vmul.f32 v52, v22  }
0x11c: {  	[tilespmem:$0x1ECD0] =	vst v36;
	v36 =	vld [tilespmem:$0x1EE60];
	v63 =	vmul.f32 v27, v18;
	v61 =	vmul.f32 v27, v51;
	vm4 =	vgt.f32 v57, v59  }
0x11d: {  	v48 =	vld [tilespmem:$0x1EA40];
	v57 =	vmin.f32 v12, v58;
	v19 =	vmax.f32 v9, v19;
	v22 =	vsel vm2, $0xBF800000, v22  }
0x11e: {  	v52 =	vld [tilespmem:$0x1EA00];
	v2 =	vsel vm4, v2, v49;
	v24 =	vsel vm4, v50, v24;
	vm1 =	vgt.f32 v62, v63  }
0x11f: {  	[tilespmem:$0x1ECA0] =	vst v32;
	v58 =	vld [tilespmem:$0x1EA70];
	v17 =	vsub.f32 v56, v22;
	vm5 =	vgt.f32 v60, v61;
	v60 =	vmin.f32 v10, v30  }
0x120: {  	[tilespmem:$0x1ED90] =	vst v29;
	v54 =	vld [tilespmem:$0x1EE10];
	v29 =	vmin.f32 v12, v53;
	v18 =	vsel vm1, v16, v18;
	v32 =	vsel vm1, v27, v13  }
0x121: {  	[tilespmem:$0x1ED80] =	vst v0;
	v50 =	vld [tilespmem:$0x1EAB0];
	v13 =	vsel vm3, $0xC, v25;
	v19 =	vsub.f32 v60, v19;
	v0 =	vsel vm5, v16, v51  }
0x122: {  	[tilespmem:$0x1ECC0] =	vst v33;
	v61 =	vld [tilespmem:$0x1EA80];
	v51 =	vsel vm5, v27, v55;
	v26 =	vsel vm5, v7, v26;
	v62 =	vmul.f32 v22, v32  }
0x123: {  	[tilespmem:$0x1EDA0] =	vst v1;
	v56 =	vld [tilespmem:$0x1EA60];
	v63 =	vmul.f32 v17, v18;
	v59 =	vmax.f32 v11, v52;
	v1 =	vmul.f32 v17, v35  }
0x124: {  	[tilespmem:$0x1ECF0] =	vst v34;
	v23 =	vsub.f32 v57, v59;
	v19 =	vmax.f32 v19, $0.0e+00;
	v25 =	vmin.f32 v12, v58  }
0x125: {  	[tilespmem:$0x1ED00] =	vst v37;
	v60 =	vld [tilespmem:$0x1EB00];
	vm3 =	vgt.f32 v62, v63;
	v62 =	vsel vm6, v45, v43;
	v63 =	vadd.f32 v48, v8  }
0x126: {  	[tilespmem:$0x1ED10] =	vst v39;
	v43 =	vld [tilespmem:$0x1EA90];
	v25 =	vsub.f32 v25, v31;
	v48 =	vsel vm4, v7, v54;
	v54 =	vmul.f32 v22, v36  }
0x127: {  	[tilespmem:$0x1ED20] =	vst v38;
	v45 =	vld [tilespmem:$0x1EE90];
	v37 =	vmax.f32 v9, v50;
	v23 =	vmax.f32 v23, $0.0e+00;
	v30 =	vmin.f32 v10, v61  }
0x128: {  	[tilespmem:$0x1ED50] =	vst v21;
	v33 =	vmax.f32 v9, v56;
	v18 =	vsel vm3, v22, v18;
	v56 =	vld [tilespmem:$0x1EAD0];
	v19 =	vmul.f32 v19, v23  }
0x129: {  	v44 =	vsel vm3, v17, v32;
	[tilespmem:$0x1EDC0] =	vst v62;
	v62 =	vld [tilespmem:$0x1EB10];
	v30 =	vsub.f32 v30, v33;
	v25 =	vmax.f32 v25, $0.0e+00  }
0x12a: {  	[tilespmem:$0x1ED30] =	vst v40;
	v31 =	vld [tilespmem:$0x1EE80];
	vm7 =	vgt.f32 v54, v1;
	v9 =	vmax.f32 v9, v60;
	v19 =	vsel vm2, $0xBF800000, v19  }
0x12b: {  	[tilespmem:$0x1ED60] =	vst v15;
	v47 =	vld [tilespmem:$0x1EAA0];
	v22 =	vsel vm7, v22, v35;
	v30 =	vmax.f32 v30, $0.0e+00;
	v32 =	vsub.f32 v63, v19  }
0x12c: {  	[tilespmem:$0x1ED70] =	vst v14;
	v23 =	vld [tilespmem:$0x1EE70];
	v17 =	vsel vm7, v17, v36;
	v46 =	vmul.f32 v19, v44;
	v25 =	vmul.f32 v30, v25  }
0x12d: {  	[tilespmem:$0x1ED40] =	vst v41;
	v35 =	vld [tilespmem:$0x1EAE0];
	v52 =	vadd.f32 v43, v8;
	v58 =	vmul.f32 v19, v45;
	v49 =	vmul.f32 v32, v18  }
0x12e: {  	[tilespmem:$0x1EDD0] =	vst v28;
	v57 =	vld [tilespmem:$0x1EAF0];
	v36 =	vmin.f32 v10, v56;
	v12 =	vmin.f32 v12, v62;
	v55 =	vsel vm2, $0xBF800000, v25  }
0x12f: {  	[tilespmem:$0x1EDE0] =	vst v20;
	v63 =	vld [tilespmem:$0x1EB20];
	v59 =	vmul.f32 v32, v31;
	v27 =	vsub.f32 v52, v55;
	vm4 =	vgt.f32 v46, v49  }
0x130: {  	[tilespmem:$0x1EDB0] =	vst v42;
	v38 =	vsub.f32 v36, v37;
	v18 =	vsel vm4, v19, v18;
	v21 =	vsel vm4, v32, v44  }
0x131: {  	[tilespmem:$0x1EDF0] =	vst v2;
	v2 =	vld [tilespmem:$0x1EEC0];
	v23 =	vsel vm7, v7, v23;
	v1 =	vmul.f32 v55, v21;
	v61 =	vmul.f32 v27, v18  }
0x132: {  	v40 =	vld [tilespmem:$0x1EEB0];
	[tilespmem:$0x1EE00] =	vst v24;
	v20 =	vadd.f32 v35, v8;
	vm6 =	vgt.f32 v58, v59;
	v14 =	vmax.f32 v38, $0.0e+00  }
0x133: {  	v41 =	vld [tilespmem:$0x1EEA0];
	[tilespmem:$0x1EE20] =	vst v0;
	vm5 =	vgt.f32 v1, v61;
	v1 =	vsel vm6, v19, v31;
	v31 =	vmax.f32 v11, v47  }
0x134: {  	[tilespmem:$0x1EE30] =	vst v51;
	v46 =	vld [tilespmem:$0x1EB30];
	v10 =	vmin.f32 v10, v63;
	v11 =	vmax.f32 v11, v57;
	v19 =	vsub.f32 v29, v31  }
0x135: {  	[tilespmem:$0x1EE40] =	vst v26;
	v51 =	vld [tilespmem:$0x1EF20];
	v58 =	vsel vm0, $0xD, v13;
	v9 =	vsub.f32 v10, v9;
	v0 =	vsub.f32 v12, v11  }
0x136: {  	[tilespmem:$0x1EE10] =	vst v48;
	v44 =	vsel vm6, v32, v45;
	v45 =	vmul.f32 v55, v2;
	v47 =	vld [tilespmem:$0x1EEF0];
	v42 =	vmax.f32 v19, $0.0e+00  }
0x137: {  	[tilespmem:$0x1EE50] =	vst v22;
	v43 =	vld [tilespmem:$0x1EEE0];
	v9 =	vmax.f32 v9, $0.0e+00;
	v0 =	vmax.f32 v0, $0.0e+00;
	v12 =	vmul.f32 v14, v42  }
0x138: {  	v48 =	vld [tilespmem:$0x1EED0];
	[tilespmem:$0x1EE60] =	vst v17;
	v49 =	vmul.f32 v27, v40;
	v11 =	vsel vm6, v7, v41;
	v0 =	vmul.f32 v9, v0  }
0x139: {  	v50 =	vld [tilespmem:$0x1EF10];
	[tilespmem:$0x1EE70] =	vst v23;
	v18 =	vsel vm5, v55, v18;
	v8 =	vadd.f32 v46, v8;
	v12 =	vsel vm2, $0xBF800000, v12  }
0x13a: {  	[tilespmem:$0x1EE90] =	vst v44;
	v0 =	vsel vm2, $0xBF800000, v0;
	vm2 =	vgt.f32 v45, v49;
	v20 =	vsub.f32 v20, v12  }
0x13b: {  	[tilespmem:$0x1EE80] =	vst v1;
	v1 =	vsel vm5, v27, v21;
	v54 =	vsel vm2, v55, v40;
	v56 =	vmul.f32 v12, v47  }
0x13c: {  	[tilespmem:$0x1EEA0] =	vst v11;
	v55 =	vld [tilespmem:$0x1EF00];
	v2 =	vsel vm2, v27, v2;
	v8 =	vsub.f32 v8, v0;
	v57 =	vmul.f32 v20, v43  }
0x13d: {  	v52 =	vmul.f32 v12, v1;
	v60 =	vmul.f32 v0, v51;
	[tilespmem:$0x1EEC0] =	vst v2;
	v2 =	vsel vm2, v7, v48  }
0x13e: {  	[tilespmem:$0x1EEB0] =	vst v54;
	v53 =	vmul.f32 v20, v18;
	v61 =	vmul.f32 v8, v50;
	vm2 =	vgt.f32 v56, v57  }
0x13f: {  	v59 =	vld [tilespmem:$0x1EF30];
	v11 =	vsel vm1, $0xE, v58;
	[tilespmem:$0x1EED0] =	vst v2;
	v2 =	vsel vm2, v12, v43  }
0x140: {  	vm0 =	vgt.f32 v52, v53;
	vm1 =	vgt.f32 v60, v61;
	[tilespmem:$0x1EEE0] =	vst v2;
	v2 =	vsel vm2, v20, v47  }
0x141: {  	v12 =	vsel vm0, v12, v18;
	v1 =	vsel vm0, v20, v1;
	[tilespmem:$0x1EEF0] =	vst v2;
	v2 =	vsel vm2, v7, v55  }
0x142: {  	v63 =	vsel vm1, v0, v50;
	v62 =	vmul.f32 v8, v12;
	[tilespmem:$0x1EF00] =	vst v2;
	v2 =	vmul.f32 v0, v1  }
0x143: {  	p0 =	sne.s32 s7, $0x2210;
	v11 =	vsel vm3, $0xF, v11;
	v9 =	vsel vm1, v8, v51;
	[tilespmem:$0x1EF10] =	vst v63  }
.Ltmp2:
0x144: {  	v11 =	vsel vm4, $0x10, v11;
	[tilespmem:$0x1EF20] =	vst v9;
	v7 =	vsel vm1, v7, v59;
	vm4 =	vgt.f32 v2, v62;
	(pc) =	sbr.rel @p0 .LBB2_6-.Ltmp2, $4  }
0x145: {  	[tilespmem:$0x1EF30] =	vst v7;
	v2 =	vsel vm5, $0x11, v11;
	v0 =	vsel vm4, v0, v12  }
0x146: {  	s30 =	sadd.s32 $0x10, s30;
	s31 =	sadd.s32 $0x10, s31;
	v2 =	vsel vm0, $0x12, v2;
	v1 =	vsel vm4, v8, v1;
	[tilespmem:s4+$0x0] =	vst v0  }
0x147: {  	s26 =	sadd.s32 $0x10, s26;
	s3 =	sadd.s32 $0x10, s3;
	s7 =	sadd.s32 $0x10, s7;
	v0 =	vsel vm4, $0x13, v2;
	[tilespmem:s5+$0x0] =	vst v1  }
0x148: {  	s4 =	sadd.s32 $0x10, s4;
	s5 =	sadd.s32 $0x10, s5;
	[tilespmem:s6+$0x0] =	vst v0;
	s6 =	sadd.s32 $0x10, s6  }
0x149: {  	_ =	strace $0x9000004A  }
0x14a: {  	s3 =	simm.s32 $0x1EBA0;
	_ =	strace $0x8000004B  }
0x14b: {  	v0 =	vld [tilespmem:s3+$0xFFFFFFF0];
	_ =	sdelay $0x4  }
0x14c: {  	s4 =	simm.s32 $0x1EBD0;
	(erf) = vrcp.f32 v0  }
0x14d: {  	v0 =	vld [tilespmem:s4+$0xFFFFFFF0];
	_ =	sdelay $0x3  }
0x14e: {  	v1 =	vld [tilespmem:s3+$0xFFFFFFE0]  }
0x14f: {  	(erf) = vrcp.f32 v0  }
0x150: {  	s5 =	simm.s32 $0x1EC00  }
0x151: {  	v0 =	vld [tilespmem:s5+$0xFFFFFFF0]  }
0x152: {  	v2 =	vpop (erf)  }
0x153: {  	v1 =	vmul.f32 v2, v1  }
0x154: {  	v2 =	vld [tilespmem:s4+$0xFFFFFFE0]  }
0x155: {  	s6 =	simm.s32 $0x1EC30;
	(xrf0) =	vmax.scan.msk.f32 $0xffff, v1  }
0x156: {  	(erf) = vrcp.f32 v0;
	v0 =	vld [tilespmem:s6+$0xFFFFFFF0];
	_ =	sdelay $0x1  }
0x157: {  	v7 =	vpop (erf)  }
0x158: {  	v2 =	vmul.f32 v7, v2;
	v7 =	vld [tilespmem:s3+$0x0];
	_ =	sdelay $0x1  }
0x159: {  	(erf) = vrcp.f32 v0;
	v0, _, _ =	vpop (xrf0)  }
0x15a: {  	(xrf0) =	vmax.scan.msk.f32 $0xffff, v2;
	v0 =	vbroadcast v0, $0xF  }
0x15b: {  	v8 =	vld [tilespmem:s5+$0xFFFFFFE0]  }
0x15c: {  	s11 =	simm.s32 $0x1EC60;
	vm0 =	veq.f32 v1, v0;
	v0 =	vxor.u32 $0x80000000, v7  }
0x15d: {  	v9 =	vld [tilespmem:s11+$0xFFFFFFF0];
	v0 =	vnsel vm0, $0x80002220, v0  }
0x15e: {  	v7 =	vld [tilespmem:s4+$0x0]  }
0x15f: {  	v10 =	vpop (erf)  }
0x160: {  	v1 =	vmul.f32 v10, v8;
	(xrf0) =	vmin.scan.msk.u32 $0xffff, v0;
	v0, _, _ =	vpop (xrf0)  }
0x161: {  	s8 =	simm.s32 $0x1EC90;
	v0 =	vbroadcast v0, $0xF  }
0x162: {  	(erf) = vrcp.f32 v9;
	v9 =	vld [tilespmem:s8+$0xFFFFFFF0];
	(xrf0) =	vmax.scan.msk.f32 $0xffff, v1  }
0x163: {  	v8 =	vld [tilespmem:s6+$0xFFFFFFE0];
	vm5 =	veq.f32 v2, v0;
	v0 =	vxor.u32 $0x80000000, v7  }
0x164: {  	v0 =	vnsel vm5, $0x80002220, v0;
	_ =	sdelay $0x1  }
0x165: {  	v10 =	vpop (erf);
	v7 =	vld [tilespmem:s5+$0x0]  }
0x166: {  	(xrf0) =	vmin.scan.msk.u32 $0xffff, v0;
	v0, _, _ =	vpop (xrf0)  }
0x167: {  	(erf) = vrcp.f32 v9;
	v2 =	vmul.f32 v10, v8;
	v9, _, _ =	vpop (xrf0)  }
0x168: {  	v8 =	vld [tilespmem:s11+$0xFFFFFFE0];
	v9 =	vbroadcast v9, $0xF  }
0x169: {  	(xrf0) =	vmax.scan.msk.f32 $0xffff, v2  }
0x16a: {  	vm4 =	veq.f32 v1, v9;
	v1 =	vxor.u32 $0x80000000, v7  }
0x16b: {  	v1 =	vnsel vm4, $0x80002220, v1  }
0x16c: {  	v10 =	vpop (erf)  }
0x16d: {  	v7 =	vmul.f32 v10, v8;
	v8 =	vld [tilespmem:s6+$0x0]  }
0x16e: {  	(xrf0) =	vmin.scan.msk.u32 $0xffff, v1;
	v1, _, _ =	vpop (xrf0)  }
0x16f: {  	v11, _, _ =	vpop (xrf0)  }
0x170: {  	v11 =	vbroadcast v11, $0xF;
	_ =	sdelay $0x1  }
0x171: {  	vm5 =	veq.f32 v2, v11;
	v11 =	vxor.u32 $0x80000000, v8  }
0x172: {  	(v2sf) =	vpush v0, $0xF;
	v0 =	vnsel vm5, $0x80002220, v11  }
0x173: {  	s9 =	simm.s32 $0x1ECC0  }
0x174: {  	v10 =	vld [tilespmem:s9+$0xFFFFFFF0];
	(xrf0) =	vmax.scan.msk.f32 $0xffff, v7  }
0x175: {  	(v2sf) =	vpush v1, $0xF;
	(xrf0) =	vmin.scan.msk.u32 $0xffff, v0;
	v0, _, _ =	vpop (xrf0)  }
0x176: {  	s10 =	simm.s32 $0x1ECF0;
	v9 =	vld [tilespmem:s8+$0xFFFFFFE0];
	(v2sf) =	vpush v0, $0xF  }
0x177: {  	v12 =	vld [tilespmem:s10+$0xFFFFFFF0];
	_ =	sdelay $0x1  }
0x178: {  	(erf) = vrcp.f32 v10  }
0x179: {  	s30 =	simm.s32 $0x4;
	s26 =	simm.s32 $0x8;
	v2 =	vpop (erf)  }
0x17a: {  	s31 =	simm.s32 $0xC;
	s7 =	simm.s32 $0x10;
	s12 =	simm.s32 $0x20;
	v8 =	vmul.f32 v2, v9  }
0x17b: {  	s13 =	simm.s32 $0x1ED20;
	s3 =	simm.s32 $0x0;
	s4 =	simm.s32 $0x1C;
	v10 =	vld [tilespmem:s9+$0xFFFFFFE0];
	(erf) = vrcp.f32 v12  }
0x17c: {  	s5 =	simm.s32 $0x18;
	s6 =	simm.s32 $0x14;
	v9 =	vld [tilespmem:s11+$0x0];
	s11 =	simm.s32 $0x0;
	(xrf0) =	vmax.scan.msk.f32 $0xffff, v8;
	v11, _, _ =	vpop (xrf0)  }
.LBB2_8:
0x17d: {  	p0 =	sne.s32 s12, $0x4C  }
0x17e: {  	s14 =	smov.u32 s6;
	s6 =	smov.u32 s5;
	s5 =	smov.u32 s4  }
0x17f: {  	v0 =	vld [tilespmem:s13+$0xFFFFFFF0];
	v1 =	vbroadcast v11, $0xF;
	s4 =	smov.u32 s12;
	s12 =	sadd.s32 $0x4, s12;
	s15 =	smov.u32 s8  }
.Ltmp3:
0x180: {  	s8 =	smov.u32 s9;
	s9 =	smov.u32 s10;
	(pc) =	sbr.rel @p0 .LBB2_8-.Ltmp3, $4  }
0x181: {  	s10 =	smov.u32 s13;
	v2 =	vpop (erf);
	vm0 =	veq.f32 v7, v1;
	v11 =	vxor.u32 $0x80000000, v9;
	s16 =	spop (v2sf);
	v7 =	vmov v8  }
0x182: {  	v8 =	vmul.f32 v2, v10;
	v9 =	vld [tilespmem:s15+$0x0];
	v2 =	vnsel vm0, $0x80002220, v11;
	s15 =	sxor.u32 $0x80000000, s16;
	s16 =	sshra.s32 s11, $0x2;
	s11 =	smov.u32 s30  }
0x183: {  	s30 =	smov.u32 s26;
	s26 =	smov.u32 s31;
	v10 =	vld [tilespmem:s9+$0xFFFFFFE0];
	(xrf0) =	vmin.scan.msk.u32 $0xffff, v2;
	v1, _, _ =	vpop (xrf0);
	[smem:s16] =	sst s15  }
0x184: {  	s13 =	sadd.s32 $0x30, s13;
	s31 =	smov.u32 s7;
	s7 =	smov.u32 s14;
	(erf) = vrcp.f32 v0;
	(xrf0) =	vmax.scan.msk.f32 $0xffff, v8;
	v11, _, _ =	vpop (xrf0);
	(v2sf) =	vpush v1, $0xF  }
0x185: {  	_ =	sdelay $0x1  }
0x186: {  	v1 =	vbroadcast v11, $0xF  }
0x187: {  	v0 =	vld [tilespmem:s8+$0x0]  }
0x188: {  	v2 =	vld [tilespmem:s10+$0xFFFFFFE0];
	vm0 =	veq.f32 v7, v1;
	v7 =	vxor.u32 $0x80000000, v9;
	v11, _, _ =	vpop (xrf0)  }
0x189: {  	v7 =	vnsel vm0, $0x80002220, v7;
	v12, _, _ =	vpop (xrf0)  }
0x18a: {  	v1 =	vpop (erf);
	v9 =	vbroadcast v12, $0xF  }
0x18b: {  	v1 =	vmul.f32 v1, v10  }
0x18c: {  	(xrf0) =	vmin.scan.msk.u32 $0xffff, v7;
	v0 =	vxor.u32 $0x80000000, v0;
	v7 =	vpop (erf);
	vm0 =	veq.f32 v8, v9  }
0x18d: {  	(xrf0) =	vmax.scan.msk.f32 $0xffff, v1;
	v2 =	vmul.f32 v7, v2;
	v0 =	vnsel vm0, $0x80002220, v0  }
0x18e: {  	(xrf0) =	vmin.scan.msk.u32 $0xffff, v0  }
0x18f: {  	(xrf0) =	vmax.scan.msk.f32 $0xffff, v2;
	_ =	sdelay $0x2  }
0x190: {  	v7 =	vld [tilespmem:s9+$0x0];
	v0, _, _ =	vpop (xrf0)  }
0x191: {  	v9 =	vld [tilespmem:s10+$0x0];
	v8, _, _ =	vpop (xrf0)  }
0x192: {  	v10, _, _ =	vpop (xrf0)  }
0x193: {  	v8 =	vbroadcast v8, $0xF;
	v63, _, _ =	vpop (xrf0)  }
0x194: {  	v12 =	vbroadcast v63, $0xF  }
0x195: {  	vm0 =	veq.f32 v1, v8;
	v1 =	vxor.u32 $0x80000000, v7  }
0x196: {  	v1 =	vnsel vm0, $0x80002220, v1;
	vm0 =	veq.f32 v2, v12;
	v2 =	vxor.u32 $0x80000000, v9  }
0x197: {  	(xrf0) =	vmin.scan.msk.u32 $0xffff, v1;
	v1 =	vnsel vm0, $0x80002220, v2  }
0x198: {  	(xrf0) =	vmin.scan.msk.u32 $0xffff, v1;
	_ =	sdelay $0x2  }
0x199: {  	(v2sf) =	vpush v11, $0xF  }
0x19a: {  	(v2sf) =	vpush v0, $0xF  }
0x19b: {  	(v2sf) =	vpush v10, $0xF;
	v0, _, _ =	vpop (xrf0)  }
0x19c: {  	(v2sf) =	vpush v0, $0xF;
	v0, _, _ =	vpop (xrf0)  }
0x19d: {  	(v2sf) =	vpush v0, $0xF;
	_ =	sdelay $0x5  }
0x19e: {  	s13 =	spop (v2sf)  }
0x19f: {  	s11 =	sshra.s32 s11, $0x2;
	s30 =	sshra.s32 s30, $0x2;
	s7 =	sshra.s32 s7, $0x2  }
0x1a0: {  	s6 =	sshra.s32 s6, $0x2;
	s14 =	spop (v2sf);
	s8 =	sxor.u32 $0x80000000, s13  }
0x1a1: {  	[smem:s11] =	sst s8;
	s16 =	sxor.u32 $0x80000000, s14;
	s15 =	spop (v2sf)  }
0x1a2: {  	[smem:s30] =	sst s16;
	s10 =	sshra.s32 s26, $0x2;
	s9 =	sxor.u32 $0x80000000, s15  }
0x1a3: {  	s5 =	sshra.s32 s5, $0x2;
	[smem:s10] =	sst s9;
	s12 =	spop (v2sf)  }
0x1a4: {  	s11 =	sxor.u32 $0x80000000, s12;
	s12 =	sshra.s32 s31, $0x2;
	s13 =	spop (v2sf)  }
0x1a5: {  	[smem:s12] =	sst s11;
	s14 =	sxor.u32 $0x80000000, s13;
	s15 =	spop (v2sf)  }
0x1a6: {  	[smem:s7] =	sst s14;
	s16 =	sxor.u32 $0x80000000, s15;
	s26 =	spop (v2sf)  }
0x1a7: {  	[smem:s6] =	sst s16;
	s6 =	sxor.u32 $0x80000000, s26;
	s30 =	spop (v2sf)  }
0x1a8: {  	s4 =	sshra.s32 s4, $0x2;
	[smem:s5] =	sst s6;
	s31 =	sxor.u32 $0x80000000, s30  }
0x1a9: {  	[smem:s4] =	sst s31  }
0x1aa: {  	s4 =	sld [smem:$0x0];
	_ =	sdelay $0x2  }
0x1ab: {  	s5 =	sand.u32 $0xFFFFFFF0, s4  }
0x1ac: {  	v0 =	vld [tilespmem:s5+$0x15900]  }
0x1ad: {  	v7 =	vld [tilespmem:s5+$0x17B80]  }
0x1ae: {  	s4 =	sand.u32 $0xF, s4;
	v8 =	vld [tilespmem:s5+$0x19E00]  }
0x1af: {  	v1 =	vmov s4;
	s6 =	sld [smem:$0x1]  }
0x1b0: {  	vm0 =	veq.s32 v1, v3  }
0x1b1: {  	s8 =	simm.s32 $0x1;
	s7 =	simm.s32 $0x2;
	s4 =	simm.s32 $0x1;
	v9 =	vsel vm0, $0x40000000, v0  }
.LBB2_10:
0x1b2: {  	p0 =	sne.s32 s7, $0x13;
	s9 =	sand.u32 $0xFFFFFFF0, s6;
	[tilespmem:s5+$0x15900] =	vst v9;
	v0 =	vsel vm0, $0x3F800000, v7  }
0x1b3: {  	v1 =	vld [tilespmem:s9+$0x15900];
	[tilespmem:s5+$0x17B80] =	vst v0;
	v0 =	vsel vm0, s3, v8;
	s3 =	smov.u32 s4;
	s4 =	smov.u32 s7  }
.Ltmp4:
0x1b4: {  	v7 =	vld [tilespmem:s9+$0x17B80];
	[tilespmem:s5+$0x19E00] =	vst v0;
	s5 =	smov.u32 s9;
	(pc) =	sbr.rel @p0 .LBB2_10-.Ltmp4, $4  }
0x1b5: {  	s8 =	sadd.s32 $0x1, s8;
	s9 =	sand.u32 $0xF, s6;
	v8 =	vld [tilespmem:s5+$0x19E00]  }
0x1b6: {  	v0 =	vmov s9;
	s6 =	sld [smem:s8+$0x0]  }
0x1b7: {  	vm0 =	veq.s32 v0, v3  }
0x1b8: {  	s7 =	sadd.s32 $0x1, s7;
	v9 =	vsel vm0, $0x40000000, v1  }
0x1b9: {  	s7 =	sand.u32 $0xFFFFFFF0, s6;
	[tilespmem:s5+$0x15900] =	vst v9;
	v0 =	vsel vm0, $0x3F800000, v7  }
0x1ba: {  	v1 =	vld [tilespmem:s7+$0x15900];
	[tilespmem:s5+$0x17B80] =	vst v0;
	v0 =	vsel vm0, s3, v8  }
0x1bb: {  	v2 =	vld [tilespmem:s7+$0x17B80];
	[tilespmem:s5+$0x19E00] =	vst v0  }
0x1bc: {  	s31 =	sand.u32 $0xF, s6;
	v0 =	vld [tilespmem:s7+$0x19E00]  }
0x1bd: {  	v7 =	vmov s31  }
0x1be: {  	vm4 =	veq.s32 v7, v3  }
0x1bf: {  	v1 =	vsel vm4, $0x40000000, v1  }
0x1c0: {  	[tilespmem:s7+$0x15900] =	vst v1;
	v1 =	vsel vm4, $0x3F800000, v2  }
0x1c1: {  	[tilespmem:s7+$0x17B80] =	vst v1;
	v0 =	vsel vm4, s4, v0  }
0x1c2: {  	v9 =	vimm.s32 $0x0;
	[tilespmem:s7+$0x19E00] =	vst v0  }
0x1c3: {  	[tilespmem:$0x1EF80] =	vst v9  }
0x1c4: {  	[tilespmem:$0x1EF90] =	vst v9  }
0x1c5: {  	[tilespmem:$0x1EFA0] =	vst v9  }
0x1c6: {  	[tilespmem:$0x1EFB0] =	vst v9  }
0x1c7: {  	[tilespmem:$0x1EFC0] =	vst v9  }
0x1c8: {  	[tilespmem:$0x1EFD0] =	vst v9  }
0x1c9: {  	[tilespmem:$0x1EFE0] =	vst v9  }
0x1ca: {  	[tilespmem:$0x1EFF0] =	vst v9  }
0x1cb: {  	[tilespmem:$0x1F000] =	vst v9  }
0x1cc: {  	[tilespmem:$0x1F010] =	vst v9  }
0x1cd: {  	[tilespmem:$0x1F020] =	vst v9  }
0x1ce: {  	[tilespmem:$0x1F030] =	vst v9  }
0x1cf: {  	[tilespmem:$0x1F040] =	vst v9  }
0x1d0: {  	[tilespmem:$0x1F050] =	vst v9  }
0x1d1: {  	[tilespmem:$0x1F060] =	vst v9  }
0x1d2: {  	[tilespmem:$0x1F070] =	vst v9  }
0x1d3: {  	_ =	strace $0x9000004B  }
0x1d4: {  	_ =	strace $0x8000004C  }
0x1d5: {  	_ =	swait.ge [sflag:s23], $0x2280  }
0x1d6: {  	[sflag:s23] =	ssyncset.done $0x0  }
0x1d7: {  	[sflag:s23] =	ssyncadd.s32 $0xFFFFDD80  }
0x1d8: {  	_ =	swait.ge [sflag:s23], $0x2280  }
0x1d9: {  	[sflag:s23] =	ssyncset.done $0x0  }
0x1da: {  	[sflag:s23] =	ssyncadd.s32 $0xFFFFDD80  }
0x1db: {  	_ =	swait.ge [sflag:s23], $0x2280  }
0x1dc: {  	[sflag:s23] =	ssyncset.done $0x0  }
0x1dd: {  	[sflag:s23] =	ssyncadd.s32 $0xFFFFDD80  }
0x1de: {  	_ =	swait.ge [sflag:s23], $0x2280  }
0x1df: {  	[sflag:s23] =	ssyncset.done $0x0  }
0x1e0: {  	[sflag:s23] =	ssyncadd.s32 $0xFFFFDD80  }
0x1e1: {  	_ =	swait.ge [sflag:s23], $0x2280  }
0x1e2: {  	[sflag:s23] =	ssyncset.done $0x0  }
0x1e3: {  	[sflag:s23] =	ssyncadd.s32 $0xFFFFDD80  }
0x1e4: {  	_ =	swait.ge [sflag:s23], $0x2280  }
0x1e5: {  	[sflag:s23] =	ssyncset.done $0x0  }
0x1e6: {  	[sflag:s23] =	ssyncadd.s32 $0xFFFFDD80  }
0x1e7: {  	_ =	strace $0x9000004C  }
0x1e8: {  	s3 =	simm.s32 $0x0;
	_ =	strace $0x8000004D  }
0x1e9: {  	v12 =	vld [tilespmem:s3+$0x13680]  }
0x1ea: {  	v13 =	vld [tilespmem:s3+$0x11400]  }
0x1eb: {  	v0 =	vld [tilespmem:s3+$0x0]  }
0x1ec: {  	v2 =	vld [tilespmem:s3+$0x19E00]  }
0x1ed: {  	v1 =	vld [tilespmem:s3+$0x4500];
	_ =	sdelay $0x2  }
0x1ee: {  	v15 =	vmax.f32 v13, v12;
	v7 =	vmin.f32 v13, v12  }
0x1ef: {  	v8 =	vld [tilespmem:s3+$0x6780];
	v7 =	vsub.f32 v7, v15  }
0x1f0: {  	v11 =	vld [tilespmem:s3+$0x2280];
	v10 =	vsub.f32 v1, v0  }
0x1f1: {  	v7 =	vmul.f32 $1.442695020e+00, v7  }
0x1f2: {  	(erf) = vrcp.f32 v10;
	v14 =	vld.idx.msk [tilespmem:v2+s21+$0x0], $0xffff  }
0x1f3: {  	v16 =	vld.idx.msk [tilespmem:v2+s1+$0x0], $0xffff;
	(erf) = vpow2.f32 v7;
	_ =	sdelay $0x1  }
0x1f4: {  	v17 =	vsub.f32 v8, v11;
	_ =	sdelay $0x1  }
0x1f5: {  	(erf) = vrcp.f32 v17  }
0x1f6: {  	v7 =	vsub.f32 v14, v16  }
0x1f7: {  	v18 =	vld.idx.msk [tilespmem:v2+s22+$0x0], $0xffff  }
0x1f8: {  	v2 =	vld.idx.msk [tilespmem:v2+s0+$0x0], $0xffff  }
0x1f9: {  	v19 =	vpop (erf)  }
0x1fa: {  	v8 =	vadd.f32 v8, v11;
	v19 =	vmul.f32 v19, v7;
	v7 =	vpop (erf)  }
0x1fb: {  	v0 =	vadd.f32 v1, v0;
	v20 =	vadd.f32 $1.000000000e+00, v7  }
0x1fc: {  	v23 =	vmul.f32 $1.000000010e-01, v10;
	v8 =	vmul.f32 $5.000000000e-01, v8;
	v1 =	vand.u32 $0x7FFFFF, v19  }
0x1fd: {  	v21 =	vsub.f32 v18, v2;
	v1 =	vor.u32 $0x3F800000, v1;
	v22 =	vand.u32 $0x7FFFFF, v20  }
0x1fe: {  	v2 =	vadd.f32 v18, v2;
	v10 =	vpop (erf);
	v24 =	vmul.f32 $5.000000000e-01, v1;
	v22 =	vor.u32 $0x3F800000, v22  }
0x1ff: {  	v21 =	vmul.f32 v10, v21;
	vm5 =	vgt.f32 v1, $1.414213540e+00;
	v25 =	vmul.f32 $5.000000000e-01, v22  }
0x200: {  	v2 =	vmul.f32 $5.000000000e-01, v2;
	v1 =	vsel vm5, v24, v1;
	vm1 =	vgt.f32 v22, $1.414213540e+00  }
0x201: {  	v24 =	vand.u32 $0x7FFFFF, v21;
	v10 =	vadd.f32 $-1.000000000e+00, v1;
	v1 =	vsel vm1, v25, v22  }
0x202: {  	(erf) = vrcp.f32 v23;
	v23 =	vor.u32 $0x3F800000, v24;
	v22 =	vadd.f32 $-1.000000000e+00, v1  }
0x203: {  	v1 =	vadd.f32 v14, v16;
	v14 =	vmul.f32 $5.000000000e-01, v23;
	v16 =	vmul.f32 $1.000707970e-01, v10  }
0x204: {  	v17 =	vmul.f32 $1.000000010e-01, v17;
	vm4 =	vgt.f32 v23, $1.414213540e+00;
	v25 =	vmul.f32 $1.000707970e-01, v22  }
0x205: {  	v2 =	vsub.f32 v2, v8;
	v14 =	vsel vm4, v14, v23;
	v16 =	vsub.f32 $1.603383270e-01, v16  }
0x206: {  	v0 =	vmul.f32 $5.000000000e-01, v0;
	v14 =	vadd.f32 $-1.000000000e+00, v14;
	v23 =	vsub.f32 $1.603383270e-01, v25  }
0x207: {  	(erf) = vrcp.f32 v17;
	v24 =	vsel vm1, $0xFFFFFF82, v5;
	v11 =	vmul.f32 v16, v10  }
0x208: {  	v16 =	vshra.s32 v20, $0x17;
	v17 =	vmul.f32 $1.000707970e-01, v14;
	v20 =	vmul.f32 v23, v22  }
0x209: {  	v1 =	vmul.f32 $5.000000000e-01, v1;
	v16 =	vadd.s32 v16, v24;
	v11 =	vadd.f32 $-1.720850170e-01, v11  }
0x20a: {  	v25 =	vld [tilespmem:s3+$0x8A00];
	v24 =	vcvt.s32.f32 v16;
	v16 =	vsub.f32 $1.603383270e-01, v17;
	v17 =	vadd.f32 $-1.720850170e-01, v20  }
0x20b: {  	v19 =	vshra.s32 v19, $0x17;
	v0 =	vsub.f32 v1, v0;
	v11 =	vmul.f32 v11, v10  }
0x20c: {  	v18 =	vshra.s32 v21, $0x17;
	v26 =	vpop (erf);
	v16 =	vmul.f32 v16, v14;
	v17 =	vmul.f32 v17, v22  }
0x20d: {  	v0 =	vmul.f32 v26, v0;
	v20 =	vsel vm4, $0xFFFFFF82, v5;
	v11 =	vadd.f32 $1.992070970e-01, v11  }
0x20e: {  	v18 =	vadd.s32 v18, v20;
	v16 =	vadd.f32 $-1.720850170e-01, v16;
	v17 =	vadd.f32 $1.992070970e-01, v17  }
0x20f: {  	v0 =	vsub.f32 v25, v0;
	v18 =	vcvt.s32.f32 v18;
	v8 =	vmul.f32 v11, v10  }
0x210: {  	v21 =	vld [tilespmem:s3+$0xAC80];
	v23 =	vsel vm5, $0xFFFFFF82, v5;
	v1 =	vmul.f32 v16, v14;
	v16 =	vmul.f32 v17, v22  }
0x211: {  	v20 =	vmul.f32 $5.000000000e-01, v0;
	v11 =	vpop (erf);
	v17 =	vadd.s32 v19, v23;
	v8 =	vadd.f32 $-2.497469930e-01, v8  }
0x212: {  	v2 =	vmul.f32 v11, v2;
	v1 =	vadd.f32 $1.992070970e-01, v1;
	v11 =	vadd.f32 $-2.497469930e-01, v16  }
0x213: {  	v19 =	vcvt.s32.f32 v17;
	v8 =	vmul.f32 v8, v10  }
0x214: {  	v1 =	vmul.f32 v1, v14;
	v11 =	vmul.f32 v11, v22  }
0x215: {  	v17 =	vand.u32 $0x7FFFFFFF, v0;
	v2 =	vsub.f32 v21, v2;
	v8 =	vadd.f32 $3.333449070e-01, v8  }
0x216: {  	v0 =	vmul.f32 v20, v0;
	v1 =	vadd.f32 $-2.497469930e-01, v1;
	v11 =	vadd.f32 $3.333449070e-01, v11  }
0x217: {  	v7 =	vimm.f32 $0.0e+00;
	v16 =	vmul.f32 $5.000000000e-01, v2;
	v8 =	vmul.f32 v8, v10  }
0x218: {  	v21 =	vand.u32 $0x7FFFFFFF, v2;
	v1 =	vmul.f32 v1, v14;
	v11 =	vmul.f32 v11, v22  }
0x219: {  	v2 =	vmul.f32 v16, v2;
	v16 =	vadd.f32 $-5.000000000e-01, v21;
	v8 =	vadd.f32 $-5.000027420e-01, v8  }
0x21a: {  	vm5 =	vlt.f32 v21, $1.000000000e+00;
	v1 =	vadd.f32 $3.333449070e-01, v1;
	v11 =	vadd.f32 $-5.000027420e-01, v11  }
0x21b: {  	v26 =	vld [tilespmem:s3+$0x15900];
	v20 =	vadd.f32 $0.0e+00, v0;
	v16 =	vsel vm5, v2, v16;
	v23 =	vmul.f32 v8, v10  }
0x21c: {  	s6 =	simm.s32 $0x40;
	s5 =	simm.s32 $0x0;
	s4 =	simm.s32 $0x0;
	v27 =	vld [tilespmem:s3+$0x17B80];
	v8 =	vimm.f32 $0.0e+00;
	v25 =	vmul.f32 v1, v14;
	v28 =	vmul.f32 v11, v22  }
.LBB2_12:
0x21d: {  	p0 =	sne.s32 s6, $0x8840  }
0x21e: {  	v0 =	vadd.f32 $-5.000027420e-01, v25;
	s5 =	sadd.s32 $0x10, s5;
	s7 =	smov.u32 s6;
	s6 =	sadd.s32 $0x40, s6  }
0x21f: {  	v1 =	vmul.f32 $6.931471820e-01, v19;
	v19 =	vmul.f32 $6.931471820e-01, v24;
	s7 =	sshra.s32 s7, $0x2;
	v2 =	vadd.f32 $9.999999400e-01, v28  }
0x220: {  	v23 =	vadd.f32 $9.999999400e-01, v23;
	v21 =	vadd.f32 v26, v26;
	v0 =	vmul.f32 v0, v14  }
0x221: {  	v18 =	vmul.f32 $6.931471820e-01, v18;
	v11 =	vmul.u32 $0xFFFFFFFF, v3;
	v2 =	vmul.f32 v2, v22  }
0x222: {  	v10 =	vmul.f32 v23, v10;
	vm0 =	vge.f32 v21, v27;
	v0 =	vadd.f32 $9.999999400e-01, v0  }
0x223: {  	v22 =	vld [tilespmem:s3+$0xCF00];
	v21 =	vsel vm0, $0x1, v4;
	v2 =	vadd.f32 v2, v19;
	v12 =	vsel vm0, v12, v13  }
0x224: {  	v1 =	vadd.f32 v10, v1;
	v0 =	vmul.f32 v0, v14;
	v9 =	vadd.s32 v21, v9  }
0x225: {  	v13 =	vmov s4;
	s4 =	smov.u32 s5;
	v21 =	vadd.s32 $0x221B, v11;
	v10 =	vld [tilespmem:s3+$0xF180];
	v2 =	vadd.f32 v2, v15  }
0x226: {  	v1 =	vmul.f32 $5.000000000e+00, v1;
	vm1 =	vgt.u32 v13, v21;
	v0 =	vadd.f32 v0, v18  }
0x227: {  	vm1 =	vmor vm1, vm0;
	v2 =	vsub.f32 v2, v12  }
0x228: {  	vm2 =	vlt.f32 v17, $1.000000000e+00;
	v0 =	vmul.f32 $5.000000000e+00, v0;
	v1 =	vsub.f32 v22, v1  }
0x229: {  	v12 =	vadd.f32 $-5.000000000e-01, v17;
	v13 =	vnsel vm0, $0x0, v2;
	v2 =	vsel vm1, $0x0, v2  }
0x22a: {  	v14 =	vmul.f32 $5.000000000e-01, v1;
	v0 =	vsub.f32 v10, v0;
	[tilespmem:s3+$0x1C080] =	vst v2;
	v2 =	vshrl.u32 v2, $0x18;
	s3 =	smov.u32 s7  }
0x22b: {  	v10 =	vsel vm2, v20, v12;
	v12 =	vand.u32 $0x7FFFFFFF, v1;
	v7 =	vadd.f32 v13, v7  }
0x22c: {  	v13 =	vadd.f32 $-5.000000000e-01, v12;
	v1 =	vmul.f32 v14, v1;
	v14 =	vmul.f32 $5.000000000e-01, v0  }
0x22d: {  	v10 =	vadd.f32 v16, v10;
	vm1 =	vlt.f32 v12, $1.000000000e+00;
	v12 =	vand.u32 $0x7FFFFFFF, v0  }
0x22e: {  	v1 =	vsel vm1, v1, v13;
	v0 =	vmul.f32 v14, v0;
	v13 =	vadd.f32 $-5.000000000e-01, v12  }
0x22f: {  	vm1 =	vlt.f32 v12, $1.000000000e+00;
	v1 =	vadd.f32 v1, v10;
	[tilespmem:v2+s25+$0x0] =	vst.idx.add.s32.msk $0xffff, v6  }
0x230: {  	v2 =	vld [tilespmem:s3+$0x19E00];
	v0 =	vsel vm1, v0, v13  }
0x231: {  	v12 =	vld [tilespmem:s3+$0x13680];
	v0 =	vadd.f32 v0, v1  }
0x232: {  	v13 =	vld [tilespmem:s3+$0x11400]  }
0x233: {  	v1 =	vld [tilespmem:s3+$0x0];
	v0 =	vnsel vm0, $0x0, v0  }
0x234: {  	v10 =	vld [tilespmem:s3+$0x4500];
	v8 =	vadd.f32 v0, v8;
	_ =	sdelay $0x2  }
0x235: {  	v0 =	vld [tilespmem:s3+$0x6780];
	v15 =	vmax.f32 v13, v12;
	v14 =	vmin.f32 v13, v12  }
0x236: {  	v16 =	vld [tilespmem:s3+$0x2280];
	v14 =	vsub.f32 v14, v15  }
0x237: {  	v17 =	vadd.f32 v10, v1;
	v1 =	vsub.f32 v10, v1  }
0x238: {  	v10 =	vmul.f32 $1.442695020e+00, v14  }
0x239: {  	v14 =	vmul.f32 $1.000000010e-01, v1;
	(erf) = vrcp.f32 v1  }
0x23a: {  	v1 =	vld.idx.msk [tilespmem:v2+s21+$0x0], $0xffff;
	(erf) = vpow2.f32 v10  }
0x23b: {  	v10 =	vld.idx.msk [tilespmem:v2+s1+$0x0], $0xffff;
	v20 =	vadd.f32 v0, v16;
	v0 =	vsub.f32 v0, v16;
	_ =	sdelay $0x1  }
0x23c: {  	v16 =	vmul.f32 $1.000000010e-01, v0;
	(erf) = vrcp.f32 v0  }
0x23d: {  	v0 =	vld.idx.msk [tilespmem:v2+s22+$0x0], $0xffff  }
0x23e: {  	v2 =	vld.idx.msk [tilespmem:v2+s0+$0x0], $0xffff;
	_ =	sdelay $0x1  }
0x23f: {  	v18 =	vadd.f32 v1, v10;
	v1 =	vsub.f32 v1, v10  }
0x240: {  	(erf) = vrcp.f32 v14;
	v10 =	vpop (erf)  }
0x241: {  	v23 =	vmul.f32 $5.000000000e-01, v18;
	v1 =	vmul.f32 v10, v1;
	v25 =	vld [tilespmem:s3+$0x8A00];
	v10 =	vpop (erf)  }
0x242: {  	v17 =	vmul.f32 $5.000000000e-01, v17;
	v10 =	vadd.f32 $1.000000000e+00, v10;
	(erf) = vrcp.f32 v16  }
0x243: {  	v14 =	vsub.f32 v0, v2;
	v16 =	vshra.s32 v1, $0x17;
	v1 =	vand.u32 $0x7FFFFF, v1;
	v26 =	vld [tilespmem:s3+$0xAC80]  }
0x244: {  	v1 =	vor.u32 $0x3F800000, v1;
	v18 =	vshra.s32 v10, $0x17;
	v10 =	vand.u32 $0x7FFFFF, v10;
	v19 =	vpop (erf)  }
0x245: {  	v22 =	vmul.f32 $5.000000000e-01, v1;
	v14 =	vmul.f32 v19, v14;
	v19 =	vor.u32 $0x3F800000, v10  }
0x246: {  	vm0 =	vgt.f32 v1, $1.414213540e+00;
	vm1 =	vgt.f32 v19, $1.414213540e+00;
	v24 =	vmul.f32 $5.000000000e-01, v19  }
0x247: {  	v1 =	vsel vm0, v22, v1;
	v22 =	vand.u32 $0x7FFFFF, v14;
	v29 =	vsel vm1, $0xFFFFFF82, v5  }
0x248: {  	v10 =	vadd.f32 $-1.000000000e+00, v1;
	v1 =	vor.u32 $0x3F800000, v22;
	v19 =	vsel vm1, v24, v19  }
0x249: {  	v18 =	vadd.s32 v18, v29;
	v28 =	vmul.f32 $5.000000000e-01, v1;
	v22 =	vadd.f32 $-1.000000000e+00, v19;
	v27 =	vpop (erf)  }
0x24a: {  	vm1 =	vgt.f32 v1, $1.414213540e+00;
	v24 =	vcvt.s32.f32 v18;
	v19 =	vmul.f32 $1.000707970e-01, v10  }
0x24b: {  	v18 =	vsel vm1, $0xFFFFFF82, v5;
	v1 =	vsel vm1, v28, v1;
	v28 =	vmul.f32 $1.000707970e-01, v22;
	v29 =	vpop (erf)  }
0x24c: {  	v30 =	vshra.s32 v14, $0x17;
	v19 =	vsub.f32 $1.603383270e-01, v19;
	v14 =	vadd.f32 $-1.000000000e+00, v1  }
0x24d: {  	v18 =	vadd.s32 v30, v18;
	v1 =	vsel vm0, $0xFFFFFF82, v5;
	v28 =	vsub.f32 $1.603383270e-01, v28  }
0x24e: {  	v1 =	vadd.s32 v16, v1;
	v16 =	vmul.f32 v19, v10;
	v30 =	vmul.f32 $1.000707970e-01, v14  }
0x24f: {  	v0 =	vadd.f32 v0, v2;
	v19 =	vcvt.s32.f32 v1;
	v1 =	vmul.f32 v28, v22  }
0x250: {  	v18 =	vcvt.s32.f32 v18;
	v2 =	vadd.f32 $-1.720850170e-01, v16;
	v16 =	vsub.f32 $1.603383270e-01, v30  }
0x251: {  	v20 =	vmul.f32 $5.000000000e-01, v20;
	v0 =	vmul.f32 $5.000000000e-01, v0;
	v1 =	vadd.f32 $-1.720850170e-01, v1  }
0x252: {  	v17 =	vsub.f32 v23, v17;
	v2 =	vmul.f32 v2, v10;
	v16 =	vmul.f32 v16, v14  }
0x253: {  	v0 =	vsub.f32 v0, v20;
	v1 =	vmul.f32 v1, v22  }
0x254: {  	v17 =	vmul.f32 v27, v17;
	v2 =	vadd.f32 $1.992070970e-01, v2;
	v16 =	vadd.f32 $-1.720850170e-01, v16  }
0x255: {  	v0 =	vmul.f32 v29, v0;
	v1 =	vadd.f32 $1.992070970e-01, v1  }
0x256: {  	v20 =	vsub.f32 v25, v17;
	v2 =	vmul.f32 v2, v10;
	v16 =	vmul.f32 v16, v14  }
0x257: {  	v0 =	vsub.f32 v26, v0;
	v1 =	vmul.f32 v1, v22  }
0x258: {  	v23 =	vmul.f32 $5.000000000e-01, v20;
	v2 =	vadd.f32 $-2.497469930e-01, v2;
	v16 =	vadd.f32 $1.992070970e-01, v16  }
0x259: {  	v25 =	vand.u32 $0x7FFFFFFF, v0;
	v26 =	vmul.f32 $5.000000000e-01, v0;
	v1 =	vadd.f32 $-2.497469930e-01, v1  }
0x25a: {  	v17 =	vand.u32 $0x7FFFFFFF, v20;
	v2 =	vmul.f32 v2, v10;
	v16 =	vmul.f32 v16, v14  }
0x25b: {  	v0 =	vmul.f32 v26, v0;
	v26 =	vadd.f32 $-5.000000000e-01, v25;
	v1 =	vmul.f32 v1, v22  }
0x25c: {  	vm0 =	vlt.f32 v25, $1.000000000e+00;
	v2 =	vadd.f32 $3.333449070e-01, v2;
	v27 =	vadd.f32 $-2.497469930e-01, v16  }
0x25d: {  	v20 =	vmul.f32 v23, v20;
	v16 =	vsel vm0, v0, v26;
	v0 =	vadd.f32 $3.333449070e-01, v1  }
0x25e: {  	v1 =	vmul.f32 v2, v10;
	v2 =	vmul.f32 v27, v14  }
.Ltmp5:
0x25f: {  	v20 =	vadd.f32 $0.0e+00, v20;
	v0 =	vmul.f32 v0, v22;
	(pc) =	sbr.rel @p0 .LBB2_12-.Ltmp5, $4  }
0x260: {  	v1 =	vadd.f32 $-5.000027420e-01, v1;
	v2 =	vadd.f32 $3.333449070e-01, v2  }
0x261: {  	v26 =	vld [tilespmem:s3+$0x15900];
	v0 =	vadd.f32 $-5.000027420e-01, v0  }
0x262: {  	v23 =	vmul.f32 v1, v10;
	v25 =	vmul.f32 v2, v14  }
0x263: {  	v27 =	vld [tilespmem:s3+$0x17B80];
	v28 =	vmul.f32 v0, v22  }
0x264: {  	_ =	sdelay $0x1  }
0x265: {  	v0 =	vadd.f32 v26, v26;
	_ =	sdelay $0x1  }
0x266: {  	vm1 =	vge.f32 v0, v27  }
0x267: {  	v0 =	vsel vm1, $0x1, v4  }
0x268: {  	v0 =	vadd.s32 v0, v9  }
0x269: {  	(xrf0) =	vadd.scan.msk.s32 $0xffff, v0;
	_ =	sdelay $0x5  }
0x26a: {  	v0 =	vadd.f32 $9.999999400e-01, v28;
	v1, _, _ =	vpop (xrf0)  }
0x26b: {  	(v2sf) =	vpush v1, $0xF  }
0x26c: {  	v0 =	vmul.f32 v0, v22;
	v1 =	vmul.f32 $6.931471820e-01, v24;
	_ =	sdelay $0x1  }
0x26d: {  	v0 =	vadd.f32 v0, v1;
	_ =	sdelay $0x1  }
0x26e: {  	v0 =	vadd.f32 v0, v15  }
0x26f: {  	v2 =	vmov s4;
	v1 =	vsel vm1, v12, v13  }
0x270: {  	vm0 =	vgt.u32 v2, v21;
	v12 =	vsub.f32 v0, v1  }
0x271: {  	vm0 =	vmor vm0, vm1  }
0x272: {  	v0 =	vsel vm0, $0x0, v12  }
0x273: {  	v1 =	vshrl.u32 v0, $0x18;
	_ =	sdelay $0x2  }
0x274: {  	v41 =	vld [tilespmem:s3+$0xCF00]  }
0x275: {  	v42 =	vld [tilespmem:s3+$0xF180];
	[tilespmem:s3+$0x1C080] =	vst v0  }
0x276: {  	[tilespmem:v1+s25+$0x0] =	vst.idx.add.s32.msk $0xffff, v6;
	s30 =	spop (v2sf)  }
0x277: {  	_ =	strace $0x9000004D  }
0x278: {  	_ =	strace $0x8000004E  }
0x279: {  	v0 =	vld [tilespmem:$0x1EF80]  }
0x27a: {  	v1 =	vld [tilespmem:$0x1EF90]  }
0x27b: {  	v2 =	vld [tilespmem:$0x1EFA0]  }
0x27c: {  	v9 =	vld [tilespmem:$0x1EFB0]  }
0x27d: {  	v43 =	vld [tilespmem:$0x1EFC0]  }
0x27e: {  	(xrf0) =	vadd.scan.msk.s32 $0xffff, v0;
	v0 =	vld [tilespmem:$0x1EFD0]  }
0x27f: {  	(xrf0) =	vadd.scan.msk.s32 $0xffff, v1;
	v1 =	vld [tilespmem:$0x1EFE0]  }
0x280: {  	(xrf0) =	vadd.scan.msk.s32 $0xffff, v2;
	v2 =	vld [tilespmem:$0x1EFF0]  }
0x281: {  	(xrf0) =	vadd.scan.msk.s32 $0xffff, v9;
	v9 =	vld [tilespmem:$0x1F000]  }
0x282: {  	v44 =	vld [tilespmem:$0x1F010];
	(xrf0) =	vadd.scan.msk.s32 $0xffff, v43  }
0x283: {  	(xrf0) =	vadd.scan.msk.s32 $0xffff, v0;
	v0 =	vld [tilespmem:$0x1F020]  }
0x284: {  	v45, _, _ =	vpop (xrf0);
	(xrf0) =	vadd.scan.msk.s32 $0xffff, v1;
	v1 =	vld [tilespmem:$0x1F030]  }
0x285: {  	v46, _, _ =	vpop (xrf0);
	(xrf0) =	vadd.scan.msk.s32 $0xffff, v2;
	v2 =	vld [tilespmem:$0x1F040]  }
0x286: {  	v22 =	vbroadcast v45, $0xF;
	v24 =	vbroadcast v46, $0xF;
	v47, _, _ =	vpop (xrf0);
	(xrf0) =	vadd.scan.msk.s32 $0xffff, v9;
	v9 =	vld [tilespmem:$0x1F050]  }
0x287: {  	vm0 =	vmmov $0x1;
	v49 =	vld [tilespmem:$0x1F060];
	v26 =	vbroadcast v47, $0xF;
	v48, _, _ =	vpop (xrf0);
	(xrf0) =	vadd.scan.msk.s32 $0xffff, v44  }
0x288: {  	vm4 =	vmmov $0x3;
	v22 =	vsel vm0, v22, v24;
	v51, _, _ =	vpop (xrf0);
	(xrf0) =	vadd.scan.msk.s32 $0xffff, v0;
	v0 =	vbroadcast v48, $0xF  }
0x289: {  	vm5 =	vmmov $0x7;
	v22 =	vsel vm4, v22, v26;
	v52, _, _ =	vpop (xrf0);
	(xrf0) =	vadd.scan.msk.s32 $0xffff, v1;
	v1 =	vbroadcast v51, $0xF  }
0x28a: {  	vm3 =	vmmov $0xf;
	v0 =	vsel vm5, v22, v0;
	v53 =	vbroadcast v52, $0xF;
	v54, _, _ =	vpop (xrf0);
	(xrf0) =	vadd.scan.msk.s32 $0xffff, v2  }
0x28b: {  	vm6 =	vmmov $0x1f;
	v2 =	vld [tilespmem:$0x1F070];
	v0 =	vsel vm3, v0, v1;
	v1 =	vbroadcast v54, $0xF;
	v55, _, _ =	vpop (xrf0);
	(xrf0) =	vadd.scan.msk.s32 $0xffff, v9  }
0x28c: {  	vm7 =	vmmov $0x3f;
	v0 =	vsel vm6, v0, v53;
	v9 =	vbroadcast v55, $0xF;
	v56, _, _ =	vpop (xrf0);
	(xrf0) =	vadd.scan.msk.s32 $0xffff, v49  }
0x28d: {  	v57, _, _ =	vpop (xrf0);
	v0 =	vsel vm7, v0, v1;
	v1 =	vbroadcast v56, $0xF  }
0x28e: {  	v58, _, _ =	vpop (xrf0);
	v0 =	vsel vm8, v0, v9;
	v9 =	vbroadcast v57, $0xF  }
0x28f: {  	v0 =	vsel vm10, v0, v1;
	v1 =	vbroadcast v58, $0xF;
	v59, _, _ =	vpop (xrf0)  }
0x290: {  	(xrf0) =	vadd.scan.msk.s32 $0xffff, v2;
	v2, _, _ =	vpop (xrf0);
	v0 =	vsel vm9, v0, v9;
	v9 =	vbroadcast v59, $0xF  }
0x291: {  	v60, _, _ =	vpop (xrf0);
	v0 =	vsel vm11, v0, v1;
	v1 =	vbroadcast v2, $0xF  }
0x292: {  	v2, _, _ =	vpop (xrf0);
	v0 =	vsel vm12, v0, v9  }
0x293: {  	v0 =	vsel vm13, v0, v1;
	v1 =	vbroadcast v2, $0xF  }
0x294: {  	v9 =	vbroadcast v60, $0xF;
	_ =	sdelay $0x1  }
0x295: {  	v50 =	vimm.s32 $0x0;
	v0 =	vsel vm14, v0, v9  }
0x296: {  	v28 =	vsel vm0, $0xFFFFFFFF, v50;
	vm0 =	vmmov $0x7fff;
	v0 =	vsel vm15, v0, v1;
	v1, _, _ =	vpop (xrf0)  }
0x297: {  	v9 =	vadd.s32 $0xF, v11;
	v0 =	vsel vm0, v0, v1  }
0x298: {  	v0 =	vperm.xlane v0, v9;
	_ =	sdelay $0x1  }
0x299: {  	(xrf0) =	vadd.scan.msk.s32 $0xffff, v0;
	_ =	sdelay $0x2  }
0x29a: {  	s31 =	smul.u32 $0x3, s30;
	_ =	sdelay $0x1  }
0x29b: {  	p0 =	slt.s32 s31, $0x221B  }
0x29c: {  	s31 =	simm.s32 @!p0 $0x221B;
	v1, _, _ =	vpop (xrf0)  }
0x29d: {  	vm2 =	vge.s32 v1, s31  }
0x29e: {  	v1 =	vmctz.xlane vm2;
	_ =	sdelay $0x1  }
0x29f: {  	v1 =	vxor.u32 $0x80000000, v1  }
0x2a0: {  	(xrf0) =	vmax.scan.msk.u32 $0xffff, v1;
	_ =	sdelay $0x5  }
0x2a1: {  	v1, _, _ =	vpop (xrf0)  }
0x2a2: {  	(v2sf) =	vpush v1, $0xF;
	_ =	sdelay $0xe  }
0x2a3: {  	s14 =	spop (v2sf)  }
0x2a4: {  	s15 =	sxor.u32 $0x80000000, s14  }
0x2a5: {  	v1 =	vmov s15  }
0x2a6: {  	vm2 =	vgt.s32 v1, v3  }
0x2a7: {  	v0 =	vnsel vm2, $0x0, v0  }
0x2a8: {  	(xrf0) =	vadd.scan.msk.s32 $0xffff, v0;
	_ =	sdelay $0x5  }
0x2a9: {  	v0, _, _ =	vpop (xrf0)  }
0x2aa: {  	(v2sf) =	vpush v0, $0xF  }
0x2ab: {  	s16 =	sshll.u32 s14, $0x4  }
0x2ac: {  	s3 =	ssub.s32 $0x1F070, s16  }
0x2ad: {  	v0 =	vld [tilespmem:s3+$0x0];
	_ =	sdelay $0x4  }
0x2ae: {  	v11 =	vperm.xlane v0, v9;
	_ =	sdelay $0x1  }
0x2af: {  	(xrf0) =	vadd.scan.msk.s32 $0xffff, v11;
	_ =	sdelay $0x4  }
0x2b0: {  	s3 =	spop (v2sf)  }
0x2b1: {  	v0, _, _ =	vpop (xrf0);
	s5 =	ssub.s32 s31, s3  }
0x2b2: {  	vm2 =	vge.s32 v0, s5  }
0x2b3: {  	v0 =	vmctz.xlane vm2;
	_ =	sdelay $0x1  }
0x2b4: {  	v0 =	vxor.u32 $0x80000000, v0  }
0x2b5: {  	(xrf0) =	vmax.scan.msk.u32 $0xffff, v0;
	_ =	sdelay $0x3  }
0x2b6: {  	v0 =	vadd.f32 $-5.000027420e-01, v25;
	_ =	sdelay $0x1  }
0x2b7: {  	v1 =	vadd.f32 $9.999999400e-01, v23;
	v0 =	vmul.f32 v0, v14;
	v2, _, _ =	vpop (xrf0)  }
0x2b8: {  	(v2sf) =	vpush v2, $0xF  }
0x2b9: {  	v1 =	vmul.f32 v1, v10;
	v0 =	vadd.f32 $9.999999400e-01, v0;
	v2 =	vmul.f32 $6.931471820e-01, v19;
	_ =	sdelay $0x1  }
0x2ba: {  	[tilespmem:$0x1FFF0] =	vst v28;
	v0 =	vmul.f32 v0, v14;
	v1 =	vadd.f32 v1, v2;
	v2 =	vmul.f32 $6.931471820e-01, v18  }
0x2bb: {  	[tilespmem:$0x1EF80] =	vst v4  }
0x2bc: {  	[tilespmem:$0x1EF90] =	vst v4;
	v0 =	vadd.f32 v0, v2;
	v1 =	vmul.f32 $5.000000000e+00, v1  }
0x2bd: {  	[tilespmem:$0x1EFA0] =	vst v4  }
0x2be: {  	[tilespmem:$0x1EFB0] =	vst v4;
	v0 =	vmul.f32 $5.000000000e+00, v0;
	v1 =	vsub.f32 v41, v1  }
0x2bf: {  	[tilespmem:$0x1EFC0] =	vst v4;
	v2 =	vadd.f32 $-5.000000000e-01, v17  }
0x2c0: {  	[tilespmem:$0x1EFD0] =	vst v4;
	vm2 =	vlt.f32 v17, $1.000000000e+00;
	v0 =	vsub.f32 v42, v0;
	v10 =	vmul.f32 $5.000000000e-01, v1  }
0x2c1: {  	[tilespmem:$0x1EFE0] =	vst v4;
	v2 =	vsel vm2, v20, v2;
	v61 =	vand.u32 $0x7FFFFFFF, v1  }
0x2c2: {  	[tilespmem:$0x1EFF0] =	vst v4;
	v1 =	vmul.f32 v10, v1;
	v10 =	vadd.f32 $-5.000000000e-01, v61;
	v62 =	vmul.f32 $5.000000000e-01, v0  }
0x2c3: {  	[tilespmem:$0x1F000] =	vst v4;
	v2 =	vadd.f32 v16, v2;
	vm2 =	vlt.f32 v61, $1.000000000e+00;
	v63 =	vand.u32 $0x7FFFFFFF, v0  }
0x2c4: {  	[tilespmem:$0x1F010] =	vst v4;
	v1 =	vsel vm2, v1, v10;
	v0 =	vmul.f32 v62, v0;
	v10 =	vadd.f32 $-5.000000000e-01, v63  }
0x2c5: {  	[tilespmem:$0x1F020] =	vst v4;
	vm2 =	vlt.f32 v63, $1.000000000e+00;
	v1 =	vadd.f32 v1, v2  }
0x2c6: {  	[tilespmem:$0x1F030] =	vst v4;
	v0 =	vsel vm2, v0, v10;
	s26 =	spop (v2sf)  }
0x2c7: {  	[tilespmem:$0x1F040] =	vst v4;
	v0 =	vadd.f32 v0, v1;
	s5 =	sxor.u32 $0x80000000, s26  }
0x2c8: {  	[tilespmem:$0x1F050] =	vst v4;
	s4 =	sadd.s32 s5, s16  }
0x2c9: {  	[tilespmem:$0x1F060] =	vst v4;
	v1 =	vnsel vm1, $0x0, v12;
	v0 =	vnsel vm1, $0x0, v0;
	s4 =	ssub.s32 $0xFF, s4  }
0x2ca: {  	s6 =	simm.s32 $0x0;
	[tilespmem:$0x1F070] =	vst v4;
	v7 =	vadd.f32 v1, v7;
	v8 =	vadd.f32 v0, v8;
	v10 =	vmov s4  }
.LBB2_14:
0x2cb: {  	s7 =	sshra.s32 s6, $0x2  }
0x2cc: {  	v0 =	vld [tilespmem:s7+$0x1C080];
	_ =	sdelay $0x4  }
0x2cd: {  	v1 =	vshra.s32 v0, $0x18  }
0x2ce: {  	v0 =	vshrl.u32 v0, $0x10;
	vm1 =	veq.s32 v1, v10  }
0x2cf: {  	v0 =	vand.u32 $0xFF, v0;
	_ =	sdelay $0x4  }
0x2d0: {  	[tilespmem:v0+s25+$0x0] =	vst.idx.add.s32.msk vm1, v6  }
0x2d1: {  	v0 =	vld [tilespmem:s7+$0x1C090];
	_ =	sdelay $0x4  }
0x2d2: {  	v1 =	vshra.s32 v0, $0x18  }
0x2d3: {  	v0 =	vshrl.u32 v0, $0x10;
	vm1 =	veq.s32 v1, v10  }
0x2d4: {  	v0 =	vand.u32 $0xFF, v0;
	_ =	sdelay $0x4  }
0x2d5: {  	[tilespmem:v0+s25+$0x0] =	vst.idx.add.s32.msk vm1, v6  }
0x2d6: {  	v0 =	vld [tilespmem:s7+$0x1C0A0];
	_ =	sdelay $0x4  }
0x2d7: {  	v1 =	vshra.s32 v0, $0x18  }
0x2d8: {  	v0 =	vshrl.u32 v0, $0x10;
	vm1 =	veq.s32 v1, v10  }
0x2d9: {  	v0 =	vand.u32 $0xFF, v0;
	_ =	sdelay $0x4  }
0x2da: {  	[tilespmem:v0+s25+$0x0] =	vst.idx.add.s32.msk vm1, v6  }
0x2db: {  	v0 =	vld [tilespmem:s7+$0x1C0B0];
	_ =	sdelay $0x4  }
0x2dc: {  	v1 =	vshra.s32 v0, $0x18  }
0x2dd: {  	v0 =	vshrl.u32 v0, $0x10;
	vm1 =	veq.s32 v1, v10  }
0x2de: {  	v0 =	vand.u32 $0xFF, v0;
	_ =	sdelay $0x4  }
0x2df: {  	[tilespmem:v0+s25+$0x0] =	vst.idx.add.s32.msk vm1, v6  }
0x2e0: {  	v0 =	vld [tilespmem:s7+$0x1C0C0];
	_ =	sdelay $0x4  }
0x2e1: {  	v1 =	vshra.s32 v0, $0x18  }
0x2e2: {  	v0 =	vshrl.u32 v0, $0x10;
	vm1 =	veq.s32 v1, v10  }
0x2e3: {  	v0 =	vand.u32 $0xFF, v0;
	_ =	sdelay $0x4  }
0x2e4: {  	[tilespmem:v0+s25+$0x0] =	vst.idx.add.s32.msk vm1, v6  }
0x2e5: {  	v0 =	vld [tilespmem:s7+$0x1C0D0];
	_ =	sdelay $0x4  }
0x2e6: {  	v1 =	vshra.s32 v0, $0x18  }
0x2e7: {  	v0 =	vshrl.u32 v0, $0x10;
	vm1 =	veq.s32 v1, v10  }
0x2e8: {  	p0 =	sne.s32 s6, $0x8700;
	v0 =	vand.u32 $0xFF, v0  }
.Ltmp6:
0x2e9: {  	_ = 	snop;
	(pc) =	sbr.rel @p0 .LBB2_14-.Ltmp6, $2  }
0x2ea: {  	_ =	sdelay $0x2  }
0x2eb: {  	s6 =	sadd.s32 $0x180, s6;
	[tilespmem:v0+s25+$0x0] =	vst.idx.add.s32.msk vm1, v6  }
0x2ec: {  	v0 =	vld [tilespmem:$0x1EF80]  }
0x2ed: {  	v2 =	vld [tilespmem:$0x1EF90]  }
0x2ee: {  	v1 =	vmov s5;
	v17 =	vld [tilespmem:$0x1FFF0]  }
0x2ef: {  	vm1 =	vgt.s32 v1, v3;
	v1 =	vld [tilespmem:$0x1EFA0]  }
0x2f0: {  	v10 =	vnsel vm1, $0x0, v11;
	v11 =	vld [tilespmem:$0x1EFB0]  }
0x2f1: {  	(xrf0) =	vadd.scan.msk.s32 $0xffff, v10;
	v10 =	vld [tilespmem:$0x1EFC0]  }
0x2f2: {  	(xrf0) =	vadd.scan.msk.s32 $0xffff, v0;
	v0 =	vld [tilespmem:$0x1EFD0]  }
0x2f3: {  	(xrf0) =	vadd.scan.msk.s32 $0xffff, v2;
	v2 =	vld [tilespmem:$0x1EFE0]  }
0x2f4: {  	(xrf0) =	vadd.scan.msk.s32 $0xffff, v1;
	v1 =	vld [tilespmem:$0x1EFF0]  }
0x2f5: {  	(xrf0) =	vadd.scan.msk.s32 $0xffff, v11;
	v11 =	vld [tilespmem:$0x1F000]  }
0x2f6: {  	(xrf0) =	vadd.scan.msk.s32 $0xffff, v10;
	v10 =	vld [tilespmem:$0x1F010]  }
0x2f7: {  	v12, _, _ =	vpop (xrf0);
	(xrf0) =	vadd.scan.msk.s32 $0xffff, v0;
	v0 =	vld [tilespmem:$0x1F020]  }
0x2f8: {  	v13, _, _ =	vpop (xrf0);
	(xrf0) =	vadd.scan.msk.s32 $0xffff, v2;
	v2 =	vld [tilespmem:$0x1F030]  }
0x2f9: {  	v14, _, _ =	vpop (xrf0);
	(xrf0) =	vadd.scan.msk.s32 $0xffff, v1  }
0x2fa: {  	v15, _, _ =	vpop (xrf0);
	(xrf0) =	vadd.scan.msk.s32 $0xffff, v11  }
0x2fb: {  	v1 =	vld [tilespmem:$0x1F040];
	v16, _, _ =	vpop (xrf0);
	(xrf0) =	vadd.scan.msk.s32 $0xffff, v10  }
0x2fc: {  	v13 =	vbroadcast v13, $0xF;
	v14 =	vbroadcast v14, $0xF;
	v11 =	vld [tilespmem:$0x1F050];
	v58, _, _ =	vpop (xrf0);
	(xrf0) =	vadd.scan.msk.s32 $0xffff, v0  }
0x2fd: {  	vm2 =	vnez.u8 v17;
	v15 =	vbroadcast v15, $0xF;
	v59, _, _ =	vpop (xrf0);
	(xrf0) =	vadd.scan.msk.s32 $0xffff, v2;
	v2 =	vbroadcast v58, $0xF  }
0x2fe: {  	v13 =	vsel vm2, v13, v14;
	v0 =	vbroadcast v16, $0xF  }
0x2ff: {  	v10 =	vld [tilespmem:$0x1F060];
	v13 =	vsel vm4, v13, v15  }
0x300: {  	v0 =	vsel vm5, v13, v0;
	v60 =	vbroadcast v59, $0xF;
	v61, _, _ =	vpop (xrf0);
	(xrf0) =	vadd.scan.msk.s32 $0xffff, v1  }
0x301: {  	v0 =	vsel vm3, v0, v2;
	v2, _, _ =	vpop (xrf0);
	(xrf0) =	vadd.scan.msk.s32 $0xffff, v11;
	v11 =	vbroadcast v61, $0xF  }
0x302: {  	v0 =	vsel vm6, v0, v60;
	v62, _, _ =	vpop (xrf0)  }
0x303: {  	v1 =	vld [tilespmem:$0x1F070];
	v0 =	vsel vm7, v0, v11;
	v11 =	vbroadcast v62, $0xF  }
0x304: {  	v2 =	vbroadcast v2, $0xF;
	(xrf0) =	vadd.scan.msk.s32 $0xffff, v10;
	v10, _, _ =	vpop (xrf0)  }
0x305: {  	v63, _, _ =	vpop (xrf0)  }
0x306: {  	v0 =	vsel vm8, v0, v2;
	v2 =	vbroadcast v10, $0xF;
	v10 =	vbroadcast v63, $0xF  }
0x307: {  	v0 =	vsel vm10, v0, v11;
	v11, _, _ =	vpop (xrf0)  }
0x308: {  	(v2sf) =	vpush v12, $0xF;
	v0 =	vsel vm9, v0, v2;
	(xrf0) =	vadd.scan.msk.s32 $0xffff, v1;
	v1, _, _ =	vpop (xrf0);
	v2 =	vbroadcast v11, $0xF  }
0x309: {  	v0 =	vsel vm11, v0, v10;
	v11, _, _ =	vpop (xrf0);
	v1 =	vbroadcast v1, $0xF  }
0x30a: {  	v10, _, _ =	vpop (xrf0);
	v0 =	vsel vm12, v0, v2  }
0x30b: {  	v0 =	vsel vm13, v0, v1;
	v1 =	vbroadcast v10, $0xF  }
0x30c: {  	v2 =	vbroadcast v11, $0xF;
	_ =	sdelay $0x1  }
0x30d: {  	v0 =	vsel vm14, v0, v2  }
0x30e: {  	v0 =	vsel vm15, v0, v1;
	v1, _, _ =	vpop (xrf0)  }
0x30f: {  	v0 =	vsel vm0, v0, v1  }
0x310: {  	v0 =	vperm.xlane v0, v9;
	_ =	sdelay $0x1  }
0x311: {  	(xrf0) =	vadd.scan.msk.s32 $0xffff, v0;
	_ =	sdelay $0x3  }
0x312: {  	s14 =	spop (v2sf)  }
0x313: {  	s3 =	sadd.s32 s3, s14  }
0x314: {  	s6 =	ssub.s32 s31, s3;
	v1, _, _ =	vpop (xrf0)  }
0x315: {  	vm1 =	vge.s32 v1, s6  }
0x316: {  	v1 =	vmctz.xlane vm1;
	_ =	sdelay $0x1  }
0x317: {  	v1 =	vxor.u32 $0x80000000, v1  }
0x318: {  	(xrf0) =	vmax.scan.msk.u32 $0xffff, v1;
	_ =	sdelay $0x5  }
0x319: {  	v1, _, _ =	vpop (xrf0)  }
0x31a: {  	(v2sf) =	vpush v1, $0xF;
	_ =	sdelay $0xe  }
0x31b: {  	s15 =	spop (v2sf)  }
0x31c: {  	s7 =	sxor.u32 $0x80000000, s15  }
0x31d: {  	v1 =	vmov s7  }
0x31e: {  	vm1 =	vgt.s32 v1, v3  }
0x31f: {  	v0 =	vnsel vm1, $0x0, v0  }
0x320: {  	(xrf0) =	vadd.scan.msk.s32 $0xffff, v0;
	_ =	sdelay $0x5  }
0x321: {  	v0, _, _ =	vpop (xrf0)  }
0x322: {  	(v2sf) =	vpush v0, $0xF  }
0x323: {  	s16 =	sshll.u32 s15, $0x4  }
0x324: {  	s5 =	ssub.s32 $0x1F070, s16  }
0x325: {  	v0 =	vld [tilespmem:s5+$0x0];
	_ =	sdelay $0x4  }
0x326: {  	v10 =	vperm.xlane v0, v9;
	_ =	sdelay $0x1  }
0x327: {  	(xrf0) =	vadd.scan.msk.s32 $0xffff, v10;
	_ =	sdelay $0x4  }
0x328: {  	s5 =	spop (v2sf)  }
0x329: {  	v0, _, _ =	vpop (xrf0);
	s6 =	ssub.s32 s6, s5  }
0x32a: {  	vm1 =	vge.s32 v0, s6  }
0x32b: {  	v0 =	vmctz.xlane vm1;
	_ =	sdelay $0x1  }
0x32c: {  	v0 =	vxor.u32 $0x80000000, v0  }
0x32d: {  	(xrf0) =	vmax.scan.msk.u32 $0xffff, v0;
	_ =	sdelay $0x5  }
0x32e: {  	v0, _, _ =	vpop (xrf0)  }
0x32f: {  	(v2sf) =	vpush v0, $0xF;
	_ =	sdelay $0x4  }
0x330: {  	[tilespmem:$0x1EF80] =	vst v4  }
0x331: {  	[tilespmem:$0x1EF90] =	vst v4  }
0x332: {  	[tilespmem:$0x1EFA0] =	vst v4  }
0x333: {  	[tilespmem:$0x1EFB0] =	vst v4  }
0x334: {  	[tilespmem:$0x1EFC0] =	vst v4  }
0x335: {  	[tilespmem:$0x1EFD0] =	vst v4  }
0x336: {  	[tilespmem:$0x1EFE0] =	vst v4  }
0x337: {  	[tilespmem:$0x1EFF0] =	vst v4  }
0x338: {  	[tilespmem:$0x1F000] =	vst v4  }
0x339: {  	[tilespmem:$0x1F010] =	vst v4  }
0x33a: {  	[tilespmem:$0x1F020] =	vst v4;
	s26 =	spop (v2sf)  }
0x33b: {  	[tilespmem:$0x1F030] =	vst v4;
	s6 =	sxor.u32 $0x80000000, s26  }
0x33c: {  	[tilespmem:$0x1F040] =	vst v4;
	s7 =	sadd.s32 s6, s16  }
0x33d: {  	s4 =	sshll.u32 s4, $0x8;
	[tilespmem:$0x1F050] =	vst v4;
	s7 =	ssub.s32 $0xFF, s7  }
0x33e: {  	[tilespmem:$0x1F060] =	vst v4;
	s4 =	sor.u32 s4, s7  }
0x33f: {  	[tilespmem:$0x1F070] =	vst v4;
	s7 =	simm.s32 $0x0;
	v11 =	vmov s4  }
.LBB2_16:
0x340: {  	s8 =	sshra.s32 s7, $0x2  }
0x341: {  	v0 =	vld [tilespmem:s8+$0x1C080];
	_ =	sdelay $0x4  }
0x342: {  	v1 =	vshra.s32 v0, $0x10  }
0x343: {  	v0 =	vshrl.u32 v0, $0x8;
	vm1 =	veq.s32 v1, v11  }
0x344: {  	v0 =	vand.u32 $0xFF, v0;
	_ =	sdelay $0x4  }
0x345: {  	[tilespmem:v0+s25+$0x0] =	vst.idx.add.s32.msk vm1, v6  }
0x346: {  	v0 =	vld [tilespmem:s8+$0x1C090];
	_ =	sdelay $0x4  }
0x347: {  	v1 =	vshra.s32 v0, $0x10  }
0x348: {  	v0 =	vshrl.u32 v0, $0x8;
	vm1 =	veq.s32 v1, v11  }
0x349: {  	v0 =	vand.u32 $0xFF, v0;
	_ =	sdelay $0x4  }
0x34a: {  	[tilespmem:v0+s25+$0x0] =	vst.idx.add.s32.msk vm1, v6  }
0x34b: {  	v0 =	vld [tilespmem:s8+$0x1C0A0];
	_ =	sdelay $0x4  }
0x34c: {  	v1 =	vshra.s32 v0, $0x10  }
0x34d: {  	v0 =	vshrl.u32 v0, $0x8;
	vm1 =	veq.s32 v1, v11  }
0x34e: {  	v0 =	vand.u32 $0xFF, v0;
	_ =	sdelay $0x4  }
0x34f: {  	[tilespmem:v0+s25+$0x0] =	vst.idx.add.s32.msk vm1, v6  }
0x350: {  	v0 =	vld [tilespmem:s8+$0x1C0B0];
	_ =	sdelay $0x4  }
0x351: {  	v1 =	vshra.s32 v0, $0x10  }
0x352: {  	v0 =	vshrl.u32 v0, $0x8;
	vm1 =	veq.s32 v1, v11  }
0x353: {  	v0 =	vand.u32 $0xFF, v0;
	_ =	sdelay $0x4  }
0x354: {  	[tilespmem:v0+s25+$0x0] =	vst.idx.add.s32.msk vm1, v6  }
0x355: {  	v0 =	vld [tilespmem:s8+$0x1C0C0];
	_ =	sdelay $0x4  }
0x356: {  	v1 =	vshra.s32 v0, $0x10  }
0x357: {  	v0 =	vshrl.u32 v0, $0x8;
	vm1 =	veq.s32 v1, v11  }
0x358: {  	v0 =	vand.u32 $0xFF, v0;
	_ =	sdelay $0x4  }
0x359: {  	[tilespmem:v0+s25+$0x0] =	vst.idx.add.s32.msk vm1, v6  }
0x35a: {  	v0 =	vld [tilespmem:s8+$0x1C0D0];
	_ =	sdelay $0x4  }
0x35b: {  	v1 =	vshra.s32 v0, $0x10  }
0x35c: {  	v0 =	vshrl.u32 v0, $0x8;
	vm1 =	veq.s32 v1, v11  }
0x35d: {  	p0 =	sne.s32 s7, $0x8700;
	v0 =	vand.u32 $0xFF, v0  }
.Ltmp7:
0x35e: {  	_ = 	snop;
	(pc) =	sbr.rel @p0 .LBB2_16-.Ltmp7, $2  }
0x35f: {  	_ =	sdelay $0x2  }
0x360: {  	s7 =	sadd.s32 $0x180, s7;
	[tilespmem:v0+s25+$0x0] =	vst.idx.add.s32.msk vm1, v6  }
0x361: {  	v0 =	vld [tilespmem:$0x1EF80]  }
0x362: {  	v1 =	vmov s6;
	v2 =	vld [tilespmem:$0x1EF90]  }
0x363: {  	vm1 =	vgt.s32 v1, v3;
	v1 =	vld [tilespmem:$0x1EFA0]  }
0x364: {  	v11 =	vld [tilespmem:$0x1EFB0];
	v10 =	vnsel vm1, $0x0, v10  }
0x365: {  	(xrf0) =	vadd.scan.msk.s32 $0xffff, v10;
	v10 =	vld [tilespmem:$0x1EFC0]  }
0x366: {  	(xrf0) =	vadd.scan.msk.s32 $0xffff, v0;
	v0 =	vld [tilespmem:$0x1EFD0]  }
0x367: {  	(xrf0) =	vadd.scan.msk.s32 $0xffff, v2;
	v2 =	vld [tilespmem:$0x1EFE0]  }
0x368: {  	(xrf0) =	vadd.scan.msk.s32 $0xffff, v1;
	v1 =	vld [tilespmem:$0x1EFF0]  }
0x369: {  	(xrf0) =	vadd.scan.msk.s32 $0xffff, v11;
	v11 =	vld [tilespmem:$0x1F000]  }
0x36a: {  	(xrf0) =	vadd.scan.msk.s32 $0xffff, v10;
	v10 =	vld [tilespmem:$0x1F010]  }
0x36b: {  	v12, _, _ =	vpop (xrf0);
	(xrf0) =	vadd.scan.msk.s32 $0xffff, v0;
	v0 =	vld [tilespmem:$0x1F020]  }
0x36c: {  	v13, _, _ =	vpop (xrf0);
	(xrf0) =	vadd.scan.msk.s32 $0xffff, v2;
	v2 =	vld [tilespmem:$0x1F030]  }
0x36d: {  	v14, _, _ =	vpop (xrf0);
	(xrf0) =	vadd.scan.msk.s32 $0xffff, v1  }
0x36e: {  	v15, _, _ =	vpop (xrf0);
	(xrf0) =	vadd.scan.msk.s32 $0xffff, v11  }
0x36f: {  	v1 =	vld [tilespmem:$0x1F040];
	v16, _, _ =	vpop (xrf0);
	(xrf0) =	vadd.scan.msk.s32 $0xffff, v10  }
0x370: {  	v13 =	vbroadcast v13, $0xF;
	v14 =	vbroadcast v14, $0xF;
	v11 =	vld [tilespmem:$0x1F050];
	v58, _, _ =	vpop (xrf0);
	(xrf0) =	vadd.scan.msk.s32 $0xffff, v0  }
0x371: {  	v15 =	vbroadcast v15, $0xF;
	v59, _, _ =	vpop (xrf0);
	(xrf0) =	vadd.scan.msk.s32 $0xffff, v2;
	v2 =	vbroadcast v58, $0xF  }
0x372: {  	v13 =	vsel vm2, v13, v14;
	v0 =	vbroadcast v16, $0xF  }
0x373: {  	v10 =	vld [tilespmem:$0x1F060];
	v13 =	vsel vm4, v13, v15  }
0x374: {  	v0 =	vsel vm5, v13, v0;
	v60 =	vbroadcast v59, $0xF;
	v61, _, _ =	vpop (xrf0);
	(xrf0) =	vadd.scan.msk.s32 $0xffff, v1  }
0x375: {  	v0 =	vsel vm3, v0, v2;
	v2, _, _ =	vpop (xrf0);
	(xrf0) =	vadd.scan.msk.s32 $0xffff, v11;
	v11 =	vbroadcast v61, $0xF  }
0x376: {  	v0 =	vsel vm6, v0, v60;
	v62, _, _ =	vpop (xrf0)  }
0x377: {  	v1 =	vld [tilespmem:$0x1F070];
	v0 =	vsel vm7, v0, v11;
	v11 =	vbroadcast v62, $0xF  }
0x378: {  	v2 =	vbroadcast v2, $0xF;
	(xrf0) =	vadd.scan.msk.s32 $0xffff, v10;
	v10, _, _ =	vpop (xrf0)  }
0x379: {  	v63, _, _ =	vpop (xrf0)  }
0x37a: {  	v0 =	vsel vm8, v0, v2;
	v2 =	vbroadcast v10, $0xF;
	v10 =	vbroadcast v63, $0xF  }
0x37b: {  	v0 =	vsel vm10, v0, v11;
	v11, _, _ =	vpop (xrf0)  }
0x37c: {  	(v2sf) =	vpush v12, $0xF;
	v0 =	vsel vm9, v0, v2;
	(xrf0) =	vadd.scan.msk.s32 $0xffff, v1;
	v1, _, _ =	vpop (xrf0);
	v2 =	vbroadcast v11, $0xF  }
0x37d: {  	v0 =	vsel vm11, v0, v10;
	v11, _, _ =	vpop (xrf0);
	v1 =	vbroadcast v1, $0xF  }
0x37e: {  	v10, _, _ =	vpop (xrf0);
	v0 =	vsel vm12, v0, v2  }
0x37f: {  	v0 =	vsel vm13, v0, v1;
	v1 =	vbroadcast v10, $0xF  }
0x380: {  	v2 =	vbroadcast v11, $0xF;
	_ =	sdelay $0x1  }
0x381: {  	v0 =	vsel vm14, v0, v2  }
0x382: {  	v0 =	vsel vm15, v0, v1;
	v1, _, _ =	vpop (xrf0)  }
0x383: {  	v0 =	vsel vm0, v0, v1  }
0x384: {  	v0 =	vperm.xlane v0, v9;
	_ =	sdelay $0x1  }
0x385: {  	(xrf0) =	vadd.scan.msk.s32 $0xffff, v0;
	_ =	sdelay $0x3  }
0x386: {  	s3 =	sadd.s32 s3, s5;
	s14 =	spop (v2sf)  }
0x387: {  	s3 =	sadd.s32 s14, s3  }
0x388: {  	s6 =	ssub.s32 s31, s3;
	v1, _, _ =	vpop (xrf0)  }
0x389: {  	vm1 =	vge.s32 v1, s6  }
0x38a: {  	v1 =	vmctz.xlane vm1;
	_ =	sdelay $0x1  }
0x38b: {  	v1 =	vxor.u32 $0x80000000, v1  }
0x38c: {  	(xrf0) =	vmax.scan.msk.u32 $0xffff, v1;
	_ =	sdelay $0x5  }
0x38d: {  	v1, _, _ =	vpop (xrf0)  }
0x38e: {  	(v2sf) =	vpush v1, $0xF;
	_ =	sdelay $0xe  }
0x38f: {  	s15 =	spop (v2sf)  }
0x390: {  	s7 =	sxor.u32 $0x80000000, s15  }
0x391: {  	v1 =	vmov s7  }
0x392: {  	vm1 =	vgt.s32 v1, v3  }
0x393: {  	v0 =	vnsel vm1, $0x0, v0  }
0x394: {  	(xrf0) =	vadd.scan.msk.s32 $0xffff, v0;
	_ =	sdelay $0x5  }
0x395: {  	v0, _, _ =	vpop (xrf0)  }
0x396: {  	(v2sf) =	vpush v0, $0xF  }
0x397: {  	s16 =	sshll.u32 s15, $0x4  }
0x398: {  	s5 =	ssub.s32 $0x1F070, s16  }
0x399: {  	v0 =	vld [tilespmem:s5+$0x0];
	_ =	sdelay $0x4  }
0x39a: {  	v10 =	vperm.xlane v0, v9;
	_ =	sdelay $0x1  }
0x39b: {  	(xrf0) =	vadd.scan.msk.s32 $0xffff, v10;
	_ =	sdelay $0x4  }
0x39c: {  	s5 =	spop (v2sf)  }
0x39d: {  	v0, _, _ =	vpop (xrf0);
	s6 =	ssub.s32 s6, s5  }
0x39e: {  	vm1 =	vge.s32 v0, s6  }
0x39f: {  	v0 =	vmctz.xlane vm1;
	_ =	sdelay $0x1  }
0x3a0: {  	v0 =	vxor.u32 $0x80000000, v0  }
0x3a1: {  	(xrf0) =	vmax.scan.msk.u32 $0xffff, v0;
	_ =	sdelay $0x5  }
0x3a2: {  	v0, _, _ =	vpop (xrf0)  }
0x3a3: {  	(v2sf) =	vpush v0, $0xF;
	_ =	sdelay $0x4  }
0x3a4: {  	[tilespmem:$0x1EF80] =	vst v4  }
0x3a5: {  	[tilespmem:$0x1EF90] =	vst v4  }
0x3a6: {  	[tilespmem:$0x1EFA0] =	vst v4  }
0x3a7: {  	[tilespmem:$0x1EFB0] =	vst v4  }
0x3a8: {  	[tilespmem:$0x1EFC0] =	vst v4  }
0x3a9: {  	[tilespmem:$0x1EFD0] =	vst v4  }
0x3aa: {  	[tilespmem:$0x1EFE0] =	vst v4  }
0x3ab: {  	[tilespmem:$0x1EFF0] =	vst v4  }
0x3ac: {  	[tilespmem:$0x1F000] =	vst v4  }
0x3ad: {  	[tilespmem:$0x1F010] =	vst v4  }
0x3ae: {  	[tilespmem:$0x1F020] =	vst v4;
	s26 =	spop (v2sf)  }
0x3af: {  	[tilespmem:$0x1F030] =	vst v4;
	s6 =	sxor.u32 $0x80000000, s26  }
0x3b0: {  	[tilespmem:$0x1F040] =	vst v4;
	s7 =	sadd.s32 s6, s16  }
0x3b1: {  	s4 =	sshll.u32 s4, $0x8;
	[tilespmem:$0x1F050] =	vst v4;
	s7 =	ssub.s32 $0xFF, s7  }
0x3b2: {  	[tilespmem:$0x1F060] =	vst v4;
	s4 =	sor.u32 s4, s7  }
0x3b3: {  	[tilespmem:$0x1F070] =	vst v4;
	s7 =	simm.s32 $0x0;
	v11 =	vmov s4  }
.LBB2_18:
0x3b4: {  	s8 =	sshra.s32 s7, $0x2  }
0x3b5: {  	v0 =	vld [tilespmem:s8+$0x1C080];
	_ =	sdelay $0x4  }
0x3b6: {  	v1 =	vshra.s32 v0, $0x8  }
0x3b7: {  	vm1 =	veq.s32 v1, v11  }
0x3b8: {  	v0 =	vand.u32 $0xFF, v0;
	_ =	sdelay $0x4  }
0x3b9: {  	[tilespmem:v0+s25+$0x0] =	vst.idx.add.s32.msk vm1, v6  }
0x3ba: {  	v0 =	vld [tilespmem:s8+$0x1C090];
	_ =	sdelay $0x4  }
0x3bb: {  	v1 =	vshra.s32 v0, $0x8  }
0x3bc: {  	vm1 =	veq.s32 v1, v11  }
0x3bd: {  	v0 =	vand.u32 $0xFF, v0;
	_ =	sdelay $0x4  }
0x3be: {  	[tilespmem:v0+s25+$0x0] =	vst.idx.add.s32.msk vm1, v6  }
0x3bf: {  	v0 =	vld [tilespmem:s8+$0x1C0A0];
	_ =	sdelay $0x4  }
0x3c0: {  	v1 =	vshra.s32 v0, $0x8  }
0x3c1: {  	vm1 =	veq.s32 v1, v11  }
0x3c2: {  	v0 =	vand.u32 $0xFF, v0;
	_ =	sdelay $0x4  }
0x3c3: {  	[tilespmem:v0+s25+$0x0] =	vst.idx.add.s32.msk vm1, v6  }
0x3c4: {  	v0 =	vld [tilespmem:s8+$0x1C0B0];
	_ =	sdelay $0x4  }
0x3c5: {  	v1 =	vshra.s32 v0, $0x8  }
0x3c6: {  	vm1 =	veq.s32 v1, v11  }
0x3c7: {  	v0 =	vand.u32 $0xFF, v0;
	_ =	sdelay $0x4  }
0x3c8: {  	[tilespmem:v0+s25+$0x0] =	vst.idx.add.s32.msk vm1, v6  }
0x3c9: {  	v0 =	vld [tilespmem:s8+$0x1C0C0];
	_ =	sdelay $0x4  }
0x3ca: {  	v1 =	vshra.s32 v0, $0x8  }
0x3cb: {  	vm1 =	veq.s32 v1, v11  }
0x3cc: {  	v0 =	vand.u32 $0xFF, v0;
	_ =	sdelay $0x4  }
0x3cd: {  	[tilespmem:v0+s25+$0x0] =	vst.idx.add.s32.msk vm1, v6  }
0x3ce: {  	v0 =	vld [tilespmem:s8+$0x1C0D0];
	_ =	sdelay $0x4  }
0x3cf: {  	v1 =	vshra.s32 v0, $0x8  }
0x3d0: {  	vm1 =	veq.s32 v1, v11  }
0x3d1: {  	p0 =	sne.s32 s7, $0x8700;
	v0 =	vand.u32 $0xFF, v0  }
.Ltmp8:
0x3d2: {  	_ = 	snop;
	(pc) =	sbr.rel @p0 .LBB2_18-.Ltmp8, $2  }
0x3d3: {  	_ =	sdelay $0x2  }
0x3d4: {  	s7 =	sadd.s32 $0x180, s7;
	[tilespmem:v0+s25+$0x0] =	vst.idx.add.s32.msk vm1, v6  }
0x3d5: {  	v0 =	vld [tilespmem:$0x1EF80]  }
0x3d6: {  	v1 =	vmov s6;
	v2 =	vld [tilespmem:$0x1EF90]  }
0x3d7: {  	vm1 =	vgt.s32 v1, v3;
	v1 =	vld [tilespmem:$0x1EFA0]  }
0x3d8: {  	v10 =	vnsel vm1, $0x0, v10  }
0x3d9: {  	(xrf0) =	vadd.scan.msk.s32 $0xffff, v10  }
0x3da: {  	v11 =	vld [tilespmem:$0x1EFB0];
	(xrf0) =	vadd.scan.msk.s32 $0xffff, v0  }
0x3db: {  	v10 =	vld [tilespmem:$0x1EFC0];
	(xrf0) =	vadd.scan.msk.s32 $0xffff, v2  }
0x3dc: {  	v0 =	vld [tilespmem:$0x1EFD0];
	(xrf0) =	vadd.scan.msk.s32 $0xffff, v1  }
0x3dd: {  	v2 =	vld [tilespmem:$0x1EFE0]  }
0x3de: {  	v1 =	vld [tilespmem:$0x1EFF0]  }
0x3df: {  	(xrf0) =	vadd.scan.msk.s32 $0xffff, v11;
	v11 =	vld [tilespmem:$0x1F000];
	v12, _, _ =	vpop (xrf0)  }
0x3e0: {  	(xrf0) =	vadd.scan.msk.s32 $0xffff, v10;
	v10 =	vld [tilespmem:$0x1F010];
	v13, _, _ =	vpop (xrf0)  }
0x3e1: {  	(xrf0) =	vadd.scan.msk.s32 $0xffff, v0;
	v0 =	vld [tilespmem:$0x1F020];
	v14, _, _ =	vpop (xrf0)  }
0x3e2: {  	(xrf0) =	vadd.scan.msk.s32 $0xffff, v2;
	v2 =	vld [tilespmem:$0x1F030];
	v14 =	vbroadcast v14, $0xF;
	v15, _, _ =	vpop (xrf0)  }
0x3e3: {  	(xrf0) =	vadd.scan.msk.s32 $0xffff, v1;
	v15 =	vbroadcast v15, $0xF  }
0x3e4: {  	v13 =	vbroadcast v13, $0xF;
	(xrf0) =	vadd.scan.msk.s32 $0xffff, v11  }
0x3e5: {  	v1 =	vld [tilespmem:$0x1F040];
	v16, _, _ =	vpop (xrf0);
	(xrf0) =	vadd.scan.msk.s32 $0xffff, v10  }
0x3e6: {  	v11 =	vld [tilespmem:$0x1F050];
	v13 =	vsel vm2, v13, v14;
	v14, _, _ =	vpop (xrf0);
	(xrf0) =	vadd.scan.msk.s32 $0xffff, v0;
	v0 =	vbroadcast v16, $0xF  }
0x3e7: {  	v13 =	vsel vm4, v13, v15;
	v15, _, _ =	vpop (xrf0);
	(xrf0) =	vadd.scan.msk.s32 $0xffff, v2;
	v2 =	vbroadcast v14, $0xF  }
0x3e8: {  	v0 =	vsel vm5, v13, v0;
	v13 =	vbroadcast v15, $0xF  }
0x3e9: {  	v10 =	vld [tilespmem:$0x1F060]  }
0x3ea: {  	v14, _, _ =	vpop (xrf0);
	(xrf0) =	vadd.scan.msk.s32 $0xffff, v1  }
0x3eb: {  	v0 =	vsel vm3, v0, v2;
	v2, _, _ =	vpop (xrf0);
	(xrf0) =	vadd.scan.msk.s32 $0xffff, v11;
	v11 =	vbroadcast v14, $0xF  }
0x3ec: {  	v0 =	vsel vm6, v0, v13;
	v13, _, _ =	vpop (xrf0)  }
0x3ed: {  	v1 =	vld [tilespmem:$0x1F070];
	v0 =	vsel vm7, v0, v11;
	v11 =	vbroadcast v13, $0xF  }
0x3ee: {  	v2 =	vbroadcast v2, $0xF;
	(xrf0) =	vadd.scan.msk.s32 $0xffff, v10;
	v10, _, _ =	vpop (xrf0)  }
0x3ef: {  	v13, _, _ =	vpop (xrf0)  }
0x3f0: {  	v0 =	vsel vm8, v0, v2;
	v2 =	vbroadcast v10, $0xF;
	v10 =	vbroadcast v13, $0xF  }
0x3f1: {  	v0 =	vsel vm10, v0, v11;
	v11, _, _ =	vpop (xrf0)  }
0x3f2: {  	(v2sf) =	vpush v12, $0xF;
	v0 =	vsel vm9, v0, v2;
	(xrf0) =	vadd.scan.msk.s32 $0xffff, v1;
	v1, _, _ =	vpop (xrf0);
	v2 =	vbroadcast v11, $0xF  }
0x3f3: {  	v0 =	vsel vm11, v0, v10;
	v11, _, _ =	vpop (xrf0);
	v1 =	vbroadcast v1, $0xF  }
0x3f4: {  	v10, _, _ =	vpop (xrf0);
	v0 =	vsel vm12, v0, v2  }
0x3f5: {  	v0 =	vsel vm13, v0, v1;
	v1 =	vbroadcast v10, $0xF  }
0x3f6: {  	v2 =	vbroadcast v11, $0xF;
	_ =	sdelay $0x1  }
0x3f7: {  	v0 =	vsel vm14, v0, v2  }
0x3f8: {  	v0 =	vsel vm15, v0, v1;
	v1, _, _ =	vpop (xrf0)  }
0x3f9: {  	v0 =	vsel vm0, v0, v1  }
0x3fa: {  	v0 =	vperm.xlane v0, v9;
	_ =	sdelay $0x1  }
0x3fb: {  	(xrf0) =	vadd.scan.msk.s32 $0xffff, v0;
	_ =	sdelay $0x3  }
0x3fc: {  	s3 =	sadd.s32 s3, s5;
	s14 =	spop (v2sf)  }
0x3fd: {  	s3 =	sadd.s32 s14, s3  }
0x3fe: {  	s6 =	ssub.s32 s31, s3;
	v1, _, _ =	vpop (xrf0)  }
0x3ff: {  	vm0 =	vge.s32 v1, s6  }
0x400: {  	v1 =	vmctz.xlane vm0;
	_ =	sdelay $0x1  }
0x401: {  	v1 =	vxor.u32 $0x80000000, v1  }
0x402: {  	(xrf0) =	vmax.scan.msk.u32 $0xffff, v1;
	_ =	sdelay $0x5  }
0x403: {  	v1, _, _ =	vpop (xrf0)  }
0x404: {  	(v2sf) =	vpush v1, $0xF;
	_ =	sdelay $0xe  }
0x405: {  	s15 =	spop (v2sf)  }
0x406: {  	s7 =	sxor.u32 $0x80000000, s15  }
0x407: {  	v1 =	vmov s7  }
0x408: {  	vm0 =	vgt.s32 v1, v3  }
0x409: {  	v0 =	vnsel vm0, $0x0, v0  }
0x40a: {  	(xrf0) =	vadd.scan.msk.s32 $0xffff, v0;
	_ =	sdelay $0x5  }
0x40b: {  	v0, _, _ =	vpop (xrf0)  }
0x40c: {  	(v2sf) =	vpush v0, $0xF  }
0x40d: {  	s16 =	sshll.u32 s15, $0x4  }
0x40e: {  	s5 =	ssub.s32 $0x1F070, s16  }
0x40f: {  	v0 =	vld [tilespmem:s5+$0x0];
	_ =	sdelay $0x4  }
0x410: {  	v9 =	vperm.xlane v0, v9;
	_ =	sdelay $0x1  }
0x411: {  	(xrf0) =	vadd.scan.msk.s32 $0xffff, v9;
	_ =	sdelay $0x4  }
0x412: {  	s5 =	spop (v2sf)  }
0x413: {  	v0, _, _ =	vpop (xrf0);
	s6 =	ssub.s32 s6, s5  }
0x414: {  	vm0 =	vge.s32 v0, s6  }
0x415: {  	v0 =	vmctz.xlane vm0;
	_ =	sdelay $0x1  }
0x416: {  	v0 =	vxor.u32 $0x80000000, v0  }
0x417: {  	(xrf0) =	vmax.scan.msk.u32 $0xffff, v0;
	_ =	sdelay $0x5  }
0x418: {  	v0, _, _ =	vpop (xrf0)  }
0x419: {  	(v2sf) =	vpush v0, $0xF;
	_ =	sdelay $0xe  }
0x41a: {  	s26 =	spop (v2sf)  }
0x41b: {  	_ =	strace $0x9000004E  }
0x41c: {  	s8 =	simm.s32 $0x0;
	_ =	strace $0x8000004F  }
0x41d: {  	s6 =	sxor.u32 $0x80000000, s26;
	v0 =	vld [tilespmem:s8+$0x1C080]  }
0x41e: {  	s7 =	sadd.s32 s6, s16  }
0x41f: {  	s4 =	sshll.u32 s4, $0x8;
	s7 =	ssub.s32 $0xFF, s7;
	v1 =	vld [tilespmem:s8+$0x1C090]  }
0x420: {  	s4 =	sor.u32 s4, s7  }
0x421: {  	v2 =	vld [tilespmem:s8+$0x1C0A0];
	v10 =	vmov s4  }
0x422: {  	vm0 =	vgt.s32 v0, v10  }
0x423: {  	v12 =	vimm.f32 $0.0e+00;
	v11 =	vld [tilespmem:s8+$0x1C0B0];
	v0 =	vnsel vm0, $0x0, v0  }
0x424: {  	vm0 =	vgt.s32 v1, v10;
	v0 =	vadd.f32 v0, v12  }
0x425: {  	v13 =	vld [tilespmem:s8+$0x1C0C0];
	v1 =	vnsel vm0, $0x0, v1  }
0x426: {  	vm0 =	vgt.s32 v2, v10;
	v0 =	vadd.f32 v1, v0  }
0x427: {  	v12 =	vld [tilespmem:s8+$0x1C0D0];
	v1 =	vnsel vm0, $0x0, v2  }
0x428: {  	s7 =	simm.s32 $0x60;
	s8 =	simm.s32 $0x300;
	vm0 =	vgt.s32 v11, v10;
	v14 =	vadd.f32 v1, v0  }
.LBB2_20:
0x429: {  	p0 =	sne.s32 s8, $0x8700;
	v0 =	vld [tilespmem:s7+$0x1C080];
	v1 =	vnsel vm0, $0x0, v11  }
0x42a: {  	v1 =	vadd.f32 v1, v14;
	vm0 =	vgt.s32 v13, v10  }
0x42b: {  	v2 =	vld [tilespmem:s7+$0x1C090];
	v11 =	vnsel vm0, $0x0, v13  }
0x42c: {  	v1 =	vadd.f32 v11, v1;
	vm0 =	vgt.s32 v12, v10  }
0x42d: {  	v14 =	vld [tilespmem:s7+$0x1C0A0];
	v11 =	vnsel vm0, $0x0, v12  }
0x42e: {  	vm0 =	vgt.s32 v0, v10;
	v1 =	vadd.f32 v11, v1  }
0x42f: {  	v0 =	vnsel vm0, $0x0, v0;
	v11 =	vld [tilespmem:s7+$0x1C0B0]  }
.Ltmp9:
0x430: {  	v0 =	vadd.f32 v0, v1;
	vm0 =	vgt.s32 v2, v10;
	(pc) =	sbr.rel @p0 .LBB2_20-.Ltmp9, $4  }
0x431: {  	v1 =	vnsel vm0, $0x0, v2;
	v13 =	vld [tilespmem:s7+$0x1C0C0]  }
0x432: {  	v0 =	vadd.f32 v1, v0;
	vm0 =	vgt.s32 v14, v10  }
0x433: {  	v1 =	vnsel vm0, $0x0, v14;
	v12 =	vld [tilespmem:s7+$0x1C0D0]  }
0x434: {  	s7 =	sshra.s32 s8, $0x2;
	s8 =	sadd.s32 $0x180, s8;
	v14 =	vadd.f32 v1, v0;
	vm0 =	vgt.s32 v11, v10  }
0x435: {  	v0 =	vld [tilespmem:s7+$0x1C080];
	v1 =	vnsel vm0, $0x0, v11  }
0x436: {  	v1 =	vadd.f32 v1, v14;
	vm5 =	vgt.s32 v13, v10  }
0x437: {  	v2 =	vld [tilespmem:s7+$0x1C090];
	v60 =	vnsel vm5, $0x0, v13  }
0x438: {  	v1 =	vadd.f32 v60, v1;
	vm4 =	vgt.s32 v12, v10  }
0x439: {  	v61 =	vld [tilespmem:s7+$0x1C0A0];
	v12 =	vnsel vm4, $0x0, v12  }
0x43a: {  	vm5 =	vgt.s32 v0, v10;
	v1 =	vadd.f32 v12, v1  }
0x43b: {  	v62 =	vld [tilespmem:s7+$0x1C0B0];
	v0 =	vnsel vm5, $0x0, v0  }
0x43c: {  	vm4 =	vgt.s32 v2, v10;
	v0 =	vadd.f32 v0, v1  }
0x43d: {  	v1 =	vnsel vm4, $0x0, v2;
	v2 =	vld [tilespmem:s7+$0x1C0C0]  }
0x43e: {  	vm5 =	vgt.s32 v61, v10;
	v0 =	vadd.f32 v1, v0  }
0x43f: {  	v63 =	vld [tilespmem:s7+$0x1C0D0];
	v1 =	vnsel vm5, $0x0, v61  }
0x440: {  	vm4 =	vgt.s32 v62, v10;
	v0 =	vadd.f32 v1, v0  }
0x441: {  	v1 =	vnsel vm4, $0x0, v62  }
0x442: {  	(xrf2) =	vadd.scan.msk.f32 $0xffff, v8;
	vm5 =	vgt.s32 v2, v10;
	v0 =	vadd.f32 v1, v0  }
0x443: {  	(xrf2) =	vadd.scan.msk.f32 $0xffff, v7;
	v1 =	vnsel vm5, $0x0, v2  }
0x444: {  	vm4 =	vgt.s32 v63, v10;
	v0 =	vadd.f32 v1, v0;
	v1 =	vmov s6  }
0x445: {  	v2 =	vnsel vm4, $0x0, v63;
	vm5 =	vgt.s32 v1, v3  }
0x446: {  	v0 =	vadd.f32 v2, v0;
	v1 =	vnsel vm5, $0x0, v9  }
0x447: {  	(xrf0) =	vadd.scan.msk.s32 $0xffff, v1  }
0x448: {  	(xrf2) =	vadd.scan.msk.f32 $0xffff, v0;
	_ =	sdelay $0x3  }
0x449: {  	v0, _, _ =	vpop (xrf2)  }
0x44a: {  	v1, _, _ =	vpop (xrf2)  }
0x44b: {  	(v2sf) =	vpush v1, $0xF;
	v1, _, _ =	vpop (xrf0)  }
0x44c: {  	(v2sf) =	vpush v1, $0xF;
	_ =	sdelay $0x2  }
0x44d: {  	v1, _, _ =	vpop (xrf2)  }
0x44e: {  	(v2sf) =	vpush v1, $0xF;
	_ =	sdelay $0x9  }
0x44f: {  	s15 =	spop (v2sf)  }
0x450: {  	s3 =	sadd.s32 s5, s3;
	s16 =	spop (v2sf)  }
0x451: {  	s3 =	sadd.s32 s16, s3  }
0x452: {  	s3 =	ssub.s32 s31, s3  }
0x453: {  	s3 =	scvt.s32.f32 s3  }
0x454: {  	s26 =	spop (v2sf)  }
0x455: {  	s3 =	smul.f32 s3, s4;
	s5 =	sadd.f32 s26, s15  }
0x456: {  	_ = 	snop  }
0x457: {  	s3 =	sadd.f32 s5, s3;
	_ =	sdelay $0x1  }
0x458: {  	s30 =	scvt.s32.f32 s30;
	vm4 =	vcmask $0x704;
	v1 =	vmov s3  }
0x459: {  	vm5 =	vcmask $0xB08;
	v0 =	vbroadcast v0, $0xF;
	v1 =	vnsel vm4, $0x0, v1  }
0x45a: {  	v1 =	vsel vm5, s30, v1  }
0x45b: {  	s29 =	sadd.s32 $0x1, s29;
	v0 =	vsel vm2, v0, v1  }
0x45c: {  	p0 =	sne.s32 s29, s18;
	s31 =	simm.s32 $0x1F080;
	[tilespmem:$0x1F080] =	vst v0  }
0x45d: {  	[hbm4b:s17+s2] =	stream.linear.scatter [tilespmem:s31], [sflag:$0x2], $0x80, $0x200038;
	[tilespmem:$0x1F100] =	vst v63  }
.Ltmp10:
0x45e: {  	_ = 	snop;
	(pc) =	sbr.rel @p0 .LBB2_1-.Ltmp10, $4  }
0x45f: {  	_ =	swait.ge [sflag:s28], $0x80  }
0x460: {  	[sflag:s28] =	ssyncset.done $0x0  }
0x461: {  	[sflag:s28] =	ssyncadd.s32 $0xFFFFFF80  }
0x462: {  	v2 =	vimm.f32 $0.0e+00;
	v1 =	vimm.f32 $1.000000000e+00;
	v0 =	vimm.f32 $-1.000000000e+00;
	_ =	strace $0x9000004F  }
0x463: {  	_ =	sfence.sel $0x180000  }
0x464: {  	[bflag:$0x0] =	sbarrier.arrive $0xFFFF  }
0x465: {  	_ =	strace $0x90000047  }
0x466: {  	s0 =	stileid.u32;
	[bflag:$0x2] =	sbarrier.arrive $0xFFFF  }
0x467: {  	p0 =	sne.s32 s0, $0x0;
	s0 =	rddreg [dreg:$0x1]  }
0x468: {  	s0 =	sadd.s32 @!p0 $0x100000, s0  }
0x469: {  	[sflag:s0] =	ssyncadd.tile.s32 @!p0 $0x1;
	_ =	shalt  }
.Lfunc_end2:
_tile_overlayer_lowered:
.L_overlay_start_2:
0x46a: {  	(tag) =	ssettag $0x2  }
0x46b: {  	s0 =	rddreg [dreg:$0x0];
	s2 =	stileid.u32  }
0x46c: {  	s1 =	rddreg [dreg:$0x1];
	p0 =	sne.s32 s2, $0x0  }
0x46d: {  	s3 =	rddreg [dreg:$0x2];
	[bflag:$0x3] =	sbarrier.arrive $0xFFFF;
	s2 =	simm.s32 @!p0 $0x1C02  }
0x46e: {  	[timem:s3], [sflag:s2] =	dma.local @!p0 [hbm:s0], s1  }
0x46f: {  	s0 =	simm.s32 @!p0 $0x2  }
0x470: {  	_ =	swait.ge @!p0 [sflag:s0], s1  }
0x471: {  	s1 =	ssub.s32 @!p0 $0x0, s1;
	[sflag:s0] =	ssyncset.done @!p0 $0x0  }
0x472: {  	[sflag:s0] =	ssyncadd.s32 @!p0 s1  }
0x473: {  	[bflag:$0x3] =	sbarrier.arrive $0xFFFF  }
0x474: {  	_ =	shalt  }

</sc_bundles>
